<compile_context>
chip_gen: v7x
topology: tpu7x:2x2x1
jax: 0.10.2.dev20260603
libtpu: 0.0.44.dev20260713+nightly
codegen_flags: <defaults>
</compile_context>

<pallas_src>
import functools

import jax
import jax.numpy as jnp
from jax import lax
from jax.experimental import pallas as pl
from jax.experimental.pallas import tpu as pltpu
from jax.experimental.pallas import tpu_sc as plsc

N_NODES = 10000
N_EDGES = 320000
D_MODEL = 128
N_HEADS_K = 8
D_HEAD = 16

_NC = 2
_NS = 16
_NW = _NC * _NS
_B = 64
_NBLK = N_EDGES // _B
_NIT = -(-_NBLK // _NW)
_G = _B // 16
_NPAD = 10240
_PROW = N_NODES + 100
_ZIT = _NPAD // _NS // _B
_WCH = 128
_WIT = _NPAD // _NS // _WCH



def _qkv_body(x_ref, wq_ref, wk_ref, wv_ref, q_ref, k_ref, v_ref):
    xb = x_ref[...]
    q_ref[...] = jnp.dot(xb, wq_ref[...], preferred_element_type=jnp.float32)
    k_ref[...] = jnp.dot(xb, wk_ref[...], preferred_element_type=jnp.float32)
    v_ref[...] = jnp.dot(xb, wv_ref[...], preferred_element_type=jnp.float32)


def _qkv(x, Wq, Wk, Wv):
    n, d = x.shape
    blk = 400
    grid = n // blk
    w_spec = pl.BlockSpec((d, d), lambda i: (0, 0))
    r_spec = pl.BlockSpec((blk, d), lambda i: (i, 0))
    out = jax.ShapeDtypeStruct((n, d), jnp.float32)
    return pl.pallas_call(
        _qkv_body,
        grid=(grid,),
        in_specs=[r_spec, w_spec, w_spec, w_spec],
        out_specs=[r_spec, r_spec, r_spec],
        out_shape=[out, out, out],
    )(x, Wq, Wk, Wv)



def _ew_body(a_ref, w1_ref, b1_ref, w2_ref, b2_ref, o_ref):
    a = a_ref[0]
    h1 = jnp.maximum(a * w1_ref[...] + b1_ref[...], 0.0)
    z = jnp.dot(h1, w2_ref[...], preferred_element_type=jnp.float32)
    z = z + b2_ref[...]
    o_ref[...] = 1.0 / (1.0 + jnp.exp(-z))


def _edge_weights(edge_attr, We1, be1, We2, be2):
    e = edge_attr.shape[0]
    eb = 12800
    grid = e // eb
    a3 = edge_attr.reshape(grid, eb, 1)
    w1 = We1.reshape(1, 32)
    b1 = be1.reshape(1, 32)
    b2 = be2.reshape(1, 8)
    return pl.pallas_call(
        _ew_body,
        grid=(grid,),
        in_specs=[
            pl.BlockSpec((1, eb, 1), lambda j: (j, 0, 0)),
            pl.BlockSpec((1, 32), lambda j: (0, 0)),
            pl.BlockSpec((1, 32), lambda j: (0, 0)),
            pl.BlockSpec((32, 8), lambda j: (0, 0)),
            pl.BlockSpec((1, 8), lambda j: (0, 0)),
        ],
        out_specs=pl.BlockSpec((eb, 8), lambda j: (j, 0)),
        out_shape=jax.ShapeDtypeStruct((e, 8), jnp.float32),
    )(a3, w1, b1, We2, b2)



def _sc_body(q_hbm, k_hbm, v_hbm, src_hbm, dst_hbm, ewt_hbm,
             agg_out, den_out, ex_out,
             qb, kb, ewb, web, srcb, dstb, acc_sp,
             sem):
    cid = lax.axis_index("c")
    sid = lax.axis_index("s")
    wid = sid * _NC + cid
    e_hi = N_EDGES - _B
    obase = cid * _NPAD
    rbase = sid * (_NPAD // _NS)

    zeros16 = jnp.zeros((16,), jnp.float32)
    iota16 = lax.iota(jnp.int32, 16)

    def _zero_qb(r, carry):
        for c8 in range(D_MODEL // 16):
            qb[r, pl.ds(c8 * 16, 16)] = zeros16
        return carry

    def _zero_acc(i, carry):
        r0 = rbase + i * _B
        for t in range(_B // 16):
            srcb[pl.ds(t * 16, 16)] = r0 + t * 16 + iota16
        pltpu.sync_copy(qb, acc_sp.at[srcb])
        return carry

    lax.fori_loop(0, _B, _zero_qb, 0)
    lax.fori_loop(0, _ZIT, _zero_acc, 0)
    plsc.subcore_barrier()

    def _block1(i, carry):
        raw_e0 = (i * _NW + wid) * _B
        valid = raw_e0 <= e_hi
        e0 = jnp.where(valid, raw_e0, e_hi)
        pltpu.sync_copy(src_hbm.at[pl.ds(e0, _B)], srcb)
        pltpu.sync_copy(dst_hbm.at[pl.ds(e0, _B)], dstb)
        cq = pltpu.async_copy(q_hbm.at[srcb], qb, sem)
        ck = pltpu.async_copy(k_hbm.at[dstb], kb, sem)
        pltpu.sync_copy(ewt_hbm.at[pl.ds(e0, _B)], ewb)
        cq.wait()
        ck.wait()

        def _group(g, gc):
            base = g * 16
            rows = base + iota16
            for h in range(N_HEADS_K):
                acc = jnp.zeros((16,), jnp.float32)
                for dd in range(D_HEAD):
                    colv = jnp.full((16,), h * 16 + dd, jnp.int32)
                    qv = plsc.load_gather(qb, [rows, colv])
                    kv = plsc.load_gather(kb, [rows, colv])
                    acc = acc + qv * kv
                hsplat = jnp.full((16,), h, jnp.int32)
                ewv = plsc.load_gather(ewb, [rows, hsplat])
                ex = jnp.exp(acc * (0.25 * ewv))
                plsc.store_scatter(web, [rows, hsplat], ex)
            return gc

        lax.fori_loop(0, _G, _group, 0)
        pltpu.sync_copy(web, ex_out.at[pl.ds(e0, _B)])
        return carry

    lax.fori_loop(0, _NIT, _block1, 0)

    def _redirect_tail(valid):
        prow = jnp.full((16,), _PROW, jnp.int32)
        for t in range(_B // 16):
            dt = jnp.where(valid, dstb[pl.ds(t * 16, 16)], prow)
            dstb[pl.ds(t * 16, 16)] = dt

    def _block2(i, carry):
        raw_e0 = (i * _NW + wid) * _B
        valid = raw_e0 <= e_hi
        e0 = jnp.where(valid, raw_e0, e_hi)
        pltpu.sync_copy(src_hbm.at[pl.ds(e0, _B)], srcb)
        pltpu.sync_copy(dst_hbm.at[pl.ds(e0, _B)], dstb)
        cv = pltpu.async_copy(v_hbm.at[srcb], qb, sem)
        pltpu.sync_copy(ex_out.at[pl.ds(e0, _B)], web)
        cv.wait()

        def _scale(g, gc):
            base = g * 16
            rows = base + iota16
            for h in range(N_HEADS_K):
                hsplat = jnp.full((16,), h, jnp.int32)
                ex = plsc.load_gather(web, [rows, hsplat])
                for dd in range(D_HEAD):
                    colv = jnp.full((16,), h * 16 + dd, jnp.int32)
                    vv = plsc.load_gather(qb, [rows, colv])
                    plsc.store_scatter(qb, [rows, colv], vv * ex)
            return gc

        lax.fori_loop(0, _G, _scale, 0)
        _redirect_tail(valid)
        pltpu.sync_copy(qb, acc_sp.at[dstb], add=True)
        return carry

    lax.fori_loop(0, _NIT, _block2, 0)
    plsc.subcore_barrier()

    def _write_agg(i, carry):
        r0 = rbase + i * _B
        for t in range(_B // 16):
            srcb[pl.ds(t * 16, 16)] = r0 + t * 16 + iota16
        pltpu.sync_copy(acc_sp.at[srcb], qb)
        pltpu.sync_copy(qb, agg_out.at[pl.ds(obase + r0, _B)])
        return carry

    lax.fori_loop(0, _ZIT, _write_agg, 0)
    plsc.subcore_barrier()

    lax.fori_loop(0, _B, _zero_qb, 0)
    lax.fori_loop(0, _ZIT, _zero_acc, 0)
    plsc.subcore_barrier()

    def _block3(i, carry):
        raw_e0 = (i * _NW + wid) * _B
        valid = raw_e0 <= e_hi
        e0 = jnp.where(valid, raw_e0, e_hi)
        pltpu.sync_copy(dst_hbm.at[pl.ds(e0, _B)], dstb)
        pltpu.sync_copy(ex_out.at[pl.ds(e0, _B)], web)

        def _pack(r, pc):
            qb[r, pl.ds(0, 16)] = web[r, :]
            return pc

        lax.fori_loop(0, _B, _pack, 0)
        _redirect_tail(valid)
        pltpu.sync_copy(qb, acc_sp.at[dstb], add=True)
        return carry

    lax.fori_loop(0, _NIT, _block3, 0)
    plsc.subcore_barrier()

    def _write_den(i, carry):
        r0 = rbase + i * _B
        for t in range(_B // 16):
            srcb[pl.ds(t * 16, 16)] = r0 + t * 16 + iota16
        pltpu.sync_copy(acc_sp.at[srcb], qb)

        def _unpack(r, pc):
            web[r, :] = qb[r, pl.ds(0, 16)]
            return pc

        lax.fori_loop(0, _B, _unpack, 0)
        pltpu.sync_copy(web, den_out.at[pl.ds(obase + r0, _B)])
        return carry

    lax.fori_loop(0, _ZIT, _write_den, 0)


def _sc_edge_pass(q, k, v, src, dst, ewt):
    n = q.shape[0]
    e = src.shape[0]
    mesh = plsc.VectorSubcoreMesh(
        core_axis_name="c", subcore_axis_name="s",
        num_cores=_NC, num_subcores=_NS)
    f = pl.kernel(
        _sc_body,
        out_type=(
            jax.ShapeDtypeStruct((_NC * _NPAD, D_MODEL), jnp.float32),
            jax.ShapeDtypeStruct((_NC * _NPAD, 16), jnp.float32),
            jax.ShapeDtypeStruct((e, 16), jnp.float32),
        ),
        mesh=mesh,
        compiler_params=pltpu.CompilerParams(needs_layout_passes=False),
        scratch_types=[
            pltpu.VMEM((_B, D_MODEL), jnp.float32),
            pltpu.VMEM((_B, D_MODEL), jnp.float32),
            pltpu.VMEM((_B, 8), jnp.float32),
            pltpu.VMEM((_B, 16), jnp.float32),
            pltpu.VMEM((_B,), jnp.int32),
            pltpu.VMEM((_B,), jnp.int32),
            pltpu.VMEM_SHARED((_NPAD, D_MODEL), jnp.float32),
            pltpu.SemaphoreType.DMA,
        ],
    )
    agg, den, _ex = f(q, k, v, src, dst, ewt)
    return (agg.reshape(_NC, _NPAD, D_MODEL),
            den.reshape(_NC, _NPAD, 16))



def _ln(xb, g, b):
    m = jnp.mean(xb, axis=-1, keepdims=True)
    xc = xb - m
    var = jnp.mean(xc * xc, axis=-1, keepdims=True)
    return xc / jnp.sqrt(var + 1e-5) * g + b


def _post_body(x_ref, a0_ref, a1_ref, d0_ref, d1_ref,
               wo_ref, bo_ref, g1_ref, b1_ref, g2_ref, b2_ref,
               wf1_ref, bf1_ref, wf2_ref, bf2_ref, o_ref):
    den = d0_ref[...] + d1_ref[...]
    ri = lax.broadcasted_iota(jnp.int32, (16, D_MODEL), 0)
    ci = lax.broadcasted_iota(jnp.int32, (16, D_MODEL), 1)
    sel = jnp.where(ci // D_HEAD == ri, 1.0, 0.0)
    denex = jnp.dot(den, sel, preferred_element_type=jnp.float32)
    agg = (a0_ref[...] + a1_ref[...]) / (denex + 1e-16)
    out = jnp.dot(agg, wo_ref[...], preferred_element_type=jnp.float32)
    out = out + bo_ref[...]
    x1 = _ln(x_ref[...] + out, g1_ref[...], b1_ref[...])
    hdn = jnp.dot(x1, wf1_ref[...], preferred_element_type=jnp.float32)
    hdn = hdn + bf1_ref[...]
    hdn = hdn * 0.5 * (1.0 + lax.erf(hdn * (2.0 ** -0.5)))
    y = x1 + jnp.dot(hdn, wf2_ref[...], preferred_element_type=jnp.float32)
    y = y + bf2_ref[...]
    o_ref[...] = _ln(y, g2_ref[...], b2_ref[...])


def _post(x, a0, a1, d0, d1, Wo, bo, ln1_g, ln1_b, ln2_g, ln2_b,
          Wf1, bf1, Wf2, bf2):
    n, d = x.shape
    dff = Wf1.shape[1]
    blk = 400
    grid = n // blk
    r_spec = pl.BlockSpec((blk, d), lambda i: (i, 0))
    d_spec = pl.BlockSpec((blk, 16), lambda i: (i, 0))
    return pl.pallas_call(
        _post_body,
        grid=(grid,),
        in_specs=[
            r_spec, r_spec, r_spec, d_spec, d_spec,
            pl.BlockSpec((d, d), lambda i: (0, 0)),
            pl.BlockSpec((1, d), lambda i: (0, 0)),
            pl.BlockSpec((1, d), lambda i: (0, 0)),
            pl.BlockSpec((1, d), lambda i: (0, 0)),
            pl.BlockSpec((1, d), lambda i: (0, 0)),
            pl.BlockSpec((1, d), lambda i: (0, 0)),
            pl.BlockSpec((d, dff), lambda i: (0, 0)),
            pl.BlockSpec((1, dff), lambda i: (0, 0)),
            pl.BlockSpec((dff, d), lambda i: (0, 0)),
            pl.BlockSpec((1, d), lambda i: (0, 0)),
        ],
        out_specs=r_spec,
        out_shape=jax.ShapeDtypeStruct((n, d), jnp.float32),
    )(x, a0, a1, d0, d1, Wo, bo.reshape(1, d),
      ln1_g.reshape(1, d), ln1_b.reshape(1, d),
      ln2_g.reshape(1, d), ln2_b.reshape(1, d),
      Wf1, bf1.reshape(1, dff), Wf2, bf2.reshape(1, d))



def kernel(x, edge_index, edge_attr, Wq, Wk, Wv, Wo, bo, We1, be1, We2, be2,
           ln1_g, ln1_b, ln2_g, ln2_b, Wf1, bf1, Wf2, bf2):
    q, k, v = _qkv(x, Wq, Wk, Wv)
    ewt = _edge_weights(edge_attr, We1, be1, We2, be2)
    src = edge_index[0].astype(jnp.int32)
    dst = edge_index[1].astype(jnp.int32)
    agg_p, den_p = _sc_edge_pass(q, k, v, src, dst, ewt)
    return _post(x, agg_p[0], agg_p[1], den_p[0], den_p[1],
                 Wo, bo, ln1_g, ln1_b, ln2_g, ln2_b, Wf1, bf1, Wf2, bf2)

# --- scband reference (transcript-rebuilt; emitter-appended) ---
"""Pipeline reference for scband-knowledge-guided-graph-transformer-154618822907 (READ-ONLY COPY).

The authoritative reference and input builder live on the scoring server;
editing this copy changes nothing except your own understanding.
"""

import jax, jax.numpy as jnp
import numpy as np

N_HEADS = 8


def _layernorm(x, g, b, eps=1e-5):
    m = jnp.mean(x, axis=-1, keepdims=True)
    v = jnp.var(x, axis=-1, keepdims=True)
    return (x - m) / jnp.sqrt(v + eps) * g + b


def setup_inputs(seed: int = 0):
    key = jax.random.key(seed)
    N, E, D, H = 10000, 320000, 128, 8
    Dff, De = 4 * D, D // 4
    ks = jax.random.split(key, 16)
    def w(k, shape):
        return jax.random.normal(k, shape, jnp.float32) * 0.05
    inp = {}
    inp['x'] = jax.random.normal(ks[0], (N, D), jnp.float32)
    inp['edge_index'] = jax.random.randint(ks[1], (2, E), 0, N)
    inp['edge_attr'] = jax.random.uniform(ks[2], (E,), jnp.float32)
    inp['Wq'] = w(ks[3], (D, D))
    inp['Wk'] = w(ks[4], (D, D))
    inp['Wv'] = w(ks[5], (D, D))
    inp['Wo'] = w(ks[6], (D, D))
    inp['bo'] = jnp.zeros((D,), jnp.float32)
    inp['We1'] = w(ks[7], (1, De))
    inp['be1'] = jnp.zeros((De,), jnp.float32)
    inp['We2'] = w(ks[8], (De, H))
    inp['be2'] = jnp.zeros((H,), jnp.float32)
    inp['ln1_g'] = jnp.ones((D,), jnp.float32)
    inp['ln1_b'] = jnp.zeros((D,), jnp.float32)
    inp['ln2_g'] = jnp.ones((D,), jnp.float32)
    inp['ln2_b'] = jnp.zeros((D,), jnp.float32)
    inp['Wf1'] = w(ks[9], (D, Dff))
    inp['bf1'] = jnp.zeros((Dff,), jnp.float32)
    inp['Wf2'] = w(ks[10], (Dff, D))
    inp['bf2'] = jnp.zeros((D,), jnp.float32)
    return inp


def reference(x, edge_index, edge_attr, Wq, Wk, Wv, Wo, bo, We1, be1, We2, be2,
              ln1_g, ln1_b, ln2_g, ln2_b, Wf1, bf1, Wf2, bf2):
    N, D = x.shape
    H = N_HEADS
    Dh = D // H
    q = (x @ Wq).reshape(N, H, Dh)
    k = (x @ Wk).reshape(N, H, Dh)
    v = (x @ Wv).reshape(N, H, Dh)
    src = edge_index[0]
    dst = edge_index[1]
    q_src = q[src]
    k_dst = k[dst]
    v_src = v[src]
    scores = jnp.sum(q_src * k_dst, axis=-1) / jnp.sqrt(float(Dh))
    ew = jax.nn.sigmoid(jax.nn.relu(edge_attr[:, None] @ We1 + be1) @ We2 + be2)
    scores = scores * ew
    seg_max = jax.ops.segment_max(scores, dst, num_segments=N)
    seg_max = jnp.where(jnp.isfinite(seg_max), seg_max, 0.0)
    seg_max = jax.lax.stop_gradient(seg_max)
    ex = jnp.exp(scores - seg_max[dst])
    denom = jax.ops.segment_sum(ex, dst, num_segments=N)
    attn = ex / (denom[dst] + 1e-16)
    weighted = (attn[..., None] * v_src).reshape(-1, D)
    agg = jax.ops.segment_sum(weighted, dst, num_segments=N)
    out = agg @ Wo + bo
    x1 = _layernorm(x + out, ln1_g, ln1_b)
    ffn = jax.nn.gelu(x1 @ Wf1 + bf1, approximate=False) @ Wf2 + bf2
    return _layernorm(x1 + ffn, ln2_g, ln2_b)

if __name__ == "__main__":
    import jax
    _d = setup_inputs()
    print(jax.jit(kernel)(*tuple(_d.values())))

</pallas_src>

<mosaic_0001>
#map = affine_map<(d0, d1) -> (0, 0)>
#map1 = affine_map<(d0, d1) -> (0)>
module attributes {stable_mosaic.version = 14 : i64} {
  func.func @_sc_body(%arg0: i32, %arg1: i32, %arg2: memref<10000x128xf32, #tpu.memory_space<hbm>>, %arg3: memref<10000x128xf32, #tpu.memory_space<hbm>>, %arg4: memref<10000x128xf32, #tpu.memory_space<hbm>>, %arg5: memref<320000xi32, #tpu.memory_space<hbm>>, %arg6: memref<320000xi32, #tpu.memory_space<hbm>>, %arg7: memref<320000x8xf32, #tpu.memory_space<hbm>>, %arg8: memref<20480x128xf32, #tpu.memory_space<hbm>>, %arg9: memref<20480x16xf32, #tpu.memory_space<hbm>>, %arg10: memref<320000x16xf32, #tpu.memory_space<hbm>>, %arg11: memref<64x128xf32, #tpu.memory_space<vmem>>, %arg12: memref<64x128xf32, #tpu.memory_space<vmem>>, %arg13: memref<64x8xf32, #tpu.memory_space<vmem>>, %arg14: memref<64x16xf32, #tpu.memory_space<vmem>>, %arg15: memref<64xi32, #tpu.memory_space<vmem>>, %arg16: memref<64xi32, #tpu.memory_space<vmem>>, %arg17: memref<10240x128xf32, #tpu.memory_space<vmem_shared>>, %arg18: memref<!tpu.dma_semaphore, #tpu.memory_space<semaphore_mem>>) attributes {dimension_semantics = [#tpu.dimension_semantics<core_parallel>, #tpu.dimension_semantics<subcore_parallel>], iteration_bounds = array<i64: 2, 16>, scalar_prefetch = 0 : i64, scratch_operands = 8 : i64, tpu.core_type = #tpu.core_type<sc_vector_subcore>, window_params = [{transform_indices = #map}, {transform_indices = #map}, {transform_indices = #map}, {transform_indices = #map1}, {transform_indices = #map1}, {transform_indices = #map}, {transform_indices = #map}, {transform_indices = #map}, {transform_indices = #map}]} {
    %mul3A = arith.constant 2 : i32
    %mul3A_0 = arith.muli %arg1, %mul3A : i32
    %add3A = arith.addi %mul3A_0, %arg0 : i32
    %mul3A_1 = arith.constant 10240 : i32
    %mul3A_2 = arith.muli %arg0, %mul3A_1 : i32
    %mul3A_3 = arith.constant 640 : i32
    %mul3A_4 = arith.muli %arg1, %mul3A_3 : i32
    %broadcast_in_dim3A = arith.constant 0.000000e+00 : f32
    %broadcast_in_dim3A_5 = vector.broadcast %broadcast_in_dim3A : f32 to vector<16xf32>
    %iota3A = tpu.iota {dimensions = array<i32: 0>} : vector<16xi32>
    %scan3A = arith.constant 0 : i32
    %scan3A_6 = arith.constant 0 : i32
    %scan3A_7 = arith.constant 64 : i32
    %scan3A_8 = arith.addi %scan3A_6, %scan3A_7 : i32
    %scan3A_9 = arith.constant 1 : i32
    scf.for %scan3A_63 = %scan3A_6 to %scan3A_8 step %scan3A_9  : i32 {
      %swap3A = arith.index_cast %scan3A_63 : i32 to index
      %swap3A_64 = arith.constant 0 : index
      %swap3A_65 = tpu.vector_load %arg11[%swap3A, %swap3A_64] {strides = array<i32>} : memref<64x128xf32, #tpu.memory_space<vmem>>, vector<16xf32>,
      tpu.vector_store %arg11[%swap3A, %swap3A_64], %broadcast_in_dim3A_5 {strides = array<i32>} : memref<64x128xf32, #tpu.memory_space<vmem>>, vector<16xf32>,
      %swap3A_66 = arith.index_cast %scan3A_63 : i32 to index
      %swap3A_67 = arith.constant 16 : index
      %swap3A_68 = tpu.vector_load %arg11[%swap3A_66, %swap3A_67] {strides = array<i32>} : memref<64x128xf32, #tpu.memory_space<vmem>>, vector<16xf32>,
      tpu.vector_store %arg11[%swap3A_66, %swap3A_67], %broadcast_in_dim3A_5 {strides = array<i32>} : memref<64x128xf32, #tpu.memory_space<vmem>>, vector<16xf32>,
      %swap3A_69 = arith.index_cast %scan3A_63 : i32 to index
      %swap3A_70 = arith.constant 32 : index
      %swap3A_71 = tpu.vector_load %arg11[%swap3A_69, %swap3A_70] {strides = array<i32>} : memref<64x128xf32, #tpu.memory_space<vmem>>, vector<16xf32>,
      tpu.vector_store %arg11[%swap3A_69, %swap3A_70], %broadcast_in_dim3A_5 {strides = array<i32>} : memref<64x128xf32, #tpu.memory_space<vmem>>, vector<16xf32>,
      %swap3A_72 = arith.index_cast %scan3A_63 : i32 to index
      %swap3A_73 = arith.constant 48 : index
      %swap3A_74 = tpu.vector_load %arg11[%swap3A_72, %swap3A_73] {strides = array<i32>} : memref<64x128xf32, #tpu.memory_space<vmem>>, vector<16xf32>,
      tpu.vector_store %arg11[%swap3A_72, %swap3A_73], %broadcast_in_dim3A_5 {strides = array<i32>} : memref<64x128xf32, #tpu.memory_space<vmem>>, vector<16xf32>,
      %swap3A_75 = arith.index_cast %scan3A_63 : i32 to index
      %swap3A_76 = arith.constant 64 : index
      %swap3A_77 = tpu.vector_load %arg11[%swap3A_75, %swap3A_76] {strides = array<i32>} : memref<64x128xf32, #tpu.memory_space<vmem>>, vector<16xf32>,
      tpu.vector_store %arg11[%swap3A_75, %swap3A_76], %broadcast_in_dim3A_5 {strides = array<i32>} : memref<64x128xf32, #tpu.memory_space<vmem>>, vector<16xf32>,
      %swap3A_78 = arith.index_cast %scan3A_63 : i32 to index
      %swap3A_79 = arith.constant 80 : index
      %swap3A_80 = tpu.vector_load %arg11[%swap3A_78, %swap3A_79] {strides = array<i32>} : memref<64x128xf32, #tpu.memory_space<vmem>>, vector<16xf32>,
      tpu.vector_store %arg11[%swap3A_78, %swap3A_79], %broadcast_in_dim3A_5 {strides = array<i32>} : memref<64x128xf32, #tpu.memory_space<vmem>>, vector<16xf32>,
      %swap3A_81 = arith.index_cast %scan3A_63 : i32 to index
      %swap3A_82 = arith.constant 96 : index
      %swap3A_83 = tpu.vector_load %arg11[%swap3A_81, %swap3A_82] {strides = array<i32>} : memref<64x128xf32, #tpu.memory_space<vmem>>, vector<16xf32>,
      tpu.vector_store %arg11[%swap3A_81, %swap3A_82], %broadcast_in_dim3A_5 {strides = array<i32>} : memref<64x128xf32, #tpu.memory_space<vmem>>, vector<16xf32>,
      %swap3A_84 = arith.index_cast %scan3A_63 : i32 to index
      %swap3A_85 = arith.constant 112 : index
      %swap3A_86 = tpu.vector_load %arg11[%swap3A_84, %swap3A_85] {strides = array<i32>} : memref<64x128xf32, #tpu.memory_space<vmem>>, vector<16xf32>,
      tpu.vector_store %arg11[%swap3A_84, %swap3A_85], %broadcast_in_dim3A_5 {strides = array<i32>} : memref<64x128xf32, #tpu.memory_space<vmem>>, vector<16xf32>,
    }
    %scan3A_10 = arith.constant 64 : i32
    %scan3A_11 = arith.constant 0 : i32
    %scan3A_12 = arith.constant 0 : i32
    %scan3A_13 = arith.constant 10 : i32
    %scan3A_14 = arith.addi %scan3A_12, %scan3A_13 : i32
    %scan3A_15 = arith.constant 1 : i32
    scf.for %scan3A_63 = %scan3A_12 to %scan3A_14 step %scan3A_15  : i32 {
      %mul3A_64 = arith.constant 64 : i32
      %mul3A_65 = arith.muli %scan3A_63, %mul3A_64 : i32
      %add3A_66 = arith.addi %mul3A_4, %mul3A_65 : i32
      %add3A_67 = arith.constant 0 : i32
      %add3A_68 = arith.addi %add3A_66, %add3A_67 : i32
      %add3A_69 = vector.broadcast %add3A_68 : i32 to vector<16xi32>
      %add3A_70 = arith.addi %add3A_69, %iota3A : vector<16xi32>
      %swap3A = arith.constant 0 : index
      %swap3A_71 = tpu.vector_load %arg15[%swap3A] {strides = array<i32>} : memref<64xi32, #tpu.memory_space<vmem>>, vector<16xi32>,
      tpu.vector_store %arg15[%swap3A], %add3A_70 {strides = array<i32>} : memref<64xi32, #tpu.memory_space<vmem>>, vector<16xi32>,
      %add3A_72 = arith.constant 16 : i32
      %add3A_73 = arith.addi %add3A_66, %add3A_72 : i32
      %add3A_74 = vector.broadcast %add3A_73 : i32 to vector<16xi32>
      %add3A_75 = arith.addi %add3A_74, %iota3A : vector<16xi32>
      %swap3A_76 = arith.constant 16 : index
      %swap3A_77 = tpu.vector_load %arg15[%swap3A_76] {strides = array<i32>} : memref<64xi32, #tpu.memory_space<vmem>>, vector<16xi32>,
      tpu.vector_store %arg15[%swap3A_76], %add3A_75 {strides = array<i32>} : memref<64xi32, #tpu.memory_space<vmem>>, vector<16xi32>,
      %add3A_78 = arith.constant 32 : i32
      %add3A_79 = arith.addi %add3A_66, %add3A_78 : i32
      %add3A_80 = vector.broadcast %add3A_79 : i32 to vector<16xi32>
      %add3A_81 = arith.addi %add3A_80, %iota3A : vector<16xi32>
      %swap3A_82 = arith.constant 32 : index
      %swap3A_83 = tpu.vector_load %arg15[%swap3A_82] {strides = array<i32>} : memref<64xi32, #tpu.memory_space<vmem>>, vector<16xi32>,
      tpu.vector_store %arg15[%swap3A_82], %add3A_81 {strides = array<i32>} : memref<64xi32, #tpu.memory_space<vmem>>, vector<16xi32>,
      %add3A_84 = arith.constant 48 : i32
      %add3A_85 = arith.addi %add3A_66, %add3A_84 : i32
      %add3A_86 = vector.broadcast %add3A_85 : i32 to vector<16xi32>
      %add3A_87 = arith.addi %add3A_86, %iota3A : vector<16xi32>
      %swap3A_88 = arith.constant 48 : index
      %swap3A_89 = tpu.vector_load %arg15[%swap3A_88] {strides = array<i32>} : memref<64xi32, #tpu.memory_space<vmem>>, vector<16xi32>,
      tpu.vector_store %arg15[%swap3A_88], %add3A_87 {strides = array<i32>} : memref<64xi32, #tpu.memory_space<vmem>>, vector<16xi32>,
      "tpu.region"() ({
        %run_scoped3A = tpu.sem_alloc : memref<!tpu.dma_semaphore, #tpu.memory_space<semaphore_mem>>
        %dma_start3A = arith.constant 0 : i32
        %dma_start3A_90 = arith.constant 0 : i32
        %dma_start3A_91 = tpu.memref_slice %arg17[%dma_start3A, %dma_start3A_90] : memref<10240x128xf32, #tpu.memory_space<vmem_shared>> -> memref<10240x128xf32, #tpu.memory_space<vmem_shared>>
        tpu.enqueue_indirect_dma source(%arg11 : memref<64x128xf32, #tpu.memory_space<vmem>>) target(%dma_start3A_91 : memref<10240x128xf32, #tpu.memory_space<vmem_shared>>) offsets(%arg15 : memref<64xi32, #tpu.memory_space<vmem>>) semaphore(%run_scoped3A : memref<!tpu.dma_semaphore, #tpu.memory_space<semaphore_mem>>)
        %dma_wait3A = arith.constant 0 : i32
        %dma_wait3A_92 = arith.constant 0 : i32
        %dma_wait3A_93 = tpu.memref_slice %arg17[%dma_wait3A, %dma_wait3A_92] : memref<10240x128xf32, #tpu.memory_space<vmem_shared>> -> memref<10240x128xf32, #tpu.memory_space<vmem_shared>>
        tpu.wait_indirect_dma semaphore(%run_scoped3A : memref<!tpu.dma_semaphore, #tpu.memory_space<semaphore_mem>>) src(%arg11 : memref<64x128xf32, #tpu.memory_space<vmem>>) dst(%dma_wait3A_93 : memref<10240x128xf32, #tpu.memory_space<vmem_shared>>)
        tpu.yield
      }) : () -> ()
    }
    %scan3A_16 = arith.constant 10 : i32
    %barrier3A = arith.constant 0 : index
    tpu.barrier barrier_id(%barrier3A)
    %scan3A_17 = arith.constant 0 : i32
    %scan3A_18 = arith.constant 0 : i32
    %scan3A_19 = arith.constant 157 : i32
    %scan3A_20 = arith.addi %scan3A_18, %scan3A_19 : i32
    %scan3A_21 = arith.constant 1 : i32
    scf.for %scan3A_63 = %scan3A_18 to %scan3A_20 step %scan3A_21  : i32 {
      %mul3A_64 = arith.constant 32 : i32
      %mul3A_65 = arith.muli %scan3A_63, %mul3A_64 : i32
      %add3A_66 = arith.addi %mul3A_65, %add3A : i32
      %mul3A_67 = arith.constant 64 : i32
      %mul3A_68 = arith.muli %add3A_66, %mul3A_67 : i32
      %le3A = arith.constant 319936 : i32
      %le3A_69 = arith.cmpi sle, %mul3A_68, %le3A : i32
      %jit3A = arith.constant 319936 : i32
      %select_n3A = arith.select %le3A_69, %mul3A_68, %jit3A : i32
      "tpu.region"() ({
        %run_scoped3A = tpu.sem_alloc : memref<!tpu.dma_semaphore, #tpu.memory_space<semaphore_mem>>
        %dma_start3A_86 = tpu.memref_slice %arg5[%select_n3A] : memref<320000xi32, #tpu.memory_space<hbm>> -> memref<64xi32, #tpu.memory_space<hbm>>
        %dma_start3A_87 = tpu.memref_slice %arg5[%select_n3A] : memref<320000xi32, #tpu.memory_space<hbm>> -> memref<64xi32, #tpu.memory_space<hbm>>
        tpu.enqueue_dma source(%dma_start3A_87 : memref<64xi32, #tpu.memory_space<hbm>>) target(%arg15 : memref<64xi32, #tpu.memory_space<vmem>>) target_semaphore(%run_scoped3A : memref<!tpu.dma_semaphore, #tpu.memory_space<semaphore_mem>>)
        %dma_wait3A_88 = tpu.memref_slice %arg5[%select_n3A] : memref<320000xi32, #tpu.memory_space<hbm>> -> memref<64xi32, #tpu.memory_space<hbm>>
        %dma_wait3A_89 = tpu.memref_slice %arg5[%select_n3A] : memref<320000xi32, #tpu.memory_space<hbm>> -> memref<64xi32, #tpu.memory_space<hbm>>
        tpu.wait_dma2 semaphore(%run_scoped3A : memref<!tpu.dma_semaphore, #tpu.memory_space<semaphore_mem>>) src(%dma_wait3A_89 : memref<64xi32, #tpu.memory_space<hbm>>) dst(%arg15 : memref<64xi32, #tpu.memory_space<vmem>>)
        tpu.yield
      }) : () -> ()
      "tpu.region"() ({
        %run_scoped3A = tpu.sem_alloc : memref<!tpu.dma_semaphore, #tpu.memory_space<semaphore_mem>>
        %dma_start3A_86 = tpu.memref_slice %arg6[%select_n3A] : memref<320000xi32, #tpu.memory_space<hbm>> -> memref<64xi32, #tpu.memory_space<hbm>>
        %dma_start3A_87 = tpu.memref_slice %arg6[%select_n3A] : memref<320000xi32, #tpu.memory_space<hbm>> -> memref<64xi32, #tpu.memory_space<hbm>>
        tpu.enqueue_dma source(%dma_start3A_87 : memref<64xi32, #tpu.memory_space<hbm>>) target(%arg16 : memref<64xi32, #tpu.memory_space<vmem>>) target_semaphore(%run_scoped3A : memref<!tpu.dma_semaphore, #tpu.memory_space<semaphore_mem>>)
        %dma_wait3A_88 = tpu.memref_slice %arg6[%select_n3A] : memref<320000xi32, #tpu.memory_space<hbm>> -> memref<64xi32, #tpu.memory_space<hbm>>
        %dma_wait3A_89 = tpu.memref_slice %arg6[%select_n3A] : memref<320000xi32, #tpu.memory_space<hbm>> -> memref<64xi32, #tpu.memory_space<hbm>>
        tpu.wait_dma2 semaphore(%run_scoped3A : memref<!tpu.dma_semaphore, #tpu.memory_space<semaphore_mem>>) src(%dma_wait3A_89 : memref<64xi32, #tpu.memory_space<hbm>>) dst(%arg16 : memref<64xi32, #tpu.memory_space<vmem>>)
        tpu.yield
      }) : () -> ()
      %dma_start3A = arith.constant 0 : i32
      %dma_start3A_70 = arith.constant 0 : i32
      %dma_start3A_71 = tpu.memref_slice %arg2[%dma_start3A, %dma_start3A_70] : memref<10000x128xf32, #tpu.memory_space<hbm>> -> memref<10000x128xf32, #tpu.memory_space<hbm>>
      tpu.enqueue_indirect_dma source(%dma_start3A_71 : memref<10000x128xf32, #tpu.memory_space<hbm>>) target(%arg11 : memref<64x128xf32, #tpu.memory_space<vmem>>) offsets(%arg15 : memref<64xi32, #tpu.memory_space<vmem>>) semaphore(%arg18 : memref<!tpu.dma_semaphore, #tpu.memory_space<semaphore_mem>>)
      %dma_start3A_72 = arith.constant 0 : i32
      %dma_start3A_73 = arith.constant 0 : i32
      %dma_start3A_74 = tpu.memref_slice %arg3[%dma_start3A_72, %dma_start3A_73] : memref<10000x128xf32, #tpu.memory_space<hbm>> -> memref<10000x128xf32, #tpu.memory_space<hbm>>
      tpu.enqueue_indirect_dma source(%dma_start3A_74 : memref<10000x128xf32, #tpu.memory_space<hbm>>) target(%arg12 : memref<64x128xf32, #tpu.memory_space<vmem>>) offsets(%arg16 : memref<64xi32, #tpu.memory_space<vmem>>) semaphore(%arg18 : memref<!tpu.dma_semaphore, #tpu.memory_space<semaphore_mem>>)
      "tpu.region"() ({
        %run_scoped3A = tpu.sem_alloc : memref<!tpu.dma_semaphore, #tpu.memory_space<semaphore_mem>>
        %dma_start3A_86 = arith.constant 0 : i32
        %dma_start3A_87 = tpu.memref_slice %arg7[%select_n3A, %dma_start3A_86] : memref<320000x8xf32, #tpu.memory_space<hbm>> -> memref<64x8xf32, #tpu.memory_space<hbm>>
        %dma_start3A_88 = arith.constant 0 : i32
        %dma_start3A_89 = tpu.memref_slice %arg7[%select_n3A, %dma_start3A_88] : memref<320000x8xf32, #tpu.memory_space<hbm>> -> memref<64x8xf32, #tpu.memory_space<hbm>>
        tpu.enqueue_dma source(%dma_start3A_89 : memref<64x8xf32, #tpu.memory_space<hbm>>) target(%arg13 : memref<64x8xf32, #tpu.memory_space<vmem>>) target_semaphore(%run_scoped3A : memref<!tpu.dma_semaphore, #tpu.memory_space<semaphore_mem>>)
        %dma_wait3A_90 = arith.constant 0 : i32
        %dma_wait3A_91 = tpu.memref_slice %arg7[%select_n3A, %dma_wait3A_90] : memref<320000x8xf32, #tpu.memory_space<hbm>> -> memref<64x8xf32, #tpu.memory_space<hbm>>
        %dma_wait3A_92 = arith.constant 0 : i32
        %dma_wait3A_93 = tpu.memref_slice %arg7[%select_n3A, %dma_wait3A_92] : memref<320000x8xf32, #tpu.memory_space<hbm>> -> memref<64x8xf32, #tpu.memory_space<hbm>>
        tpu.wait_dma2 semaphore(%run_scoped3A : memref<!tpu.dma_semaphore, #tpu.memory_space<semaphore_mem>>) src(%dma_wait3A_93 : memref<64x8xf32, #tpu.memory_space<hbm>>) dst(%arg13 : memref<64x8xf32, #tpu.memory_space<vmem>>)
        tpu.yield
      }) : () -> ()
      %dma_wait3A = arith.constant 0 : i32
      %dma_wait3A_75 = arith.constant 0 : i32
      %dma_wait3A_76 = tpu.memref_slice %arg2[%dma_wait3A, %dma_wait3A_75] : memref<10000x128xf32, #tpu.memory_space<hbm>> -> memref<10000x128xf32, #tpu.memory_space<hbm>>
      tpu.wait_indirect_dma semaphore(%arg18 : memref<!tpu.dma_semaphore, #tpu.memory_space<semaphore_mem>>) src(%dma_wait3A_76 : memref<10000x128xf32, #tpu.memory_space<hbm>>) dst(%arg11 : memref<64x128xf32, #tpu.memory_space<vmem>>)
      %dma_wait3A_77 = arith.constant 0 : i32
      %dma_wait3A_78 = arith.constant 0 : i32
      %dma_wait3A_79 = tpu.memref_slice %arg3[%dma_wait3A_77, %dma_wait3A_78] : memref<10000x128xf32, #tpu.memory_space<hbm>> -> memref<10000x128xf32, #tpu.memory_space<hbm>>
      tpu.wait_indirect_dma semaphore(%arg18 : memref<!tpu.dma_semaphore, #tpu.memory_space<semaphore_mem>>) src(%dma_wait3A_79 : memref<10000x128xf32, #tpu.memory_space<hbm>>) dst(%arg12 : memref<64x128xf32, #tpu.memory_space<vmem>>)
      %scan3A_80 = arith.constant 0 : i32
      %scan3A_81 = arith.constant 0 : i32
      %scan3A_82 = arith.constant 4 : i32
      %scan3A_83 = arith.addi %scan3A_81, %scan3A_82 : i32
      %scan3A_84 = arith.constant 1 : i32
      scf.for %scan3A_86 = %scan3A_81 to %scan3A_83 step %scan3A_84  : i32 {
        %mul3A_87 = arith.constant 16 : i32
        %mul3A_88 = arith.muli %scan3A_86, %mul3A_87 : i32
        %add3A_89 = vector.broadcast %mul3A_88 : i32 to vector<16xi32>
        %add3A_90 = arith.addi %add3A_89, %iota3A : vector<16xi32>
        %broadcast_in_dim3A_91 = arith.constant 0.000000e+00 : f32
        %broadcast_in_dim3A_92 = vector.broadcast %broadcast_in_dim3A_91 : f32 to vector<16xf32>
        %broadcast_in_dim3A_93 = arith.constant 0 : i32
        %broadcast_in_dim3A_94 = vector.broadcast %broadcast_in_dim3A_93 : i32 to vector<16xi32>
        %gather3A = tpu.vector_load_idx %arg11[%add3A_90, %broadcast_in_dim3A_94] : memref<64x128xf32, #tpu.memory_space<vmem>>[vector<16xi32>, vector<16xi32>], vector<16xf32>,
        %gather3A_95 = tpu.vector_load_idx %arg12[%add3A_90, %broadcast_in_dim3A_94] : memref<64x128xf32, #tpu.memory_space<vmem>>[vector<16xi32>, vector<16xi32>], vector<16xf32>,
        %mul3A_96 = arith.mulf %gather3A, %gather3A_95 : vector<16xf32>
        %add3A_97 = arith.addf %broadcast_in_dim3A_92, %mul3A_96 : vector<16xf32>
        %broadcast_in_dim3A_98 = arith.constant 1 : i32
        %broadcast_in_dim3A_99 = vector.broadcast %broadcast_in_dim3A_98 : i32 to vector<16xi32>
        %gather3A_100 = tpu.vector_load_idx %arg11[%add3A_90, %broadcast_in_dim3A_99] : memref<64x128xf32, #tpu.memory_space<vmem>>[vector<16xi32>, vector<16xi32>], vector<16xf32>,
        %gather3A_101 = tpu.vector_load_idx %arg12[%add3A_90, %broadcast_in_dim3A_99] : memref<64x128xf32, #tpu.memory_space<vmem>>[vector<16xi32>, vector<16xi32>], vector<16xf32>,
        %mul3A_102 = arith.mulf %gather3A_100, %gather3A_101 : vector<16xf32>
        %add3A_103 = arith.addf %add3A_97, %mul3A_102 : vector<16xf32>
        %broadcast_in_dim3A_104 = arith.constant 2 : i32
        %broadcast_in_dim3A_105 = vector.broadcast %broadcast_in_dim3A_104 : i32 to vector<16xi32>
        %gather3A_106 = tpu.vector_load_idx %arg11[%add3A_90, %broadcast_in_dim3A_105] : memref<64x128xf32, #tpu.memory_space<vmem>>[vector<16xi32>, vector<16xi32>], vector<16xf32>,
        %gather3A_107 = tpu.vector_load_idx %arg12[%add3A_90, %broadcast_in_dim3A_105] : memref<64x128xf32, #tpu.memory_space<vmem>>[vector<16xi32>, vector<16xi32>], vector<16xf32>,
        %mul3A_108 = arith.mulf %gather3A_106, %gather3A_107 : vector<16xf32>
        %add3A_109 = arith.addf %add3A_103, %mul3A_108 : vector<16xf32>
        %broadcast_in_dim3A_110 = arith.constant 3 : i32
        %broadcast_in_dim3A_111 = vector.broadcast %broadcast_in_dim3A_110 : i32 to vector<16xi32>
        %gather3A_112 = tpu.vector_load_idx %arg11[%add3A_90, %broadcast_in_dim3A_111] : memref<64x128xf32, #tpu.memory_space<vmem>>[vector<16xi32>, vector<16xi32>], vector<16xf32>,
        %gather3A_113 = tpu.vector_load_idx %arg12[%add3A_90, %broadcast_in_dim3A_111] : memref<64x128xf32, #tpu.memory_space<vmem>>[vector<16xi32>, vector<16xi32>], vector<16xf32>,
        %mul3A_114 = arith.mulf %gather3A_112, %gather3A_113 : vector<16xf32>
        %add3A_115 = arith.addf %add3A_109, %mul3A_114 : vector<16xf32>
        %broadcast_in_dim3A_116 = arith.constant 4 : i32
        %broadcast_in_dim3A_117 = vector.broadcast %broadcast_in_dim3A_116 : i32 to vector<16xi32>
        %gather3A_118 = tpu.vector_load_idx %arg11[%add3A_90, %broadcast_in_dim3A_117] : memref<64x128xf32, #tpu.memory_space<vmem>>[vector<16xi32>, vector<16xi32>], vector<16xf32>,
        %gather3A_119 = tpu.vector_load_idx %arg12[%add3A_90, %broadcast_in_dim3A_117] : memref<64x128xf32, #tpu.memory_space<vmem>>[vector<16xi32>, vector<16xi32>], vector<16xf32>,
        %mul3A_120 = arith.mulf %gather3A_118, %gather3A_119 : vector<16xf32>
        %add3A_121 = arith.addf %add3A_115, %mul3A_120 : vector<16xf32>
        %broadcast_in_dim3A_122 = arith.constant 5 : i32
        %broadcast_in_dim3A_123 = vector.broadcast %broadcast_in_dim3A_122 : i32 to vector<16xi32>
        %gather3A_124 = tpu.vector_load_idx %arg11[%add3A_90, %broadcast_in_dim3A_123] : memref<64x128xf32, #tpu.memory_space<vmem>>[vector<16xi32>, vector<16xi32>], vector<16xf32>,
        %gather3A_125 = tpu.vector_load_idx %arg12[%add3A_90, %broadcast_in_dim3A_123] : memref<64x128xf32, #tpu.memory_space<vmem>>[vector<16xi32>, vector<16xi32>], vector<16xf32>,
        %mul3A_126 = arith.mulf %gather3A_124, %gather3A_125 : vector<16xf32>
        %add3A_127 = arith.addf %add3A_121, %mul3A_126 : vector<16xf32>
        %broadcast_in_dim3A_128 = arith.constant 6 : i32
        %broadcast_in_dim3A_129 = vector.broadcast %broadcast_in_dim3A_128 : i32 to vector<16xi32>
        %gather3A_130 = tpu.vector_load_idx %arg11[%add3A_90, %broadcast_in_dim3A_129] : memref<64x128xf32, #tpu.memory_space<vmem>>[vector<16xi32>, vector<16xi32>], vector<16xf32>,
        %gather3A_131 = tpu.vector_load_idx %arg12[%add3A_90, %broadcast_in_dim3A_129] : memref<64x128xf32, #tpu.memory_space<vmem>>[vector<16xi32>, vector<16xi32>], vector<16xf32>,
        %mul3A_132 = arith.mulf %gather3A_130, %gather3A_131 : vector<16xf32>
        %add3A_133 = arith.addf %add3A_127, %mul3A_132 : vector<16xf32>
        %broadcast_in_dim3A_134 = arith.constant 7 : i32
        %broadcast_in_dim3A_135 = vector.broadcast %broadcast_in_dim3A_134 : i32 to vector<16xi32>
        %gather3A_136 = tpu.vector_load_idx %arg11[%add3A_90, %broadcast_in_dim3A_135] : memref<64x128xf32, #tpu.memory_space<vmem>>[vector<16xi32>, vector<16xi32>], vector<16xf32>,
        %gather3A_137 = tpu.vector_load_idx %arg12[%add3A_90, %broadcast_in_dim3A_135] : memref<64x128xf32, #tpu.memory_space<vmem>>[vector<16xi32>, vector<16xi32>], vector<16xf32>,
        %mul3A_138 = arith.mulf %gather3A_136, %gather3A_137 : vector<16xf32>
        %add3A_139 = arith.addf %add3A_133, %mul3A_138 : vector<16xf32>
        %broadcast_in_dim3A_140 = arith.constant 8 : i32
        %broadcast_in_dim3A_141 = vector.broadcast %broadcast_in_dim3A_140 : i32 to vector<16xi32>
        %gather3A_142 = tpu.vector_load_idx %arg11[%add3A_90, %broadcast_in_dim3A_141] : memref<64x128xf32, #tpu.memory_space<vmem>>[vector<16xi32>, vector<16xi32>], vector<16xf32>,
        %gather3A_143 = tpu.vector_load_idx %arg12[%add3A_90, %broadcast_in_dim3A_141] : memref<64x128xf32, #tpu.memory_space<vmem>>[vector<16xi32>, vector<16xi32>], vector<16xf32>,
        %mul3A_144 = arith.mulf %gather3A_142, %gather3A_143 : vector<16xf32>
        %add3A_145 = arith.addf %add3A_139, %mul3A_144 : vector<16xf32>
        %broadcast_in_dim3A_146 = arith.constant 9 : i32
        %broadcast_in_dim3A_147 = vector.broadcast %broadcast_in_dim3A_146 : i32 to vector<16xi32>
        %gather3A_148 = tpu.vector_load_idx %arg11[%add3A_90, %broadcast_in_dim3A_147] : memref<64x128xf32, #tpu.memory_space<vmem>>[vector<16xi32>, vector<16xi32>], vector<16xf32>,
        %gather3A_149 = tpu.vector_load_idx %arg12[%add3A_90, %broadcast_in_dim3A_147] : memref<64x128xf32, #tpu.memory_space<vmem>>[vector<16xi32>, vector<16xi32>], vector<16xf32>,
        %mul3A_150 = arith.mulf %gather3A_148, %gather3A_149 : vector<16xf32>
        %add3A_151 = arith.addf %add3A_145, %mul3A_150 : vector<16xf32>
        %broadcast_in_dim3A_152 = arith.constant 10 : i32
        %broadcast_in_dim3A_153 = vector.broadcast %broadcast_in_dim3A_152 : i32 to vector<16xi32>
        %gather3A_154 = tpu.vector_load_idx %arg11[%add3A_90, %broadcast_in_dim3A_153] : memref<64x128xf32, #tpu.memory_space<vmem>>[vector<16xi32>, vector<16xi32>], vector<16xf32>,
        %gather3A_155 = tpu.vector_load_idx %arg12[%add3A_90, %broadcast_in_dim3A_153] : memref<64x128xf32, #tpu.memory_space<vmem>>[vector<16xi32>, vector<16xi32>], vector<16xf32>,
        %mul3A_156 = arith.mulf %gather3A_154, %gather3A_155 : vector<16xf32>
        %add3A_157 = arith.addf %add3A_151, %mul3A_156 : vector<16xf32>
        %broadcast_in_dim3A_158 = arith.constant 11 : i32
        %broadcast_in_dim3A_159 = vector.broadcast %broadcast_in_dim3A_158 : i32 to vector<16xi32>
        %gather3A_160 = tpu.vector_load_idx %arg11[%add3A_90, %broadcast_in_dim3A_159] : memref<64x128xf32, #tpu.memory_space<vmem>>[vector<16xi32>, vector<16xi32>], vector<16xf32>,
        %gather3A_161 = tpu.vector_load_idx %arg12[%add3A_90, %broadcast_in_dim3A_159] : memref<64x128xf32, #tpu.memory_space<vmem>>[vector<16xi32>, vector<16xi32>], vector<16xf32>,
        %mul3A_162 = arith.mulf %gather3A_160, %gather3A_161 : vector<16xf32>
        %add3A_163 = arith.addf %add3A_157, %mul3A_162 : vector<16xf32>
        %broadcast_in_dim3A_164 = arith.constant 12 : i32
        %broadcast_in_dim3A_165 = vector.broadcast %broadcast_in_dim3A_164 : i32 to vector<16xi32>
        %gather3A_166 = tpu.vector_load_idx %arg11[%add3A_90, %broadcast_in_dim3A_165] : memref<64x128xf32, #tpu.memory_space<vmem>>[vector<16xi32>, vector<16xi32>], vector<16xf32>,
        %gather3A_167 = tpu.vector_load_idx %arg12[%add3A_90, %broadcast_in_dim3A_165] : memref<64x128xf32, #tpu.memory_space<vmem>>[vector<16xi32>, vector<16xi32>], vector<16xf32>,
        %mul3A_168 = arith.mulf %gather3A_166, %gather3A_167 : vector<16xf32>
        %add3A_169 = arith.addf %add3A_163, %mul3A_168 : vector<16xf32>
        %broadcast_in_dim3A_170 = arith.constant 13 : i32
        %broadcast_in_dim3A_171 = vector.broadcast %broadcast_in_dim3A_170 : i32 to vector<16xi32>
        %gather3A_172 = tpu.vector_load_idx %arg11[%add3A_90, %broadcast_in_dim3A_171] : memref<64x128xf32, #tpu.memory_space<vmem>>[vector<16xi32>, vector<16xi32>], vector<16xf32>,
        %gather3A_173 = tpu.vector_load_idx %arg12[%add3A_90, %broadcast_in_dim3A_171] : memref<64x128xf32, #tpu.memory_space<vmem>>[vector<16xi32>, vector<16xi32>], vector<16xf32>,
        %mul3A_174 = arith.mulf %gather3A_172, %gather3A_173 : vector<16xf32>
        %add3A_175 = arith.addf %add3A_169, %mul3A_174 : vector<16xf32>
        %broadcast_in_dim3A_176 = arith.constant 14 : i32
        %broadcast_in_dim3A_177 = vector.broadcast %broadcast_in_dim3A_176 : i32 to vector<16xi32>
        %gather3A_178 = tpu.vector_load_idx %arg11[%add3A_90, %broadcast_in_dim3A_177] : memref<64x128xf32, #tpu.memory_space<vmem>>[vector<16xi32>, vector<16xi32>], vector<16xf32>,
        %gather3A_179 = tpu.vector_load_idx %arg12[%add3A_90, %broadcast_in_dim3A_177] : memref<64x128xf32, #tpu.memory_space<vmem>>[vector<16xi32>, vector<16xi32>], vector<16xf32>,
        %mul3A_180 = arith.mulf %gather3A_178, %gather3A_179 : vector<16xf32>
        %add3A_181 = arith.addf %add3A_175, %mul3A_180 : vector<16xf32>
        %broadcast_in_dim3A_182 = arith.constant 15 : i32
        %broadcast_in_dim3A_183 = vector.broadcast %broadcast_in_dim3A_182 : i32 to vector<16xi32>
        %gather3A_184 = tpu.vector_load_idx %arg11[%add3A_90, %broadcast_in_dim3A_183] : memref<64x128xf32, #tpu.memory_space<vmem>>[vector<16xi32>, vector<16xi32>], vector<16xf32>,
        %gather3A_185 = tpu.vector_load_idx %arg12[%add3A_90, %broadcast_in_dim3A_183] : memref<64x128xf32, #tpu.memory_space<vmem>>[vector<16xi32>, vector<16xi32>], vector<16xf32>,
        %mul3A_186 = arith.mulf %gather3A_184, %gather3A_185 : vector<16xf32>
        %add3A_187 = arith.addf %add3A_181, %mul3A_186 : vector<16xf32>
        %broadcast_in_dim3A_188 = arith.constant 0 : i32
        %broadcast_in_dim3A_189 = vector.broadcast %broadcast_in_dim3A_188 : i32 to vector<16xi32>
        %gather3A_190 = tpu.vector_load_idx %arg13[%add3A_90, %broadcast_in_dim3A_189] : memref<64x8xf32, #tpu.memory_space<vmem>>[vector<16xi32>, vector<16xi32>], vector<16xf32>,
        %mul3A_191 = arith.constant 2.500000e-01 : f32
        %mul3A_192 = vector.broadcast %mul3A_191 : f32 to vector<16xf32>
        %mul3A_193 = arith.mulf %mul3A_192, %gather3A_190 : vector<16xf32>
        %mul3A_194 = arith.mulf %add3A_187, %mul3A_193 : vector<16xf32>
        %exp3A = math.exp %mul3A_194 : vector<16xf32>
        tpu.vector_store_idx %arg14[%add3A_90, %broadcast_in_dim3A_189], %exp3A : memref<64x16xf32, #tpu.memory_space<vmem>>[vector<16xi32>, vector<16xi32>], vector<16xf32>,
        %broadcast_in_dim3A_195 = arith.constant 0.000000e+00 : f32
        %broadcast_in_dim3A_196 = vector.broadcast %broadcast_in_dim3A_195 : f32 to vector<16xf32>
        %broadcast_in_dim3A_197 = arith.constant 16 : i32
        %broadcast_in_dim3A_198 = vector.broadcast %broadcast_in_dim3A_197 : i32 to vector<16xi32>
        %gather3A_199 = tpu.vector_load_idx %arg11[%add3A_90, %broadcast_in_dim3A_198] : memref<64x128xf32, #tpu.memory_space<vmem>>[vector<16xi32>, vector<16xi32>], vector<16xf32>,
        %gather3A_200 = tpu.vector_load_idx %arg12[%add3A_90, %broadcast_in_dim3A_198] : memref<64x128xf32, #tpu.memory_space<vmem>>[vector<16xi32>, vector<16xi32>], vector<16xf32>,
        %mul3A_201 = arith.mulf %gather3A_199, %gather3A_200 : vector<16xf32>
        %add3A_202 = arith.addf %broadcast_in_dim3A_196, %mul3A_201 : vector<16xf32>
        %broadcast_in_dim3A_203 = arith.constant 17 : i32
        %broadcast_in_dim3A_204 = vector.broadcast %broadcast_in_dim3A_203 : i32 to vector<16xi32>
        %gather3A_205 = tpu.vector_load_idx %arg11[%add3A_90, %broadcast_in_dim3A_204] : memref<64x128xf32, #tpu.memory_space<vmem>>[vector<16xi32>, vector<16xi32>], vector<16xf32>,
        %gather3A_206 = tpu.vector_load_idx %arg12[%add3A_90, %broadcast_in_dim3A_204] : memref<64x128xf32, #tpu.memory_space<vmem>>[vector<16xi32>, vector<16xi32>], vector<16xf32>,
        %mul3A_207 = arith.mulf %gather3A_205, %gather3A_206 : vector<16xf32>
        %add3A_208 = arith.addf %add3A_202, %mul3A_207 : vector<16xf32>
        %broadcast_in_dim3A_209 = arith.constant 18 : i32
        %broadcast_in_dim3A_210 = vector.broadcast %broadcast_in_dim3A_209 : i32 to vector<16xi32>
        %gather3A_211 = tpu.vector_load_idx %arg11[%add3A_90, %broadcast_in_dim3A_210] : memref<64x128xf32, #tpu.memory_space<vmem>>[vector<16xi32>, vector<16xi32>], vector<16xf32>,
        %gather3A_212 = tpu.vector_load_idx %arg12[%add3A_90, %broadcast_in_dim3A_210] : memref<64x128xf32, #tpu.memory_space<vmem>>[vector<16xi32>, vector<16xi32>], vector<16xf32>,
        %mul3A_213 = arith.mulf %gather3A_211, %gather3A_212 : vector<16xf32>
        %add3A_214 = arith.addf %add3A_208, %mul3A_213 : vector<16xf32>
        %broadcast_in_dim3A_215 = arith.constant 19 : i32
        %broadcast_in_dim3A_216 = vector.broadcast %broadcast_in_dim3A_215 : i32 to vector<16xi32>
        %gather3A_217 = tpu.vector_load_idx %arg11[%add3A_90, %broadcast_in_dim3A_216] : memref<64x128xf32, #tpu.memory_space<vmem>>[vector<16xi32>, vector<16xi32>], vector<16xf32>,
        %gather3A_218 = tpu.vector_load_idx %arg12[%add3A_90, %broadcast_in_dim3A_216] : memref<64x128xf32, #tpu.memory_space<vmem>>[vector<16xi32>, vector<16xi32>], vector<16xf32>,
        %mul3A_219 = arith.mulf %gather3A_217, %gather3A_218 : vector<16xf32>
        %add3A_220 = arith.addf %add3A_214, %mul3A_219 : vector<16xf32>
        %broadcast_in_dim3A_221 = arith.constant 20 : i32
        %broadcast_in_dim3A_222 = vector.broadcast %broadcast_in_dim3A_221 : i32 to vector<16xi32>
        %gather3A_223 = tpu.vector_load_idx %arg11[%add3A_90, %broadcast_in_dim3A_222] : memref<64x128xf32, #tpu.memory_space<vmem>>[vector<16xi32>, vector<16xi32>], vector<16xf32>,
        %gather3A_224 = tpu.vector_load_idx %arg12[%add3A_90, %broadcast_in_dim3A_222] : memref<64x128xf32, #tpu.memory_space<vmem>>[vector<16xi32>, vector<16xi32>], vector<16xf32>,
        %mul3A_225 = arith.mulf %gather3A_223, %gather3A_224 : vector<16xf32>
        %add3A_226 = arith.addf %add3A_220, %mul3A_225 : vector<16xf32>
        %broadcast_in_dim3A_227 = arith.constant 21 : i32
        %broadcast_in_dim3A_228 = vector.broadcast %broadcast_in_dim3A_227 : i32 to vector<16xi32>
        %gather3A_229 = tpu.vector_load_idx %arg11[%add3A_90, %broadcast_in_dim3A_228] : memref<64x128xf32, #tpu.memory_space<vmem>>[vector<16xi32>, vector<16xi32>], vector<16xf32>,
        %gather3A_230 = tpu.vector_load_idx %arg12[%add3A_90, %broadcast_in_dim3A_228] : memref<64x128xf32, #tpu.memory_space<vmem>>[vector<16xi32>, vector<16xi32>], vector<16xf32>,
        %mul3A_231 = arith.mulf %gather3A_229, %gather3A_230 : vector<16xf32>
        %add3A_232 = arith.addf %add3A_226, %mul3A_231 : vector<16xf32>
        %broadcast_in_dim3A_233 = arith.constant 22 : i32
        %broadcast_in_dim3A_234 = vector.broadcast %broadcast_in_dim3A_233 : i32 to vector<16xi32>
        %gather3A_235 = tpu.vector_load_idx %arg11[%add3A_90, %broadcast_in_dim3A_234] : memref<64x128xf32, #tpu.memory_space<vmem>>[vector<16xi32>, vector<16xi32>], vector<16xf32>,
        %gather3A_236 = tpu.vector_load_idx %arg12[%add3A_90, %broadcast_in_dim3A_234] : memref<64x128xf32, #tpu.memory_space<vmem>>[vector<16xi32>, vector<16xi32>], vector<16xf32>,
        %mul3A_237 = arith.mulf %gather3A_235, %gather3A_236 : vector<16xf32>
        %add3A_238 = arith.addf %add3A_232, %mul3A_237 : vector<16xf32>
        %broadcast_in_dim3A_239 = arith.constant 23 : i32
        %broadcast_in_dim3A_240 = vector.broadcast %broadcast_in_dim3A_239 : i32 to vector<16xi32>
        %gather3A_241 = tpu.vector_load_idx %arg11[%add3A_90, %broadcast_in_dim3A_240] : memref<64x128xf32, #tpu.memory_space<vmem>>[vector<16xi32>, vector<16xi32>], vector<16xf32>,
        %gather3A_242 = tpu.vector_load_idx %arg12[%add3A_90, %broadcast_in_dim3A_240] : memref<64x128xf32, #tpu.memory_space<vmem>>[vector<16xi32>, vector<16xi32>], vector<16xf32>,
        %mul3A_243 = arith.mulf %gather3A_241, %gather3A_242 : vector<16xf32>
        %add3A_244 = arith.addf %add3A_238, %mul3A_243 : vector<16xf32>
        %broadcast_in_dim3A_245 = arith.constant 24 : i32
        %broadcast_in_dim3A_246 = vector.broadcast %broadcast_in_dim3A_245 : i32 to vector<16xi32>
        %gather3A_247 = tpu.vector_load_idx %arg11[%add3A_90, %broadcast_in_dim3A_246] : memref<64x128xf32, #tpu.memory_space<vmem>>[vector<16xi32>, vector<16xi32>], vector<16xf32>,
        %gather3A_248 = tpu.vector_load_idx %arg12[%add3A_90, %broadcast_in_dim3A_246] : memref<64x128xf32, #tpu.memory_space<vmem>>[vector<16xi32>, vector<16xi32>], vector<16xf32>,
        %mul3A_249 = arith.mulf %gather3A_247, %gather3A_248 : vector<16xf32>
        %add3A_250 = arith.addf %add3A_244, %mul3A_249 : vector<16xf32>
        %broadcast_in_dim3A_251 = arith.constant 25 : i32
        %broadcast_in_dim3A_252 = vector.broadcast %broadcast_in_dim3A_251 : i32 to vector<16xi32>
        %gather3A_253 = tpu.vector_load_idx %arg11[%add3A_90, %broadcast_in_dim3A_252] : memref<64x128xf32, #tpu.memory_space<vmem>>[vector<16xi32>, vector<16xi32>], vector<16xf32>,
        %gather3A_254 = tpu.vector_load_idx %arg12[%add3A_90, %broadcast_in_dim3A_252] : memref<64x128xf32, #tpu.memory_space<vmem>>[vector<16xi32>, vector<16xi32>], vector<16xf32>,
        %mul3A_255 = arith.mulf %gather3A_253, %gather3A_254 : vector<16xf32>
        %add3A_256 = arith.addf %add3A_250, %mul3A_255 : vector<16xf32>
        %broadcast_in_dim3A_257 = arith.constant 26 : i32
        %broadcast_in_dim3A_258 = vector.broadcast %broadcast_in_dim3A_257 : i32 to vector<16xi32>
        %gather3A_259 = tpu.vector_load_idx %arg11[%add3A_90, %broadcast_in_dim3A_258] : memref<64x128xf32, #tpu.memory_space<vmem>>[vector<16xi32>, vector<16xi32>], vector<16xf32>,
        %gather3A_260 = tpu.vector_load_idx %arg12[%add3A_90, %broadcast_in_dim3A_258] : memref<64x128xf32, #tpu.memory_space<vmem>>[vector<16xi32>, vector<16xi32>], vector<16xf32>,
        %mul3A_261 = arith.mulf %gather3A_259, %gather3A_260 : vector<16xf32>
        %add3A_262 = arith.addf %add3A_256, %mul3A_261 : vector<16xf32>
        %broadcast_in_dim3A_263 = arith.constant 27 : i32
        %broadcast_in_dim3A_264 = vector.broadcast %broadcast_in_dim3A_263 : i32 to vector<16xi32>
        %gather3A_265 = tpu.vector_load_idx %arg11[%add3A_90, %broadcast_in_dim3A_264] : memref<64x128xf32, #tpu.memory_space<vmem>>[vector<16xi32>, vector<16xi32>], vector<16xf32>,
        %gather3A_266 = tpu.vector_load_idx %arg12[%add3A_90, %broadcast_in_dim3A_264] : memref<64x128xf32, #tpu.memory_space<vmem>>[vector<16xi32>, vector<16xi32>], vector<16xf32>,
        %mul3A_267 = arith.mulf %gather3A_265, %gather3A_266 : vector<16xf32>
        %add3A_268 = arith.addf %add3A_262, %mul3A_267 : vector<16xf32>
        %broadcast_in_dim3A_269 = arith.constant 28 : i32
        %broadcast_in_dim3A_270 = vector.broadcast %broadcast_in_dim3A_269 : i32 to vector<16xi32>
        %gather3A_271 = tpu.vector_load_idx %arg11[%add3A_90, %broadcast_in_dim3A_270] : memref<64x128xf32, #tpu.memory_space<vmem>>[vector<16xi32>, vector<16xi32>], vector<16xf32>,
        %gather3A_272 = tpu.vector_load_idx %arg12[%add3A_90, %broadcast_in_dim3A_270] : memref<64x128xf32, #tpu.memory_space<vmem>>[vector<16xi32>, vector<16xi32>], vector<16xf32>,
        %mul3A_273 = arith.mulf %gather3A_271, %gather3A_272 : vector<16xf32>
        %add3A_274 = arith.addf %add3A_268, %mul3A_273 : vector<16xf32>
        %broadcast_in_dim3A_275 = arith.constant 29 : i32
        %broadcast_in_dim3A_276 = vector.broadcast %broadcast_in_dim3A_275 : i32 to vector<16xi32>
        %gather3A_277 = tpu.vector_load_idx %arg11[%add3A_90, %broadcast_in_dim3A_276] : memref<64x128xf32, #tpu.memory_space<vmem>>[vector<16xi32>, vector<16xi32>], vector<16xf32>,
        %gather3A_278 = tpu.vector_load_idx %arg12[%add3A_90, %broadcast_in_dim3A_276] : memref<64x128xf32, #tpu.memory_space<vmem>>[vector<16xi32>, vector<16xi32>], vector<16xf32>,
        %mul3A_279 = arith.mulf %gather3A_277, %gather3A_278 : vector<16xf32>
        %add3A_280 = arith.addf %add3A_274, %mul3A_279 : vector<16xf32>
        %broadcast_in_dim3A_281 = arith.constant 30 : i32
        %broadcast_in_dim3A_282 = vector.broadcast %broadcast_in_dim3A_281 : i32 to vector<16xi32>
        %gather3A_283 = tpu.vector_load_idx %arg11[%add3A_90, %broadcast_in_dim3A_282] : memref<64x128xf32, #tpu.memory_space<vmem>>[vector<16xi32>, vector<16xi32>], vector<16xf32>,
        %gather3A_284 = tpu.vector_load_idx %arg12[%add3A_90, %broadcast_in_dim3A_282] : memref<64x128xf32, #tpu.memory_space<vmem>>[vector<16xi32>, vector<16xi32>], vector<16xf32>,
        %mul3A_285 = arith.mulf %gather3A_283, %gather3A_284 : vector<16xf32>
        %add3A_286 = arith.addf %add3A_280, %mul3A_285 : vector<16xf32>
        %broadcast_in_dim3A_287 = arith.constant 31 : i32
        %broadcast_in_dim3A_288 = vector.broadcast %broadcast_in_dim3A_287 : i32 to vector<16xi32>
        %gather3A_289 = tpu.vector_load_idx %arg11[%add3A_90, %broadcast_in_dim3A_288] : memref<64x128xf32, #tpu.memory_space<vmem>>[vector<16xi32>, vector<16xi32>], vector<16xf32>,
        %gather3A_290 = tpu.vector_load_idx %arg12[%add3A_90, %broadcast_in_dim3A_288] : memref<64x128xf32, #tpu.memory_space<vmem>>[vector<16xi32>, vector<16xi32>], vector<16xf32>,
        %mul3A_291 = arith.mulf %gather3A_289, %gather3A_290 : vector<16xf32>
        %add3A_292 = arith.addf %add3A_286, %mul3A_291 : vector<16xf32>
        %broadcast_in_dim3A_293 = arith.constant 1 : i32
        %broadcast_in_dim3A_294 = vector.broadcast %broadcast_in_dim3A_293 : i32 to vector<16xi32>
        %gather3A_295 = tpu.vector_load_idx %arg13[%add3A_90, %broadcast_in_dim3A_294] : memref<64x8xf32, #tpu.memory_space<vmem>>[vector<16xi32>, vector<16xi32>], vector<16xf32>,
        %mul3A_296 = arith.constant 2.500000e-01 : f32
        %mul3A_297 = vector.broadcast %mul3A_296 : f32 to vector<16xf32>
        %mul3A_298 = arith.mulf %mul3A_297, %gather3A_295 : vector<16xf32>
        %mul3A_299 = arith.mulf %add3A_292, %mul3A_298 : vector<16xf32>
        %exp3A_300 = math.exp %mul3A_299 : vector<16xf32>
        tpu.vector_store_idx %arg14[%add3A_90, %broadcast_in_dim3A_294], %exp3A_300 : memref<64x16xf32, #tpu.memory_space<vmem>>[vector<16xi32>, vector<16xi32>], vector<16xf32>,
        %broadcast_in_dim3A_301 = arith.constant 0.000000e+00 : f32
        %broadcast_in_dim3A_302 = vector.broadcast %broadcast_in_dim3A_301 : f32 to vector<16xf32>
        %broadcast_in_dim3A_303 = arith.constant 32 : i32
        %broadcast_in_dim3A_304 = vector.broadcast %broadcast_in_dim3A_303 : i32 to vector<16xi32>
        %gather3A_305 = tpu.vector_load_idx %arg11[%add3A_90, %broadcast_in_dim3A_304] : memref<64x128xf32, #tpu.memory_space<vmem>>[vector<16xi32>, vector<16xi32>], vector<16xf32>,
        %gather3A_306 = tpu.vector_load_idx %arg12[%add3A_90, %broadcast_in_dim3A_304] : memref<64x128xf32, #tpu.memory_space<vmem>>[vector<16xi32>, vector<16xi32>], vector<16xf32>,
        %mul3A_307 = arith.mulf %gather3A_305, %gather3A_306 : vector<16xf32>
        %add3A_308 = arith.addf %broadcast_in_dim3A_302, %mul3A_307 : vector<16xf32>
        %broadcast_in_dim3A_309 = arith.constant 33 : i32
        %broadcast_in_dim3A_310 = vector.broadcast %broadcast_in_dim3A_309 : i32 to vector<16xi32>
        %gather3A_311 = tpu.vector_load_idx %arg11[%add3A_90, %broadcast_in_dim3A_310] : memref<64x128xf32, #tpu.memory_space<vmem>>[vector<16xi32>, vector<16xi32>], vector<16xf32>,
        %gather3A_312 = tpu.vector_load_idx %arg12[%add3A_90, %broadcast_in_dim3A_310] : memref<64x128xf32, #tpu.memory_space<vmem>>[vector<16xi32>, vector<16xi32>], vector<16xf32>,
        %mul3A_313 = arith.mulf %gather3A_311, %gather3A_312 : vector<16xf32>
        %add3A_314 = arith.addf %add3A_308, %mul3A_313 : vector<16xf32>
        %broadcast_in_dim3A_315 = arith.constant 34 : i32
        %broadcast_in_dim3A_316 = vector.broadcast %broadcast_in_dim3A_315 : i32 to vector<16xi32>
        %gather3A_317 = tpu.vector_load_idx %arg11[%add3A_90, %broadcast_in_dim3A_316] : memref<64x128xf32, #tpu.memory_space<vmem>>[vector<16xi32>, vector<16xi32>], vector<16xf32>,
        %gather3A_318 = tpu.vector_load_idx %arg12[%add3A_90, %broadcast_in_dim3A_316] : memref<64x128xf32, #tpu.memory_space<vmem>>[vector<16xi32>, vector<16xi32>], vector<16xf32>,
        %mul3A_319 = arith.mulf %gather3A_317, %gather3A_318 : vector<16xf32>
        %add3A_320 = arith.addf %add3A_314, %mul3A_319 : vector<16xf32>
        %broadcast_in_dim3A_321 = arith.constant 35 : i32
        %broadcast_in_dim3A_322 = vector.broadcast %broadcast_in_dim3A_321 : i32 to vector<16xi32>
        %gather3A_323 = tpu.vector_load_idx %arg11[%add3A_90, %broadcast_in_dim3A_322] : memref<64x128xf32, #tpu.memory_space<vmem>>[vector<16xi32>, vector<16xi32>], vector<16xf32>,
        %gather3A_324 = tpu.vector_load_idx %arg12[%add3A_90, %broadcast_in_dim3A_322] : memref<64x128xf32, #tpu.memory_space<vmem>>[vector<16xi32>, vector<16xi32>], vector<16xf32>,
        %mul3A_325 = arith.mulf %gather3A_323, %gather3A_324 : vector<16xf32>
        %add3A_326 = arith.addf %add3A_320, %mul3A_325 : vector<16xf32>
        %broadcast_in_dim3A_327 = arith.constant 36 : i32
        %broadcast_in_dim3A_328 = vector.broadcast %broadcast_in_dim3A_327 : i32 to vector<16xi32>
        %gather3A_329 = tpu.vector_load_idx %arg11[%add3A_90, %broadcast_in_dim3A_328] : memref<64x128xf32, #tpu.memory_space<vmem>>[vector<16xi32>, vector<16xi32>], vector<16xf32>,
        %gather3A_330 = tpu.vector_load_idx %arg12[%add3A_90, %broadcast_in_dim3A_328] : memref<64x128xf32, #tpu.memory_space<vmem>>[vector<16xi32>, vector<16xi32>], vector<16xf32>,
        %mul3A_331 = arith.mulf %gather3A_329, %gather3A_330 : vector<16xf32>
        %add3A_332 = arith.addf %add3A_326, %mul3A_331 : vector<16xf32>
        %broadcast_in_dim3A_333 = arith.constant 37 : i32
        %broadcast_in_dim3A_334 = vector.broadcast %broadcast_in_dim3A_333 : i32 to vector<16xi32>
        %gather3A_335 = tpu.vector_load_idx %arg11[%add3A_90, %broadcast_in_dim3A_334] : memref<64x128xf32, #tpu.memory_space<vmem>>[vector<16xi32>, vector<16xi32>], vector<16xf32>,
        %gather3A_336 = tpu.vector_load_idx %arg12[%add3A_90, %broadcast_in_dim3A_334] : memref<64x128xf32, #tpu.memory_space<vmem>>[vector<16xi32>, vector<16xi32>], vector<16xf32>,
        %mul3A_337 = arith.mulf %gather3A_335, %gather3A_336 : vector<16xf32>
        %add3A_338 = arith.addf %add3A_332, %mul3A_337 : vector<16xf32>
        %broadcast_in_dim3A_339 = arith.constant 38 : i32
        %broadcast_in_dim3A_340 = vector.broadcast %broadcast_in_dim3A_339 : i32 to vector<16xi32>
        %gather3A_341 = tpu.vector_load_idx %arg11[%add3A_90, %broadcast_in_dim3A_340] : memref<64x128xf32, #tpu.memory_space<vmem>>[vector<16xi32>, vector<16xi32>], vector<16xf32>,
        %gather3A_342 = tpu.vector_load_idx %arg12[%add3A_90, %broadcast_in_dim3A_340] : memref<64x128xf32, #tpu.memory_space<vmem>>[vector<16xi32>, vector<16xi32>], vector<16xf32>,
        %mul3A_343 = arith.mulf %gather3A_341, %gather3A_342 : vector<16xf32>
        %add3A_344 = arith.addf %add3A_338, %mul3A_343 : vector<16xf32>
        %broadcast_in_dim3A_345 = arith.constant 39 : i32
        %broadcast_in_dim3A_346 = vector.broadcast %broadcast_in_dim3A_345 : i32 to vector<16xi32>
        %gather3A_347 = tpu.vector_load_idx %arg11[%add3A_90, %broadcast_in_dim3A_346] : memref<64x128xf32, #tpu.memory_space<vmem>>[vector<16xi32>, vector<16xi32>], vector<16xf32>,
        %gather3A_348 = tpu.vector_load_idx %arg12[%add3A_90, %broadcast_in_dim3A_346] : memref<64x128xf32, #tpu.memory_space<vmem>>[vector<16xi32>, vector<16xi32>], vector<16xf32>,
        %mul3A_349 = arith.mulf %gather3A_347, %gather3A_348 : vector<16xf32>
        %add3A_350 = arith.addf %add3A_344, %mul3A_349 : vector<16xf32>
        %broadcast_in_dim3A_351 = arith.constant 40 : i32
        %broadcast_in_dim3A_352 = vector.broadcast %broadcast_in_dim3A_351 : i32 to vector<16xi32>
        %gather3A_353 = tpu.vector_load_idx %arg11[%add3A_90, %broadcast_in_dim3A_352] : memref<64x128xf32, #tpu.memory_space<vmem>>[vector<16xi32>, vector<16xi32>], vector<16xf32>,
        %gather3A_354 = tpu.vector_load_idx %arg12[%add3A_90, %broadcast_in_dim3A_352] : memref<64x128xf32, #tpu.memory_space<vmem>>[vector<16xi32>, vector<16xi32>], vector<16xf32>,
        %mul3A_355 = arith.mulf %gather3A_353, %gather3A_354 : vector<16xf32>
        %add3A_356 = arith.addf %add3A_350, %mul3A_355 : vector<16xf32>
        %broadcast_in_dim3A_357 = arith.constant 41 : i32
        %broadcast_in_dim3A_358 = vector.broadcast %broadcast_in_dim3A_357 : i32 to vector<16xi32>
        %gather3A_359 = tpu.vector_load_idx %arg11[%add3A_90, %broadcast_in_dim3A_358] : memref<64x128xf32, #tpu.memory_space<vmem>>[vector<16xi32>, vector<16xi32>], vector<16xf32>,
        %gather3A_360 = tpu.vector_load_idx %arg12[%add3A_90, %broadcast_in_dim3A_358] : memref<64x128xf32, #tpu.memory_space<vmem>>[vector<16xi32>, vector<16xi32>], vector<16xf32>,
        %mul3A_361 = arith.mulf %gather3A_359, %gather3A_360 : vector<16xf32>
        %add3A_362 = arith.addf %add3A_356, %mul3A_361 : vector<16xf32>
        %broadcast_in_dim3A_363 = arith.constant 42 : i32
        %broadcast_in_dim3A_364 = vector.broadcast %broadcast_in_dim3A_363 : i32 to vector<16xi32>
        %gather3A_365 = tpu.vector_load_idx %arg11[%add3A_90, %broadcast_in_dim3A_364] : memref<64x128xf32, #tpu.memory_space<vmem>>[vector<16xi32>, vector<16xi32>], vector<16xf32>,
        %gather3A_366 = tpu.vector_load_idx %arg12[%add3A_90, %broadcast_in_dim3A_364] : memref<64x128xf32, #tpu.memory_space<vmem>>[vector<16xi32>, vector<16xi32>], vector<16xf32>,
        %mul3A_367 = arith.mulf %gather3A_365, %gather3A_366 : vector<16xf32>
        %add3A_368 = arith.addf %add3A_362, %mul3A_367 : vector<16xf32>
        %broadcast_in_dim3A_369 = arith.constant 43 : i32
        %broadcast_in_dim3A_370 = vector.broadcast %broadcast_in_dim3A_369 : i32 to vector<16xi32>
        %gather3A_371 = tpu.vector_load_idx %arg11[%add3A_90, %broadcast_in_dim3A_370] : memref<64x128xf32, #tpu.memory_space<vmem>>[vector<16xi32>, vector<16xi32>], vector<16xf32>,
        %gather3A_372 = tpu.vector_load_idx %arg12[%add3A_90, %broadcast_in_dim3A_370] : memref<64x128xf32, #tpu.memory_space<vmem>>[vector<16xi32>, vector<16xi32>], vector<16xf32>,
        %mul3A_373 = arith.mulf %gather3A_371, %gather3A_372 : vector<16xf32>
        %add3A_374 = arith.addf %add3A_368, %mul3A_373 : vector<16xf32>
        %broadcast_in_dim3A_375 = arith.constant 44 : i32
        %broadcast_in_dim3A_376 = vector.broadcast %broadcast_in_dim3A_375 : i32 to vector<16xi32>
        %gather3A_377 = tpu.vector_load_idx %arg11[%add3A_90, %broadcast_in_dim3A_376] : memref<64x128xf32, #tpu.memory_space<vmem>>[vector<16xi32>, vector<16xi32>], vector<16xf32>,
        %gather3A_378 = tpu.vector_load_idx %arg12[%add3A_90, %broadcast_in_dim3A_376] : memref<64x128xf32, #tpu.memory_space<vmem>>[vector<16xi32>, vector<16xi32>], vector<16xf32>,
        %mul3A_379 = arith.mulf %gather3A_377, %gather3A_378 : vector<16xf32>
        %add3A_380 = arith.addf %add3A_374, %mul3A_379 : vector<16xf32>
        %broadcast_in_dim3A_381 = arith.constant 45 : i32
        %broadcast_in_dim3A_382 = vector.broadcast %broadcast_in_dim3A_381 : i32 to vector<16xi32>
        %gather3A_383 = tpu.vector_load_idx %arg11[%add3A_90, %broadcast_in_dim3A_382] : memref<64x128xf32, #tpu.memory_space<vmem>>[vector<16xi32>, vector<16xi32>], vector<16xf32>,
        %gather3A_384 = tpu.vector_load_idx %arg12[%add3A_90, %broadcast_in_dim3A_382] : memref<64x128xf32, #tpu.memory_space<vmem>>[vector<16xi32>, vector<16xi32>], vector<16xf32>,
        %mul3A_385 = arith.mulf %gather3A_383, %gather3A_384 : vector<16xf32>
        %add3A_386 = arith.addf %add3A_380, %mul3A_385 : vector<16xf32>
        %broadcast_in_dim3A_387 = arith.constant 46 : i32
        %broadcast_in_dim3A_388 = vector.broadcast %broadcast_in_dim3A_387 : i32 to vector<16xi32>
        %gather3A_389 = tpu.vector_load_idx %arg11[%add3A_90, %broadcast_in_dim3A_388] : memref<64x128xf32, #tpu.memory_space<vmem>>[vector<16xi32>, vector<16xi32>], vector<16xf32>,
        %gather3A_390 = tpu.vector_load_idx %arg12[%add3A_90, %broadcast_in_dim3A_388] : memref<64x128xf32, #tpu.memory_space<vmem>>[vector<16xi32>, vector<16xi32>], vector<16xf32>,
        %mul3A_391 = arith.mulf %gather3A_389, %gather3A_390 : vector<16xf32>
        %add3A_392 = arith.addf %add3A_386, %mul3A_391 : vector<16xf32>
        %broadcast_in_dim3A_393 = arith.constant 47 : i32
        %broadcast_in_dim3A_394 = vector.broadcast %broadcast_in_dim3A_393 : i32 to vector<16xi32>
        %gather3A_395 = tpu.vector_load_idx %arg11[%add3A_90, %broadcast_in_dim3A_394] : memref<64x128xf32, #tpu.memory_space<vmem>>[vector<16xi32>, vector<16xi32>], vector<16xf32>,
        %gather3A_396 = tpu.vector_load_idx %arg12[%add3A_90, %broadcast_in_dim3A_394] : memref<64x128xf32, #tpu.memory_space<vmem>>[vector<16xi32>, vector<16xi32>], vector<16xf32>,
        %mul3A_397 = arith.mulf %gather3A_395, %gather3A_396 : vector<16xf32>
        %add3A_398 = arith.addf %add3A_392, %mul3A_397 : vector<16xf32>
        %broadcast_in_dim3A_399 = arith.constant 2 : i32
        %broadcast_in_dim3A_400 = vector.broadcast %broadcast_in_dim3A_399 : i32 to vector<16xi32>
        %gather3A_401 = tpu.vector_load_idx %arg13[%add3A_90, %broadcast_in_dim3A_400] : memref<64x8xf32, #tpu.memory_space<vmem>>[vector<16xi32>, vector<16xi32>], vector<16xf32>,
        %mul3A_402 = arith.constant 2.500000e-01 : f32
        %mul3A_403 = vector.broadcast %mul3A_402 : f32 to vector<16xf32>
        %mul3A_404 = arith.mulf %mul3A_403, %gather3A_401 : vector<16xf32>
        %mul3A_405 = arith.mulf %add3A_398, %mul3A_404 : vector<16xf32>
        %exp3A_406 = math.exp %mul3A_405 : vector<16xf32>
        tpu.vector_store_idx %arg14[%add3A_90, %broadcast_in_dim3A_400], %exp3A_406 : memref<64x16xf32, #tpu.memory_space<vmem>>[vector<16xi32>, vector<16xi32>], vector<16xf32>,
        %broadcast_in_dim3A_407 = arith.constant 0.000000e+00 : f32
        %broadcast_in_dim3A_408 = vector.broadcast %broadcast_in_dim3A_407 : f32 to vector<16xf32>
        %broadcast_in_dim3A_409 = arith.constant 48 : i32
        %broadcast_in_dim3A_410 = vector.broadcast %broadcast_in_dim3A_409 : i32 to vector<16xi32>
        %gather3A_411 = tpu.vector_load_idx %arg11[%add3A_90, %broadcast_in_dim3A_410] : memref<64x128xf32, #tpu.memory_space<vmem>>[vector<16xi32>, vector<16xi32>], vector<16xf32>,
        %gather3A_412 = tpu.vector_load_idx %arg12[%add3A_90, %broadcast_in_dim3A_410] : memref<64x128xf32, #tpu.memory_space<vmem>>[vector<16xi32>, vector<16xi32>], vector<16xf32>,
        %mul3A_413 = arith.mulf %gather3A_411, %gather3A_412 : vector<16xf32>
        %add3A_414 = arith.addf %broadcast_in_dim3A_408, %mul3A_413 : vector<16xf32>
        %broadcast_in_dim3A_415 = arith.constant 49 : i32
        %broadcast_in_dim3A_416 = vector.broadcast %broadcast_in_dim3A_415 : i32 to vector<16xi32>
        %gather3A_417 = tpu.vector_load_idx %arg11[%add3A_90, %broadcast_in_dim3A_416] : memref<64x128xf32, #tpu.memory_space<vmem>>[vector<16xi32>, vector<16xi32>], vector<16xf32>,
        %gather3A_418 = tpu.vector_load_idx %arg12[%add3A_90, %broadcast_in_dim3A_416] : memref<64x128xf32, #tpu.memory_space<vmem>>[vector<16xi32>, vector<16xi32>], vector<16xf32>,
        %mul3A_419 = arith.mulf %gather3A_417, %gather3A_418 : vector<16xf32>
        %add3A_420 = arith.addf %add3A_414, %mul3A_419 : vector<16xf32>
        %broadcast_in_dim3A_421 = arith.constant 50 : i32
        %broadcast_in_dim3A_422 = vector.broadcast %broadcast_in_dim3A_421 : i32 to vector<16xi32>
        %gather3A_423 = tpu.vector_load_idx %arg11[%add3A_90, %broadcast_in_dim3A_422] : memref<64x128xf32, #tpu.memory_space<vmem>>[vector<16xi32>, vector<16xi32>], vector<16xf32>,
        %gather3A_424 = tpu.vector_load_idx %arg12[%add3A_90, %broadcast_in_dim3A_422] : memref<64x128xf32, #tpu.memory_space<vmem>>[vector<16xi32>, vector<16xi32>], vector<16xf32>,
        %mul3A_425 = arith.mulf %gather3A_423, %gather3A_424 : vector<16xf32>
        %add3A_426 = arith.addf %add3A_420, %mul3A_425 : vector<16xf32>
        %broadcast_in_dim3A_427 = arith.constant 51 : i32
        %broadcast_in_dim3A_428 = vector.broadcast %broadcast_in_dim3A_427 : i32 to vector<16xi32>
        %gather3A_429 = tpu.vector_load_idx %arg11[%add3A_90, %broadcast_in_dim3A_428] : memref<64x128xf32, #tpu.memory_space<vmem>>[vector<16xi32>, vector<16xi32>], vector<16xf32>,
        %gather3A_430 = tpu.vector_load_idx %arg12[%add3A_90, %broadcast_in_dim3A_428] : memref<64x128xf32, #tpu.memory_space<vmem>>[vector<16xi32>, vector<16xi32>], vector<16xf32>,
        %mul3A_431 = arith.mulf %gather3A_429, %gather3A_430 : vector<16xf32>
        %add3A_432 = arith.addf %add3A_426, %mul3A_431 : vector<16xf32>
        %broadcast_in_dim3A_433 = arith.constant 52 : i32
        %broadcast_in_dim3A_434 = vector.broadcast %broadcast_in_dim3A_433 : i32 to vector<16xi32>
        %gather3A_435 = tpu.vector_load_idx %arg11[%add3A_90, %broadcast_in_dim3A_434] : memref<64x128xf32, #tpu.memory_space<vmem>>[vector<16xi32>, vector<16xi32>], vector<16xf32>,
        %gather3A_436 = tpu.vector_load_idx %arg12[%add3A_90, %broadcast_in_dim3A_434] : memref<64x128xf32, #tpu.memory_space<vmem>>[vector<16xi32>, vector<16xi32>], vector<16xf32>,
        %mul3A_437 = arith.mulf %gather3A_435, %gather3A_436 : vector<16xf32>
        %add3A_438 = arith.addf %add3A_432, %mul3A_437 : vector<16xf32>
        %broadcast_in_dim3A_439 = arith.constant 53 : i32
        %broadcast_in_dim3A_440 = vector.broadcast %broadcast_in_dim3A_439 : i32 to vector<16xi32>
        %gather3A_441 = tpu.vector_load_idx %arg11[%add3A_90, %broadcast_in_dim3A_440] : memref<64x128xf32, #tpu.memory_space<vmem>>[vector<16xi32>, vector<16xi32>], vector<16xf32>,
        %gather3A_442 = tpu.vector_load_idx %arg12[%add3A_90, %broadcast_in_dim3A_440] : memref<64x128xf32, #tpu.memory_space<vmem>>[vector<16xi32>, vector<16xi32>], vector<16xf32>,
        %mul3A_443 = arith.mulf %gather3A_441, %gather3A_442 : vector<16xf32>
        %add3A_444 = arith.addf %add3A_438, %mul3A_443 : vector<16xf32>
        %broadcast_in_dim3A_445 = arith.constant 54 : i32
        %broadcast_in_dim3A_446 = vector.broadcast %broadcast_in_dim3A_445 : i32 to vector<16xi32>
        %gather3A_447 = tpu.vector_load_idx %arg11[%add3A_90, %broadcast_in_dim3A_446] : memref<64x128xf32, #tpu.memory_space<vmem>>[vector<16xi32>, vector<16xi32>], vector<16xf32>,
        %gather3A_448 = tpu.vector_load_idx %arg12[%add3A_90, %broadcast_in_dim3A_446] : memref<64x128xf32, #tpu.memory_space<vmem>>[vector<16xi32>, vector<16xi32>], vector<16xf32>,
        %mul3A_449 = arith.mulf %gather3A_447, %gather3A_448 : vector<16xf32>
        %add3A_450 = arith.addf %add3A_444, %mul3A_449 : vector<16xf32>
        %broadcast_in_dim3A_451 = arith.constant 55 : i32
        %broadcast_in_dim3A_452 = vector.broadcast %broadcast_in_dim3A_451 : i32 to vector<16xi32>
        %gather3A_453 = tpu.vector_load_idx %arg11[%add3A_90, %broadcast_in_dim3A_452] : memref<64x128xf32, #tpu.memory_space<vmem>>[vector<16xi32>, vector<16xi32>], vector<16xf32>,
        %gather3A_454 = tpu.vector_load_idx %arg12[%add3A_90, %broadcast_in_dim3A_452] : memref<64x128xf32, #tpu.memory_space<vmem>>[vector<16xi32>, vector<16xi32>], vector<16xf32>,
        %mul3A_455 = arith.mulf %gather3A_453, %gather3A_454 : vector<16xf32>
        %add3A_456 = arith.addf %add3A_450, %mul3A_455 : vector<16xf32>
        %broadcast_in_dim3A_457 = arith.constant 56 : i32
        %broadcast_in_dim3A_458 = vector.broadcast %broadcast_in_dim3A_457 : i32 to vector<16xi32>
        %gather3A_459 = tpu.vector_load_idx %arg11[%add3A_90, %broadcast_in_dim3A_458] : memref<64x128xf32, #tpu.memory_space<vmem>>[vector<16xi32>, vector<16xi32>], vector<16xf32>,
        %gather3A_460 = tpu.vector_load_idx %arg12[%add3A_90, %broadcast_in_dim3A_458] : memref<64x128xf32, #tpu.memory_space<vmem>>[vector<16xi32>, vector<16xi32>], vector<16xf32>,
        %mul3A_461 = arith.mulf %gather3A_459, %gather3A_460 : vector<16xf32>
        %add3A_462 = arith.addf %add3A_456, %mul3A_461 : vector<16xf32>
        %broadcast_in_dim3A_463 = arith.constant 57 : i32
        %broadcast_in_dim3A_464 = vector.broadcast %broadcast_in_dim3A_463 : i32 to vector<16xi32>
        %gather3A_465 = tpu.vector_load_idx %arg11[%add3A_90, %broadcast_in_dim3A_464] : memref<64x128xf32, #tpu.memory_space<vmem>>[vector<16xi32>, vector<16xi32>], vector<16xf32>,
        %gather3A_466 = tpu.vector_load_idx %arg12[%add3A_90, %broadcast_in_dim3A_464] : memref<64x128xf32, #tpu.memory_space<vmem>>[vector<16xi32>, vector<16xi32>], vector<16xf32>,
        %mul3A_467 = arith.mulf %gather3A_465, %gather3A_466 : vector<16xf32>
        %add3A_468 = arith.addf %add3A_462, %mul3A_467 : vector<16xf32>
        %broadcast_in_dim3A_469 = arith.constant 58 : i32
        %broadcast_in_dim3A_470 = vector.broadcast %broadcast_in_dim3A_469 : i32 to vector<16xi32>
        %gather3A_471 = tpu.vector_load_idx %arg11[%add3A_90, %broadcast_in_dim3A_470] : memref<64x128xf32, #tpu.memory_space<vmem>>[vector<16xi32>, vector<16xi32>], vector<16xf32>,
        %gather3A_472 = tpu.vector_load_idx %arg12[%add3A_90, %broadcast_in_dim3A_470] : memref<64x128xf32, #tpu.memory_space<vmem>>[vector<16xi32>, vector<16xi32>], vector<16xf32>,
        %mul3A_473 = arith.mulf %gather3A_471, %gather3A_472 : vector<16xf32>
        %add3A_474 = arith.addf %add3A_468, %mul3A_473 : vector<16xf32>
        %broadcast_in_dim3A_475 = arith.constant 59 : i32
        %broadcast_in_dim3A_476 = vector.broadcast %broadcast_in_dim3A_475 : i32 to vector<16xi32>
        %gather3A_477 = tpu.vector_load_idx %arg11[%add3A_90, %broadcast_in_dim3A_476] : memref<64x128xf32, #tpu.memory_space<vmem>>[vector<16xi32>, vector<16xi32>], vector<16xf32>,
        %gather3A_478 = tpu.vector_load_idx %arg12[%add3A_90, %broadcast_in_dim3A_476] : memref<64x128xf32, #tpu.memory_space<vmem>>[vector<16xi32>, vector<16xi32>], vector<16xf32>,
        %mul3A_479 = arith.mulf %gather3A_477, %gather3A_478 : vector<16xf32>
        %add3A_480 = arith.addf %add3A_474, %mul3A_479 : vector<16xf32>
        %broadcast_in_dim3A_481 = arith.constant 60 : i32
        %broadcast_in_dim3A_482 = vector.broadcast %broadcast_in_dim3A_481 : i32 to vector<16xi32>
        %gather3A_483 = tpu.vector_load_idx %arg11[%add3A_90, %broadcast_in_dim3A_482] : memref<64x128xf32, #tpu.memory_space<vmem>>[vector<16xi32>, vector<16xi32>], vector<16xf32>,
        %gather3A_484 = tpu.vector_load_idx %arg12[%add3A_90, %broadcast_in_dim3A_482] : memref<64x128xf32, #tpu.memory_space<vmem>>[vector<16xi32>, vector<16xi32>], vector<16xf32>,
        %mul3A_485 = arith.mulf %gather3A_483, %gather3A_484 : vector<16xf32>
        %add3A_486 = arith.addf %add3A_480, %mul3A_485 : vector<16xf32>
        %broadcast_in_dim3A_487 = arith.constant 61 : i32
        %broadcast_in_dim3A_488 = vector.broadcast %broadcast_in_dim3A_487 : i32 to vector<16xi32>
        %gather3A_489 = tpu.vector_load_idx %arg11[%add3A_90, %broadcast_in_dim3A_488] : memref<64x128xf32, #tpu.memory_space<vmem>>[vector<16xi32>, vector<16xi32>], vector<16xf32>,
        %gather3A_490 = tpu.vector_load_idx %arg12[%add3A_90, %broadcast_in_dim3A_488] : memref<64x128xf32, #tpu.memory_space<vmem>>[vector<16xi32>, vector<16xi32>], vector<16xf32>,
        %mul3A_491 = arith.mulf %gather3A_489, %gather3A_490 : vector<16xf32>
        %add3A_492 = arith.addf %add3A_486, %mul3A_491 : vector<16xf32>
        %broadcast_in_dim3A_493 = arith.constant 62 : i32
        %broadcast_in_dim3A_494 = vector.broadcast %broadcast_in_dim3A_493 : i32 to vector<16xi32>
        %gather3A_495 = tpu.vector_load_idx %arg11[%add3A_90, %broadcast_in_dim3A_494] : memref<64x128xf32, #tpu.memory_space<vmem>>[vector<16xi32>, vector<16xi32>], vector<16xf32>,
        %gather3A_496 = tpu.vector_load_idx %arg12[%add3A_90, %broadcast_in_dim3A_494] : memref<64x128xf32, #tpu.memory_space<vmem>>[vector<16xi32>, vector<16xi32>], vector<16xf32>,
        %mul3A_497 = arith.mulf %gather3A_495, %gather3A_496 : vector<16xf32>
        %add3A_498 = arith.addf %add3A_492, %mul3A_497 : vector<16xf32>
        %broadcast_in_dim3A_499 = arith.constant 63 : i32
        %broadcast_in_dim3A_500 = vector.broadcast %broadcast_in_dim3A_499 : i32 to vector<16xi32>
        %gather3A_501 = tpu.vector_load_idx %arg11[%add3A_90, %broadcast_in_dim3A_500] : memref<64x128xf32, #tpu.memory_space<vmem>>[vector<16xi32>, vector<16xi32>], vector<16xf32>,
        %gather3A_502 = tpu.vector_load_idx %arg12[%add3A_90, %broadcast_in_dim3A_500] : memref<64x128xf32, #tpu.memory_space<vmem>>[vector<16xi32>, vector<16xi32>], vector<16xf32>,
        %mul3A_503 = arith.mulf %gather3A_501, %gather3A_502 : vector<16xf32>
        %add3A_504 = arith.addf %add3A_498, %mul3A_503 : vector<16xf32>
        %broadcast_in_dim3A_505 = arith.constant 3 : i32
        %broadcast_in_dim3A_506 = vector.broadcast %broadcast_in_dim3A_505 : i32 to vector<16xi32>
        %gather3A_507 = tpu.vector_load_idx %arg13[%add3A_90, %broadcast_in_dim3A_506] : memref<64x8xf32, #tpu.memory_space<vmem>>[vector<16xi32>, vector<16xi32>], vector<16xf32>,
        %mul3A_508 = arith.constant 2.500000e-01 : f32
        %mul3A_509 = vector.broadcast %mul3A_508 : f32 to vector<16xf32>
        %mul3A_510 = arith.mulf %mul3A_509, %gather3A_507 : vector<16xf32>
        %mul3A_511 = arith.mulf %add3A_504, %mul3A_510 : vector<16xf32>
        %exp3A_512 = math.exp %mul3A_511 : vector<16xf32>
        tpu.vector_store_idx %arg14[%add3A_90, %broadcast_in_dim3A_506], %exp3A_512 : memref<64x16xf32, #tpu.memory_space<vmem>>[vector<16xi32>, vector<16xi32>], vector<16xf32>,
        %broadcast_in_dim3A_513 = arith.constant 0.000000e+00 : f32
        %broadcast_in_dim3A_514 = vector.broadcast %broadcast_in_dim3A_513 : f32 to vector<16xf32>
        %broadcast_in_dim3A_515 = arith.constant 64 : i32
        %broadcast_in_dim3A_516 = vector.broadcast %broadcast_in_dim3A_515 : i32 to vector<16xi32>
        %gather3A_517 = tpu.vector_load_idx %arg11[%add3A_90, %broadcast_in_dim3A_516] : memref<64x128xf32, #tpu.memory_space<vmem>>[vector<16xi32>, vector<16xi32>], vector<16xf32>,
        %gather3A_518 = tpu.vector_load_idx %arg12[%add3A_90, %broadcast_in_dim3A_516] : memref<64x128xf32, #tpu.memory_space<vmem>>[vector<16xi32>, vector<16xi32>], vector<16xf32>,
        %mul3A_519 = arith.mulf %gather3A_517, %gather3A_518 : vector<16xf32>
        %add3A_520 = arith.addf %broadcast_in_dim3A_514, %mul3A_519 : vector<16xf32>
        %broadcast_in_dim3A_521 = arith.constant 65 : i32
        %broadcast_in_dim3A_522 = vector.broadcast %broadcast_in_dim3A_521 : i32 to vector<16xi32>
        %gather3A_523 = tpu.vector_load_idx %arg11[%add3A_90, %broadcast_in_dim3A_522] : memref<64x128xf32, #tpu.memory_space<vmem>>[vector<16xi32>, vector<16xi32>], vector<16xf32>,
        %gather3A_524 = tpu.vector_load_idx %arg12[%add3A_90, %broadcast_in_dim3A_522] : memref<64x128xf32, #tpu.memory_space<vmem>>[vector<16xi32>, vector<16xi32>], vector<16xf32>,
        %mul3A_525 = arith.mulf %gather3A_523, %gather3A_524 : vector<16xf32>
        %add3A_526 = arith.addf %add3A_520, %mul3A_525 : vector<16xf32>
        %broadcast_in_dim3A_527 = arith.constant 66 : i32
        %broadcast_in_dim3A_528 = vector.broadcast %broadcast_in_dim3A_527 : i32 to vector<16xi32>
        %gather3A_529 = tpu.vector_load_idx %arg11[%add3A_90, %broadcast_in_dim3A_528] : memref<64x128xf32, #tpu.memory_space<vmem>>[vector<16xi32>, vector<16xi32>], vector<16xf32>,
        %gather3A_530 = tpu.vector_load_idx %arg12[%add3A_90, %broadcast_in_dim3A_528] : memref<64x128xf32, #tpu.memory_space<vmem>>[vector<16xi32>, vector<16xi32>], vector<16xf32>,
        %mul3A_531 = arith.mulf %gather3A_529, %gather3A_530 : vector<16xf32>
        %add3A_532 = arith.addf %add3A_526, %mul3A_531 : vector<16xf32>
        %broadcast_in_dim3A_533 = arith.constant 67 : i32
        %broadcast_in_dim3A_534 = vector.broadcast %broadcast_in_dim3A_533 : i32 to vector<16xi32>
        %gather3A_535 = tpu.vector_load_idx %arg11[%add3A_90, %broadcast_in_dim3A_534] : memref<64x128xf32, #tpu.memory_space<vmem>>[vector<16xi32>, vector<16xi32>], vector<16xf32>,
        %gather3A_536 = tpu.vector_load_idx %arg12[%add3A_90, %broadcast_in_dim3A_534] : memref<64x128xf32, #tpu.memory_space<vmem>>[vector<16xi32>, vector<16xi32>], vector<16xf32>,
        %mul3A_537 = arith.mulf %gather3A_535, %gather3A_536 : vector<16xf32>
        %add3A_538 = arith.addf %add3A_532, %mul3A_537 : vector<16xf32>
        %broadcast_in_dim3A_539 = arith.constant 68 : i32
        %broadcast_in_dim3A_540 = vector.broadcast %broadcast_in_dim3A_539 : i32 to vector<16xi32>
        %gather3A_541 = tpu.vector_load_idx %arg11[%add3A_90, %broadcast_in_dim3A_540] : memref<64x128xf32, #tpu.memory_space<vmem>>[vector<16xi32>, vector<16xi32>], vector<16xf32>,
        %gather3A_542 = tpu.vector_load_idx %arg12[%add3A_90, %broadcast_in_dim3A_540] : memref<64x128xf32, #tpu.memory_space<vmem>>[vector<16xi32>, vector<16xi32>], vector<16xf32>,
        %mul3A_543 = arith.mulf %gather3A_541, %gather3A_542 : vector<16xf32>
        %add3A_544 = arith.addf %add3A_538, %mul3A_543 : vector<16xf32>
        %broadcast_in_dim3A_545 = arith.constant 69 : i32
        %broadcast_in_dim3A_546 = vector.broadcast %broadcast_in_dim3A_545 : i32 to vector<16xi32>
        %gather3A_547 = tpu.vector_load_idx %arg11[%add3A_90, %broadcast_in_dim3A_546] : memref<64x128xf32, #tpu.memory_space<vmem>>[vector<16xi32>, vector<16xi32>], vector<16xf32>,
        %gather3A_548 = tpu.vector_load_idx %arg12[%add3A_90, %broadcast_in_dim3A_546] : memref<64x128xf32, #tpu.memory_space<vmem>>[vector<16xi32>, vector<16xi32>], vector<16xf32>,
        %mul3A_549 = arith.mulf %gather3A_547, %gather3A_548 : vector<16xf32>
        %add3A_550 = arith.addf %add3A_544, %mul3A_549 : vector<16xf32>
        %broadcast_in_dim3A_551 = arith.constant 70 : i32
        %broadcast_in_dim3A_552 = vector.broadcast %broadcast_in_dim3A_551 : i32 to vector<16xi32>
        %gather3A_553 = tpu.vector_load_idx %arg11[%add3A_90, %broadcast_in_dim3A_552] : memref<64x128xf32, #tpu.memory_space<vmem>>[vector<16xi32>, vector<16xi32>], vector<16xf32>,
        %gather3A_554 = tpu.vector_load_idx %arg12[%add3A_90, %broadcast_in_dim3A_552] : memref<64x128xf32, #tpu.memory_space<vmem>>[vector<16xi32>, vector<16xi32>], vector<16xf32>,
        %mul3A_555 = arith.mulf %gather3A_553, %gather3A_554 : vector<16xf32>
        %add3A_556 = arith.addf %add3A_550, %mul3A_555 : vector<16xf32>
        %broadcast_in_dim3A_557 = arith.constant 71 : i32
        %broadcast_in_dim3A_558 = vector.broadcast %broadcast_in_dim3A_557 : i32 to vector<16xi32>
        %gather3A_559 = tpu.vector_load_idx %arg11[%add3A_90, %broadcast_in_dim3A_558] : memref<64x128xf32, #tpu.memory_space<vmem>>[vector<16xi32>, vector<16xi32>], vector<16xf32>,
        %gather3A_560 = tpu.vector_load_idx %arg12[%add3A_90, %broadcast_in_dim3A_558] : memref<64x128xf32, #tpu.memory_space<vmem>>[vector<16xi32>, vector<16xi32>], vector<16xf32>,
        %mul3A_561 = arith.mulf %gather3A_559, %gather3A_560 : vector<16xf32>
        %add3A_562 = arith.addf %add3A_556, %mul3A_561 : vector<16xf32>
        %broadcast_in_dim3A_563 = arith.constant 72 : i32
        %broadcast_in_dim3A_564 = vector.broadcast %broadcast_in_dim3A_563 : i32 to vector<16xi32>
        %gather3A_565 = tpu.vector_load_idx %arg11[%add3A_90, %broadcast_in_dim3A_564] : memref<64x128xf32, #tpu.memory_space<vmem>>[vector<16xi32>, vector<16xi32>], vector<16xf32>,
        %gather3A_566 = tpu.vector_load_idx %arg12[%add3A_90, %broadcast_in_dim3A_564] : memref<64x128xf32, #tpu.memory_space<vmem>>[vector<16xi32>, vector<16xi32>], vector<16xf32>,
        %mul3A_567 = arith.mulf %gather3A_565, %gather3A_566 : vector<16xf32>
        %add3A_568 = arith.addf %add3A_562, %mul3A_567 : vector<16xf32>
        %broadcast_in_dim3A_569 = arith.constant 73 : i32
        %broadcast_in_dim3A_570 = vector.broadcast %broadcast_in_dim3A_569 : i32 to vector<16xi32>
        %gather3A_571 = tpu.vector_load_idx %arg11[%add3A_90, %broadcast_in_dim3A_570] : memref<64x128xf32, #tpu.memory_space<vmem>>[vector<16xi32>, vector<16xi32>], vector<16xf32>,
        %gather3A_572 = tpu.vector_load_idx %arg12[%add3A_90, %broadcast_in_dim3A_570] : memref<64x128xf32, #tpu.memory_space<vmem>>[vector<16xi32>, vector<16xi32>], vector<16xf32>,
        %mul3A_573 = arith.mulf %gather3A_571, %gather3A_572 : vector<16xf32>
        %add3A_574 = arith.addf %add3A_568, %mul3A_573 : vector<16xf32>
        %broadcast_in_dim3A_575 = arith.constant 74 : i32
        %broadcast_in_dim3A_576 = vector.broadcast %broadcast_in_dim3A_575 : i32 to vector<16xi32>
        %gather3A_577 = tpu.vector_load_idx %arg11[%add3A_90, %broadcast_in_dim3A_576] : memref<64x128xf32, #tpu.memory_space<vmem>>[vector<16xi32>, vector<16xi32>], vector<16xf32>,
        %gather3A_578 = tpu.vector_load_idx %arg12[%add3A_90, %broadcast_in_dim3A_576] : memref<64x128xf32, #tpu.memory_space<vmem>>[vector<16xi32>, vector<16xi32>], vector<16xf32>,
        %mul3A_579 = arith.mulf %gather3A_577, %gather3A_578 : vector<16xf32>
        %add3A_580 = arith.addf %add3A_574, %mul3A_579 : vector<16xf32>
        %broadcast_in_dim3A_581 = arith.constant 75 : i32
        %broadcast_in_dim3A_582 = vector.broadcast %broadcast_in_dim3A_581 : i32 to vector<16xi32>
        %gather3A_583 = tpu.vector_load_idx %arg11[%add3A_90, %broadcast_in_dim3A_582] : memref<64x128xf32, #tpu.memory_space<vmem>>[vector<16xi32>, vector<16xi32>], vector<16xf32>,
        %gather3A_584 = tpu.vector_load_idx %arg12[%add3A_90, %broadcast_in_dim3A_582] : memref<64x128xf32, #tpu.memory_space<vmem>>[vector<16xi32>, vector<16xi32>], vector<16xf32>,
        %mul3A_585 = arith.mulf %gather3A_583, %gather3A_584 : vector<16xf32>
        %add3A_586 = arith.addf %add3A_580, %mul3A_585 : vector<16xf32>
        %broadcast_in_dim3A_587 = arith.constant 76 : i32
        %broadcast_in_dim3A_588 = vector.broadcast %broadcast_in_dim3A_587 : i32 to vector<16xi32>
        %gather3A_589 = tpu.vector_load_idx %arg11[%add3A_90, %broadcast_in_dim3A_588] : memref<64x128xf32, #tpu.memory_space<vmem>>[vector<16xi32>, vector<16xi32>], vector<16xf32>,
        %gather3A_590 = tpu.vector_load_idx %arg12[%add3A_90, %broadcast_in_dim3A_588] : memref<64x128xf32, #tpu.memory_space<vmem>>[vector<16xi32>, vector<16xi32>], vector<16xf32>,
        %mul3A_591 = arith.mulf %gather3A_589, %gather3A_590 : vector<16xf32>
        %add3A_592 = arith.addf %add3A_586, %mul3A_591 : vector<16xf32>
        %broadcast_in_dim3A_593 = arith.constant 77 : i32
        %broadcast_in_dim3A_594 = vector.broadcast %broadcast_in_dim3A_593 : i32 to vector<16xi32>
        %gather3A_595 = tpu.vector_load_idx %arg11[%add3A_90, %broadcast_in_dim3A_594] : memref<64x128xf32, #tpu.memory_space<vmem>>[vector<16xi32>, vector<16xi32>], vector<16xf32>,
        %gather3A_596 = tpu.vector_load_idx %arg12[%add3A_90, %broadcast_in_dim3A_594] : memref<64x128xf32, #tpu.memory_space<vmem>>[vector<16xi32>, vector<16xi32>], vector<16xf32>,
        %mul3A_597 = arith.mulf %gather3A_595, %gather3A_596 : vector<16xf32>
        %add3A_598 = arith.addf %add3A_592, %mul3A_597 : vector<16xf32>
        %broadcast_in_dim3A_599 = arith.constant 78 : i32
        %broadcast_in_dim3A_600 = vector.broadcast %broadcast_in_dim3A_599 : i32 to vector<16xi32>
        %gather3A_601 = tpu.vector_load_idx %arg11[%add3A_90, %broadcast_in_dim3A_600] : memref<64x128xf32, #tpu.memory_space<vmem>>[vector<16xi32>, vector<16xi32>], vector<16xf32>,
        %gather3A_602 = tpu.vector_load_idx %arg12[%add3A_90, %broadcast_in_dim3A_600] : memref<64x128xf32, #tpu.memory_space<vmem>>[vector<16xi32>, vector<16xi32>], vector<16xf32>,
        %mul3A_603 = arith.mulf %gather3A_601, %gather3A_602 : vector<16xf32>
        %add3A_604 = arith.addf %add3A_598, %mul3A_603 : vector<16xf32>
        %broadcast_in_dim3A_605 = arith.constant 79 : i32
        %broadcast_in_dim3A_606 = vector.broadcast %broadcast_in_dim3A_605 : i32 to vector<16xi32>
        %gather3A_607 = tpu.vector_load_idx %arg11[%add3A_90, %broadcast_in_dim3A_606] : memref<64x128xf32, #tpu.memory_space<vmem>>[vector<16xi32>, vector<16xi32>], vector<16xf32>,
        %gather3A_608 = tpu.vector_load_idx %arg12[%add3A_90, %broadcast_in_dim3A_606] : memref<64x128xf32, #tpu.memory_space<vmem>>[vector<16xi32>, vector<16xi32>], vector<16xf32>,
        %mul3A_609 = arith.mulf %gather3A_607, %gather3A_608 : vector<16xf32>
        %add3A_610 = arith.addf %add3A_604, %mul3A_609 : vector<16xf32>
        %broadcast_in_dim3A_611 = arith.constant 4 : i32
        %broadcast_in_dim3A_612 = vector.broadcast %broadcast_in_dim3A_611 : i32 to vector<16xi32>
        %gather3A_613 = tpu.vector_load_idx %arg13[%add3A_90, %broadcast_in_dim3A_612] : memref<64x8xf32, #tpu.memory_space<vmem>>[vector<16xi32>, vector<16xi32>], vector<16xf32>,
        %mul3A_614 = arith.constant 2.500000e-01 : f32
        %mul3A_615 = vector.broadcast %mul3A_614 : f32 to vector<16xf32>
        %mul3A_616 = arith.mulf %mul3A_615, %gather3A_613 : vector<16xf32>
        %mul3A_617 = arith.mulf %add3A_610, %mul3A_616 : vector<16xf32>
        %exp3A_618 = math.exp %mul3A_617 : vector<16xf32>
        tpu.vector_store_idx %arg14[%add3A_90, %broadcast_in_dim3A_612], %exp3A_618 : memref<64x16xf32, #tpu.memory_space<vmem>>[vector<16xi32>, vector<16xi32>], vector<16xf32>,
        %broadcast_in_dim3A_619 = arith.constant 0.000000e+00 : f32
        %broadcast_in_dim3A_620 = vector.broadcast %broadcast_in_dim3A_619 : f32 to vector<16xf32>
        %broadcast_in_dim3A_621 = arith.constant 80 : i32
        %broadcast_in_dim3A_622 = vector.broadcast %broadcast_in_dim3A_621 : i32 to vector<16xi32>
        %gather3A_623 = tpu.vector_load_idx %arg11[%add3A_90, %broadcast_in_dim3A_622] : memref<64x128xf32, #tpu.memory_space<vmem>>[vector<16xi32>, vector<16xi32>], vector<16xf32>,
        %gather3A_624 = tpu.vector_load_idx %arg12[%add3A_90, %broadcast_in_dim3A_622] : memref<64x128xf32, #tpu.memory_space<vmem>>[vector<16xi32>, vector<16xi32>], vector<16xf32>,
        %mul3A_625 = arith.mulf %gather3A_623, %gather3A_624 : vector<16xf32>
        %add3A_626 = arith.addf %broadcast_in_dim3A_620, %mul3A_625 : vector<16xf32>
        %broadcast_in_dim3A_627 = arith.constant 81 : i32
        %broadcast_in_dim3A_628 = vector.broadcast %broadcast_in_dim3A_627 : i32 to vector<16xi32>
        %gather3A_629 = tpu.vector_load_idx %arg11[%add3A_90, %broadcast_in_dim3A_628] : memref<64x128xf32, #tpu.memory_space<vmem>>[vector<16xi32>, vector<16xi32>], vector<16xf32>,
        %gather3A_630 = tpu.vector_load_idx %arg12[%add3A_90, %broadcast_in_dim3A_628] : memref<64x128xf32, #tpu.memory_space<vmem>>[vector<16xi32>, vector<16xi32>], vector<16xf32>,
        %mul3A_631 = arith.mulf %gather3A_629, %gather3A_630 : vector<16xf32>
        %add3A_632 = arith.addf %add3A_626, %mul3A_631 : vector<16xf32>
        %broadcast_in_dim3A_633 = arith.constant 82 : i32
        %broadcast_in_dim3A_634 = vector.broadcast %broadcast_in_dim3A_633 : i32 to vector<16xi32>
        %gather3A_635 = tpu.vector_load_idx %arg11[%add3A_90, %broadcast_in_dim3A_634] : memref<64x128xf32, #tpu.memory_space<vmem>>[vector<16xi32>, vector<16xi32>], vector<16xf32>,
        %gather3A_636 = tpu.vector_load_idx %arg12[%add3A_90, %broadcast_in_dim3A_634] : memref<64x128xf32, #tpu.memory_space<vmem>>[vector<16xi32>, vector<16xi32>], vector<16xf32>,
        %mul3A_637 = arith.mulf %gather3A_635, %gather3A_636 : vector<16xf32>
        %add3A_638 = arith.addf %add3A_632, %mul3A_637 : vector<16xf32>
        %broadcast_in_dim3A_639 = arith.constant 83 : i32
        %broadcast_in_dim3A_640 = vector.broadcast %broadcast_in_dim3A_639 : i32 to vector<16xi32>
        %gather3A_641 = tpu.vector_load_idx %arg11[%add3A_90, %broadcast_in_dim3A_640] : memref<64x128xf32, #tpu.memory_space<vmem>>[vector<16xi32>, vector<16xi32>], vector<16xf32>,
        %gather3A_642 = tpu.vector_load_idx %arg12[%add3A_90, %broadcast_in_dim3A_640] : memref<64x128xf32, #tpu.memory_space<vmem>>[vector<16xi32>, vector<16xi32>], vector<16xf32>,
        %mul3A_643 = arith.mulf %gather3A_641, %gather3A_642 : vector<16xf32>
        %add3A_644 = arith.addf %add3A_638, %mul3A_643 : vector<16xf32>
        %broadcast_in_dim3A_645 = arith.constant 84 : i32
        %broadcast_in_dim3A_646 = vector.broadcast %broadcast_in_dim3A_645 : i32 to vector<16xi32>
        %gather3A_647 = tpu.vector_load_idx %arg11[%add3A_90, %broadcast_in_dim3A_646] : memref<64x128xf32, #tpu.memory_space<vmem>>[vector<16xi32>, vector<16xi32>], vector<16xf32>,
        %gather3A_648 = tpu.vector_load_idx %arg12[%add3A_90, %broadcast_in_dim3A_646] : memref<64x128xf32, #tpu.memory_space<vmem>>[vector<16xi32>, vector<16xi32>], vector<16xf32>,
        %mul3A_649 = arith.mulf %gather3A_647, %gather3A_648 : vector<16xf32>
        %add3A_650 = arith.addf %add3A_644, %mul3A_649 : vector<16xf32>
        %broadcast_in_dim3A_651 = arith.constant 85 : i32
        %broadcast_in_dim3A_652 = vector.broadcast %broadcast_in_dim3A_651 : i32 to vector<16xi32>
        %gather3A_653 = tpu.vector_load_idx %arg11[%add3A_90, %broadcast_in_dim3A_652] : memref<64x128xf32, #tpu.memory_space<vmem>>[vector<16xi32>, vector<16xi32>], vector<16xf32>,
        %gather3A_654 = tpu.vector_load_idx %arg12[%add3A_90, %broadcast_in_dim3A_652] : memref<64x128xf32, #tpu.memory_space<vmem>>[vector<16xi32>, vector<16xi32>], vector<16xf32>,
        %mul3A_655 = arith.mulf %gather3A_653, %gather3A_654 : vector<16xf32>
        %add3A_656 = arith.addf %add3A_650, %mul3A_655 : vector<16xf32>
        %broadcast_in_dim3A_657 = arith.constant 86 : i32
        %broadcast_in_dim3A_658 = vector.broadcast %broadcast_in_dim3A_657 : i32 to vector<16xi32>
        %gather3A_659 = tpu.vector_load_idx %arg11[%add3A_90, %broadcast_in_dim3A_658] : memref<64x128xf32, #tpu.memory_space<vmem>>[vector<16xi32>, vector<16xi32>], vector<16xf32>,
        %gather3A_660 = tpu.vector_load_idx %arg12[%add3A_90, %broadcast_in_dim3A_658] : memref<64x128xf32, #tpu.memory_space<vmem>>[vector<16xi32>, vector<16xi32>], vector<16xf32>,
        %mul3A_661 = arith.mulf %gather3A_659, %gather3A_660 : vector<16xf32>
        %add3A_662 = arith.addf %add3A_656, %mul3A_661 : vector<16xf32>
        %broadcast_in_dim3A_663 = arith.constant 87 : i32
        %broadcast_in_dim3A_664 = vector.broadcast %broadcast_in_dim3A_663 : i32 to vector<16xi32>
        %gather3A_665 = tpu.vector_load_idx %arg11[%add3A_90, %broadcast_in_dim3A_664] : memref<64x128xf32, #tpu.memory_space<vmem>>[vector<16xi32>, vector<16xi32>], vector<16xf32>,
        %gather3A_666 = tpu.vector_load_idx %arg12[%add3A_90, %broadcast_in_dim3A_664] : memref<64x128xf32, #tpu.memory_space<vmem>>[vector<16xi32>, vector<16xi32>], vector<16xf32>,
        %mul3A_667 = arith.mulf %gather3A_665, %gather3A_666 : vector<16xf32>
        %add3A_668 = arith.addf %add3A_662, %mul3A_667 : vector<16xf32>
        %broadcast_in_dim3A_669 = arith.constant 88 : i32
        %broadcast_in_dim3A_670 = vector.broadcast %broadcast_in_dim3A_669 : i32 to vector<16xi32>
        %gather3A_671 = tpu.vector_load_idx %arg11[%add3A_90, %broadcast_in_dim3A_670] : memref<64x128xf32, #tpu.memory_space<vmem>>[vector<16xi32>, vector<16xi32>], vector<16xf32>,
        %gather3A_672 = tpu.vector_load_idx %arg12[%add3A_90, %broadcast_in_dim3A_670] : memref<64x128xf32, #tpu.memory_space<vmem>>[vector<16xi32>, vector<16xi32>], vector<16xf32>,
        %mul3A_673 = arith.mulf %gather3A_671, %gather3A_672 : vector<16xf32>
        %add3A_674 = arith.addf %add3A_668, %mul3A_673 : vector<16xf32>
        %broadcast_in_dim3A_675 = arith.constant 89 : i32
        %broadcast_in_dim3A_676 = vector.broadcast %broadcast_in_dim3A_675 : i32 to vector<16xi32>
        %gather3A_677 = tpu.vector_load_idx %arg11[%add3A_90, %broadcast_in_dim3A_676] : memref<64x128xf32, #tpu.memory_space<vmem>>[vector<16xi32>, vector<16xi32>], vector<16xf32>,
        %gather3A_678 = tpu.vector_load_idx %arg12[%add3A_90, %broadcast_in_dim3A_676] : memref<64x128xf32, #tpu.memory_space<vmem>>[vector<16xi32>, vector<16xi32>], vector<16xf32>,
        %mul3A_679 = arith.mulf %gather3A_677, %gather3A_678 : vector<16xf32>
        %add3A_680 = arith.addf %add3A_674, %mul3A_679 : vector<16xf32>
        %broadcast_in_dim3A_681 = arith.constant 90 : i32
        %broadcast_in_dim3A_682 = vector.broadcast %broadcast_in_dim3A_681 : i32 to vector<16xi32>
        %gather3A_683 = tpu.vector_load_idx %arg11[%add3A_90, %broadcast_in_dim3A_682] : memref<64x128xf32, #tpu.memory_space<vmem>>[vector<16xi32>, vector<16xi32>], vector<16xf32>,
        %gather3A_684 = tpu.vector_load_idx %arg12[%add3A_90, %broadcast_in_dim3A_682] : memref<64x128xf32, #tpu.memory_space<vmem>>[vector<16xi32>, vector<16xi32>], vector<16xf32>,
        %mul3A_685 = arith.mulf %gather3A_683, %gather3A_684 : vector<16xf32>
        %add3A_686 = arith.addf %add3A_680, %mul3A_685 : vector<16xf32>
        %broadcast_in_dim3A_687 = arith.constant 91 : i32
        %broadcast_in_dim3A_688 = vector.broadcast %broadcast_in_dim3A_687 : i32 to vector<16xi32>
        %gather3A_689 = tpu.vector_load_idx %arg11[%add3A_90, %broadcast_in_dim3A_688] : memref<64x128xf32, #tpu.memory_space<vmem>>[vector<16xi32>, vector<16xi32>], vector<16xf32>,
        %gather3A_690 = tpu.vector_load_idx %arg12[%add3A_90, %broadcast_in_dim3A_688] : memref<64x128xf32, #tpu.memory_space<vmem>>[vector<16xi32>, vector<16xi32>], vector<16xf32>,
        %mul3A_691 = arith.mulf %gather3A_689, %gather3A_690 : vector<16xf32>
        %add3A_692 = arith.addf %add3A_686, %mul3A_691 : vector<16xf32>
        %broadcast_in_dim3A_693 = arith.constant 92 : i32
        %broadcast_in_dim3A_694 = vector.broadcast %broadcast_in_dim3A_693 : i32 to vector<16xi32>
        %gather3A_695 = tpu.vector_load_idx %arg11[%add3A_90, %broadcast_in_dim3A_694] : memref<64x128xf32, #tpu.memory_space<vmem>>[vector<16xi32>, vector<16xi32>], vector<16xf32>,
        %gather3A_696 = tpu.vector_load_idx %arg12[%add3A_90, %broadcast_in_dim3A_694] : memref<64x128xf32, #tpu.memory_space<vmem>>[vector<16xi32>, vector<16xi32>], vector<16xf32>,
        %mul3A_697 = arith.mulf %gather3A_695, %gather3A_696 : vector<16xf32>
        %add3A_698 = arith.addf %add3A_692, %mul3A_697 : vector<16xf32>
        %broadcast_in_dim3A_699 = arith.constant 93 : i32
        %broadcast_in_dim3A_700 = vector.broadcast %broadcast_in_dim3A_699 : i32 to vector<16xi32>
        %gather3A_701 = tpu.vector_load_idx %arg11[%add3A_90, %broadcast_in_dim3A_700] : memref<64x128xf32, #tpu.memory_space<vmem>>[vector<16xi32>, vector<16xi32>], vector<16xf32>,
        %gather3A_702 = tpu.vector_load_idx %arg12[%add3A_90, %broadcast_in_dim3A_700] : memref<64x128xf32, #tpu.memory_space<vmem>>[vector<16xi32>, vector<16xi32>], vector<16xf32>,
        %mul3A_703 = arith.mulf %gather3A_701, %gather3A_702 : vector<16xf32>
        %add3A_704 = arith.addf %add3A_698, %mul3A_703 : vector<16xf32>
        %broadcast_in_dim3A_705 = arith.constant 94 : i32
        %broadcast_in_dim3A_706 = vector.broadcast %broadcast_in_dim3A_705 : i32 to vector<16xi32>
        %gather3A_707 = tpu.vector_load_idx %arg11[%add3A_90, %broadcast_in_dim3A_706] : memref<64x128xf32, #tpu.memory_space<vmem>>[vector<16xi32>, vector<16xi32>], vector<16xf32>,
        %gather3A_708 = tpu.vector_load_idx %arg12[%add3A_90, %broadcast_in_dim3A_706] : memref<64x128xf32, #tpu.memory_space<vmem>>[vector<16xi32>, vector<16xi32>], vector<16xf32>,
        %mul3A_709 = arith.mulf %gather3A_707, %gather3A_708 : vector<16xf32>
        %add3A_710 = arith.addf %add3A_704, %mul3A_709 : vector<16xf32>
        %broadcast_in_dim3A_711 = arith.constant 95 : i32
        %broadcast_in_dim3A_712 = vector.broadcast %broadcast_in_dim3A_711 : i32 to vector<16xi32>
        %gather3A_713 = tpu.vector_load_idx %arg11[%add3A_90, %broadcast_in_dim3A_712] : memref<64x128xf32, #tpu.memory_space<vmem>>[vector<16xi32>, vector<16xi32>], vector<16xf32>,
        %gather3A_714 = tpu.vector_load_idx %arg12[%add3A_90, %broadcast_in_dim3A_712] : memref<64x128xf32, #tpu.memory_space<vmem>>[vector<16xi32>, vector<16xi32>], vector<16xf32>,
        %mul3A_715 = arith.mulf %gather3A_713, %gather3A_714 : vector<16xf32>
        %add3A_716 = arith.addf %add3A_710, %mul3A_715 : vector<16xf32>
        %broadcast_in_dim3A_717 = arith.constant 5 : i32
        %broadcast_in_dim3A_718 = vector.broadcast %broadcast_in_dim3A_717 : i32 to vector<16xi32>
        %gather3A_719 = tpu.vector_load_idx %arg13[%add3A_90, %broadcast_in_dim3A_718] : memref<64x8xf32, #tpu.memory_space<vmem>>[vector<16xi32>, vector<16xi32>], vector<16xf32>,
        %mul3A_720 = arith.constant 2.500000e-01 : f32
        %mul3A_721 = vector.broadcast %mul3A_720 : f32 to vector<16xf32>
        %mul3A_722 = arith.mulf %mul3A_721, %gather3A_719 : vector<16xf32>
        %mul3A_723 = arith.mulf %add3A_716, %mul3A_722 : vector<16xf32>
        %exp3A_724 = math.exp %mul3A_723 : vector<16xf32>
        tpu.vector_store_idx %arg14[%add3A_90, %broadcast_in_dim3A_718], %exp3A_724 : memref<64x16xf32, #tpu.memory_space<vmem>>[vector<16xi32>, vector<16xi32>], vector<16xf32>,
        %broadcast_in_dim3A_725 = arith.constant 0.000000e+00 : f32
        %broadcast_in_dim3A_726 = vector.broadcast %broadcast_in_dim3A_725 : f32 to vector<16xf32>
        %broadcast_in_dim3A_727 = arith.constant 96 : i32
        %broadcast_in_dim3A_728 = vector.broadcast %broadcast_in_dim3A_727 : i32 to vector<16xi32>
        %gather3A_729 = tpu.vector_load_idx %arg11[%add3A_90, %broadcast_in_dim3A_728] : memref<64x128xf32, #tpu.memory_space<vmem>>[vector<16xi32>, vector<16xi32>], vector<16xf32>,
        %gather3A_730 = tpu.vector_load_idx %arg12[%add3A_90, %broadcast_in_dim3A_728] : memref<64x128xf32, #tpu.memory_space<vmem>>[vector<16xi32>, vector<16xi32>], vector<16xf32>,
        %mul3A_731 = arith.mulf %gather3A_729, %gather3A_730 : vector<16xf32>
        %add3A_732 = arith.addf %broadcast_in_dim3A_726, %mul3A_731 : vector<16xf32>
        %broadcast_in_dim3A_733 = arith.constant 97 : i32
        %broadcast_in_dim3A_734 = vector.broadcast %broadcast_in_dim3A_733 : i32 to vector<16xi32>
        %gather3A_735 = tpu.vector_load_idx %arg11[%add3A_90, %broadcast_in_dim3A_734] : memref<64x128xf32, #tpu.memory_space<vmem>>[vector<16xi32>, vector<16xi32>], vector<16xf32>,
        %gather3A_736 = tpu.vector_load_idx %arg12[%add3A_90, %broadcast_in_dim3A_734] : memref<64x128xf32, #tpu.memory_space<vmem>>[vector<16xi32>, vector<16xi32>], vector<16xf32>,
        %mul3A_737 = arith.mulf %gather3A_735, %gather3A_736 : vector<16xf32>
        %add3A_738 = arith.addf %add3A_732, %mul3A_737 : vector<16xf32>
        %broadcast_in_dim3A_739 = arith.constant 98 : i32
        %broadcast_in_dim3A_740 = vector.broadcast %broadcast_in_dim3A_739 : i32 to vector<16xi32>
        %gather3A_741 = tpu.vector_load_idx %arg11[%add3A_90, %broadcast_in_dim3A_740] : memref<64x128xf32, #tpu.memory_space<vmem>>[vector<16xi32>, vector<16xi32>], vector<16xf32>,
        %gather3A_742 = tpu.vector_load_idx %arg12[%add3A_90, %broadcast_in_dim3A_740] : memref<64x128xf32, #tpu.memory_space<vmem>>[vector<16xi32>, vector<16xi32>], vector<16xf32>,
        %mul3A_743 = arith.mulf %gather3A_741, %gather3A_742 : vector<16xf32>
        %add3A_744 = arith.addf %add3A_738, %mul3A_743 : vector<16xf32>
        %broadcast_in_dim3A_745 = arith.constant 99 : i32
        %broadcast_in_dim3A_746 = vector.broadcast %broadcast_in_dim3A_745 : i32 to vector<16xi32>
        %gather3A_747 = tpu.vector_load_idx %arg11[%add3A_90, %broadcast_in_dim3A_746] : memref<64x128xf32, #tpu.memory_space<vmem>>[vector<16xi32>, vector<16xi32>], vector<16xf32>,
        %gather3A_748 = tpu.vector_load_idx %arg12[%add3A_90, %broadcast_in_dim3A_746] : memref<64x128xf32, #tpu.memory_space<vmem>>[vector<16xi32>, vector<16xi32>], vector<16xf32>,
        %mul3A_749 = arith.mulf %gather3A_747, %gather3A_748 : vector<16xf32>
        %add3A_750 = arith.addf %add3A_744, %mul3A_749 : vector<16xf32>
        %broadcast_in_dim3A_751 = arith.constant 100 : i32
        %broadcast_in_dim3A_752 = vector.broadcast %broadcast_in_dim3A_751 : i32 to vector<16xi32>
        %gather3A_753 = tpu.vector_load_idx %arg11[%add3A_90, %broadcast_in_dim3A_752] : memref<64x128xf32, #tpu.memory_space<vmem>>[vector<16xi32>, vector<16xi32>], vector<16xf32>,
        %gather3A_754 = tpu.vector_load_idx %arg12[%add3A_90, %broadcast_in_dim3A_752] : memref<64x128xf32, #tpu.memory_space<vmem>>[vector<16xi32>, vector<16xi32>], vector<16xf32>,
        %mul3A_755 = arith.mulf %gather3A_753, %gather3A_754 : vector<16xf32>
        %add3A_756 = arith.addf %add3A_750, %mul3A_755 : vector<16xf32>
        %broadcast_in_dim3A_757 = arith.constant 101 : i32
        %broadcast_in_dim3A_758 = vector.broadcast %broadcast_in_dim3A_757 : i32 to vector<16xi32>
        %gather3A_759 = tpu.vector_load_idx %arg11[%add3A_90, %broadcast_in_dim3A_758] : memref<64x128xf32, #tpu.memory_space<vmem>>[vector<16xi32>, vector<16xi32>], vector<16xf32>,
        %gather3A_760 = tpu.vector_load_idx %arg12[%add3A_90, %broadcast_in_dim3A_758] : memref<64x128xf32, #tpu.memory_space<vmem>>[vector<16xi32>, vector<16xi32>], vector<16xf32>,
        %mul3A_761 = arith.mulf %gather3A_759, %gather3A_760 : vector<16xf32>
        %add3A_762 = arith.addf %add3A_756, %mul3A_761 : vector<16xf32>
        %broadcast_in_dim3A_763 = arith.constant 102 : i32
        %broadcast_in_dim3A_764 = vector.broadcast %broadcast_in_dim3A_763 : i32 to vector<16xi32>
        %gather3A_765 = tpu.vector_load_idx %arg11[%add3A_90, %broadcast_in_dim3A_764] : memref<64x128xf32, #tpu.memory_space<vmem>>[vector<16xi32>, vector<16xi32>], vector<16xf32>,
        %gather3A_766 = tpu.vector_load_idx %arg12[%add3A_90, %broadcast_in_dim3A_764] : memref<64x128xf32, #tpu.memory_space<vmem>>[vector<16xi32>, vector<16xi32>], vector<16xf32>,
        %mul3A_767 = arith.mulf %gather3A_765, %gather3A_766 : vector<16xf32>
        %add3A_768 = arith.addf %add3A_762, %mul3A_767 : vector<16xf32>
        %broadcast_in_dim3A_769 = arith.constant 103 : i32
        %broadcast_in_dim3A_770 = vector.broadcast %broadcast_in_dim3A_769 : i32 to vector<16xi32>
        %gather3A_771 = tpu.vector_load_idx %arg11[%add3A_90, %broadcast_in_dim3A_770] : memref<64x128xf32, #tpu.memory_space<vmem>>[vector<16xi32>, vector<16xi32>], vector<16xf32>,
        %gather3A_772 = tpu.vector_load_idx %arg12[%add3A_90, %broadcast_in_dim3A_770] : memref<64x128xf32, #tpu.memory_space<vmem>>[vector<16xi32>, vector<16xi32>], vector<16xf32>,
        %mul3A_773 = arith.mulf %gather3A_771, %gather3A_772 : vector<16xf32>
        %add3A_774 = arith.addf %add3A_768, %mul3A_773 : vector<16xf32>
        %broadcast_in_dim3A_775 = arith.constant 104 : i32
        %broadcast_in_dim3A_776 = vector.broadcast %broadcast_in_dim3A_775 : i32 to vector<16xi32>
        %gather3A_777 = tpu.vector_load_idx %arg11[%add3A_90, %broadcast_in_dim3A_776] : memref<64x128xf32, #tpu.memory_space<vmem>>[vector<16xi32>, vector<16xi32>], vector<16xf32>,
        %gather3A_778 = tpu.vector_load_idx %arg12[%add3A_90, %broadcast_in_dim3A_776] : memref<64x128xf32, #tpu.memory_space<vmem>>[vector<16xi32>, vector<16xi32>], vector<16xf32>,
        %mul3A_779 = arith.mulf %gather3A_777, %gather3A_778 : vector<16xf32>
        %add3A_780 = arith.addf %add3A_774, %mul3A_779 : vector<16xf32>
        %broadcast_in_dim3A_781 = arith.constant 105 : i32
        %broadcast_in_dim3A_782 = vector.broadcast %broadcast_in_dim3A_781 : i32 to vector<16xi32>
        %gather3A_783 = tpu.vector_load_idx %arg11[%add3A_90, %broadcast_in_dim3A_782] : memref<64x128xf32, #tpu.memory_space<vmem>>[vector<16xi32>, vector<16xi32>], vector<16xf32>,
        %gather3A_784 = tpu.vector_load_idx %arg12[%add3A_90, %broadcast_in_dim3A_782] : memref<64x128xf32, #tpu.memory_space<vmem>>[vector<16xi32>, vector<16xi32>], vector<16xf32>,
        %mul3A_785 = arith.mulf %gather3A_783, %gather3A_784 : vector<16xf32>
        %add3A_786 = arith.addf %add3A_780, %mul3A_785 : vector<16xf32>
        %broadcast_in_dim3A_787 = arith.constant 106 : i32
        %broadcast_in_dim3A_788 = vector.broadcast %broadcast_in_dim3A_787 : i32 to vector<16xi32>
        %gather3A_789 = tpu.vector_load_idx %arg11[%add3A_90, %broadcast_in_dim3A_788] : memref<64x128xf32, #tpu.memory_space<vmem>>[vector<16xi32>, vector<16xi32>], vector<16xf32>,
        %gather3A_790 = tpu.vector_load_idx %arg12[%add3A_90, %broadcast_in_dim3A_788] : memref<64x128xf32, #tpu.memory_space<vmem>>[vector<16xi32>, vector<16xi32>], vector<16xf32>,
        %mul3A_791 = arith.mulf %gather3A_789, %gather3A_790 : vector<16xf32>
        %add3A_792 = arith.addf %add3A_786, %mul3A_791 : vector<16xf32>
        %broadcast_in_dim3A_793 = arith.constant 107 : i32
        %broadcast_in_dim3A_794 = vector.broadcast %broadcast_in_dim3A_793 : i32 to vector<16xi32>
        %gather3A_795 = tpu.vector_load_idx %arg11[%add3A_90, %broadcast_in_dim3A_794] : memref<64x128xf32, #tpu.memory_space<vmem>>[vector<16xi32>, vector<16xi32>], vector<16xf32>,
        %gather3A_796 = tpu.vector_load_idx %arg12[%add3A_90, %broadcast_in_dim3A_794] : memref<64x128xf32, #tpu.memory_space<vmem>>[vector<16xi32>, vector<16xi32>], vector<16xf32>,
        %mul3A_797 = arith.mulf %gather3A_795, %gather3A_796 : vector<16xf32>
        %add3A_798 = arith.addf %add3A_792, %mul3A_797 : vector<16xf32>
        %broadcast_in_dim3A_799 = arith.constant 108 : i32
        %broadcast_in_dim3A_800 = vector.broadcast %broadcast_in_dim3A_799 : i32 to vector<16xi32>
        %gather3A_801 = tpu.vector_load_idx %arg11[%add3A_90, %broadcast_in_dim3A_800] : memref<64x128xf32, #tpu.memory_space<vmem>>[vector<16xi32>, vector<16xi32>], vector<16xf32>,
        %gather3A_802 = tpu.vector_load_idx %arg12[%add3A_90, %broadcast_in_dim3A_800] : memref<64x128xf32, #tpu.memory_space<vmem>>[vector<16xi32>, vector<16xi32>], vector<16xf32>,
        %mul3A_803 = arith.mulf %gather3A_801, %gather3A_802 : vector<16xf32>
        %add3A_804 = arith.addf %add3A_798, %mul3A_803 : vector<16xf32>
        %broadcast_in_dim3A_805 = arith.constant 109 : i32
        %broadcast_in_dim3A_806 = vector.broadcast %broadcast_in_dim3A_805 : i32 to vector<16xi32>
        %gather3A_807 = tpu.vector_load_idx %arg11[%add3A_90, %broadcast_in_dim3A_806] : memref<64x128xf32, #tpu.memory_space<vmem>>[vector<16xi32>, vector<16xi32>], vector<16xf32>,
        %gather3A_808 = tpu.vector_load_idx %arg12[%add3A_90, %broadcast_in_dim3A_806] : memref<64x128xf32, #tpu.memory_space<vmem>>[vector<16xi32>, vector<16xi32>], vector<16xf32>,
        %mul3A_809 = arith.mulf %gather3A_807, %gather3A_808 : vector<16xf32>
        %add3A_810 = arith.addf %add3A_804, %mul3A_809 : vector<16xf32>
        %broadcast_in_dim3A_811 = arith.constant 110 : i32
        %broadcast_in_dim3A_812 = vector.broadcast %broadcast_in_dim3A_811 : i32 to vector<16xi32>
        %gather3A_813 = tpu.vector_load_idx %arg11[%add3A_90, %broadcast_in_dim3A_812] : memref<64x128xf32, #tpu.memory_space<vmem>>[vector<16xi32>, vector<16xi32>], vector<16xf32>,
        %gather3A_814 = tpu.vector_load_idx %arg12[%add3A_90, %broadcast_in_dim3A_812] : memref<64x128xf32, #tpu.memory_space<vmem>>[vector<16xi32>, vector<16xi32>], vector<16xf32>,
        %mul3A_815 = arith.mulf %gather3A_813, %gather3A_814 : vector<16xf32>
        %add3A_816 = arith.addf %add3A_810, %mul3A_815 : vector<16xf32>
        %broadcast_in_dim3A_817 = arith.constant 111 : i32
        %broadcast_in_dim3A_818 = vector.broadcast %broadcast_in_dim3A_817 : i32 to vector<16xi32>
        %gather3A_819 = tpu.vector_load_idx %arg11[%add3A_90, %broadcast_in_dim3A_818] : memref<64x128xf32, #tpu.memory_space<vmem>>[vector<16xi32>, vector<16xi32>], vector<16xf32>,
        %gather3A_820 = tpu.vector_load_idx %arg12[%add3A_90, %broadcast_in_dim3A_818] : memref<64x128xf32, #tpu.memory_space<vmem>>[vector<16xi32>, vector<16xi32>], vector<16xf32>,
        %mul3A_821 = arith.mulf %gather3A_819, %gather3A_820 : vector<16xf32>
        %add3A_822 = arith.addf %add3A_816, %mul3A_821 : vector<16xf32>
        %broadcast_in_dim3A_823 = arith.constant 6 : i32
        %broadcast_in_dim3A_824 = vector.broadcast %broadcast_in_dim3A_823 : i32 to vector<16xi32>
        %gather3A_825 = tpu.vector_load_idx %arg13[%add3A_90, %broadcast_in_dim3A_824] : memref<64x8xf32, #tpu.memory_space<vmem>>[vector<16xi32>, vector<16xi32>], vector<16xf32>,
        %mul3A_826 = arith.constant 2.500000e-01 : f32
        %mul3A_827 = vector.broadcast %mul3A_826 : f32 to vector<16xf32>
        %mul3A_828 = arith.mulf %mul3A_827, %gather3A_825 : vector<16xf32>
        %mul3A_829 = arith.mulf %add3A_822, %mul3A_828 : vector<16xf32>
        %exp3A_830 = math.exp %mul3A_829 : vector<16xf32>
        tpu.vector_store_idx %arg14[%add3A_90, %broadcast_in_dim3A_824], %exp3A_830 : memref<64x16xf32, #tpu.memory_space<vmem>>[vector<16xi32>, vector<16xi32>], vector<16xf32>,
        %broadcast_in_dim3A_831 = arith.constant 0.000000e+00 : f32
        %broadcast_in_dim3A_832 = vector.broadcast %broadcast_in_dim3A_831 : f32 to vector<16xf32>
        %broadcast_in_dim3A_833 = arith.constant 112 : i32
        %broadcast_in_dim3A_834 = vector.broadcast %broadcast_in_dim3A_833 : i32 to vector<16xi32>
        %gather3A_835 = tpu.vector_load_idx %arg11[%add3A_90, %broadcast_in_dim3A_834] : memref<64x128xf32, #tpu.memory_space<vmem>>[vector<16xi32>, vector<16xi32>], vector<16xf32>,
        %gather3A_836 = tpu.vector_load_idx %arg12[%add3A_90, %broadcast_in_dim3A_834] : memref<64x128xf32, #tpu.memory_space<vmem>>[vector<16xi32>, vector<16xi32>], vector<16xf32>,
        %mul3A_837 = arith.mulf %gather3A_835, %gather3A_836 : vector<16xf32>
        %add3A_838 = arith.addf %broadcast_in_dim3A_832, %mul3A_837 : vector<16xf32>
        %broadcast_in_dim3A_839 = arith.constant 113 : i32
        %broadcast_in_dim3A_840 = vector.broadcast %broadcast_in_dim3A_839 : i32 to vector<16xi32>
        %gather3A_841 = tpu.vector_load_idx %arg11[%add3A_90, %broadcast_in_dim3A_840] : memref<64x128xf32, #tpu.memory_space<vmem>>[vector<16xi32>, vector<16xi32>], vector<16xf32>,
        %gather3A_842 = tpu.vector_load_idx %arg12[%add3A_90, %broadcast_in_dim3A_840] : memref<64x128xf32, #tpu.memory_space<vmem>>[vector<16xi32>, vector<16xi32>], vector<16xf32>,
        %mul3A_843 = arith.mulf %gather3A_841, %gather3A_842 : vector<16xf32>
        %add3A_844 = arith.addf %add3A_838, %mul3A_843 : vector<16xf32>
        %broadcast_in_dim3A_845 = arith.constant 114 : i32
        %broadcast_in_dim3A_846 = vector.broadcast %broadcast_in_dim3A_845 : i32 to vector<16xi32>
        %gather3A_847 = tpu.vector_load_idx %arg11[%add3A_90, %broadcast_in_dim3A_846] : memref<64x128xf32, #tpu.memory_space<vmem>>[vector<16xi32>, vector<16xi32>], vector<16xf32>,
        %gather3A_848 = tpu.vector_load_idx %arg12[%add3A_90, %broadcast_in_dim3A_846] : memref<64x128xf32, #tpu.memory_space<vmem>>[vector<16xi32>, vector<16xi32>], vector<16xf32>,
        %mul3A_849 = arith.mulf %gather3A_847, %gather3A_848 : vector<16xf32>
        %add3A_850 = arith.addf %add3A_844, %mul3A_849 : vector<16xf32>
        %broadcast_in_dim3A_851 = arith.constant 115 : i32
        %broadcast_in_dim3A_852 = vector.broadcast %broadcast_in_dim3A_851 : i32 to vector<16xi32>
        %gather3A_853 = tpu.vector_load_idx %arg11[%add3A_90, %broadcast_in_dim3A_852] : memref<64x128xf32, #tpu.memory_space<vmem>>[vector<16xi32>, vector<16xi32>], vector<16xf32>,
        %gather3A_854 = tpu.vector_load_idx %arg12[%add3A_90, %broadcast_in_dim3A_852] : memref<64x128xf32, #tpu.memory_space<vmem>>[vector<16xi32>, vector<16xi32>], vector<16xf32>,
        %mul3A_855 = arith.mulf %gather3A_853, %gather3A_854 : vector<16xf32>
        %add3A_856 = arith.addf %add3A_850, %mul3A_855 : vector<16xf32>
        %broadcast_in_dim3A_857 = arith.constant 116 : i32
        %broadcast_in_dim3A_858 = vector.broadcast %broadcast_in_dim3A_857 : i32 to vector<16xi32>
        %gather3A_859 = tpu.vector_load_idx %arg11[%add3A_90, %broadcast_in_dim3A_858] : memref<64x128xf32, #tpu.memory_space<vmem>>[vector<16xi32>, vector<16xi32>], vector<16xf32>,
        %gather3A_860 = tpu.vector_load_idx %arg12[%add3A_90, %broadcast_in_dim3A_858] : memref<64x128xf32, #tpu.memory_space<vmem>>[vector<16xi32>, vector<16xi32>], vector<16xf32>,
        %mul3A_861 = arith.mulf %gather3A_859, %gather3A_860 : vector<16xf32>
        %add3A_862 = arith.addf %add3A_856, %mul3A_861 : vector<16xf32>
        %broadcast_in_dim3A_863 = arith.constant 117 : i32
        %broadcast_in_dim3A_864 = vector.broadcast %broadcast_in_dim3A_863 : i32 to vector<16xi32>
        %gather3A_865 = tpu.vector_load_idx %arg11[%add3A_90, %broadcast_in_dim3A_864] : memref<64x128xf32, #tpu.memory_space<vmem>>[vector<16xi32>, vector<16xi32>], vector<16xf32>,
        %gather3A_866 = tpu.vector_load_idx %arg12[%add3A_90, %broadcast_in_dim3A_864] : memref<64x128xf32, #tpu.memory_space<vmem>>[vector<16xi32>, vector<16xi32>], vector<16xf32>,
        %mul3A_867 = arith.mulf %gather3A_865, %gather3A_866 : vector<16xf32>
        %add3A_868 = arith.addf %add3A_862, %mul3A_867 : vector<16xf32>
        %broadcast_in_dim3A_869 = arith.constant 118 : i32
        %broadcast_in_dim3A_870 = vector.broadcast %broadcast_in_dim3A_869 : i32 to vector<16xi32>
        %gather3A_871 = tpu.vector_load_idx %arg11[%add3A_90, %broadcast_in_dim3A_870] : memref<64x128xf32, #tpu.memory_space<vmem>>[vector<16xi32>, vector<16xi32>], vector<16xf32>,
        %gather3A_872 = tpu.vector_load_idx %arg12[%add3A_90, %broadcast_in_dim3A_870] : memref<64x128xf32, #tpu.memory_space<vmem>>[vector<16xi32>, vector<16xi32>], vector<16xf32>,
        %mul3A_873 = arith.mulf %gather3A_871, %gather3A_872 : vector<16xf32>
        %add3A_874 = arith.addf %add3A_868, %mul3A_873 : vector<16xf32>
        %broadcast_in_dim3A_875 = arith.constant 119 : i32
        %broadcast_in_dim3A_876 = vector.broadcast %broadcast_in_dim3A_875 : i32 to vector<16xi32>
        %gather3A_877 = tpu.vector_load_idx %arg11[%add3A_90, %broadcast_in_dim3A_876] : memref<64x128xf32, #tpu.memory_space<vmem>>[vector<16xi32>, vector<16xi32>], vector<16xf32>,
        %gather3A_878 = tpu.vector_load_idx %arg12[%add3A_90, %broadcast_in_dim3A_876] : memref<64x128xf32, #tpu.memory_space<vmem>>[vector<16xi32>, vector<16xi32>], vector<16xf32>,
        %mul3A_879 = arith.mulf %gather3A_877, %gather3A_878 : vector<16xf32>
        %add3A_880 = arith.addf %add3A_874, %mul3A_879 : vector<16xf32>
        %broadcast_in_dim3A_881 = arith.constant 120 : i32
        %broadcast_in_dim3A_882 = vector.broadcast %broadcast_in_dim3A_881 : i32 to vector<16xi32>
        %gather3A_883 = tpu.vector_load_idx %arg11[%add3A_90, %broadcast_in_dim3A_882] : memref<64x128xf32, #tpu.memory_space<vmem>>[vector<16xi32>, vector<16xi32>], vector<16xf32>,
        %gather3A_884 = tpu.vector_load_idx %arg12[%add3A_90, %broadcast_in_dim3A_882] : memref<64x128xf32, #tpu.memory_space<vmem>>[vector<16xi32>, vector<16xi32>], vector<16xf32>,
        %mul3A_885 = arith.mulf %gather3A_883, %gather3A_884 : vector<16xf32>
        %add3A_886 = arith.addf %add3A_880, %mul3A_885 : vector<16xf32>
        %broadcast_in_dim3A_887 = arith.constant 121 : i32
        %broadcast_in_dim3A_888 = vector.broadcast %broadcast_in_dim3A_887 : i32 to vector<16xi32>
        %gather3A_889 = tpu.vector_load_idx %arg11[%add3A_90, %broadcast_in_dim3A_888] : memref<64x128xf32, #tpu.memory_space<vmem>>[vector<16xi32>, vector<16xi32>], vector<16xf32>,
        %gather3A_890 = tpu.vector_load_idx %arg12[%add3A_90, %broadcast_in_dim3A_888] : memref<64x128xf32, #tpu.memory_space<vmem>>[vector<16xi32>, vector<16xi32>], vector<16xf32>,
        %mul3A_891 = arith.mulf %gather3A_889, %gather3A_890 : vector<16xf32>
        %add3A_892 = arith.addf %add3A_886, %mul3A_891 : vector<16xf32>
        %broadcast_in_dim3A_893 = arith.constant 122 : i32
        %broadcast_in_dim3A_894 = vector.broadcast %broadcast_in_dim3A_893 : i32 to vector<16xi32>
        %gather3A_895 = tpu.vector_load_idx %arg11[%add3A_90, %broadcast_in_dim3A_894] : memref<64x128xf32, #tpu.memory_space<vmem>>[vector<16xi32>, vector<16xi32>], vector<16xf32>,
        %gather3A_896 = tpu.vector_load_idx %arg12[%add3A_90, %broadcast_in_dim3A_894] : memref<64x128xf32, #tpu.memory_space<vmem>>[vector<16xi32>, vector<16xi32>], vector<16xf32>,
        %mul3A_897 = arith.mulf %gather3A_895, %gather3A_896 : vector<16xf32>
        %add3A_898 = arith.addf %add3A_892, %mul3A_897 : vector<16xf32>
        %broadcast_in_dim3A_899 = arith.constant 123 : i32
        %broadcast_in_dim3A_900 = vector.broadcast %broadcast_in_dim3A_899 : i32 to vector<16xi32>
        %gather3A_901 = tpu.vector_load_idx %arg11[%add3A_90, %broadcast_in_dim3A_900] : memref<64x128xf32, #tpu.memory_space<vmem>>[vector<16xi32>, vector<16xi32>], vector<16xf32>,
        %gather3A_902 = tpu.vector_load_idx %arg12[%add3A_90, %broadcast_in_dim3A_900] : memref<64x128xf32, #tpu.memory_space<vmem>>[vector<16xi32>, vector<16xi32>], vector<16xf32>,
        %mul3A_903 = arith.mulf %gather3A_901, %gather3A_902 : vector<16xf32>
        %add3A_904 = arith.addf %add3A_898, %mul3A_903 : vector<16xf32>
        %broadcast_in_dim3A_905 = arith.constant 124 : i32
        %broadcast_in_dim3A_906 = vector.broadcast %broadcast_in_dim3A_905 : i32 to vector<16xi32>
        %gather3A_907 = tpu.vector_load_idx %arg11[%add3A_90, %broadcast_in_dim3A_906] : memref<64x128xf32, #tpu.memory_space<vmem>>[vector<16xi32>, vector<16xi32>], vector<16xf32>,
        %gather3A_908 = tpu.vector_load_idx %arg12[%add3A_90, %broadcast_in_dim3A_906] : memref<64x128xf32, #tpu.memory_space<vmem>>[vector<16xi32>, vector<16xi32>], vector<16xf32>,
        %mul3A_909 = arith.mulf %gather3A_907, %gather3A_908 : vector<16xf32>
        %add3A_910 = arith.addf %add3A_904, %mul3A_909 : vector<16xf32>
        %broadcast_in_dim3A_911 = arith.constant 125 : i32
        %broadcast_in_dim3A_912 = vector.broadcast %broadcast_in_dim3A_911 : i32 to vector<16xi32>
        %gather3A_913 = tpu.vector_load_idx %arg11[%add3A_90, %broadcast_in_dim3A_912] : memref<64x128xf32, #tpu.memory_space<vmem>>[vector<16xi32>, vector<16xi32>], vector<16xf32>,
        %gather3A_914 = tpu.vector_load_idx %arg12[%add3A_90, %broadcast_in_dim3A_912] : memref<64x128xf32, #tpu.memory_space<vmem>>[vector<16xi32>, vector<16xi32>], vector<16xf32>,
        %mul3A_915 = arith.mulf %gather3A_913, %gather3A_914 : vector<16xf32>
        %add3A_916 = arith.addf %add3A_910, %mul3A_915 : vector<16xf32>
        %broadcast_in_dim3A_917 = arith.constant 126 : i32
        %broadcast_in_dim3A_918 = vector.broadcast %broadcast_in_dim3A_917 : i32 to vector<16xi32>
        %gather3A_919 = tpu.vector_load_idx %arg11[%add3A_90, %broadcast_in_dim3A_918] : memref<64x128xf32, #tpu.memory_space<vmem>>[vector<16xi32>, vector<16xi32>], vector<16xf32>,
        %gather3A_920 = tpu.vector_load_idx %arg12[%add3A_90, %broadcast_in_dim3A_918] : memref<64x128xf32, #tpu.memory_space<vmem>>[vector<16xi32>, vector<16xi32>], vector<16xf32>,
        %mul3A_921 = arith.mulf %gather3A_919, %gather3A_920 : vector<16xf32>
        %add3A_922 = arith.addf %add3A_916, %mul3A_921 : vector<16xf32>
        %broadcast_in_dim3A_923 = arith.constant 127 : i32
        %broadcast_in_dim3A_924 = vector.broadcast %broadcast_in_dim3A_923 : i32 to vector<16xi32>
        %gather3A_925 = tpu.vector_load_idx %arg11[%add3A_90, %broadcast_in_dim3A_924] : memref<64x128xf32, #tpu.memory_space<vmem>>[vector<16xi32>, vector<16xi32>], vector<16xf32>,
        %gather3A_926 = tpu.vector_load_idx %arg12[%add3A_90, %broadcast_in_dim3A_924] : memref<64x128xf32, #tpu.memory_space<vmem>>[vector<16xi32>, vector<16xi32>], vector<16xf32>,
        %mul3A_927 = arith.mulf %gather3A_925, %gather3A_926 : vector<16xf32>
        %add3A_928 = arith.addf %add3A_922, %mul3A_927 : vector<16xf32>
        %broadcast_in_dim3A_929 = arith.constant 7 : i32
        %broadcast_in_dim3A_930 = vector.broadcast %broadcast_in_dim3A_929 : i32 to vector<16xi32>
        %gather3A_931 = tpu.vector_load_idx %arg13[%add3A_90, %broadcast_in_dim3A_930] : memref<64x8xf32, #tpu.memory_space<vmem>>[vector<16xi32>, vector<16xi32>], vector<16xf32>,
        %mul3A_932 = arith.constant 2.500000e-01 : f32
        %mul3A_933 = vector.broadcast %mul3A_932 : f32 to vector<16xf32>
        %mul3A_934 = arith.mulf %mul3A_933, %gather3A_931 : vector<16xf32>
        %mul3A_935 = arith.mulf %add3A_928, %mul3A_934 : vector<16xf32>
        %exp3A_936 = math.exp %mul3A_935 : vector<16xf32>
        tpu.vector_store_idx %arg14[%add3A_90, %broadcast_in_dim3A_930], %exp3A_936 : memref<64x16xf32, #tpu.memory_space<vmem>>[vector<16xi32>, vector<16xi32>], vector<16xf32>,
      }
      %scan3A_85 = arith.constant 4 : i32
      "tpu.region"() ({
        %run_scoped3A = tpu.sem_alloc : memref<!tpu.dma_semaphore, #tpu.memory_space<semaphore_mem>>
        %dma_start3A_86 = arith.constant 0 : i32
        %dma_start3A_87 = tpu.memref_slice %arg10[%select_n3A, %dma_start3A_86] : memref<320000x16xf32, #tpu.memory_space<hbm>> -> memref<64x16xf32, #tpu.memory_space<hbm>>
        %dma_start3A_88 = arith.constant 0 : i32
        %dma_start3A_89 = tpu.memref_slice %arg10[%select_n3A, %dma_start3A_88] : memref<320000x16xf32, #tpu.memory_space<hbm>> -> memref<64x16xf32, #tpu.memory_space<hbm>>
        tpu.enqueue_dma source(%arg14 : memref<64x16xf32, #tpu.memory_space<vmem>>) target(%dma_start3A_89 : memref<64x16xf32, #tpu.memory_space<hbm>>) target_semaphore(%run_scoped3A : memref<!tpu.dma_semaphore, #tpu.memory_space<semaphore_mem>>)
        %dma_wait3A_90 = arith.constant 0 : i32
        %dma_wait3A_91 = tpu.memref_slice %arg10[%select_n3A, %dma_wait3A_90] : memref<320000x16xf32, #tpu.memory_space<hbm>> -> memref<64x16xf32, #tpu.memory_space<hbm>>
        %dma_wait3A_92 = arith.constant 0 : i32
        %dma_wait3A_93 = tpu.memref_slice %arg10[%select_n3A, %dma_wait3A_92] : memref<320000x16xf32, #tpu.memory_space<hbm>> -> memref<64x16xf32, #tpu.memory_space<hbm>>
        tpu.wait_dma2 semaphore(%run_scoped3A : memref<!tpu.dma_semaphore, #tpu.memory_space<semaphore_mem>>) src(%arg14 : memref<64x16xf32, #tpu.memory_space<vmem>>) dst(%dma_wait3A_93 : memref<64x16xf32, #tpu.memory_space<hbm>>)
        tpu.yield
      }) : () -> ()
    }
    %scan3A_22 = arith.constant 157 : i32
    %scan3A_23 = arith.constant 0 : i32
    %scan3A_24 = arith.constant 0 : i32
    %scan3A_25 = arith.constant 157 : i32
    %scan3A_26 = arith.addi %scan3A_24, %scan3A_25 : i32
    %scan3A_27 = arith.constant 1 : i32
    scf.for %scan3A_63 = %scan3A_24 to %scan3A_26 step %scan3A_27  : i32 {
      %mul3A_64 = arith.constant 32 : i32
      %mul3A_65 = arith.muli %scan3A_63, %mul3A_64 : i32
      %add3A_66 = arith.addi %mul3A_65, %add3A : i32
      %mul3A_67 = arith.constant 64 : i32
      %mul3A_68 = arith.muli %add3A_66, %mul3A_67 : i32
      %le3A = arith.constant 319936 : i32
      %le3A_69 = arith.cmpi sle, %mul3A_68, %le3A : i32
      %jit3A = arith.constant 319936 : i32
      %select_n3A = arith.select %le3A_69, %mul3A_68, %jit3A : i32
      "tpu.region"() ({
        %run_scoped3A = tpu.sem_alloc : memref<!tpu.dma_semaphore, #tpu.memory_space<semaphore_mem>>
        %dma_start3A_100 = tpu.memref_slice %arg5[%select_n3A] : memref<320000xi32, #tpu.memory_space<hbm>> -> memref<64xi32, #tpu.memory_space<hbm>>
        %dma_start3A_101 = tpu.memref_slice %arg5[%select_n3A] : memref<320000xi32, #tpu.memory_space<hbm>> -> memref<64xi32, #tpu.memory_space<hbm>>
        tpu.enqueue_dma source(%dma_start3A_101 : memref<64xi32, #tpu.memory_space<hbm>>) target(%arg15 : memref<64xi32, #tpu.memory_space<vmem>>) target_semaphore(%run_scoped3A : memref<!tpu.dma_semaphore, #tpu.memory_space<semaphore_mem>>)
        %dma_wait3A_102 = tpu.memref_slice %arg5[%select_n3A] : memref<320000xi32, #tpu.memory_space<hbm>> -> memref<64xi32, #tpu.memory_space<hbm>>
        %dma_wait3A_103 = tpu.memref_slice %arg5[%select_n3A] : memref<320000xi32, #tpu.memory_space<hbm>> -> memref<64xi32, #tpu.memory_space<hbm>>
        tpu.wait_dma2 semaphore(%run_scoped3A : memref<!tpu.dma_semaphore, #tpu.memory_space<semaphore_mem>>) src(%dma_wait3A_103 : memref<64xi32, #tpu.memory_space<hbm>>) dst(%arg15 : memref<64xi32, #tpu.memory_space<vmem>>)
        tpu.yield
      }) : () -> ()
      "tpu.region"() ({
        %run_scoped3A = tpu.sem_alloc : memref<!tpu.dma_semaphore, #tpu.memory_space<semaphore_mem>>
        %dma_start3A_100 = tpu.memref_slice %arg6[%select_n3A] : memref<320000xi32, #tpu.memory_space<hbm>> -> memref<64xi32, #tpu.memory_space<hbm>>
        %dma_start3A_101 = tpu.memref_slice %arg6[%select_n3A] : memref<320000xi32, #tpu.memory_space<hbm>> -> memref<64xi32, #tpu.memory_space<hbm>>
        tpu.enqueue_dma source(%dma_start3A_101 : memref<64xi32, #tpu.memory_space<hbm>>) target(%arg16 : memref<64xi32, #tpu.memory_space<vmem>>) target_semaphore(%run_scoped3A : memref<!tpu.dma_semaphore, #tpu.memory_space<semaphore_mem>>)
        %dma_wait3A_102 = tpu.memref_slice %arg6[%select_n3A] : memref<320000xi32, #tpu.memory_space<hbm>> -> memref<64xi32, #tpu.memory_space<hbm>>
        %dma_wait3A_103 = tpu.memref_slice %arg6[%select_n3A] : memref<320000xi32, #tpu.memory_space<hbm>> -> memref<64xi32, #tpu.memory_space<hbm>>
        tpu.wait_dma2 semaphore(%run_scoped3A : memref<!tpu.dma_semaphore, #tpu.memory_space<semaphore_mem>>) src(%dma_wait3A_103 : memref<64xi32, #tpu.memory_space<hbm>>) dst(%arg16 : memref<64xi32, #tpu.memory_space<vmem>>)
        tpu.yield
      }) : () -> ()
      %dma_start3A = arith.constant 0 : i32
      %dma_start3A_70 = arith.constant 0 : i32
      %dma_start3A_71 = tpu.memref_slice %arg4[%dma_start3A, %dma_start3A_70] : memref<10000x128xf32, #tpu.memory_space<hbm>> -> memref<10000x128xf32, #tpu.memory_space<hbm>>
      tpu.enqueue_indirect_dma source(%dma_start3A_71 : memref<10000x128xf32, #tpu.memory_space<hbm>>) target(%arg11 : memref<64x128xf32, #tpu.memory_space<vmem>>) offsets(%arg15 : memref<64xi32, #tpu.memory_space<vmem>>) semaphore(%arg18 : memref<!tpu.dma_semaphore, #tpu.memory_space<semaphore_mem>>)
      "tpu.region"() ({
        %run_scoped3A = tpu.sem_alloc : memref<!tpu.dma_semaphore, #tpu.memory_space<semaphore_mem>>
        %dma_start3A_100 = arith.constant 0 : i32
        %dma_start3A_101 = tpu.memref_slice %arg10[%select_n3A, %dma_start3A_100] : memref<320000x16xf32, #tpu.memory_space<hbm>> -> memref<64x16xf32, #tpu.memory_space<hbm>>
        %dma_start3A_102 = arith.constant 0 : i32
        %dma_start3A_103 = tpu.memref_slice %arg10[%select_n3A, %dma_start3A_102] : memref<320000x16xf32, #tpu.memory_space<hbm>> -> memref<64x16xf32, #tpu.memory_space<hbm>>
        tpu.enqueue_dma source(%dma_start3A_103 : memref<64x16xf32, #tpu.memory_space<hbm>>) target(%arg14 : memref<64x16xf32, #tpu.memory_space<vmem>>) target_semaphore(%run_scoped3A : memref<!tpu.dma_semaphore, #tpu.memory_space<semaphore_mem>>)
        %dma_wait3A_104 = arith.constant 0 : i32
        %dma_wait3A_105 = tpu.memref_slice %arg10[%select_n3A, %dma_wait3A_104] : memref<320000x16xf32, #tpu.memory_space<hbm>> -> memref<64x16xf32, #tpu.memory_space<hbm>>
        %dma_wait3A_106 = arith.constant 0 : i32
        %dma_wait3A_107 = tpu.memref_slice %arg10[%select_n3A, %dma_wait3A_106] : memref<320000x16xf32, #tpu.memory_space<hbm>> -> memref<64x16xf32, #tpu.memory_space<hbm>>
        tpu.wait_dma2 semaphore(%run_scoped3A : memref<!tpu.dma_semaphore, #tpu.memory_space<semaphore_mem>>) src(%dma_wait3A_107 : memref<64x16xf32, #tpu.memory_space<hbm>>) dst(%arg14 : memref<64x16xf32, #tpu.memory_space<vmem>>)
        tpu.yield
      }) : () -> ()
      %dma_wait3A = arith.constant 0 : i32
      %dma_wait3A_72 = arith.constant 0 : i32
      %dma_wait3A_73 = tpu.memref_slice %arg4[%dma_wait3A, %dma_wait3A_72] : memref<10000x128xf32, #tpu.memory_space<hbm>> -> memref<10000x128xf32, #tpu.memory_space<hbm>>
      tpu.wait_indirect_dma semaphore(%arg18 : memref<!tpu.dma_semaphore, #tpu.memory_space<semaphore_mem>>) src(%dma_wait3A_73 : memref<10000x128xf32, #tpu.memory_space<hbm>>) dst(%arg11 : memref<64x128xf32, #tpu.memory_space<vmem>>)
      %scan3A_74 = arith.constant 0 : i32
      %scan3A_75 = arith.constant 0 : i32
      %scan3A_76 = arith.constant 4 : i32
      %scan3A_77 = arith.addi %scan3A_75, %scan3A_76 : i32
      %scan3A_78 = arith.constant 1 : i32
      scf.for %scan3A_100 = %scan3A_75 to %scan3A_77 step %scan3A_78  : i32 {
        %mul3A_101 = arith.constant 16 : i32
        %mul3A_102 = arith.muli %scan3A_100, %mul3A_101 : i32
        %add3A_103 = vector.broadcast %mul3A_102 : i32 to vector<16xi32>
        %add3A_104 = arith.addi %add3A_103, %iota3A : vector<16xi32>
        %broadcast_in_dim3A_105 = arith.constant 0 : i32
        %broadcast_in_dim3A_106 = vector.broadcast %broadcast_in_dim3A_105 : i32 to vector<16xi32>
        %gather3A = tpu.vector_load_idx %arg14[%add3A_104, %broadcast_in_dim3A_106] : memref<64x16xf32, #tpu.memory_space<vmem>>[vector<16xi32>, vector<16xi32>], vector<16xf32>,
        %broadcast_in_dim3A_107 = arith.constant 0 : i32
        %broadcast_in_dim3A_108 = vector.broadcast %broadcast_in_dim3A_107 : i32 to vector<16xi32>
        %gather3A_109 = tpu.vector_load_idx %arg11[%add3A_104, %broadcast_in_dim3A_108] : memref<64x128xf32, #tpu.memory_space<vmem>>[vector<16xi32>, vector<16xi32>], vector<16xf32>,
        %mul3A_110 = arith.mulf %gather3A_109, %gather3A : vector<16xf32>
        tpu.vector_store_idx %arg11[%add3A_104, %broadcast_in_dim3A_108], %mul3A_110 : memref<64x128xf32, #tpu.memory_space<vmem>>[vector<16xi32>, vector<16xi32>], vector<16xf32>,
        %broadcast_in_dim3A_111 = arith.constant 1 : i32
        %broadcast_in_dim3A_112 = vector.broadcast %broadcast_in_dim3A_111 : i32 to vector<16xi32>
        %gather3A_113 = tpu.vector_load_idx %arg11[%add3A_104, %broadcast_in_dim3A_112] : memref<64x128xf32, #tpu.memory_space<vmem>>[vector<16xi32>, vector<16xi32>], vector<16xf32>,
        %mul3A_114 = arith.mulf %gather3A_113, %gather3A : vector<16xf32>
        tpu.vector_store_idx %arg11[%add3A_104, %broadcast_in_dim3A_112], %mul3A_114 : memref<64x128xf32, #tpu.memory_space<vmem>>[vector<16xi32>, vector<16xi32>], vector<16xf32>,
        %broadcast_in_dim3A_115 = arith.constant 2 : i32
        %broadcast_in_dim3A_116 = vector.broadcast %broadcast_in_dim3A_115 : i32 to vector<16xi32>
        %gather3A_117 = tpu.vector_load_idx %arg11[%add3A_104, %broadcast_in_dim3A_116] : memref<64x128xf32, #tpu.memory_space<vmem>>[vector<16xi32>, vector<16xi32>], vector<16xf32>,
        %mul3A_118 = arith.mulf %gather3A_117, %gather3A : vector<16xf32>
        tpu.vector_store_idx %arg11[%add3A_104, %broadcast_in_dim3A_116], %mul3A_118 : memref<64x128xf32, #tpu.memory_space<vmem>>[vector<16xi32>, vector<16xi32>], vector<16xf32>,
        %broadcast_in_dim3A_119 = arith.constant 3 : i32
        %broadcast_in_dim3A_120 = vector.broadcast %broadcast_in_dim3A_119 : i32 to vector<16xi32>
        %gather3A_121 = tpu.vector_load_idx %arg11[%add3A_104, %broadcast_in_dim3A_120] : memref<64x128xf32, #tpu.memory_space<vmem>>[vector<16xi32>, vector<16xi32>], vector<16xf32>,
        %mul3A_122 = arith.mulf %gather3A_121, %gather3A : vector<16xf32>
        tpu.vector_store_idx %arg11[%add3A_104, %broadcast_in_dim3A_120], %mul3A_122 : memref<64x128xf32, #tpu.memory_space<vmem>>[vector<16xi32>, vector<16xi32>], vector<16xf32>,
        %broadcast_in_dim3A_123 = arith.constant 4 : i32
        %broadcast_in_dim3A_124 = vector.broadcast %broadcast_in_dim3A_123 : i32 to vector<16xi32>
        %gather3A_125 = tpu.vector_load_idx %arg11[%add3A_104, %broadcast_in_dim3A_124] : memref<64x128xf32, #tpu.memory_space<vmem>>[vector<16xi32>, vector<16xi32>], vector<16xf32>,
        %mul3A_126 = arith.mulf %gather3A_125, %gather3A : vector<16xf32>
        tpu.vector_store_idx %arg11[%add3A_104, %broadcast_in_dim3A_124], %mul3A_126 : memref<64x128xf32, #tpu.memory_space<vmem>>[vector<16xi32>, vector<16xi32>], vector<16xf32>,
        %broadcast_in_dim3A_127 = arith.constant 5 : i32
        %broadcast_in_dim3A_128 = vector.broadcast %broadcast_in_dim3A_127 : i32 to vector<16xi32>
        %gather3A_129 = tpu.vector_load_idx %arg11[%add3A_104, %broadcast_in_dim3A_128] : memref<64x128xf32, #tpu.memory_space<vmem>>[vector<16xi32>, vector<16xi32>], vector<16xf32>,
        %mul3A_130 = arith.mulf %gather3A_129, %gather3A : vector<16xf32>
        tpu.vector_store_idx %arg11[%add3A_104, %broadcast_in_dim3A_128], %mul3A_130 : memref<64x128xf32, #tpu.memory_space<vmem>>[vector<16xi32>, vector<16xi32>], vector<16xf32>,
        %broadcast_in_dim3A_131 = arith.constant 6 : i32
        %broadcast_in_dim3A_132 = vector.broadcast %broadcast_in_dim3A_131 : i32 to vector<16xi32>
        %gather3A_133 = tpu.vector_load_idx %arg11[%add3A_104, %broadcast_in_dim3A_132] : memref<64x128xf32, #tpu.memory_space<vmem>>[vector<16xi32>, vector<16xi32>], vector<16xf32>,
        %mul3A_134 = arith.mulf %gather3A_133, %gather3A : vector<16xf32>
        tpu.vector_store_idx %arg11[%add3A_104, %broadcast_in_dim3A_132], %mul3A_134 : memref<64x128xf32, #tpu.memory_space<vmem>>[vector<16xi32>, vector<16xi32>], vector<16xf32>,
        %broadcast_in_dim3A_135 = arith.constant 7 : i32
        %broadcast_in_dim3A_136 = vector.broadcast %broadcast_in_dim3A_135 : i32 to vector<16xi32>
        %gather3A_137 = tpu.vector_load_idx %arg11[%add3A_104, %broadcast_in_dim3A_136] : memref<64x128xf32, #tpu.memory_space<vmem>>[vector<16xi32>, vector<16xi32>], vector<16xf32>,
        %mul3A_138 = arith.mulf %gather3A_137, %gather3A : vector<16xf32>
        tpu.vector_store_idx %arg11[%add3A_104, %broadcast_in_dim3A_136], %mul3A_138 : memref<64x128xf32, #tpu.memory_space<vmem>>[vector<16xi32>, vector<16xi32>], vector<16xf32>,
        %broadcast_in_dim3A_139 = arith.constant 8 : i32
        %broadcast_in_dim3A_140 = vector.broadcast %broadcast_in_dim3A_139 : i32 to vector<16xi32>
        %gather3A_141 = tpu.vector_load_idx %arg11[%add3A_104, %broadcast_in_dim3A_140] : memref<64x128xf32, #tpu.memory_space<vmem>>[vector<16xi32>, vector<16xi32>], vector<16xf32>,
        %mul3A_142 = arith.mulf %gather3A_141, %gather3A : vector<16xf32>
        tpu.vector_store_idx %arg11[%add3A_104, %broadcast_in_dim3A_140], %mul3A_142 : memref<64x128xf32, #tpu.memory_space<vmem>>[vector<16xi32>, vector<16xi32>], vector<16xf32>,
        %broadcast_in_dim3A_143 = arith.constant 9 : i32
        %broadcast_in_dim3A_144 = vector.broadcast %broadcast_in_dim3A_143 : i32 to vector<16xi32>
        %gather3A_145 = tpu.vector_load_idx %arg11[%add3A_104, %broadcast_in_dim3A_144] : memref<64x128xf32, #tpu.memory_space<vmem>>[vector<16xi32>, vector<16xi32>], vector<16xf32>,
        %mul3A_146 = arith.mulf %gather3A_145, %gather3A : vector<16xf32>
        tpu.vector_store_idx %arg11[%add3A_104, %broadcast_in_dim3A_144], %mul3A_146 : memref<64x128xf32, #tpu.memory_space<vmem>>[vector<16xi32>, vector<16xi32>], vector<16xf32>,
        %broadcast_in_dim3A_147 = arith.constant 10 : i32
        %broadcast_in_dim3A_148 = vector.broadcast %broadcast_in_dim3A_147 : i32 to vector<16xi32>
        %gather3A_149 = tpu.vector_load_idx %arg11[%add3A_104, %broadcast_in_dim3A_148] : memref<64x128xf32, #tpu.memory_space<vmem>>[vector<16xi32>, vector<16xi32>], vector<16xf32>,
        %mul3A_150 = arith.mulf %gather3A_149, %gather3A : vector<16xf32>
        tpu.vector_store_idx %arg11[%add3A_104, %broadcast_in_dim3A_148], %mul3A_150 : memref<64x128xf32, #tpu.memory_space<vmem>>[vector<16xi32>, vector<16xi32>], vector<16xf32>,
        %broadcast_in_dim3A_151 = arith.constant 11 : i32
        %broadcast_in_dim3A_152 = vector.broadcast %broadcast_in_dim3A_151 : i32 to vector<16xi32>
        %gather3A_153 = tpu.vector_load_idx %arg11[%add3A_104, %broadcast_in_dim3A_152] : memref<64x128xf32, #tpu.memory_space<vmem>>[vector<16xi32>, vector<16xi32>], vector<16xf32>,
        %mul3A_154 = arith.mulf %gather3A_153, %gather3A : vector<16xf32>
        tpu.vector_store_idx %arg11[%add3A_104, %broadcast_in_dim3A_152], %mul3A_154 : memref<64x128xf32, #tpu.memory_space<vmem>>[vector<16xi32>, vector<16xi32>], vector<16xf32>,
        %broadcast_in_dim3A_155 = arith.constant 12 : i32
        %broadcast_in_dim3A_156 = vector.broadcast %broadcast_in_dim3A_155 : i32 to vector<16xi32>
        %gather3A_157 = tpu.vector_load_idx %arg11[%add3A_104, %broadcast_in_dim3A_156] : memref<64x128xf32, #tpu.memory_space<vmem>>[vector<16xi32>, vector<16xi32>], vector<16xf32>,
        %mul3A_158 = arith.mulf %gather3A_157, %gather3A : vector<16xf32>
        tpu.vector_store_idx %arg11[%add3A_104, %broadcast_in_dim3A_156], %mul3A_158 : memref<64x128xf32, #tpu.memory_space<vmem>>[vector<16xi32>, vector<16xi32>], vector<16xf32>,
        %broadcast_in_dim3A_159 = arith.constant 13 : i32
        %broadcast_in_dim3A_160 = vector.broadcast %broadcast_in_dim3A_159 : i32 to vector<16xi32>
        %gather3A_161 = tpu.vector_load_idx %arg11[%add3A_104, %broadcast_in_dim3A_160] : memref<64x128xf32, #tpu.memory_space<vmem>>[vector<16xi32>, vector<16xi32>], vector<16xf32>,
        %mul3A_162 = arith.mulf %gather3A_161, %gather3A : vector<16xf32>
        tpu.vector_store_idx %arg11[%add3A_104, %broadcast_in_dim3A_160], %mul3A_162 : memref<64x128xf32, #tpu.memory_space<vmem>>[vector<16xi32>, vector<16xi32>], vector<16xf32>,
        %broadcast_in_dim3A_163 = arith.constant 14 : i32
        %broadcast_in_dim3A_164 = vector.broadcast %broadcast_in_dim3A_163 : i32 to vector<16xi32>
        %gather3A_165 = tpu.vector_load_idx %arg11[%add3A_104, %broadcast_in_dim3A_164] : memref<64x128xf32, #tpu.memory_space<vmem>>[vector<16xi32>, vector<16xi32>], vector<16xf32>,
        %mul3A_166 = arith.mulf %gather3A_165, %gather3A : vector<16xf32>
        tpu.vector_store_idx %arg11[%add3A_104, %broadcast_in_dim3A_164], %mul3A_166 : memref<64x128xf32, #tpu.memory_space<vmem>>[vector<16xi32>, vector<16xi32>], vector<16xf32>,
        %broadcast_in_dim3A_167 = arith.constant 15 : i32
        %broadcast_in_dim3A_168 = vector.broadcast %broadcast_in_dim3A_167 : i32 to vector<16xi32>
        %gather3A_169 = tpu.vector_load_idx %arg11[%add3A_104, %broadcast_in_dim3A_168] : memref<64x128xf32, #tpu.memory_space<vmem>>[vector<16xi32>, vector<16xi32>], vector<16xf32>,
        %mul3A_170 = arith.mulf %gather3A_169, %gather3A : vector<16xf32>
        tpu.vector_store_idx %arg11[%add3A_104, %broadcast_in_dim3A_168], %mul3A_170 : memref<64x128xf32, #tpu.memory_space<vmem>>[vector<16xi32>, vector<16xi32>], vector<16xf32>,
        %broadcast_in_dim3A_171 = arith.constant 1 : i32
        %broadcast_in_dim3A_172 = vector.broadcast %broadcast_in_dim3A_171 : i32 to vector<16xi32>
        %gather3A_173 = tpu.vector_load_idx %arg14[%add3A_104, %broadcast_in_dim3A_172] : memref<64x16xf32, #tpu.memory_space<vmem>>[vector<16xi32>, vector<16xi32>], vector<16xf32>,
        %broadcast_in_dim3A_174 = arith.constant 16 : i32
        %broadcast_in_dim3A_175 = vector.broadcast %broadcast_in_dim3A_174 : i32 to vector<16xi32>
        %gather3A_176 = tpu.vector_load_idx %arg11[%add3A_104, %broadcast_in_dim3A_175] : memref<64x128xf32, #tpu.memory_space<vmem>>[vector<16xi32>, vector<16xi32>], vector<16xf32>,
        %mul3A_177 = arith.mulf %gather3A_176, %gather3A_173 : vector<16xf32>
        tpu.vector_store_idx %arg11[%add3A_104, %broadcast_in_dim3A_175], %mul3A_177 : memref<64x128xf32, #tpu.memory_space<vmem>>[vector<16xi32>, vector<16xi32>], vector<16xf32>,
        %broadcast_in_dim3A_178 = arith.constant 17 : i32
        %broadcast_in_dim3A_179 = vector.broadcast %broadcast_in_dim3A_178 : i32 to vector<16xi32>
        %gather3A_180 = tpu.vector_load_idx %arg11[%add3A_104, %broadcast_in_dim3A_179] : memref<64x128xf32, #tpu.memory_space<vmem>>[vector<16xi32>, vector<16xi32>], vector<16xf32>,
        %mul3A_181 = arith.mulf %gather3A_180, %gather3A_173 : vector<16xf32>
        tpu.vector_store_idx %arg11[%add3A_104, %broadcast_in_dim3A_179], %mul3A_181 : memref<64x128xf32, #tpu.memory_space<vmem>>[vector<16xi32>, vector<16xi32>], vector<16xf32>,
        %broadcast_in_dim3A_182 = arith.constant 18 : i32
        %broadcast_in_dim3A_183 = vector.broadcast %broadcast_in_dim3A_182 : i32 to vector<16xi32>
        %gather3A_184 = tpu.vector_load_idx %arg11[%add3A_104, %broadcast_in_dim3A_183] : memref<64x128xf32, #tpu.memory_space<vmem>>[vector<16xi32>, vector<16xi32>], vector<16xf32>,
        %mul3A_185 = arith.mulf %gather3A_184, %gather3A_173 : vector<16xf32>
        tpu.vector_store_idx %arg11[%add3A_104, %broadcast_in_dim3A_183], %mul3A_185 : memref<64x128xf32, #tpu.memory_space<vmem>>[vector<16xi32>, vector<16xi32>], vector<16xf32>,
        %broadcast_in_dim3A_186 = arith.constant 19 : i32
        %broadcast_in_dim3A_187 = vector.broadcast %broadcast_in_dim3A_186 : i32 to vector<16xi32>
        %gather3A_188 = tpu.vector_load_idx %arg11[%add3A_104, %broadcast_in_dim3A_187] : memref<64x128xf32, #tpu.memory_space<vmem>>[vector<16xi32>, vector<16xi32>], vector<16xf32>,
        %mul3A_189 = arith.mulf %gather3A_188, %gather3A_173 : vector<16xf32>
        tpu.vector_store_idx %arg11[%add3A_104, %broadcast_in_dim3A_187], %mul3A_189 : memref<64x128xf32, #tpu.memory_space<vmem>>[vector<16xi32>, vector<16xi32>], vector<16xf32>,
        %broadcast_in_dim3A_190 = arith.constant 20 : i32
        %broadcast_in_dim3A_191 = vector.broadcast %broadcast_in_dim3A_190 : i32 to vector<16xi32>
        %gather3A_192 = tpu.vector_load_idx %arg11[%add3A_104, %broadcast_in_dim3A_191] : memref<64x128xf32, #tpu.memory_space<vmem>>[vector<16xi32>, vector<16xi32>], vector<16xf32>,
        %mul3A_193 = arith.mulf %gather3A_192, %gather3A_173 : vector<16xf32>
        tpu.vector_store_idx %arg11[%add3A_104, %broadcast_in_dim3A_191], %mul3A_193 : memref<64x128xf32, #tpu.memory_space<vmem>>[vector<16xi32>, vector<16xi32>], vector<16xf32>,
        %broadcast_in_dim3A_194 = arith.constant 21 : i32
        %broadcast_in_dim3A_195 = vector.broadcast %broadcast_in_dim3A_194 : i32 to vector<16xi32>
        %gather3A_196 = tpu.vector_load_idx %arg11[%add3A_104, %broadcast_in_dim3A_195] : memref<64x128xf32, #tpu.memory_space<vmem>>[vector<16xi32>, vector<16xi32>], vector<16xf32>,
        %mul3A_197 = arith.mulf %gather3A_196, %gather3A_173 : vector<16xf32>
        tpu.vector_store_idx %arg11[%add3A_104, %broadcast_in_dim3A_195], %mul3A_197 : memref<64x128xf32, #tpu.memory_space<vmem>>[vector<16xi32>, vector<16xi32>], vector<16xf32>,
        %broadcast_in_dim3A_198 = arith.constant 22 : i32
        %broadcast_in_dim3A_199 = vector.broadcast %broadcast_in_dim3A_198 : i32 to vector<16xi32>
        %gather3A_200 = tpu.vector_load_idx %arg11[%add3A_104, %broadcast_in_dim3A_199] : memref<64x128xf32, #tpu.memory_space<vmem>>[vector<16xi32>, vector<16xi32>], vector<16xf32>,
        %mul3A_201 = arith.mulf %gather3A_200, %gather3A_173 : vector<16xf32>
        tpu.vector_store_idx %arg11[%add3A_104, %broadcast_in_dim3A_199], %mul3A_201 : memref<64x128xf32, #tpu.memory_space<vmem>>[vector<16xi32>, vector<16xi32>], vector<16xf32>,
        %broadcast_in_dim3A_202 = arith.constant 23 : i32
        %broadcast_in_dim3A_203 = vector.broadcast %broadcast_in_dim3A_202 : i32 to vector<16xi32>
        %gather3A_204 = tpu.vector_load_idx %arg11[%add3A_104, %broadcast_in_dim3A_203] : memref<64x128xf32, #tpu.memory_space<vmem>>[vector<16xi32>, vector<16xi32>], vector<16xf32>,
        %mul3A_205 = arith.mulf %gather3A_204, %gather3A_173 : vector<16xf32>
        tpu.vector_store_idx %arg11[%add3A_104, %broadcast_in_dim3A_203], %mul3A_205 : memref<64x128xf32, #tpu.memory_space<vmem>>[vector<16xi32>, vector<16xi32>], vector<16xf32>,
        %broadcast_in_dim3A_206 = arith.constant 24 : i32
        %broadcast_in_dim3A_207 = vector.broadcast %broadcast_in_dim3A_206 : i32 to vector<16xi32>
        %gather3A_208 = tpu.vector_load_idx %arg11[%add3A_104, %broadcast_in_dim3A_207] : memref<64x128xf32, #tpu.memory_space<vmem>>[vector<16xi32>, vector<16xi32>], vector<16xf32>,
        %mul3A_209 = arith.mulf %gather3A_208, %gather3A_173 : vector<16xf32>
        tpu.vector_store_idx %arg11[%add3A_104, %broadcast_in_dim3A_207], %mul3A_209 : memref<64x128xf32, #tpu.memory_space<vmem>>[vector<16xi32>, vector<16xi32>], vector<16xf32>,
        %broadcast_in_dim3A_210 = arith.constant 25 : i32
        %broadcast_in_dim3A_211 = vector.broadcast %broadcast_in_dim3A_210 : i32 to vector<16xi32>
        %gather3A_212 = tpu.vector_load_idx %arg11[%add3A_104, %broadcast_in_dim3A_211] : memref<64x128xf32, #tpu.memory_space<vmem>>[vector<16xi32>, vector<16xi32>], vector<16xf32>,
        %mul3A_213 = arith.mulf %gather3A_212, %gather3A_173 : vector<16xf32>
        tpu.vector_store_idx %arg11[%add3A_104, %broadcast_in_dim3A_211], %mul3A_213 : memref<64x128xf32, #tpu.memory_space<vmem>>[vector<16xi32>, vector<16xi32>], vector<16xf32>,
        %broadcast_in_dim3A_214 = arith.constant 26 : i32
        %broadcast_in_dim3A_215 = vector.broadcast %broadcast_in_dim3A_214 : i32 to vector<16xi32>
        %gather3A_216 = tpu.vector_load_idx %arg11[%add3A_104, %broadcast_in_dim3A_215] : memref<64x128xf32, #tpu.memory_space<vmem>>[vector<16xi32>, vector<16xi32>], vector<16xf32>,
        %mul3A_217 = arith.mulf %gather3A_216, %gather3A_173 : vector<16xf32>
        tpu.vector_store_idx %arg11[%add3A_104, %broadcast_in_dim3A_215], %mul3A_217 : memref<64x128xf32, #tpu.memory_space<vmem>>[vector<16xi32>, vector<16xi32>], vector<16xf32>,
        %broadcast_in_dim3A_218 = arith.constant 27 : i32
        %broadcast_in_dim3A_219 = vector.broadcast %broadcast_in_dim3A_218 : i32 to vector<16xi32>
        %gather3A_220 = tpu.vector_load_idx %arg11[%add3A_104, %broadcast_in_dim3A_219] : memref<64x128xf32, #tpu.memory_space<vmem>>[vector<16xi32>, vector<16xi32>], vector<16xf32>,
        %mul3A_221 = arith.mulf %gather3A_220, %gather3A_173 : vector<16xf32>
        tpu.vector_store_idx %arg11[%add3A_104, %broadcast_in_dim3A_219], %mul3A_221 : memref<64x128xf32, #tpu.memory_space<vmem>>[vector<16xi32>, vector<16xi32>], vector<16xf32>,
        %broadcast_in_dim3A_222 = arith.constant 28 : i32
        %broadcast_in_dim3A_223 = vector.broadcast %broadcast_in_dim3A_222 : i32 to vector<16xi32>
        %gather3A_224 = tpu.vector_load_idx %arg11[%add3A_104, %broadcast_in_dim3A_223] : memref<64x128xf32, #tpu.memory_space<vmem>>[vector<16xi32>, vector<16xi32>], vector<16xf32>,
        %mul3A_225 = arith.mulf %gather3A_224, %gather3A_173 : vector<16xf32>
        tpu.vector_store_idx %arg11[%add3A_104, %broadcast_in_dim3A_223], %mul3A_225 : memref<64x128xf32, #tpu.memory_space<vmem>>[vector<16xi32>, vector<16xi32>], vector<16xf32>,
        %broadcast_in_dim3A_226 = arith.constant 29 : i32
        %broadcast_in_dim3A_227 = vector.broadcast %broadcast_in_dim3A_226 : i32 to vector<16xi32>
        %gather3A_228 = tpu.vector_load_idx %arg11[%add3A_104, %broadcast_in_dim3A_227] : memref<64x128xf32, #tpu.memory_space<vmem>>[vector<16xi32>, vector<16xi32>], vector<16xf32>,
        %mul3A_229 = arith.mulf %gather3A_228, %gather3A_173 : vector<16xf32>
        tpu.vector_store_idx %arg11[%add3A_104, %broadcast_in_dim3A_227], %mul3A_229 : memref<64x128xf32, #tpu.memory_space<vmem>>[vector<16xi32>, vector<16xi32>], vector<16xf32>,
        %broadcast_in_dim3A_230 = arith.constant 30 : i32
        %broadcast_in_dim3A_231 = vector.broadcast %broadcast_in_dim3A_230 : i32 to vector<16xi32>
        %gather3A_232 = tpu.vector_load_idx %arg11[%add3A_104, %broadcast_in_dim3A_231] : memref<64x128xf32, #tpu.memory_space<vmem>>[vector<16xi32>, vector<16xi32>], vector<16xf32>,
        %mul3A_233 = arith.mulf %gather3A_232, %gather3A_173 : vector<16xf32>
        tpu.vector_store_idx %arg11[%add3A_104, %broadcast_in_dim3A_231], %mul3A_233 : memref<64x128xf32, #tpu.memory_space<vmem>>[vector<16xi32>, vector<16xi32>], vector<16xf32>,
        %broadcast_in_dim3A_234 = arith.constant 31 : i32
        %broadcast_in_dim3A_235 = vector.broadcast %broadcast_in_dim3A_234 : i32 to vector<16xi32>
        %gather3A_236 = tpu.vector_load_idx %arg11[%add3A_104, %broadcast_in_dim3A_235] : memref<64x128xf32, #tpu.memory_space<vmem>>[vector<16xi32>, vector<16xi32>], vector<16xf32>,
        %mul3A_237 = arith.mulf %gather3A_236, %gather3A_173 : vector<16xf32>
        tpu.vector_store_idx %arg11[%add3A_104, %broadcast_in_dim3A_235], %mul3A_237 : memref<64x128xf32, #tpu.memory_space<vmem>>[vector<16xi32>, vector<16xi32>], vector<16xf32>,
        %broadcast_in_dim3A_238 = arith.constant 2 : i32
        %broadcast_in_dim3A_239 = vector.broadcast %broadcast_in_dim3A_238 : i32 to vector<16xi32>
        %gather3A_240 = tpu.vector_load_idx %arg14[%add3A_104, %broadcast_in_dim3A_239] : memref<64x16xf32, #tpu.memory_space<vmem>>[vector<16xi32>, vector<16xi32>], vector<16xf32>,
        %broadcast_in_dim3A_241 = arith.constant 32 : i32
        %broadcast_in_dim3A_242 = vector.broadcast %broadcast_in_dim3A_241 : i32 to vector<16xi32>
        %gather3A_243 = tpu.vector_load_idx %arg11[%add3A_104, %broadcast_in_dim3A_242] : memref<64x128xf32, #tpu.memory_space<vmem>>[vector<16xi32>, vector<16xi32>], vector<16xf32>,
        %mul3A_244 = arith.mulf %gather3A_243, %gather3A_240 : vector<16xf32>
        tpu.vector_store_idx %arg11[%add3A_104, %broadcast_in_dim3A_242], %mul3A_244 : memref<64x128xf32, #tpu.memory_space<vmem>>[vector<16xi32>, vector<16xi32>], vector<16xf32>,
        %broadcast_in_dim3A_245 = arith.constant 33 : i32
        %broadcast_in_dim3A_246 = vector.broadcast %broadcast_in_dim3A_245 : i32 to vector<16xi32>
        %gather3A_247 = tpu.vector_load_idx %arg11[%add3A_104, %broadcast_in_dim3A_246] : memref<64x128xf32, #tpu.memory_space<vmem>>[vector<16xi32>, vector<16xi32>], vector<16xf32>,
        %mul3A_248 = arith.mulf %gather3A_247, %gather3A_240 : vector<16xf32>
        tpu.vector_store_idx %arg11[%add3A_104, %broadcast_in_dim3A_246], %mul3A_248 : memref<64x128xf32, #tpu.memory_space<vmem>>[vector<16xi32>, vector<16xi32>], vector<16xf32>,
        %broadcast_in_dim3A_249 = arith.constant 34 : i32
        %broadcast_in_dim3A_250 = vector.broadcast %broadcast_in_dim3A_249 : i32 to vector<16xi32>
        %gather3A_251 = tpu.vector_load_idx %arg11[%add3A_104, %broadcast_in_dim3A_250] : memref<64x128xf32, #tpu.memory_space<vmem>>[vector<16xi32>, vector<16xi32>], vector<16xf32>,
        %mul3A_252 = arith.mulf %gather3A_251, %gather3A_240 : vector<16xf32>
        tpu.vector_store_idx %arg11[%add3A_104, %broadcast_in_dim3A_250], %mul3A_252 : memref<64x128xf32, #tpu.memory_space<vmem>>[vector<16xi32>, vector<16xi32>], vector<16xf32>,
        %broadcast_in_dim3A_253 = arith.constant 35 : i32
        %broadcast_in_dim3A_254 = vector.broadcast %broadcast_in_dim3A_253 : i32 to vector<16xi32>
        %gather3A_255 = tpu.vector_load_idx %arg11[%add3A_104, %broadcast_in_dim3A_254] : memref<64x128xf32, #tpu.memory_space<vmem>>[vector<16xi32>, vector<16xi32>], vector<16xf32>,
        %mul3A_256 = arith.mulf %gather3A_255, %gather3A_240 : vector<16xf32>
        tpu.vector_store_idx %arg11[%add3A_104, %broadcast_in_dim3A_254], %mul3A_256 : memref<64x128xf32, #tpu.memory_space<vmem>>[vector<16xi32>, vector<16xi32>], vector<16xf32>,
        %broadcast_in_dim3A_257 = arith.constant 36 : i32
        %broadcast_in_dim3A_258 = vector.broadcast %broadcast_in_dim3A_257 : i32 to vector<16xi32>
        %gather3A_259 = tpu.vector_load_idx %arg11[%add3A_104, %broadcast_in_dim3A_258] : memref<64x128xf32, #tpu.memory_space<vmem>>[vector<16xi32>, vector<16xi32>], vector<16xf32>,
        %mul3A_260 = arith.mulf %gather3A_259, %gather3A_240 : vector<16xf32>
        tpu.vector_store_idx %arg11[%add3A_104, %broadcast_in_dim3A_258], %mul3A_260 : memref<64x128xf32, #tpu.memory_space<vmem>>[vector<16xi32>, vector<16xi32>], vector<16xf32>,
        %broadcast_in_dim3A_261 = arith.constant 37 : i32
        %broadcast_in_dim3A_262 = vector.broadcast %broadcast_in_dim3A_261 : i32 to vector<16xi32>
        %gather3A_263 = tpu.vector_load_idx %arg11[%add3A_104, %broadcast_in_dim3A_262] : memref<64x128xf32, #tpu.memory_space<vmem>>[vector<16xi32>, vector<16xi32>], vector<16xf32>,
        %mul3A_264 = arith.mulf %gather3A_263, %gather3A_240 : vector<16xf32>
        tpu.vector_store_idx %arg11[%add3A_104, %broadcast_in_dim3A_262], %mul3A_264 : memref<64x128xf32, #tpu.memory_space<vmem>>[vector<16xi32>, vector<16xi32>], vector<16xf32>,
        %broadcast_in_dim3A_265 = arith.constant 38 : i32
        %broadcast_in_dim3A_266 = vector.broadcast %broadcast_in_dim3A_265 : i32 to vector<16xi32>
        %gather3A_267 = tpu.vector_load_idx %arg11[%add3A_104, %broadcast_in_dim3A_266] : memref<64x128xf32, #tpu.memory_space<vmem>>[vector<16xi32>, vector<16xi32>], vector<16xf32>,
        %mul3A_268 = arith.mulf %gather3A_267, %gather3A_240 : vector<16xf32>
        tpu.vector_store_idx %arg11[%add3A_104, %broadcast_in_dim3A_266], %mul3A_268 : memref<64x128xf32, #tpu.memory_space<vmem>>[vector<16xi32>, vector<16xi32>], vector<16xf32>,
        %broadcast_in_dim3A_269 = arith.constant 39 : i32
        %broadcast_in_dim3A_270 = vector.broadcast %broadcast_in_dim3A_269 : i32 to vector<16xi32>
        %gather3A_271 = tpu.vector_load_idx %arg11[%add3A_104, %broadcast_in_dim3A_270] : memref<64x128xf32, #tpu.memory_space<vmem>>[vector<16xi32>, vector<16xi32>], vector<16xf32>,
        %mul3A_272 = arith.mulf %gather3A_271, %gather3A_240 : vector<16xf32>
        tpu.vector_store_idx %arg11[%add3A_104, %broadcast_in_dim3A_270], %mul3A_272 : memref<64x128xf32, #tpu.memory_space<vmem>>[vector<16xi32>, vector<16xi32>], vector<16xf32>,
        %broadcast_in_dim3A_273 = arith.constant 40 : i32
        %broadcast_in_dim3A_274 = vector.broadcast %broadcast_in_dim3A_273 : i32 to vector<16xi32>
        %gather3A_275 = tpu.vector_load_idx %arg11[%add3A_104, %broadcast_in_dim3A_274] : memref<64x128xf32, #tpu.memory_space<vmem>>[vector<16xi32>, vector<16xi32>], vector<16xf32>,
        %mul3A_276 = arith.mulf %gather3A_275, %gather3A_240 : vector<16xf32>
        tpu.vector_store_idx %arg11[%add3A_104, %broadcast_in_dim3A_274], %mul3A_276 : memref<64x128xf32, #tpu.memory_space<vmem>>[vector<16xi32>, vector<16xi32>], vector<16xf32>,
        %broadcast_in_dim3A_277 = arith.constant 41 : i32
        %broadcast_in_dim3A_278 = vector.broadcast %broadcast_in_dim3A_277 : i32 to vector<16xi32>
        %gather3A_279 = tpu.vector_load_idx %arg11[%add3A_104, %broadcast_in_dim3A_278] : memref<64x128xf32, #tpu.memory_space<vmem>>[vector<16xi32>, vector<16xi32>], vector<16xf32>,
        %mul3A_280 = arith.mulf %gather3A_279, %gather3A_240 : vector<16xf32>
        tpu.vector_store_idx %arg11[%add3A_104, %broadcast_in_dim3A_278], %mul3A_280 : memref<64x128xf32, #tpu.memory_space<vmem>>[vector<16xi32>, vector<16xi32>], vector<16xf32>,
        %broadcast_in_dim3A_281 = arith.constant 42 : i32
        %broadcast_in_dim3A_282 = vector.broadcast %broadcast_in_dim3A_281 : i32 to vector<16xi32>
        %gather3A_283 = tpu.vector_load_idx %arg11[%add3A_104, %broadcast_in_dim3A_282] : memref<64x128xf32, #tpu.memory_space<vmem>>[vector<16xi32>, vector<16xi32>], vector<16xf32>,
        %mul3A_284 = arith.mulf %gather3A_283, %gather3A_240 : vector<16xf32>
        tpu.vector_store_idx %arg11[%add3A_104, %broadcast_in_dim3A_282], %mul3A_284 : memref<64x128xf32, #tpu.memory_space<vmem>>[vector<16xi32>, vector<16xi32>], vector<16xf32>,
        %broadcast_in_dim3A_285 = arith.constant 43 : i32
        %broadcast_in_dim3A_286 = vector.broadcast %broadcast_in_dim3A_285 : i32 to vector<16xi32>
        %gather3A_287 = tpu.vector_load_idx %arg11[%add3A_104, %broadcast_in_dim3A_286] : memref<64x128xf32, #tpu.memory_space<vmem>>[vector<16xi32>, vector<16xi32>], vector<16xf32>,
        %mul3A_288 = arith.mulf %gather3A_287, %gather3A_240 : vector<16xf32>
        tpu.vector_store_idx %arg11[%add3A_104, %broadcast_in_dim3A_286], %mul3A_288 : memref<64x128xf32, #tpu.memory_space<vmem>>[vector<16xi32>, vector<16xi32>], vector<16xf32>,
        %broadcast_in_dim3A_289 = arith.constant 44 : i32
        %broadcast_in_dim3A_290 = vector.broadcast %broadcast_in_dim3A_289 : i32 to vector<16xi32>
        %gather3A_291 = tpu.vector_load_idx %arg11[%add3A_104, %broadcast_in_dim3A_290] : memref<64x128xf32, #tpu.memory_space<vmem>>[vector<16xi32>, vector<16xi32>], vector<16xf32>,
        %mul3A_292 = arith.mulf %gather3A_291, %gather3A_240 : vector<16xf32>
        tpu.vector_store_idx %arg11[%add3A_104, %broadcast_in_dim3A_290], %mul3A_292 : memref<64x128xf32, #tpu.memory_space<vmem>>[vector<16xi32>, vector<16xi32>], vector<16xf32>,
        %broadcast_in_dim3A_293 = arith.constant 45 : i32
        %broadcast_in_dim3A_294 = vector.broadcast %broadcast_in_dim3A_293 : i32 to vector<16xi32>
        %gather3A_295 = tpu.vector_load_idx %arg11[%add3A_104, %broadcast_in_dim3A_294] : memref<64x128xf32, #tpu.memory_space<vmem>>[vector<16xi32>, vector<16xi32>], vector<16xf32>,
        %mul3A_296 = arith.mulf %gather3A_295, %gather3A_240 : vector<16xf32>
        tpu.vector_store_idx %arg11[%add3A_104, %broadcast_in_dim3A_294], %mul3A_296 : memref<64x128xf32, #tpu.memory_space<vmem>>[vector<16xi32>, vector<16xi32>], vector<16xf32>,
        %broadcast_in_dim3A_297 = arith.constant 46 : i32
        %broadcast_in_dim3A_298 = vector.broadcast %broadcast_in_dim3A_297 : i32 to vector<16xi32>
        %gather3A_299 = tpu.vector_load_idx %arg11[%add3A_104, %broadcast_in_dim3A_298] : memref<64x128xf32, #tpu.memory_space<vmem>>[vector<16xi32>, vector<16xi32>], vector<16xf32>,
        %mul3A_300 = arith.mulf %gather3A_299, %gather3A_240 : vector<16xf32>
        tpu.vector_store_idx %arg11[%add3A_104, %broadcast_in_dim3A_298], %mul3A_300 : memref<64x128xf32, #tpu.memory_space<vmem>>[vector<16xi32>, vector<16xi32>], vector<16xf32>,
        %broadcast_in_dim3A_301 = arith.constant 47 : i32
        %broadcast_in_dim3A_302 = vector.broadcast %broadcast_in_dim3A_301 : i32 to vector<16xi32>
        %gather3A_303 = tpu.vector_load_idx %arg11[%add3A_104, %broadcast_in_dim3A_302] : memref<64x128xf32, #tpu.memory_space<vmem>>[vector<16xi32>, vector<16xi32>], vector<16xf32>,
        %mul3A_304 = arith.mulf %gather3A_303, %gather3A_240 : vector<16xf32>
        tpu.vector_store_idx %arg11[%add3A_104, %broadcast_in_dim3A_302], %mul3A_304 : memref<64x128xf32, #tpu.memory_space<vmem>>[vector<16xi32>, vector<16xi32>], vector<16xf32>,
        %broadcast_in_dim3A_305 = arith.constant 3 : i32
        %broadcast_in_dim3A_306 = vector.broadcast %broadcast_in_dim3A_305 : i32 to vector<16xi32>
        %gather3A_307 = tpu.vector_load_idx %arg14[%add3A_104, %broadcast_in_dim3A_306] : memref<64x16xf32, #tpu.memory_space<vmem>>[vector<16xi32>, vector<16xi32>], vector<16xf32>,
        %broadcast_in_dim3A_308 = arith.constant 48 : i32
        %broadcast_in_dim3A_309 = vector.broadcast %broadcast_in_dim3A_308 : i32 to vector<16xi32>
        %gather3A_310 = tpu.vector_load_idx %arg11[%add3A_104, %broadcast_in_dim3A_309] : memref<64x128xf32, #tpu.memory_space<vmem>>[vector<16xi32>, vector<16xi32>], vector<16xf32>,
        %mul3A_311 = arith.mulf %gather3A_310, %gather3A_307 : vector<16xf32>
        tpu.vector_store_idx %arg11[%add3A_104, %broadcast_in_dim3A_309], %mul3A_311 : memref<64x128xf32, #tpu.memory_space<vmem>>[vector<16xi32>, vector<16xi32>], vector<16xf32>,
        %broadcast_in_dim3A_312 = arith.constant 49 : i32
        %broadcast_in_dim3A_313 = vector.broadcast %broadcast_in_dim3A_312 : i32 to vector<16xi32>
        %gather3A_314 = tpu.vector_load_idx %arg11[%add3A_104, %broadcast_in_dim3A_313] : memref<64x128xf32, #tpu.memory_space<vmem>>[vector<16xi32>, vector<16xi32>], vector<16xf32>,
        %mul3A_315 = arith.mulf %gather3A_314, %gather3A_307 : vector<16xf32>
        tpu.vector_store_idx %arg11[%add3A_104, %broadcast_in_dim3A_313], %mul3A_315 : memref<64x128xf32, #tpu.memory_space<vmem>>[vector<16xi32>, vector<16xi32>], vector<16xf32>,
        %broadcast_in_dim3A_316 = arith.constant 50 : i32
        %broadcast_in_dim3A_317 = vector.broadcast %broadcast_in_dim3A_316 : i32 to vector<16xi32>
        %gather3A_318 = tpu.vector_load_idx %arg11[%add3A_104, %broadcast_in_dim3A_317] : memref<64x128xf32, #tpu.memory_space<vmem>>[vector<16xi32>, vector<16xi32>], vector<16xf32>,
        %mul3A_319 = arith.mulf %gather3A_318, %gather3A_307 : vector<16xf32>
        tpu.vector_store_idx %arg11[%add3A_104, %broadcast_in_dim3A_317], %mul3A_319 : memref<64x128xf32, #tpu.memory_space<vmem>>[vector<16xi32>, vector<16xi32>], vector<16xf32>,
        %broadcast_in_dim3A_320 = arith.constant 51 : i32
        %broadcast_in_dim3A_321 = vector.broadcast %broadcast_in_dim3A_320 : i32 to vector<16xi32>
        %gather3A_322 = tpu.vector_load_idx %arg11[%add3A_104, %broadcast_in_dim3A_321] : memref<64x128xf32, #tpu.memory_space<vmem>>[vector<16xi32>, vector<16xi32>], vector<16xf32>,
        %mul3A_323 = arith.mulf %gather3A_322, %gather3A_307 : vector<16xf32>
        tpu.vector_store_idx %arg11[%add3A_104, %broadcast_in_dim3A_321], %mul3A_323 : memref<64x128xf32, #tpu.memory_space<vmem>>[vector<16xi32>, vector<16xi32>], vector<16xf32>,
        %broadcast_in_dim3A_324 = arith.constant 52 : i32
        %broadcast_in_dim3A_325 = vector.broadcast %broadcast_in_dim3A_324 : i32 to vector<16xi32>
        %gather3A_326 = tpu.vector_load_idx %arg11[%add3A_104, %broadcast_in_dim3A_325] : memref<64x128xf32, #tpu.memory_space<vmem>>[vector<16xi32>, vector<16xi32>], vector<16xf32>,
        %mul3A_327 = arith.mulf %gather3A_326, %gather3A_307 : vector<16xf32>
        tpu.vector_store_idx %arg11[%add3A_104, %broadcast_in_dim3A_325], %mul3A_327 : memref<64x128xf32, #tpu.memory_space<vmem>>[vector<16xi32>, vector<16xi32>], vector<16xf32>,
        %broadcast_in_dim3A_328 = arith.constant 53 : i32
        %broadcast_in_dim3A_329 = vector.broadcast %broadcast_in_dim3A_328 : i32 to vector<16xi32>
        %gather3A_330 = tpu.vector_load_idx %arg11[%add3A_104, %broadcast_in_dim3A_329] : memref<64x128xf32, #tpu.memory_space<vmem>>[vector<16xi32>, vector<16xi32>], vector<16xf32>,
        %mul3A_331 = arith.mulf %gather3A_330, %gather3A_307 : vector<16xf32>
        tpu.vector_store_idx %arg11[%add3A_104, %broadcast_in_dim3A_329], %mul3A_331 : memref<64x128xf32, #tpu.memory_space<vmem>>[vector<16xi32>, vector<16xi32>], vector<16xf32>,
        %broadcast_in_dim3A_332 = arith.constant 54 : i32
        %broadcast_in_dim3A_333 = vector.broadcast %broadcast_in_dim3A_332 : i32 to vector<16xi32>
        %gather3A_334 = tpu.vector_load_idx %arg11[%add3A_104, %broadcast_in_dim3A_333] : memref<64x128xf32, #tpu.memory_space<vmem>>[vector<16xi32>, vector<16xi32>], vector<16xf32>,
        %mul3A_335 = arith.mulf %gather3A_334, %gather3A_307 : vector<16xf32>
        tpu.vector_store_idx %arg11[%add3A_104, %broadcast_in_dim3A_333], %mul3A_335 : memref<64x128xf32, #tpu.memory_space<vmem>>[vector<16xi32>, vector<16xi32>], vector<16xf32>,
        %broadcast_in_dim3A_336 = arith.constant 55 : i32
        %broadcast_in_dim3A_337 = vector.broadcast %broadcast_in_dim3A_336 : i32 to vector<16xi32>
        %gather3A_338 = tpu.vector_load_idx %arg11[%add3A_104, %broadcast_in_dim3A_337] : memref<64x128xf32, #tpu.memory_space<vmem>>[vector<16xi32>, vector<16xi32>], vector<16xf32>,
        %mul3A_339 = arith.mulf %gather3A_338, %gather3A_307 : vector<16xf32>
        tpu.vector_store_idx %arg11[%add3A_104, %broadcast_in_dim3A_337], %mul3A_339 : memref<64x128xf32, #tpu.memory_space<vmem>>[vector<16xi32>, vector<16xi32>], vector<16xf32>,
        %broadcast_in_dim3A_340 = arith.constant 56 : i32
        %broadcast_in_dim3A_341 = vector.broadcast %broadcast_in_dim3A_340 : i32 to vector<16xi32>
        %gather3A_342 = tpu.vector_load_idx %arg11[%add3A_104, %broadcast_in_dim3A_341] : memref<64x128xf32, #tpu.memory_space<vmem>>[vector<16xi32>, vector<16xi32>], vector<16xf32>,
        %mul3A_343 = arith.mulf %gather3A_342, %gather3A_307 : vector<16xf32>
        tpu.vector_store_idx %arg11[%add3A_104, %broadcast_in_dim3A_341], %mul3A_343 : memref<64x128xf32, #tpu.memory_space<vmem>>[vector<16xi32>, vector<16xi32>], vector<16xf32>,
        %broadcast_in_dim3A_344 = arith.constant 57 : i32
        %broadcast_in_dim3A_345 = vector.broadcast %broadcast_in_dim3A_344 : i32 to vector<16xi32>
        %gather3A_346 = tpu.vector_load_idx %arg11[%add3A_104, %broadcast_in_dim3A_345] : memref<64x128xf32, #tpu.memory_space<vmem>>[vector<16xi32>, vector<16xi32>], vector<16xf32>,
        %mul3A_347 = arith.mulf %gather3A_346, %gather3A_307 : vector<16xf32>
        tpu.vector_store_idx %arg11[%add3A_104, %broadcast_in_dim3A_345], %mul3A_347 : memref<64x128xf32, #tpu.memory_space<vmem>>[vector<16xi32>, vector<16xi32>], vector<16xf32>,
        %broadcast_in_dim3A_348 = arith.constant 58 : i32
        %broadcast_in_dim3A_349 = vector.broadcast %broadcast_in_dim3A_348 : i32 to vector<16xi32>
        %gather3A_350 = tpu.vector_load_idx %arg11[%add3A_104, %broadcast_in_dim3A_349] : memref<64x128xf32, #tpu.memory_space<vmem>>[vector<16xi32>, vector<16xi32>], vector<16xf32>,
        %mul3A_351 = arith.mulf %gather3A_350, %gather3A_307 : vector<16xf32>
        tpu.vector_store_idx %arg11[%add3A_104, %broadcast_in_dim3A_349], %mul3A_351 : memref<64x128xf32, #tpu.memory_space<vmem>>[vector<16xi32>, vector<16xi32>], vector<16xf32>,
        %broadcast_in_dim3A_352 = arith.constant 59 : i32
        %broadcast_in_dim3A_353 = vector.broadcast %broadcast_in_dim3A_352 : i32 to vector<16xi32>
        %gather3A_354 = tpu.vector_load_idx %arg11[%add3A_104, %broadcast_in_dim3A_353] : memref<64x128xf32, #tpu.memory_space<vmem>>[vector<16xi32>, vector<16xi32>], vector<16xf32>,
        %mul3A_355 = arith.mulf %gather3A_354, %gather3A_307 : vector<16xf32>
        tpu.vector_store_idx %arg11[%add3A_104, %broadcast_in_dim3A_353], %mul3A_355 : memref<64x128xf32, #tpu.memory_space<vmem>>[vector<16xi32>, vector<16xi32>], vector<16xf32>,
        %broadcast_in_dim3A_356 = arith.constant 60 : i32
        %broadcast_in_dim3A_357 = vector.broadcast %broadcast_in_dim3A_356 : i32 to vector<16xi32>
        %gather3A_358 = tpu.vector_load_idx %arg11[%add3A_104, %broadcast_in_dim3A_357] : memref<64x128xf32, #tpu.memory_space<vmem>>[vector<16xi32>, vector<16xi32>], vector<16xf32>,
        %mul3A_359 = arith.mulf %gather3A_358, %gather3A_307 : vector<16xf32>
        tpu.vector_store_idx %arg11[%add3A_104, %broadcast_in_dim3A_357], %mul3A_359 : memref<64x128xf32, #tpu.memory_space<vmem>>[vector<16xi32>, vector<16xi32>], vector<16xf32>,
        %broadcast_in_dim3A_360 = arith.constant 61 : i32
        %broadcast_in_dim3A_361 = vector.broadcast %broadcast_in_dim3A_360 : i32 to vector<16xi32>
        %gather3A_362 = tpu.vector_load_idx %arg11[%add3A_104, %broadcast_in_dim3A_361] : memref<64x128xf32, #tpu.memory_space<vmem>>[vector<16xi32>, vector<16xi32>], vector<16xf32>,
        %mul3A_363 = arith.mulf %gather3A_362, %gather3A_307 : vector<16xf32>
        tpu.vector_store_idx %arg11[%add3A_104, %broadcast_in_dim3A_361], %mul3A_363 : memref<64x128xf32, #tpu.memory_space<vmem>>[vector<16xi32>, vector<16xi32>], vector<16xf32>,
        %broadcast_in_dim3A_364 = arith.constant 62 : i32
        %broadcast_in_dim3A_365 = vector.broadcast %broadcast_in_dim3A_364 : i32 to vector<16xi32>
        %gather3A_366 = tpu.vector_load_idx %arg11[%add3A_104, %broadcast_in_dim3A_365] : memref<64x128xf32, #tpu.memory_space<vmem>>[vector<16xi32>, vector<16xi32>], vector<16xf32>,
        %mul3A_367 = arith.mulf %gather3A_366, %gather3A_307 : vector<16xf32>
        tpu.vector_store_idx %arg11[%add3A_104, %broadcast_in_dim3A_365], %mul3A_367 : memref<64x128xf32, #tpu.memory_space<vmem>>[vector<16xi32>, vector<16xi32>], vector<16xf32>,
        %broadcast_in_dim3A_368 = arith.constant 63 : i32
        %broadcast_in_dim3A_369 = vector.broadcast %broadcast_in_dim3A_368 : i32 to vector<16xi32>
        %gather3A_370 = tpu.vector_load_idx %arg11[%add3A_104, %broadcast_in_dim3A_369] : memref<64x128xf32, #tpu.memory_space<vmem>>[vector<16xi32>, vector<16xi32>], vector<16xf32>,
        %mul3A_371 = arith.mulf %gather3A_370, %gather3A_307 : vector<16xf32>
        tpu.vector_store_idx %arg11[%add3A_104, %broadcast_in_dim3A_369], %mul3A_371 : memref<64x128xf32, #tpu.memory_space<vmem>>[vector<16xi32>, vector<16xi32>], vector<16xf32>,
        %broadcast_in_dim3A_372 = arith.constant 4 : i32
        %broadcast_in_dim3A_373 = vector.broadcast %broadcast_in_dim3A_372 : i32 to vector<16xi32>
        %gather3A_374 = tpu.vector_load_idx %arg14[%add3A_104, %broadcast_in_dim3A_373] : memref<64x16xf32, #tpu.memory_space<vmem>>[vector<16xi32>, vector<16xi32>], vector<16xf32>,
        %broadcast_in_dim3A_375 = arith.constant 64 : i32
        %broadcast_in_dim3A_376 = vector.broadcast %broadcast_in_dim3A_375 : i32 to vector<16xi32>
        %gather3A_377 = tpu.vector_load_idx %arg11[%add3A_104, %broadcast_in_dim3A_376] : memref<64x128xf32, #tpu.memory_space<vmem>>[vector<16xi32>, vector<16xi32>], vector<16xf32>,
        %mul3A_378 = arith.mulf %gather3A_377, %gather3A_374 : vector<16xf32>
        tpu.vector_store_idx %arg11[%add3A_104, %broadcast_in_dim3A_376], %mul3A_378 : memref<64x128xf32, #tpu.memory_space<vmem>>[vector<16xi32>, vector<16xi32>], vector<16xf32>,
        %broadcast_in_dim3A_379 = arith.constant 65 : i32
        %broadcast_in_dim3A_380 = vector.broadcast %broadcast_in_dim3A_379 : i32 to vector<16xi32>
        %gather3A_381 = tpu.vector_load_idx %arg11[%add3A_104, %broadcast_in_dim3A_380] : memref<64x128xf32, #tpu.memory_space<vmem>>[vector<16xi32>, vector<16xi32>], vector<16xf32>,
        %mul3A_382 = arith.mulf %gather3A_381, %gather3A_374 : vector<16xf32>
        tpu.vector_store_idx %arg11[%add3A_104, %broadcast_in_dim3A_380], %mul3A_382 : memref<64x128xf32, #tpu.memory_space<vmem>>[vector<16xi32>, vector<16xi32>], vector<16xf32>,
        %broadcast_in_dim3A_383 = arith.constant 66 : i32
        %broadcast_in_dim3A_384 = vector.broadcast %broadcast_in_dim3A_383 : i32 to vector<16xi32>
        %gather3A_385 = tpu.vector_load_idx %arg11[%add3A_104, %broadcast_in_dim3A_384] : memref<64x128xf32, #tpu.memory_space<vmem>>[vector<16xi32>, vector<16xi32>], vector<16xf32>,
        %mul3A_386 = arith.mulf %gather3A_385, %gather3A_374 : vector<16xf32>
        tpu.vector_store_idx %arg11[%add3A_104, %broadcast_in_dim3A_384], %mul3A_386 : memref<64x128xf32, #tpu.memory_space<vmem>>[vector<16xi32>, vector<16xi32>], vector<16xf32>,
        %broadcast_in_dim3A_387 = arith.constant 67 : i32
        %broadcast_in_dim3A_388 = vector.broadcast %broadcast_in_dim3A_387 : i32 to vector<16xi32>
        %gather3A_389 = tpu.vector_load_idx %arg11[%add3A_104, %broadcast_in_dim3A_388] : memref<64x128xf32, #tpu.memory_space<vmem>>[vector<16xi32>, vector<16xi32>], vector<16xf32>,
        %mul3A_390 = arith.mulf %gather3A_389, %gather3A_374 : vector<16xf32>
        tpu.vector_store_idx %arg11[%add3A_104, %broadcast_in_dim3A_388], %mul3A_390 : memref<64x128xf32, #tpu.memory_space<vmem>>[vector<16xi32>, vector<16xi32>], vector<16xf32>,
        %broadcast_in_dim3A_391 = arith.constant 68 : i32
        %broadcast_in_dim3A_392 = vector.broadcast %broadcast_in_dim3A_391 : i32 to vector<16xi32>
        %gather3A_393 = tpu.vector_load_idx %arg11[%add3A_104, %broadcast_in_dim3A_392] : memref<64x128xf32, #tpu.memory_space<vmem>>[vector<16xi32>, vector<16xi32>], vector<16xf32>,
        %mul3A_394 = arith.mulf %gather3A_393, %gather3A_374 : vector<16xf32>
        tpu.vector_store_idx %arg11[%add3A_104, %broadcast_in_dim3A_392], %mul3A_394 : memref<64x128xf32, #tpu.memory_space<vmem>>[vector<16xi32>, vector<16xi32>], vector<16xf32>,
        %broadcast_in_dim3A_395 = arith.constant 69 : i32
        %broadcast_in_dim3A_396 = vector.broadcast %broadcast_in_dim3A_395 : i32 to vector<16xi32>
        %gather3A_397 = tpu.vector_load_idx %arg11[%add3A_104, %broadcast_in_dim3A_396] : memref<64x128xf32, #tpu.memory_space<vmem>>[vector<16xi32>, vector<16xi32>], vector<16xf32>,
        %mul3A_398 = arith.mulf %gather3A_397, %gather3A_374 : vector<16xf32>
        tpu.vector_store_idx %arg11[%add3A_104, %broadcast_in_dim3A_396], %mul3A_398 : memref<64x128xf32, #tpu.memory_space<vmem>>[vector<16xi32>, vector<16xi32>], vector<16xf32>,
        %broadcast_in_dim3A_399 = arith.constant 70 : i32
        %broadcast_in_dim3A_400 = vector.broadcast %broadcast_in_dim3A_399 : i32 to vector<16xi32>
        %gather3A_401 = tpu.vector_load_idx %arg11[%add3A_104, %broadcast_in_dim3A_400] : memref<64x128xf32, #tpu.memory_space<vmem>>[vector<16xi32>, vector<16xi32>], vector<16xf32>,
        %mul3A_402 = arith.mulf %gather3A_401, %gather3A_374 : vector<16xf32>
        tpu.vector_store_idx %arg11[%add3A_104, %broadcast_in_dim3A_400], %mul3A_402 : memref<64x128xf32, #tpu.memory_space<vmem>>[vector<16xi32>, vector<16xi32>], vector<16xf32>,
        %broadcast_in_dim3A_403 = arith.constant 71 : i32
        %broadcast_in_dim3A_404 = vector.broadcast %broadcast_in_dim3A_403 : i32 to vector<16xi32>
        %gather3A_405 = tpu.vector_load_idx %arg11[%add3A_104, %broadcast_in_dim3A_404] : memref<64x128xf32, #tpu.memory_space<vmem>>[vector<16xi32>, vector<16xi32>], vector<16xf32>,
        %mul3A_406 = arith.mulf %gather3A_405, %gather3A_374 : vector<16xf32>
        tpu.vector_store_idx %arg11[%add3A_104, %broadcast_in_dim3A_404], %mul3A_406 : memref<64x128xf32, #tpu.memory_space<vmem>>[vector<16xi32>, vector<16xi32>], vector<16xf32>,
        %broadcast_in_dim3A_407 = arith.constant 72 : i32
        %broadcast_in_dim3A_408 = vector.broadcast %broadcast_in_dim3A_407 : i32 to vector<16xi32>
        %gather3A_409 = tpu.vector_load_idx %arg11[%add3A_104, %broadcast_in_dim3A_408] : memref<64x128xf32, #tpu.memory_space<vmem>>[vector<16xi32>, vector<16xi32>], vector<16xf32>,
        %mul3A_410 = arith.mulf %gather3A_409, %gather3A_374 : vector<16xf32>
        tpu.vector_store_idx %arg11[%add3A_104, %broadcast_in_dim3A_408], %mul3A_410 : memref<64x128xf32, #tpu.memory_space<vmem>>[vector<16xi32>, vector<16xi32>], vector<16xf32>,
        %broadcast_in_dim3A_411 = arith.constant 73 : i32
        %broadcast_in_dim3A_412 = vector.broadcast %broadcast_in_dim3A_411 : i32 to vector<16xi32>
        %gather3A_413 = tpu.vector_load_idx %arg11[%add3A_104, %broadcast_in_dim3A_412] : memref<64x128xf32, #tpu.memory_space<vmem>>[vector<16xi32>, vector<16xi32>], vector<16xf32>,
        %mul3A_414 = arith.mulf %gather3A_413, %gather3A_374 : vector<16xf32>
        tpu.vector_store_idx %arg11[%add3A_104, %broadcast_in_dim3A_412], %mul3A_414 : memref<64x128xf32, #tpu.memory_space<vmem>>[vector<16xi32>, vector<16xi32>], vector<16xf32>,
        %broadcast_in_dim3A_415 = arith.constant 74 : i32
        %broadcast_in_dim3A_416 = vector.broadcast %broadcast_in_dim3A_415 : i32 to vector<16xi32>
        %gather3A_417 = tpu.vector_load_idx %arg11[%add3A_104, %broadcast_in_dim3A_416] : memref<64x128xf32, #tpu.memory_space<vmem>>[vector<16xi32>, vector<16xi32>], vector<16xf32>,
        %mul3A_418 = arith.mulf %gather3A_417, %gather3A_374 : vector<16xf32>
        tpu.vector_store_idx %arg11[%add3A_104, %broadcast_in_dim3A_416], %mul3A_418 : memref<64x128xf32, #tpu.memory_space<vmem>>[vector<16xi32>, vector<16xi32>], vector<16xf32>,
        %broadcast_in_dim3A_419 = arith.constant 75 : i32
        %broadcast_in_dim3A_420 = vector.broadcast %broadcast_in_dim3A_419 : i32 to vector<16xi32>
        %gather3A_421 = tpu.vector_load_idx %arg11[%add3A_104, %broadcast_in_dim3A_420] : memref<64x128xf32, #tpu.memory_space<vmem>>[vector<16xi32>, vector<16xi32>], vector<16xf32>,
        %mul3A_422 = arith.mulf %gather3A_421, %gather3A_374 : vector<16xf32>
        tpu.vector_store_idx %arg11[%add3A_104, %broadcast_in_dim3A_420], %mul3A_422 : memref<64x128xf32, #tpu.memory_space<vmem>>[vector<16xi32>, vector<16xi32>], vector<16xf32>,
        %broadcast_in_dim3A_423 = arith.constant 76 : i32
        %broadcast_in_dim3A_424 = vector.broadcast %broadcast_in_dim3A_423 : i32 to vector<16xi32>
        %gather3A_425 = tpu.vector_load_idx %arg11[%add3A_104, %broadcast_in_dim3A_424] : memref<64x128xf32, #tpu.memory_space<vmem>>[vector<16xi32>, vector<16xi32>], vector<16xf32>,
        %mul3A_426 = arith.mulf %gather3A_425, %gather3A_374 : vector<16xf32>
        tpu.vector_store_idx %arg11[%add3A_104, %broadcast_in_dim3A_424], %mul3A_426 : memref<64x128xf32, #tpu.memory_space<vmem>>[vector<16xi32>, vector<16xi32>], vector<16xf32>,
        %broadcast_in_dim3A_427 = arith.constant 77 : i32
        %broadcast_in_dim3A_428 = vector.broadcast %broadcast_in_dim3A_427 : i32 to vector<16xi32>
        %gather3A_429 = tpu.vector_load_idx %arg11[%add3A_104, %broadcast_in_dim3A_428] : memref<64x128xf32, #tpu.memory_space<vmem>>[vector<16xi32>, vector<16xi32>], vector<16xf32>,
        %mul3A_430 = arith.mulf %gather3A_429, %gather3A_374 : vector<16xf32>
        tpu.vector_store_idx %arg11[%add3A_104, %broadcast_in_dim3A_428], %mul3A_430 : memref<64x128xf32, #tpu.memory_space<vmem>>[vector<16xi32>, vector<16xi32>], vector<16xf32>,
        %broadcast_in_dim3A_431 = arith.constant 78 : i32
        %broadcast_in_dim3A_432 = vector.broadcast %broadcast_in_dim3A_431 : i32 to vector<16xi32>
        %gather3A_433 = tpu.vector_load_idx %arg11[%add3A_104, %broadcast_in_dim3A_432] : memref<64x128xf32, #tpu.memory_space<vmem>>[vector<16xi32>, vector<16xi32>], vector<16xf32>,
        %mul3A_434 = arith.mulf %gather3A_433, %gather3A_374 : vector<16xf32>
        tpu.vector_store_idx %arg11[%add3A_104, %broadcast_in_dim3A_432], %mul3A_434 : memref<64x128xf32, #tpu.memory_space<vmem>>[vector<16xi32>, vector<16xi32>], vector<16xf32>,
        %broadcast_in_dim3A_435 = arith.constant 79 : i32
        %broadcast_in_dim3A_436 = vector.broadcast %broadcast_in_dim3A_435 : i32 to vector<16xi32>
        %gather3A_437 = tpu.vector_load_idx %arg11[%add3A_104, %broadcast_in_dim3A_436] : memref<64x128xf32, #tpu.memory_space<vmem>>[vector<16xi32>, vector<16xi32>], vector<16xf32>,
        %mul3A_438 = arith.mulf %gather3A_437, %gather3A_374 : vector<16xf32>
        tpu.vector_store_idx %arg11[%add3A_104, %broadcast_in_dim3A_436], %mul3A_438 : memref<64x128xf32, #tpu.memory_space<vmem>>[vector<16xi32>, vector<16xi32>], vector<16xf32>,
        %broadcast_in_dim3A_439 = arith.constant 5 : i32
        %broadcast_in_dim3A_440 = vector.broadcast %broadcast_in_dim3A_439 : i32 to vector<16xi32>
        %gather3A_441 = tpu.vector_load_idx %arg14[%add3A_104, %broadcast_in_dim3A_440] : memref<64x16xf32, #tpu.memory_space<vmem>>[vector<16xi32>, vector<16xi32>], vector<16xf32>,
        %broadcast_in_dim3A_442 = arith.constant 80 : i32
        %broadcast_in_dim3A_443 = vector.broadcast %broadcast_in_dim3A_442 : i32 to vector<16xi32>
        %gather3A_444 = tpu.vector_load_idx %arg11[%add3A_104, %broadcast_in_dim3A_443] : memref<64x128xf32, #tpu.memory_space<vmem>>[vector<16xi32>, vector<16xi32>], vector<16xf32>,
        %mul3A_445 = arith.mulf %gather3A_444, %gather3A_441 : vector<16xf32>
        tpu.vector_store_idx %arg11[%add3A_104, %broadcast_in_dim3A_443], %mul3A_445 : memref<64x128xf32, #tpu.memory_space<vmem>>[vector<16xi32>, vector<16xi32>], vector<16xf32>,
        %broadcast_in_dim3A_446 = arith.constant 81 : i32
        %broadcast_in_dim3A_447 = vector.broadcast %broadcast_in_dim3A_446 : i32 to vector<16xi32>
        %gather3A_448 = tpu.vector_load_idx %arg11[%add3A_104, %broadcast_in_dim3A_447] : memref<64x128xf32, #tpu.memory_space<vmem>>[vector<16xi32>, vector<16xi32>], vector<16xf32>,
        %mul3A_449 = arith.mulf %gather3A_448, %gather3A_441 : vector<16xf32>
        tpu.vector_store_idx %arg11[%add3A_104, %broadcast_in_dim3A_447], %mul3A_449 : memref<64x128xf32, #tpu.memory_space<vmem>>[vector<16xi32>, vector<16xi32>], vector<16xf32>,
        %broadcast_in_dim3A_450 = arith.constant 82 : i32
        %broadcast_in_dim3A_451 = vector.broadcast %broadcast_in_dim3A_450 : i32 to vector<16xi32>
        %gather3A_452 = tpu.vector_load_idx %arg11[%add3A_104, %broadcast_in_dim3A_451] : memref<64x128xf32, #tpu.memory_space<vmem>>[vector<16xi32>, vector<16xi32>], vector<16xf32>,
        %mul3A_453 = arith.mulf %gather3A_452, %gather3A_441 : vector<16xf32>
        tpu.vector_store_idx %arg11[%add3A_104, %broadcast_in_dim3A_451], %mul3A_453 : memref<64x128xf32, #tpu.memory_space<vmem>>[vector<16xi32>, vector<16xi32>], vector<16xf32>,
        %broadcast_in_dim3A_454 = arith.constant 83 : i32
        %broadcast_in_dim3A_455 = vector.broadcast %broadcast_in_dim3A_454 : i32 to vector<16xi32>
        %gather3A_456 = tpu.vector_load_idx %arg11[%add3A_104, %broadcast_in_dim3A_455] : memref<64x128xf32, #tpu.memory_space<vmem>>[vector<16xi32>, vector<16xi32>], vector<16xf32>,
        %mul3A_457 = arith.mulf %gather3A_456, %gather3A_441 : vector<16xf32>
        tpu.vector_store_idx %arg11[%add3A_104, %broadcast_in_dim3A_455], %mul3A_457 : memref<64x128xf32, #tpu.memory_space<vmem>>[vector<16xi32>, vector<16xi32>], vector<16xf32>,
        %broadcast_in_dim3A_458 = arith.constant 84 : i32
        %broadcast_in_dim3A_459 = vector.broadcast %broadcast_in_dim3A_458 : i32 to vector<16xi32>
        %gather3A_460 = tpu.vector_load_idx %arg11[%add3A_104, %broadcast_in_dim3A_459] : memref<64x128xf32, #tpu.memory_space<vmem>>[vector<16xi32>, vector<16xi32>], vector<16xf32>,
        %mul3A_461 = arith.mulf %gather3A_460, %gather3A_441 : vector<16xf32>
        tpu.vector_store_idx %arg11[%add3A_104, %broadcast_in_dim3A_459], %mul3A_461 : memref<64x128xf32, #tpu.memory_space<vmem>>[vector<16xi32>, vector<16xi32>], vector<16xf32>,
        %broadcast_in_dim3A_462 = arith.constant 85 : i32
        %broadcast_in_dim3A_463 = vector.broadcast %broadcast_in_dim3A_462 : i32 to vector<16xi32>
        %gather3A_464 = tpu.vector_load_idx %arg11[%add3A_104, %broadcast_in_dim3A_463] : memref<64x128xf32, #tpu.memory_space<vmem>>[vector<16xi32>, vector<16xi32>], vector<16xf32>,
        %mul3A_465 = arith.mulf %gather3A_464, %gather3A_441 : vector<16xf32>
        tpu.vector_store_idx %arg11[%add3A_104, %broadcast_in_dim3A_463], %mul3A_465 : memref<64x128xf32, #tpu.memory_space<vmem>>[vector<16xi32>, vector<16xi32>], vector<16xf32>,
        %broadcast_in_dim3A_466 = arith.constant 86 : i32
        %broadcast_in_dim3A_467 = vector.broadcast %broadcast_in_dim3A_466 : i32 to vector<16xi32>
        %gather3A_468 = tpu.vector_load_idx %arg11[%add3A_104, %broadcast_in_dim3A_467] : memref<64x128xf32, #tpu.memory_space<vmem>>[vector<16xi32>, vector<16xi32>], vector<16xf32>,
        %mul3A_469 = arith.mulf %gather3A_468, %gather3A_441 : vector<16xf32>
        tpu.vector_store_idx %arg11[%add3A_104, %broadcast_in_dim3A_467], %mul3A_469 : memref<64x128xf32, #tpu.memory_space<vmem>>[vector<16xi32>, vector<16xi32>], vector<16xf32>,
        %broadcast_in_dim3A_470 = arith.constant 87 : i32
        %broadcast_in_dim3A_471 = vector.broadcast %broadcast_in_dim3A_470 : i32 to vector<16xi32>
        %gather3A_472 = tpu.vector_load_idx %arg11[%add3A_104, %broadcast_in_dim3A_471] : memref<64x128xf32, #tpu.memory_space<vmem>>[vector<16xi32>, vector<16xi32>], vector<16xf32>,
        %mul3A_473 = arith.mulf %gather3A_472, %gather3A_441 : vector<16xf32>
        tpu.vector_store_idx %arg11[%add3A_104, %broadcast_in_dim3A_471], %mul3A_473 : memref<64x128xf32, #tpu.memory_space<vmem>>[vector<16xi32>, vector<16xi32>], vector<16xf32>,
        %broadcast_in_dim3A_474 = arith.constant 88 : i32
        %broadcast_in_dim3A_475 = vector.broadcast %broadcast_in_dim3A_474 : i32 to vector<16xi32>
        %gather3A_476 = tpu.vector_load_idx %arg11[%add3A_104, %broadcast_in_dim3A_475] : memref<64x128xf32, #tpu.memory_space<vmem>>[vector<16xi32>, vector<16xi32>], vector<16xf32>,
        %mul3A_477 = arith.mulf %gather3A_476, %gather3A_441 : vector<16xf32>
        tpu.vector_store_idx %arg11[%add3A_104, %broadcast_in_dim3A_475], %mul3A_477 : memref<64x128xf32, #tpu.memory_space<vmem>>[vector<16xi32>, vector<16xi32>], vector<16xf32>,
        %broadcast_in_dim3A_478 = arith.constant 89 : i32
        %broadcast_in_dim3A_479 = vector.broadcast %broadcast_in_dim3A_478 : i32 to vector<16xi32>
        %gather3A_480 = tpu.vector_load_idx %arg11[%add3A_104, %broadcast_in_dim3A_479] : memref<64x128xf32, #tpu.memory_space<vmem>>[vector<16xi32>, vector<16xi32>], vector<16xf32>,
        %mul3A_481 = arith.mulf %gather3A_480, %gather3A_441 : vector<16xf32>
        tpu.vector_store_idx %arg11[%add3A_104, %broadcast_in_dim3A_479], %mul3A_481 : memref<64x128xf32, #tpu.memory_space<vmem>>[vector<16xi32>, vector<16xi32>], vector<16xf32>,
        %broadcast_in_dim3A_482 = arith.constant 90 : i32
        %broadcast_in_dim3A_483 = vector.broadcast %broadcast_in_dim3A_482 : i32 to vector<16xi32>
        %gather3A_484 = tpu.vector_load_idx %arg11[%add3A_104, %broadcast_in_dim3A_483] : memref<64x128xf32, #tpu.memory_space<vmem>>[vector<16xi32>, vector<16xi32>], vector<16xf32>,
        %mul3A_485 = arith.mulf %gather3A_484, %gather3A_441 : vector<16xf32>
        tpu.vector_store_idx %arg11[%add3A_104, %broadcast_in_dim3A_483], %mul3A_485 : memref<64x128xf32, #tpu.memory_space<vmem>>[vector<16xi32>, vector<16xi32>], vector<16xf32>,
        %broadcast_in_dim3A_486 = arith.constant 91 : i32
        %broadcast_in_dim3A_487 = vector.broadcast %broadcast_in_dim3A_486 : i32 to vector<16xi32>
        %gather3A_488 = tpu.vector_load_idx %arg11[%add3A_104, %broadcast_in_dim3A_487] : memref<64x128xf32, #tpu.memory_space<vmem>>[vector<16xi32>, vector<16xi32>], vector<16xf32>,
        %mul3A_489 = arith.mulf %gather3A_488, %gather3A_441 : vector<16xf32>
        tpu.vector_store_idx %arg11[%add3A_104, %broadcast_in_dim3A_487], %mul3A_489 : memref<64x128xf32, #tpu.memory_space<vmem>>[vector<16xi32>, vector<16xi32>], vector<16xf32>,
        %broadcast_in_dim3A_490 = arith.constant 92 : i32
        %broadcast_in_dim3A_491 = vector.broadcast %broadcast_in_dim3A_490 : i32 to vector<16xi32>
        %gather3A_492 = tpu.vector_load_idx %arg11[%add3A_104, %broadcast_in_dim3A_491] : memref<64x128xf32, #tpu.memory_space<vmem>>[vector<16xi32>, vector<16xi32>], vector<16xf32>,
        %mul3A_493 = arith.mulf %gather3A_492, %gather3A_441 : vector<16xf32>
        tpu.vector_store_idx %arg11[%add3A_104, %broadcast_in_dim3A_491], %mul3A_493 : memref<64x128xf32, #tpu.memory_space<vmem>>[vector<16xi32>, vector<16xi32>], vector<16xf32>,
        %broadcast_in_dim3A_494 = arith.constant 93 : i32
        %broadcast_in_dim3A_495 = vector.broadcast %broadcast_in_dim3A_494 : i32 to vector<16xi32>
        %gather3A_496 = tpu.vector_load_idx %arg11[%add3A_104, %broadcast_in_dim3A_495] : memref<64x128xf32, #tpu.memory_space<vmem>>[vector<16xi32>, vector<16xi32>], vector<16xf32>,
        %mul3A_497 = arith.mulf %gather3A_496, %gather3A_441 : vector<16xf32>
        tpu.vector_store_idx %arg11[%add3A_104, %broadcast_in_dim3A_495], %mul3A_497 : memref<64x128xf32, #tpu.memory_space<vmem>>[vector<16xi32>, vector<16xi32>], vector<16xf32>,
        %broadcast_in_dim3A_498 = arith.constant 94 : i32
        %broadcast_in_dim3A_499 = vector.broadcast %broadcast_in_dim3A_498 : i32 to vector<16xi32>
        %gather3A_500 = tpu.vector_load_idx %arg11[%add3A_104, %broadcast_in_dim3A_499] : memref<64x128xf32, #tpu.memory_space<vmem>>[vector<16xi32>, vector<16xi32>], vector<16xf32>,
        %mul3A_501 = arith.mulf %gather3A_500, %gather3A_441 : vector<16xf32>
        tpu.vector_store_idx %arg11[%add3A_104, %broadcast_in_dim3A_499], %mul3A_501 : memref<64x128xf32, #tpu.memory_space<vmem>>[vector<16xi32>, vector<16xi32>], vector<16xf32>,
        %broadcast_in_dim3A_502 = arith.constant 95 : i32
        %broadcast_in_dim3A_503 = vector.broadcast %broadcast_in_dim3A_502 : i32 to vector<16xi32>
        %gather3A_504 = tpu.vector_load_idx %arg11[%add3A_104, %broadcast_in_dim3A_503] : memref<64x128xf32, #tpu.memory_space<vmem>>[vector<16xi32>, vector<16xi32>], vector<16xf32>,
        %mul3A_505 = arith.mulf %gather3A_504, %gather3A_441 : vector<16xf32>
        tpu.vector_store_idx %arg11[%add3A_104, %broadcast_in_dim3A_503], %mul3A_505 : memref<64x128xf32, #tpu.memory_space<vmem>>[vector<16xi32>, vector<16xi32>], vector<16xf32>,
        %broadcast_in_dim3A_506 = arith.constant 6 : i32
        %broadcast_in_dim3A_507 = vector.broadcast %broadcast_in_dim3A_506 : i32 to vector<16xi32>
        %gather3A_508 = tpu.vector_load_idx %arg14[%add3A_104, %broadcast_in_dim3A_507] : memref<64x16xf32, #tpu.memory_space<vmem>>[vector<16xi32>, vector<16xi32>], vector<16xf32>,
        %broadcast_in_dim3A_509 = arith.constant 96 : i32
        %broadcast_in_dim3A_510 = vector.broadcast %broadcast_in_dim3A_509 : i32 to vector<16xi32>
        %gather3A_511 = tpu.vector_load_idx %arg11[%add3A_104, %broadcast_in_dim3A_510] : memref<64x128xf32, #tpu.memory_space<vmem>>[vector<16xi32>, vector<16xi32>], vector<16xf32>,
        %mul3A_512 = arith.mulf %gather3A_511, %gather3A_508 : vector<16xf32>
        tpu.vector_store_idx %arg11[%add3A_104, %broadcast_in_dim3A_510], %mul3A_512 : memref<64x128xf32, #tpu.memory_space<vmem>>[vector<16xi32>, vector<16xi32>], vector<16xf32>,
        %broadcast_in_dim3A_513 = arith.constant 97 : i32
        %broadcast_in_dim3A_514 = vector.broadcast %broadcast_in_dim3A_513 : i32 to vector<16xi32>
        %gather3A_515 = tpu.vector_load_idx %arg11[%add3A_104, %broadcast_in_dim3A_514] : memref<64x128xf32, #tpu.memory_space<vmem>>[vector<16xi32>, vector<16xi32>], vector<16xf32>,
        %mul3A_516 = arith.mulf %gather3A_515, %gather3A_508 : vector<16xf32>
        tpu.vector_store_idx %arg11[%add3A_104, %broadcast_in_dim3A_514], %mul3A_516 : memref<64x128xf32, #tpu.memory_space<vmem>>[vector<16xi32>, vector<16xi32>], vector<16xf32>,
        %broadcast_in_dim3A_517 = arith.constant 98 : i32
        %broadcast_in_dim3A_518 = vector.broadcast %broadcast_in_dim3A_517 : i32 to vector<16xi32>
        %gather3A_519 = tpu.vector_load_idx %arg11[%add3A_104, %broadcast_in_dim3A_518] : memref<64x128xf32, #tpu.memory_space<vmem>>[vector<16xi32>, vector<16xi32>], vector<16xf32>,
        %mul3A_520 = arith.mulf %gather3A_519, %gather3A_508 : vector<16xf32>
        tpu.vector_store_idx %arg11[%add3A_104, %broadcast_in_dim3A_518], %mul3A_520 : memref<64x128xf32, #tpu.memory_space<vmem>>[vector<16xi32>, vector<16xi32>], vector<16xf32>,
        %broadcast_in_dim3A_521 = arith.constant 99 : i32
        %broadcast_in_dim3A_522 = vector.broadcast %broadcast_in_dim3A_521 : i32 to vector<16xi32>
        %gather3A_523 = tpu.vector_load_idx %arg11[%add3A_104, %broadcast_in_dim3A_522] : memref<64x128xf32, #tpu.memory_space<vmem>>[vector<16xi32>, vector<16xi32>], vector<16xf32>,
        %mul3A_524 = arith.mulf %gather3A_523, %gather3A_508 : vector<16xf32>
        tpu.vector_store_idx %arg11[%add3A_104, %broadcast_in_dim3A_522], %mul3A_524 : memref<64x128xf32, #tpu.memory_space<vmem>>[vector<16xi32>, vector<16xi32>], vector<16xf32>,
        %broadcast_in_dim3A_525 = arith.constant 100 : i32
        %broadcast_in_dim3A_526 = vector.broadcast %broadcast_in_dim3A_525 : i32 to vector<16xi32>
        %gather3A_527 = tpu.vector_load_idx %arg11[%add3A_104, %broadcast_in_dim3A_526] : memref<64x128xf32, #tpu.memory_space<vmem>>[vector<16xi32>, vector<16xi32>], vector<16xf32>,
        %mul3A_528 = arith.mulf %gather3A_527, %gather3A_508 : vector<16xf32>
        tpu.vector_store_idx %arg11[%add3A_104, %broadcast_in_dim3A_526], %mul3A_528 : memref<64x128xf32, #tpu.memory_space<vmem>>[vector<16xi32>, vector<16xi32>], vector<16xf32>,
        %broadcast_in_dim3A_529 = arith.constant 101 : i32
        %broadcast_in_dim3A_530 = vector.broadcast %broadcast_in_dim3A_529 : i32 to vector<16xi32>
        %gather3A_531 = tpu.vector_load_idx %arg11[%add3A_104, %broadcast_in_dim3A_530] : memref<64x128xf32, #tpu.memory_space<vmem>>[vector<16xi32>, vector<16xi32>], vector<16xf32>,
        %mul3A_532 = arith.mulf %gather3A_531, %gather3A_508 : vector<16xf32>
        tpu.vector_store_idx %arg11[%add3A_104, %broadcast_in_dim3A_530], %mul3A_532 : memref<64x128xf32, #tpu.memory_space<vmem>>[vector<16xi32>, vector<16xi32>], vector<16xf32>,
        %broadcast_in_dim3A_533 = arith.constant 102 : i32
        %broadcast_in_dim3A_534 = vector.broadcast %broadcast_in_dim3A_533 : i32 to vector<16xi32>
        %gather3A_535 = tpu.vector_load_idx %arg11[%add3A_104, %broadcast_in_dim3A_534] : memref<64x128xf32, #tpu.memory_space<vmem>>[vector<16xi32>, vector<16xi32>], vector<16xf32>,
        %mul3A_536 = arith.mulf %gather3A_535, %gather3A_508 : vector<16xf32>
        tpu.vector_store_idx %arg11[%add3A_104, %broadcast_in_dim3A_534], %mul3A_536 : memref<64x128xf32, #tpu.memory_space<vmem>>[vector<16xi32>, vector<16xi32>], vector<16xf32>,
        %broadcast_in_dim3A_537 = arith.constant 103 : i32
        %broadcast_in_dim3A_538 = vector.broadcast %broadcast_in_dim3A_537 : i32 to vector<16xi32>
        %gather3A_539 = tpu.vector_load_idx %arg11[%add3A_104, %broadcast_in_dim3A_538] : memref<64x128xf32, #tpu.memory_space<vmem>>[vector<16xi32>, vector<16xi32>], vector<16xf32>,
        %mul3A_540 = arith.mulf %gather3A_539, %gather3A_508 : vector<16xf32>
        tpu.vector_store_idx %arg11[%add3A_104, %broadcast_in_dim3A_538], %mul3A_540 : memref<64x128xf32, #tpu.memory_space<vmem>>[vector<16xi32>, vector<16xi32>], vector<16xf32>,
        %broadcast_in_dim3A_541 = arith.constant 104 : i32
        %broadcast_in_dim3A_542 = vector.broadcast %broadcast_in_dim3A_541 : i32 to vector<16xi32>
        %gather3A_543 = tpu.vector_load_idx %arg11[%add3A_104, %broadcast_in_dim3A_542] : memref<64x128xf32, #tpu.memory_space<vmem>>[vector<16xi32>, vector<16xi32>], vector<16xf32>,
        %mul3A_544 = arith.mulf %gather3A_543, %gather3A_508 : vector<16xf32>
        tpu.vector_store_idx %arg11[%add3A_104, %broadcast_in_dim3A_542], %mul3A_544 : memref<64x128xf32, #tpu.memory_space<vmem>>[vector<16xi32>, vector<16xi32>], vector<16xf32>,
        %broadcast_in_dim3A_545 = arith.constant 105 : i32
        %broadcast_in_dim3A_546 = vector.broadcast %broadcast_in_dim3A_545 : i32 to vector<16xi32>
        %gather3A_547 = tpu.vector_load_idx %arg11[%add3A_104, %broadcast_in_dim3A_546] : memref<64x128xf32, #tpu.memory_space<vmem>>[vector<16xi32>, vector<16xi32>], vector<16xf32>,
        %mul3A_548 = arith.mulf %gather3A_547, %gather3A_508 : vector<16xf32>
        tpu.vector_store_idx %arg11[%add3A_104, %broadcast_in_dim3A_546], %mul3A_548 : memref<64x128xf32, #tpu.memory_space<vmem>>[vector<16xi32>, vector<16xi32>], vector<16xf32>,
        %broadcast_in_dim3A_549 = arith.constant 106 : i32
        %broadcast_in_dim3A_550 = vector.broadcast %broadcast_in_dim3A_549 : i32 to vector<16xi32>
        %gather3A_551 = tpu.vector_load_idx %arg11[%add3A_104, %broadcast_in_dim3A_550] : memref<64x128xf32, #tpu.memory_space<vmem>>[vector<16xi32>, vector<16xi32>], vector<16xf32>,
        %mul3A_552 = arith.mulf %gather3A_551, %gather3A_508 : vector<16xf32>
        tpu.vector_store_idx %arg11[%add3A_104, %broadcast_in_dim3A_550], %mul3A_552 : memref<64x128xf32, #tpu.memory_space<vmem>>[vector<16xi32>, vector<16xi32>], vector<16xf32>,
        %broadcast_in_dim3A_553 = arith.constant 107 : i32
        %broadcast_in_dim3A_554 = vector.broadcast %broadcast_in_dim3A_553 : i32 to vector<16xi32>
        %gather3A_555 = tpu.vector_load_idx %arg11[%add3A_104, %broadcast_in_dim3A_554] : memref<64x128xf32, #tpu.memory_space<vmem>>[vector<16xi32>, vector<16xi32>], vector<16xf32>,
        %mul3A_556 = arith.mulf %gather3A_555, %gather3A_508 : vector<16xf32>
        tpu.vector_store_idx %arg11[%add3A_104, %broadcast_in_dim3A_554], %mul3A_556 : memref<64x128xf32, #tpu.memory_space<vmem>>[vector<16xi32>, vector<16xi32>], vector<16xf32>,
        %broadcast_in_dim3A_557 = arith.constant 108 : i32
        %broadcast_in_dim3A_558 = vector.broadcast %broadcast_in_dim3A_557 : i32 to vector<16xi32>
        %gather3A_559 = tpu.vector_load_idx %arg11[%add3A_104, %broadcast_in_dim3A_558] : memref<64x128xf32, #tpu.memory_space<vmem>>[vector<16xi32>, vector<16xi32>], vector<16xf32>,
        %mul3A_560 = arith.mulf %gather3A_559, %gather3A_508 : vector<16xf32>
        tpu.vector_store_idx %arg11[%add3A_104, %broadcast_in_dim3A_558], %mul3A_560 : memref<64x128xf32, #tpu.memory_space<vmem>>[vector<16xi32>, vector<16xi32>], vector<16xf32>,
        %broadcast_in_dim3A_561 = arith.constant 109 : i32
        %broadcast_in_dim3A_562 = vector.broadcast %broadcast_in_dim3A_561 : i32 to vector<16xi32>
        %gather3A_563 = tpu.vector_load_idx %arg11[%add3A_104, %broadcast_in_dim3A_562] : memref<64x128xf32, #tpu.memory_space<vmem>>[vector<16xi32>, vector<16xi32>], vector<16xf32>,
        %mul3A_564 = arith.mulf %gather3A_563, %gather3A_508 : vector<16xf32>
        tpu.vector_store_idx %arg11[%add3A_104, %broadcast_in_dim3A_562], %mul3A_564 : memref<64x128xf32, #tpu.memory_space<vmem>>[vector<16xi32>, vector<16xi32>], vector<16xf32>,
        %broadcast_in_dim3A_565 = arith.constant 110 : i32
        %broadcast_in_dim3A_566 = vector.broadcast %broadcast_in_dim3A_565 : i32 to vector<16xi32>
        %gather3A_567 = tpu.vector_load_idx %arg11[%add3A_104, %broadcast_in_dim3A_566] : memref<64x128xf32, #tpu.memory_space<vmem>>[vector<16xi32>, vector<16xi32>], vector<16xf32>,
        %mul3A_568 = arith.mulf %gather3A_567, %gather3A_508 : vector<16xf32>
        tpu.vector_store_idx %arg11[%add3A_104, %broadcast_in_dim3A_566], %mul3A_568 : memref<64x128xf32, #tpu.memory_space<vmem>>[vector<16xi32>, vector<16xi32>], vector<16xf32>,
        %broadcast_in_dim3A_569 = arith.constant 111 : i32
        %broadcast_in_dim3A_570 = vector.broadcast %broadcast_in_dim3A_569 : i32 to vector<16xi32>
        %gather3A_571 = tpu.vector_load_idx %arg11[%add3A_104, %broadcast_in_dim3A_570] : memref<64x128xf32, #tpu.memory_space<vmem>>[vector<16xi32>, vector<16xi32>], vector<16xf32>,
        %mul3A_572 = arith.mulf %gather3A_571, %gather3A_508 : vector<16xf32>
        tpu.vector_store_idx %arg11[%add3A_104, %broadcast_in_dim3A_570], %mul3A_572 : memref<64x128xf32, #tpu.memory_space<vmem>>[vector<16xi32>, vector<16xi32>], vector<16xf32>,
        %broadcast_in_dim3A_573 = arith.constant 7 : i32
        %broadcast_in_dim3A_574 = vector.broadcast %broadcast_in_dim3A_573 : i32 to vector<16xi32>
        %gather3A_575 = tpu.vector_load_idx %arg14[%add3A_104, %broadcast_in_dim3A_574] : memref<64x16xf32, #tpu.memory_space<vmem>>[vector<16xi32>, vector<16xi32>], vector<16xf32>,
        %broadcast_in_dim3A_576 = arith.constant 112 : i32
        %broadcast_in_dim3A_577 = vector.broadcast %broadcast_in_dim3A_576 : i32 to vector<16xi32>
        %gather3A_578 = tpu.vector_load_idx %arg11[%add3A_104, %broadcast_in_dim3A_577] : memref<64x128xf32, #tpu.memory_space<vmem>>[vector<16xi32>, vector<16xi32>], vector<16xf32>,
        %mul3A_579 = arith.mulf %gather3A_578, %gather3A_575 : vector<16xf32>
        tpu.vector_store_idx %arg11[%add3A_104, %broadcast_in_dim3A_577], %mul3A_579 : memref<64x128xf32, #tpu.memory_space<vmem>>[vector<16xi32>, vector<16xi32>], vector<16xf32>,
        %broadcast_in_dim3A_580 = arith.constant 113 : i32
        %broadcast_in_dim3A_581 = vector.broadcast %broadcast_in_dim3A_580 : i32 to vector<16xi32>
        %gather3A_582 = tpu.vector_load_idx %arg11[%add3A_104, %broadcast_in_dim3A_581] : memref<64x128xf32, #tpu.memory_space<vmem>>[vector<16xi32>, vector<16xi32>], vector<16xf32>,
        %mul3A_583 = arith.mulf %gather3A_582, %gather3A_575 : vector<16xf32>
        tpu.vector_store_idx %arg11[%add3A_104, %broadcast_in_dim3A_581], %mul3A_583 : memref<64x128xf32, #tpu.memory_space<vmem>>[vector<16xi32>, vector<16xi32>], vector<16xf32>,
        %broadcast_in_dim3A_584 = arith.constant 114 : i32
        %broadcast_in_dim3A_585 = vector.broadcast %broadcast_in_dim3A_584 : i32 to vector<16xi32>
        %gather3A_586 = tpu.vector_load_idx %arg11[%add3A_104, %broadcast_in_dim3A_585] : memref<64x128xf32, #tpu.memory_space<vmem>>[vector<16xi32>, vector<16xi32>], vector<16xf32>,
        %mul3A_587 = arith.mulf %gather3A_586, %gather3A_575 : vector<16xf32>
        tpu.vector_store_idx %arg11[%add3A_104, %broadcast_in_dim3A_585], %mul3A_587 : memref<64x128xf32, #tpu.memory_space<vmem>>[vector<16xi32>, vector<16xi32>], vector<16xf32>,
        %broadcast_in_dim3A_588 = arith.constant 115 : i32
        %broadcast_in_dim3A_589 = vector.broadcast %broadcast_in_dim3A_588 : i32 to vector<16xi32>
        %gather3A_590 = tpu.vector_load_idx %arg11[%add3A_104, %broadcast_in_dim3A_589] : memref<64x128xf32, #tpu.memory_space<vmem>>[vector<16xi32>, vector<16xi32>], vector<16xf32>,
        %mul3A_591 = arith.mulf %gather3A_590, %gather3A_575 : vector<16xf32>
        tpu.vector_store_idx %arg11[%add3A_104, %broadcast_in_dim3A_589], %mul3A_591 : memref<64x128xf32, #tpu.memory_space<vmem>>[vector<16xi32>, vector<16xi32>], vector<16xf32>,
        %broadcast_in_dim3A_592 = arith.constant 116 : i32
        %broadcast_in_dim3A_593 = vector.broadcast %broadcast_in_dim3A_592 : i32 to vector<16xi32>
        %gather3A_594 = tpu.vector_load_idx %arg11[%add3A_104, %broadcast_in_dim3A_593] : memref<64x128xf32, #tpu.memory_space<vmem>>[vector<16xi32>, vector<16xi32>], vector<16xf32>,
        %mul3A_595 = arith.mulf %gather3A_594, %gather3A_575 : vector<16xf32>
        tpu.vector_store_idx %arg11[%add3A_104, %broadcast_in_dim3A_593], %mul3A_595 : memref<64x128xf32, #tpu.memory_space<vmem>>[vector<16xi32>, vector<16xi32>], vector<16xf32>,
        %broadcast_in_dim3A_596 = arith.constant 117 : i32
        %broadcast_in_dim3A_597 = vector.broadcast %broadcast_in_dim3A_596 : i32 to vector<16xi32>
        %gather3A_598 = tpu.vector_load_idx %arg11[%add3A_104, %broadcast_in_dim3A_597] : memref<64x128xf32, #tpu.memory_space<vmem>>[vector<16xi32>, vector<16xi32>], vector<16xf32>,
        %mul3A_599 = arith.mulf %gather3A_598, %gather3A_575 : vector<16xf32>
        tpu.vector_store_idx %arg11[%add3A_104, %broadcast_in_dim3A_597], %mul3A_599 : memref<64x128xf32, #tpu.memory_space<vmem>>[vector<16xi32>, vector<16xi32>], vector<16xf32>,
        %broadcast_in_dim3A_600 = arith.constant 118 : i32
        %broadcast_in_dim3A_601 = vector.broadcast %broadcast_in_dim3A_600 : i32 to vector<16xi32>
        %gather3A_602 = tpu.vector_load_idx %arg11[%add3A_104, %broadcast_in_dim3A_601] : memref<64x128xf32, #tpu.memory_space<vmem>>[vector<16xi32>, vector<16xi32>], vector<16xf32>,
        %mul3A_603 = arith.mulf %gather3A_602, %gather3A_575 : vector<16xf32>
        tpu.vector_store_idx %arg11[%add3A_104, %broadcast_in_dim3A_601], %mul3A_603 : memref<64x128xf32, #tpu.memory_space<vmem>>[vector<16xi32>, vector<16xi32>], vector<16xf32>,
        %broadcast_in_dim3A_604 = arith.constant 119 : i32
        %broadcast_in_dim3A_605 = vector.broadcast %broadcast_in_dim3A_604 : i32 to vector<16xi32>
        %gather3A_606 = tpu.vector_load_idx %arg11[%add3A_104, %broadcast_in_dim3A_605] : memref<64x128xf32, #tpu.memory_space<vmem>>[vector<16xi32>, vector<16xi32>], vector<16xf32>,
        %mul3A_607 = arith.mulf %gather3A_606, %gather3A_575 : vector<16xf32>
        tpu.vector_store_idx %arg11[%add3A_104, %broadcast_in_dim3A_605], %mul3A_607 : memref<64x128xf32, #tpu.memory_space<vmem>>[vector<16xi32>, vector<16xi32>], vector<16xf32>,
        %broadcast_in_dim3A_608 = arith.constant 120 : i32
        %broadcast_in_dim3A_609 = vector.broadcast %broadcast_in_dim3A_608 : i32 to vector<16xi32>
        %gather3A_610 = tpu.vector_load_idx %arg11[%add3A_104, %broadcast_in_dim3A_609] : memref<64x128xf32, #tpu.memory_space<vmem>>[vector<16xi32>, vector<16xi32>], vector<16xf32>,
        %mul3A_611 = arith.mulf %gather3A_610, %gather3A_575 : vector<16xf32>
        tpu.vector_store_idx %arg11[%add3A_104, %broadcast_in_dim3A_609], %mul3A_611 : memref<64x128xf32, #tpu.memory_space<vmem>>[vector<16xi32>, vector<16xi32>], vector<16xf32>,
        %broadcast_in_dim3A_612 = arith.constant 121 : i32
        %broadcast_in_dim3A_613 = vector.broadcast %broadcast_in_dim3A_612 : i32 to vector<16xi32>
        %gather3A_614 = tpu.vector_load_idx %arg11[%add3A_104, %broadcast_in_dim3A_613] : memref<64x128xf32, #tpu.memory_space<vmem>>[vector<16xi32>, vector<16xi32>], vector<16xf32>,
        %mul3A_615 = arith.mulf %gather3A_614, %gather3A_575 : vector<16xf32>
        tpu.vector_store_idx %arg11[%add3A_104, %broadcast_in_dim3A_613], %mul3A_615 : memref<64x128xf32, #tpu.memory_space<vmem>>[vector<16xi32>, vector<16xi32>], vector<16xf32>,
        %broadcast_in_dim3A_616 = arith.constant 122 : i32
        %broadcast_in_dim3A_617 = vector.broadcast %broadcast_in_dim3A_616 : i32 to vector<16xi32>
        %gather3A_618 = tpu.vector_load_idx %arg11[%add3A_104, %broadcast_in_dim3A_617] : memref<64x128xf32, #tpu.memory_space<vmem>>[vector<16xi32>, vector<16xi32>], vector<16xf32>,
        %mul3A_619 = arith.mulf %gather3A_618, %gather3A_575 : vector<16xf32>
        tpu.vector_store_idx %arg11[%add3A_104, %broadcast_in_dim3A_617], %mul3A_619 : memref<64x128xf32, #tpu.memory_space<vmem>>[vector<16xi32>, vector<16xi32>], vector<16xf32>,
        %broadcast_in_dim3A_620 = arith.constant 123 : i32
        %broadcast_in_dim3A_621 = vector.broadcast %broadcast_in_dim3A_620 : i32 to vector<16xi32>
        %gather3A_622 = tpu.vector_load_idx %arg11[%add3A_104, %broadcast_in_dim3A_621] : memref<64x128xf32, #tpu.memory_space<vmem>>[vector<16xi32>, vector<16xi32>], vector<16xf32>,
        %mul3A_623 = arith.mulf %gather3A_622, %gather3A_575 : vector<16xf32>
        tpu.vector_store_idx %arg11[%add3A_104, %broadcast_in_dim3A_621], %mul3A_623 : memref<64x128xf32, #tpu.memory_space<vmem>>[vector<16xi32>, vector<16xi32>], vector<16xf32>,
        %broadcast_in_dim3A_624 = arith.constant 124 : i32
        %broadcast_in_dim3A_625 = vector.broadcast %broadcast_in_dim3A_624 : i32 to vector<16xi32>
        %gather3A_626 = tpu.vector_load_idx %arg11[%add3A_104, %broadcast_in_dim3A_625] : memref<64x128xf32, #tpu.memory_space<vmem>>[vector<16xi32>, vector<16xi32>], vector<16xf32>,
        %mul3A_627 = arith.mulf %gather3A_626, %gather3A_575 : vector<16xf32>
        tpu.vector_store_idx %arg11[%add3A_104, %broadcast_in_dim3A_625], %mul3A_627 : memref<64x128xf32, #tpu.memory_space<vmem>>[vector<16xi32>, vector<16xi32>], vector<16xf32>,
        %broadcast_in_dim3A_628 = arith.constant 125 : i32
        %broadcast_in_dim3A_629 = vector.broadcast %broadcast_in_dim3A_628 : i32 to vector<16xi32>
        %gather3A_630 = tpu.vector_load_idx %arg11[%add3A_104, %broadcast_in_dim3A_629] : memref<64x128xf32, #tpu.memory_space<vmem>>[vector<16xi32>, vector<16xi32>], vector<16xf32>,
        %mul3A_631 = arith.mulf %gather3A_630, %gather3A_575 : vector<16xf32>
        tpu.vector_store_idx %arg11[%add3A_104, %broadcast_in_dim3A_629], %mul3A_631 : memref<64x128xf32, #tpu.memory_space<vmem>>[vector<16xi32>, vector<16xi32>], vector<16xf32>,
        %broadcast_in_dim3A_632 = arith.constant 126 : i32
        %broadcast_in_dim3A_633 = vector.broadcast %broadcast_in_dim3A_632 : i32 to vector<16xi32>
        %gather3A_634 = tpu.vector_load_idx %arg11[%add3A_104, %broadcast_in_dim3A_633] : memref<64x128xf32, #tpu.memory_space<vmem>>[vector<16xi32>, vector<16xi32>], vector<16xf32>,
        %mul3A_635 = arith.mulf %gather3A_634, %gather3A_575 : vector<16xf32>
        tpu.vector_store_idx %arg11[%add3A_104, %broadcast_in_dim3A_633], %mul3A_635 : memref<64x128xf32, #tpu.memory_space<vmem>>[vector<16xi32>, vector<16xi32>], vector<16xf32>,
        %broadcast_in_dim3A_636 = arith.constant 127 : i32
        %broadcast_in_dim3A_637 = vector.broadcast %broadcast_in_dim3A_636 : i32 to vector<16xi32>
        %gather3A_638 = tpu.vector_load_idx %arg11[%add3A_104, %broadcast_in_dim3A_637] : memref<64x128xf32, #tpu.memory_space<vmem>>[vector<16xi32>, vector<16xi32>], vector<16xf32>,
        %mul3A_639 = arith.mulf %gather3A_638, %gather3A_575 : vector<16xf32>
        tpu.vector_store_idx %arg11[%add3A_104, %broadcast_in_dim3A_637], %mul3A_639 : memref<64x128xf32, #tpu.memory_space<vmem>>[vector<16xi32>, vector<16xi32>], vector<16xf32>,
      }
      %scan3A_79 = arith.constant 4 : i32
      %broadcast_in_dim3A_80 = arith.constant 10100 : i32
      %broadcast_in_dim3A_81 = vector.broadcast %broadcast_in_dim3A_80 : i32 to vector<16xi32>
      %get3A = arith.constant 0 : index
      %get3A_82 = tpu.vector_load %arg16[%get3A] {strides = array<i32>} : memref<64xi32, #tpu.memory_space<vmem>>, vector<16xi32>,
      %select_n3A_83 = arith.select %le3A_69, %get3A_82, %broadcast_in_dim3A_81 : vector<16xi32>
      %swap3A = arith.constant 0 : index
      %swap3A_84 = tpu.vector_load %arg16[%swap3A] {strides = array<i32>} : memref<64xi32, #tpu.memory_space<vmem>>, vector<16xi32>,
      tpu.vector_store %arg16[%swap3A], %select_n3A_83 {strides = array<i32>} : memref<64xi32, #tpu.memory_space<vmem>>, vector<16xi32>,
      %get3A_85 = arith.constant 16 : index
      %get3A_86 = tpu.vector_load %arg16[%get3A_85] {strides = array<i32>} : memref<64xi32, #tpu.memory_space<vmem>>, vector<16xi32>,
      %select_n3A_87 = arith.select %le3A_69, %get3A_86, %broadcast_in_dim3A_81 : vector<16xi32>
      %swap3A_88 = arith.constant 16 : index
      %swap3A_89 = tpu.vector_load %arg16[%swap3A_88] {strides = array<i32>} : memref<64xi32, #tpu.memory_space<vmem>>, vector<16xi32>,
      tpu.vector_store %arg16[%swap3A_88], %select_n3A_87 {strides = array<i32>} : memref<64xi32, #tpu.memory_space<vmem>>, vector<16xi32>,
      %get3A_90 = arith.constant 32 : index
      %get3A_91 = tpu.vector_load %arg16[%get3A_90] {strides = array<i32>} : memref<64xi32, #tpu.memory_space<vmem>>, vector<16xi32>,
      %select_n3A_92 = arith.select %le3A_69, %get3A_91, %broadcast_in_dim3A_81 : vector<16xi32>
      %swap3A_93 = arith.constant 32 : index
      %swap3A_94 = tpu.vector_load %arg16[%swap3A_93] {strides = array<i32>} : memref<64xi32, #tpu.memory_space<vmem>>, vector<16xi32>,
      tpu.vector_store %arg16[%swap3A_93], %select_n3A_92 {strides = array<i32>} : memref<64xi32, #tpu.memory_space<vmem>>, vector<16xi32>,
      %get3A_95 = arith.constant 48 : index
      %get3A_96 = tpu.vector_load %arg16[%get3A_95] {strides = array<i32>} : memref<64xi32, #tpu.memory_space<vmem>>, vector<16xi32>,
      %select_n3A_97 = arith.select %le3A_69, %get3A_96, %broadcast_in_dim3A_81 : vector<16xi32>
      %swap3A_98 = arith.constant 48 : index
      %swap3A_99 = tpu.vector_load %arg16[%swap3A_98] {strides = array<i32>} : memref<64xi32, #tpu.memory_space<vmem>>, vector<16xi32>,
      tpu.vector_store %arg16[%swap3A_98], %select_n3A_97 {strides = array<i32>} : memref<64xi32, #tpu.memory_space<vmem>>, vector<16xi32>,
      "tpu.region"() ({
        %run_scoped3A = tpu.sem_alloc : memref<!tpu.dma_semaphore, #tpu.memory_space<semaphore_mem>>
        %dma_start3A_100 = arith.constant 0 : i32
        %dma_start3A_101 = arith.constant 0 : i32
        %dma_start3A_102 = tpu.memref_slice %arg17[%dma_start3A_100, %dma_start3A_101] : memref<10240x128xf32, #tpu.memory_space<vmem_shared>> -> memref<10240x128xf32, #tpu.memory_space<vmem_shared>>
        tpu.enqueue_indirect_dma source(%arg11 : memref<64x128xf32, #tpu.memory_space<vmem>>) target(%dma_start3A_102 : memref<10240x128xf32, #tpu.memory_space<vmem_shared>>) offsets(%arg16 : memref<64xi32, #tpu.memory_space<vmem>>) semaphore(%run_scoped3A : memref<!tpu.dma_semaphore, #tpu.memory_space<semaphore_mem>>) {add = true}
        %dma_wait3A_103 = arith.constant 0 : i32
        %dma_wait3A_104 = arith.constant 0 : i32
        %dma_wait3A_105 = tpu.memref_slice %arg17[%dma_wait3A_103, %dma_wait3A_104] : memref<10240x128xf32, #tpu.memory_space<vmem_shared>> -> memref<10240x128xf32, #tpu.memory_space<vmem_shared>>
        tpu.wait_indirect_dma semaphore(%run_scoped3A : memref<!tpu.dma_semaphore, #tpu.memory_space<semaphore_mem>>) src(%arg11 : memref<64x128xf32, #tpu.memory_space<vmem>>) dst(%dma_wait3A_105 : memref<10240x128xf32, #tpu.memory_space<vmem_shared>>)
        tpu.yield
      }) : () -> ()
    }
    %scan3A_28 = arith.constant 157 : i32
    %barrier3A_29 = arith.constant 0 : index
    tpu.barrier barrier_id(%barrier3A_29)
    %scan3A_30 = arith.constant 0 : i32
    %scan3A_31 = arith.constant 0 : i32
    %scan3A_32 = arith.constant 10 : i32
    %scan3A_33 = arith.addi %scan3A_31, %scan3A_32 : i32
    %scan3A_34 = arith.constant 1 : i32
    scf.for %scan3A_63 = %scan3A_31 to %scan3A_33 step %scan3A_34  : i32 {
      %mul3A_64 = arith.constant 64 : i32
      %mul3A_65 = arith.muli %scan3A_63, %mul3A_64 : i32
      %add3A_66 = arith.addi %mul3A_4, %mul3A_65 : i32
      %add3A_67 = arith.constant 0 : i32
      %add3A_68 = arith.addi %add3A_66, %add3A_67 : i32
      %add3A_69 = vector.broadcast %add3A_68 : i32 to vector<16xi32>
      %add3A_70 = arith.addi %add3A_69, %iota3A : vector<16xi32>
      %swap3A = arith.constant 0 : index
      %swap3A_71 = tpu.vector_load %arg15[%swap3A] {strides = array<i32>} : memref<64xi32, #tpu.memory_space<vmem>>, vector<16xi32>,
      tpu.vector_store %arg15[%swap3A], %add3A_70 {strides = array<i32>} : memref<64xi32, #tpu.memory_space<vmem>>, vector<16xi32>,
      %add3A_72 = arith.constant 16 : i32
      %add3A_73 = arith.addi %add3A_66, %add3A_72 : i32
      %add3A_74 = vector.broadcast %add3A_73 : i32 to vector<16xi32>
      %add3A_75 = arith.addi %add3A_74, %iota3A : vector<16xi32>
      %swap3A_76 = arith.constant 16 : index
      %swap3A_77 = tpu.vector_load %arg15[%swap3A_76] {strides = array<i32>} : memref<64xi32, #tpu.memory_space<vmem>>, vector<16xi32>,
      tpu.vector_store %arg15[%swap3A_76], %add3A_75 {strides = array<i32>} : memref<64xi32, #tpu.memory_space<vmem>>, vector<16xi32>,
      %add3A_78 = arith.constant 32 : i32
      %add3A_79 = arith.addi %add3A_66, %add3A_78 : i32
      %add3A_80 = vector.broadcast %add3A_79 : i32 to vector<16xi32>
      %add3A_81 = arith.addi %add3A_80, %iota3A : vector<16xi32>
      %swap3A_82 = arith.constant 32 : index
      %swap3A_83 = tpu.vector_load %arg15[%swap3A_82] {strides = array<i32>} : memref<64xi32, #tpu.memory_space<vmem>>, vector<16xi32>,
      tpu.vector_store %arg15[%swap3A_82], %add3A_81 {strides = array<i32>} : memref<64xi32, #tpu.memory_space<vmem>>, vector<16xi32>,
      %add3A_84 = arith.constant 48 : i32
      %add3A_85 = arith.addi %add3A_66, %add3A_84 : i32
      %add3A_86 = vector.broadcast %add3A_85 : i32 to vector<16xi32>
      %add3A_87 = arith.addi %add3A_86, %iota3A : vector<16xi32>
      %swap3A_88 = arith.constant 48 : index
      %swap3A_89 = tpu.vector_load %arg15[%swap3A_88] {strides = array<i32>} : memref<64xi32, #tpu.memory_space<vmem>>, vector<16xi32>,
      tpu.vector_store %arg15[%swap3A_88], %add3A_87 {strides = array<i32>} : memref<64xi32, #tpu.memory_space<vmem>>, vector<16xi32>,
      "tpu.region"() ({
        %run_scoped3A = tpu.sem_alloc : memref<!tpu.dma_semaphore, #tpu.memory_space<semaphore_mem>>
        %dma_start3A = arith.constant 0 : i32
        %dma_start3A_91 = arith.constant 0 : i32
        %dma_start3A_92 = tpu.memref_slice %arg17[%dma_start3A, %dma_start3A_91] : memref<10240x128xf32, #tpu.memory_space<vmem_shared>> -> memref<10240x128xf32, #tpu.memory_space<vmem_shared>>
        tpu.enqueue_indirect_dma source(%dma_start3A_92 : memref<10240x128xf32, #tpu.memory_space<vmem_shared>>) target(%arg11 : memref<64x128xf32, #tpu.memory_space<vmem>>) offsets(%arg15 : memref<64xi32, #tpu.memory_space<vmem>>) semaphore(%run_scoped3A : memref<!tpu.dma_semaphore, #tpu.memory_space<semaphore_mem>>)
        %dma_wait3A = arith.constant 0 : i32
        %dma_wait3A_93 = arith.constant 0 : i32
        %dma_wait3A_94 = tpu.memref_slice %arg17[%dma_wait3A, %dma_wait3A_93] : memref<10240x128xf32, #tpu.memory_space<vmem_shared>> -> memref<10240x128xf32, #tpu.memory_space<vmem_shared>>
        tpu.wait_indirect_dma semaphore(%run_scoped3A : memref<!tpu.dma_semaphore, #tpu.memory_space<semaphore_mem>>) src(%dma_wait3A_94 : memref<10240x128xf32, #tpu.memory_space<vmem_shared>>) dst(%arg11 : memref<64x128xf32, #tpu.memory_space<vmem>>)
        tpu.yield
      }) : () -> ()
      %add3A_90 = arith.addi %mul3A_2, %add3A_66 : i32
      "tpu.region"() ({
        %run_scoped3A = tpu.sem_alloc : memref<!tpu.dma_semaphore, #tpu.memory_space<semaphore_mem>>
        %dma_start3A = arith.constant 0 : i32
        %dma_start3A_91 = tpu.memref_slice %arg8[%add3A_90, %dma_start3A] : memref<20480x128xf32, #tpu.memory_space<hbm>> -> memref<64x128xf32, #tpu.memory_space<hbm>>
        %dma_start3A_92 = arith.constant 0 : i32
        %dma_start3A_93 = tpu.memref_slice %arg8[%add3A_90, %dma_start3A_92] : memref<20480x128xf32, #tpu.memory_space<hbm>> -> memref<64x128xf32, #tpu.memory_space<hbm>>
        tpu.enqueue_dma source(%arg11 : memref<64x128xf32, #tpu.memory_space<vmem>>) target(%dma_start3A_93 : memref<64x128xf32, #tpu.memory_space<hbm>>) target_semaphore(%run_scoped3A : memref<!tpu.dma_semaphore, #tpu.memory_space<semaphore_mem>>)
        %dma_wait3A = arith.constant 0 : i32
        %dma_wait3A_94 = tpu.memref_slice %arg8[%add3A_90, %dma_wait3A] : memref<20480x128xf32, #tpu.memory_space<hbm>> -> memref<64x128xf32, #tpu.memory_space<hbm>>
        %dma_wait3A_95 = arith.constant 0 : i32
        %dma_wait3A_96 = tpu.memref_slice %arg8[%add3A_90, %dma_wait3A_95] : memref<20480x128xf32, #tpu.memory_space<hbm>> -> memref<64x128xf32, #tpu.memory_space<hbm>>
        tpu.wait_dma2 semaphore(%run_scoped3A : memref<!tpu.dma_semaphore, #tpu.memory_space<semaphore_mem>>) src(%arg11 : memref<64x128xf32, #tpu.memory_space<vmem>>) dst(%dma_wait3A_96 : memref<64x128xf32, #tpu.memory_space<hbm>>)
        tpu.yield
      }) : () -> ()
    }
    %scan3A_35 = arith.constant 10 : i32
    %barrier3A_36 = arith.constant 0 : index
    tpu.barrier barrier_id(%barrier3A_36)
    %scan3A_37 = arith.constant 0 : i32
    %scan3A_38 = arith.constant 0 : i32
    %scan3A_39 = arith.constant 64 : i32
    %scan3A_40 = arith.addi %scan3A_38, %scan3A_39 : i32
    %scan3A_41 = arith.constant 1 : i32
    scf.for %scan3A_63 = %scan3A_38 to %scan3A_40 step %scan3A_41  : i32 {
      %swap3A = arith.index_cast %scan3A_63 : i32 to index
      %swap3A_64 = arith.constant 0 : index
      %swap3A_65 = tpu.vector_load %arg11[%swap3A, %swap3A_64] {strides = array<i32>} : memref<64x128xf32, #tpu.memory_space<vmem>>, vector<16xf32>,
      tpu.vector_store %arg11[%swap3A, %swap3A_64], %broadcast_in_dim3A_5 {strides = array<i32>} : memref<64x128xf32, #tpu.memory_space<vmem>>, vector<16xf32>,
      %swap3A_66 = arith.index_cast %scan3A_63 : i32 to index
      %swap3A_67 = arith.constant 16 : index
      %swap3A_68 = tpu.vector_load %arg11[%swap3A_66, %swap3A_67] {strides = array<i32>} : memref<64x128xf32, #tpu.memory_space<vmem>>, vector<16xf32>,
      tpu.vector_store %arg11[%swap3A_66, %swap3A_67], %broadcast_in_dim3A_5 {strides = array<i32>} : memref<64x128xf32, #tpu.memory_space<vmem>>, vector<16xf32>,
      %swap3A_69 = arith.index_cast %scan3A_63 : i32 to index
      %swap3A_70 = arith.constant 32 : index
      %swap3A_71 = tpu.vector_load %arg11[%swap3A_69, %swap3A_70] {strides = array<i32>} : memref<64x128xf32, #tpu.memory_space<vmem>>, vector<16xf32>,
      tpu.vector_store %arg11[%swap3A_69, %swap3A_70], %broadcast_in_dim3A_5 {strides = array<i32>} : memref<64x128xf32, #tpu.memory_space<vmem>>, vector<16xf32>,
      %swap3A_72 = arith.index_cast %scan3A_63 : i32 to index
      %swap3A_73 = arith.constant 48 : index
      %swap3A_74 = tpu.vector_load %arg11[%swap3A_72, %swap3A_73] {strides = array<i32>} : memref<64x128xf32, #tpu.memory_space<vmem>>, vector<16xf32>,
      tpu.vector_store %arg11[%swap3A_72, %swap3A_73], %broadcast_in_dim3A_5 {strides = array<i32>} : memref<64x128xf32, #tpu.memory_space<vmem>>, vector<16xf32>,
      %swap3A_75 = arith.index_cast %scan3A_63 : i32 to index
      %swap3A_76 = arith.constant 64 : index
      %swap3A_77 = tpu.vector_load %arg11[%swap3A_75, %swap3A_76] {strides = array<i32>} : memref<64x128xf32, #tpu.memory_space<vmem>>, vector<16xf32>,
      tpu.vector_store %arg11[%swap3A_75, %swap3A_76], %broadcast_in_dim3A_5 {strides = array<i32>} : memref<64x128xf32, #tpu.memory_space<vmem>>, vector<16xf32>,
      %swap3A_78 = arith.index_cast %scan3A_63 : i32 to index
      %swap3A_79 = arith.constant 80 : index
      %swap3A_80 = tpu.vector_load %arg11[%swap3A_78, %swap3A_79] {strides = array<i32>} : memref<64x128xf32, #tpu.memory_space<vmem>>, vector<16xf32>,
      tpu.vector_store %arg11[%swap3A_78, %swap3A_79], %broadcast_in_dim3A_5 {strides = array<i32>} : memref<64x128xf32, #tpu.memory_space<vmem>>, vector<16xf32>,
      %swap3A_81 = arith.index_cast %scan3A_63 : i32 to index
      %swap3A_82 = arith.constant 96 : index
      %swap3A_83 = tpu.vector_load %arg11[%swap3A_81, %swap3A_82] {strides = array<i32>} : memref<64x128xf32, #tpu.memory_space<vmem>>, vector<16xf32>,
      tpu.vector_store %arg11[%swap3A_81, %swap3A_82], %broadcast_in_dim3A_5 {strides = array<i32>} : memref<64x128xf32, #tpu.memory_space<vmem>>, vector<16xf32>,
      %swap3A_84 = arith.index_cast %scan3A_63 : i32 to index
      %swap3A_85 = arith.constant 112 : index
      %swap3A_86 = tpu.vector_load %arg11[%swap3A_84, %swap3A_85] {strides = array<i32>} : memref<64x128xf32, #tpu.memory_space<vmem>>, vector<16xf32>,
      tpu.vector_store %arg11[%swap3A_84, %swap3A_85], %broadcast_in_dim3A_5 {strides = array<i32>} : memref<64x128xf32, #tpu.memory_space<vmem>>, vector<16xf32>,
    }
    %scan3A_42 = arith.constant 64 : i32
    %scan3A_43 = arith.constant 0 : i32
    %scan3A_44 = arith.constant 0 : i32
    %scan3A_45 = arith.constant 10 : i32
    %scan3A_46 = arith.addi %scan3A_44, %scan3A_45 : i32
    %scan3A_47 = arith.constant 1 : i32
    scf.for %scan3A_63 = %scan3A_44 to %scan3A_46 step %scan3A_47  : i32 {
      %mul3A_64 = arith.constant 64 : i32
      %mul3A_65 = arith.muli %scan3A_63, %mul3A_64 : i32
      %add3A_66 = arith.addi %mul3A_4, %mul3A_65 : i32
      %add3A_67 = arith.constant 0 : i32
      %add3A_68 = arith.addi %add3A_66, %add3A_67 : i32
      %add3A_69 = vector.broadcast %add3A_68 : i32 to vector<16xi32>
      %add3A_70 = arith.addi %add3A_69, %iota3A : vector<16xi32>
      %swap3A = arith.constant 0 : index
      %swap3A_71 = tpu.vector_load %arg15[%swap3A] {strides = array<i32>} : memref<64xi32, #tpu.memory_space<vmem>>, vector<16xi32>,
      tpu.vector_store %arg15[%swap3A], %add3A_70 {strides = array<i32>} : memref<64xi32, #tpu.memory_space<vmem>>, vector<16xi32>,
      %add3A_72 = arith.constant 16 : i32
      %add3A_73 = arith.addi %add3A_66, %add3A_72 : i32
      %add3A_74 = vector.broadcast %add3A_73 : i32 to vector<16xi32>
      %add3A_75 = arith.addi %add3A_74, %iota3A : vector<16xi32>
      %swap3A_76 = arith.constant 16 : index
      %swap3A_77 = tpu.vector_load %arg15[%swap3A_76] {strides = array<i32>} : memref<64xi32, #tpu.memory_space<vmem>>, vector<16xi32>,
      tpu.vector_store %arg15[%swap3A_76], %add3A_75 {strides = array<i32>} : memref<64xi32, #tpu.memory_space<vmem>>, vector<16xi32>,
      %add3A_78 = arith.constant 32 : i32
      %add3A_79 = arith.addi %add3A_66, %add3A_78 : i32
      %add3A_80 = vector.broadcast %add3A_79 : i32 to vector<16xi32>
      %add3A_81 = arith.addi %add3A_80, %iota3A : vector<16xi32>
      %swap3A_82 = arith.constant 32 : index
      %swap3A_83 = tpu.vector_load %arg15[%swap3A_82] {strides = array<i32>} : memref<64xi32, #tpu.memory_space<vmem>>, vector<16xi32>,
      tpu.vector_store %arg15[%swap3A_82], %add3A_81 {strides = array<i32>} : memref<64xi32, #tpu.memory_space<vmem>>, vector<16xi32>,
      %add3A_84 = arith.constant 48 : i32
      %add3A_85 = arith.addi %add3A_66, %add3A_84 : i32
      %add3A_86 = vector.broadcast %add3A_85 : i32 to vector<16xi32>
      %add3A_87 = arith.addi %add3A_86, %iota3A : vector<16xi32>
      %swap3A_88 = arith.constant 48 : index
      %swap3A_89 = tpu.vector_load %arg15[%swap3A_88] {strides = array<i32>} : memref<64xi32, #tpu.memory_space<vmem>>, vector<16xi32>,
      tpu.vector_store %arg15[%swap3A_88], %add3A_87 {strides = array<i32>} : memref<64xi32, #tpu.memory_space<vmem>>, vector<16xi32>,
      "tpu.region"() ({
        %run_scoped3A = tpu.sem_alloc : memref<!tpu.dma_semaphore, #tpu.memory_space<semaphore_mem>>
        %dma_start3A = arith.constant 0 : i32
        %dma_start3A_90 = arith.constant 0 : i32
        %dma_start3A_91 = tpu.memref_slice %arg17[%dma_start3A, %dma_start3A_90] : memref<10240x128xf32, #tpu.memory_space<vmem_shared>> -> memref<10240x128xf32, #tpu.memory_space<vmem_shared>>
        tpu.enqueue_indirect_dma source(%arg11 : memref<64x128xf32, #tpu.memory_space<vmem>>) target(%dma_start3A_91 : memref<10240x128xf32, #tpu.memory_space<vmem_shared>>) offsets(%arg15 : memref<64xi32, #tpu.memory_space<vmem>>) semaphore(%run_scoped3A : memref<!tpu.dma_semaphore, #tpu.memory_space<semaphore_mem>>)
        %dma_wait3A = arith.constant 0 : i32
        %dma_wait3A_92 = arith.constant 0 : i32
        %dma_wait3A_93 = tpu.memref_slice %arg17[%dma_wait3A, %dma_wait3A_92] : memref<10240x128xf32, #tpu.memory_space<vmem_shared>> -> memref<10240x128xf32, #tpu.memory_space<vmem_shared>>
        tpu.wait_indirect_dma semaphore(%run_scoped3A : memref<!tpu.dma_semaphore, #tpu.memory_space<semaphore_mem>>) src(%arg11 : memref<64x128xf32, #tpu.memory_space<vmem>>) dst(%dma_wait3A_93 : memref<10240x128xf32, #tpu.memory_space<vmem_shared>>)
        tpu.yield
      }) : () -> ()
    }
    %scan3A_48 = arith.constant 10 : i32
    %barrier3A_49 = arith.constant 0 : index
    tpu.barrier barrier_id(%barrier3A_49)
    %scan3A_50 = arith.constant 0 : i32
    %scan3A_51 = arith.constant 0 : i32
    %scan3A_52 = arith.constant 157 : i32
    %scan3A_53 = arith.addi %scan3A_51, %scan3A_52 : i32
    %scan3A_54 = arith.constant 1 : i32
    scf.for %scan3A_63 = %scan3A_51 to %scan3A_53 step %scan3A_54  : i32 {
      %mul3A_64 = arith.constant 32 : i32
      %mul3A_65 = arith.muli %scan3A_63, %mul3A_64 : i32
      %add3A_66 = arith.addi %mul3A_65, %add3A : i32
      %mul3A_67 = arith.constant 64 : i32
      %mul3A_68 = arith.muli %add3A_66, %mul3A_67 : i32
      %le3A = arith.constant 319936 : i32
      %le3A_69 = arith.cmpi sle, %mul3A_68, %le3A : i32
      %jit3A = arith.constant 319936 : i32
      %select_n3A = arith.select %le3A_69, %mul3A_68, %jit3A : i32
      "tpu.region"() ({
        %run_scoped3A = tpu.sem_alloc : memref<!tpu.dma_semaphore, #tpu.memory_space<semaphore_mem>>
        %dma_start3A = tpu.memref_slice %arg6[%select_n3A] : memref<320000xi32, #tpu.memory_space<hbm>> -> memref<64xi32, #tpu.memory_space<hbm>>
        %dma_start3A_96 = tpu.memref_slice %arg6[%select_n3A] : memref<320000xi32, #tpu.memory_space<hbm>> -> memref<64xi32, #tpu.memory_space<hbm>>
        tpu.enqueue_dma source(%dma_start3A_96 : memref<64xi32, #tpu.memory_space<hbm>>) target(%arg16 : memref<64xi32, #tpu.memory_space<vmem>>) target_semaphore(%run_scoped3A : memref<!tpu.dma_semaphore, #tpu.memory_space<semaphore_mem>>)
        %dma_wait3A = tpu.memref_slice %arg6[%select_n3A] : memref<320000xi32, #tpu.memory_space<hbm>> -> memref<64xi32, #tpu.memory_space<hbm>>
        %dma_wait3A_97 = tpu.memref_slice %arg6[%select_n3A] : memref<320000xi32, #tpu.memory_space<hbm>> -> memref<64xi32, #tpu.memory_space<hbm>>
        tpu.wait_dma2 semaphore(%run_scoped3A : memref<!tpu.dma_semaphore, #tpu.memory_space<semaphore_mem>>) src(%dma_wait3A_97 : memref<64xi32, #tpu.memory_space<hbm>>) dst(%arg16 : memref<64xi32, #tpu.memory_space<vmem>>)
        tpu.yield
      }) : () -> ()
      "tpu.region"() ({
        %run_scoped3A = tpu.sem_alloc : memref<!tpu.dma_semaphore, #tpu.memory_space<semaphore_mem>>
        %dma_start3A = arith.constant 0 : i32
        %dma_start3A_96 = tpu.memref_slice %arg10[%select_n3A, %dma_start3A] : memref<320000x16xf32, #tpu.memory_space<hbm>> -> memref<64x16xf32, #tpu.memory_space<hbm>>
        %dma_start3A_97 = arith.constant 0 : i32
        %dma_start3A_98 = tpu.memref_slice %arg10[%select_n3A, %dma_start3A_97] : memref<320000x16xf32, #tpu.memory_space<hbm>> -> memref<64x16xf32, #tpu.memory_space<hbm>>
        tpu.enqueue_dma source(%dma_start3A_98 : memref<64x16xf32, #tpu.memory_space<hbm>>) target(%arg14 : memref<64x16xf32, #tpu.memory_space<vmem>>) target_semaphore(%run_scoped3A : memref<!tpu.dma_semaphore, #tpu.memory_space<semaphore_mem>>)
        %dma_wait3A = arith.constant 0 : i32
        %dma_wait3A_99 = tpu.memref_slice %arg10[%select_n3A, %dma_wait3A] : memref<320000x16xf32, #tpu.memory_space<hbm>> -> memref<64x16xf32, #tpu.memory_space<hbm>>
        %dma_wait3A_100 = arith.constant 0 : i32
        %dma_wait3A_101 = tpu.memref_slice %arg10[%select_n3A, %dma_wait3A_100] : memref<320000x16xf32, #tpu.memory_space<hbm>> -> memref<64x16xf32, #tpu.memory_space<hbm>>
        tpu.wait_dma2 semaphore(%run_scoped3A : memref<!tpu.dma_semaphore, #tpu.memory_space<semaphore_mem>>) src(%dma_wait3A_101 : memref<64x16xf32, #tpu.memory_space<hbm>>) dst(%arg14 : memref<64x16xf32, #tpu.memory_space<vmem>>)
        tpu.yield
      }) : () -> ()
      %scan3A_70 = arith.constant 0 : i32
      %scan3A_71 = arith.constant 0 : i32
      %scan3A_72 = arith.constant 64 : i32
      %scan3A_73 = arith.addi %scan3A_71, %scan3A_72 : i32
      %scan3A_74 = arith.constant 1 : i32
      scf.for %scan3A_96 = %scan3A_71 to %scan3A_73 step %scan3A_74  : i32 {
        %get3A_97 = arith.index_cast %scan3A_96 : i32 to index
        %get3A_98 = arith.constant 0 : index
        %get3A_99 = tpu.vector_load %arg14[%get3A_97, %get3A_98] {strides = array<i32>} : memref<64x16xf32, #tpu.memory_space<vmem>>, vector<16xf32>,
        %swap3A_100 = arith.index_cast %scan3A_96 : i32 to index
        %swap3A_101 = arith.constant 0 : index
        %swap3A_102 = tpu.vector_load %arg11[%swap3A_100, %swap3A_101] {strides = array<i32>} : memref<64x128xf32, #tpu.memory_space<vmem>>, vector<16xf32>,
        tpu.vector_store %arg11[%swap3A_100, %swap3A_101], %get3A_99 {strides = array<i32>} : memref<64x128xf32, #tpu.memory_space<vmem>>, vector<16xf32>,
      }
      %scan3A_75 = arith.constant 64 : i32
      %broadcast_in_dim3A_76 = arith.constant 10100 : i32
      %broadcast_in_dim3A_77 = vector.broadcast %broadcast_in_dim3A_76 : i32 to vector<16xi32>
      %get3A = arith.constant 0 : index
      %get3A_78 = tpu.vector_load %arg16[%get3A] {strides = array<i32>} : memref<64xi32, #tpu.memory_space<vmem>>, vector<16xi32>,
      %select_n3A_79 = arith.select %le3A_69, %get3A_78, %broadcast_in_dim3A_77 : vector<16xi32>
      %swap3A = arith.constant 0 : index
      %swap3A_80 = tpu.vector_load %arg16[%swap3A] {strides = array<i32>} : memref<64xi32, #tpu.memory_space<vmem>>, vector<16xi32>,
      tpu.vector_store %arg16[%swap3A], %select_n3A_79 {strides = array<i32>} : memref<64xi32, #tpu.memory_space<vmem>>, vector<16xi32>,
      %get3A_81 = arith.constant 16 : index
      %get3A_82 = tpu.vector_load %arg16[%get3A_81] {strides = array<i32>} : memref<64xi32, #tpu.memory_space<vmem>>, vector<16xi32>,
      %select_n3A_83 = arith.select %le3A_69, %get3A_82, %broadcast_in_dim3A_77 : vector<16xi32>
      %swap3A_84 = arith.constant 16 : index
      %swap3A_85 = tpu.vector_load %arg16[%swap3A_84] {strides = array<i32>} : memref<64xi32, #tpu.memory_space<vmem>>, vector<16xi32>,
      tpu.vector_store %arg16[%swap3A_84], %select_n3A_83 {strides = array<i32>} : memref<64xi32, #tpu.memory_space<vmem>>, vector<16xi32>,
      %get3A_86 = arith.constant 32 : index
      %get3A_87 = tpu.vector_load %arg16[%get3A_86] {strides = array<i32>} : memref<64xi32, #tpu.memory_space<vmem>>, vector<16xi32>,
      %select_n3A_88 = arith.select %le3A_69, %get3A_87, %broadcast_in_dim3A_77 : vector<16xi32>
      %swap3A_89 = arith.constant 32 : index
      %swap3A_90 = tpu.vector_load %arg16[%swap3A_89] {strides = array<i32>} : memref<64xi32, #tpu.memory_space<vmem>>, vector<16xi32>,
      tpu.vector_store %arg16[%swap3A_89], %select_n3A_88 {strides = array<i32>} : memref<64xi32, #tpu.memory_space<vmem>>, vector<16xi32>,
      %get3A_91 = arith.constant 48 : index
      %get3A_92 = tpu.vector_load %arg16[%get3A_91] {strides = array<i32>} : memref<64xi32, #tpu.memory_space<vmem>>, vector<16xi32>,
      %select_n3A_93 = arith.select %le3A_69, %get3A_92, %broadcast_in_dim3A_77 : vector<16xi32>
      %swap3A_94 = arith.constant 48 : index
      %swap3A_95 = tpu.vector_load %arg16[%swap3A_94] {strides = array<i32>} : memref<64xi32, #tpu.memory_space<vmem>>, vector<16xi32>,
      tpu.vector_store %arg16[%swap3A_94], %select_n3A_93 {strides = array<i32>} : memref<64xi32, #tpu.memory_space<vmem>>, vector<16xi32>,
      "tpu.region"() ({
        %run_scoped3A = tpu.sem_alloc : memref<!tpu.dma_semaphore, #tpu.memory_space<semaphore_mem>>
        %dma_start3A = arith.constant 0 : i32
        %dma_start3A_96 = arith.constant 0 : i32
        %dma_start3A_97 = tpu.memref_slice %arg17[%dma_start3A, %dma_start3A_96] : memref<10240x128xf32, #tpu.memory_space<vmem_shared>> -> memref<10240x128xf32, #tpu.memory_space<vmem_shared>>
        tpu.enqueue_indirect_dma source(%arg11 : memref<64x128xf32, #tpu.memory_space<vmem>>) target(%dma_start3A_97 : memref<10240x128xf32, #tpu.memory_space<vmem_shared>>) offsets(%arg16 : memref<64xi32, #tpu.memory_space<vmem>>) semaphore(%run_scoped3A : memref<!tpu.dma_semaphore, #tpu.memory_space<semaphore_mem>>) {add = true}
        %dma_wait3A = arith.constant 0 : i32
        %dma_wait3A_98 = arith.constant 0 : i32
        %dma_wait3A_99 = tpu.memref_slice %arg17[%dma_wait3A, %dma_wait3A_98] : memref<10240x128xf32, #tpu.memory_space<vmem_shared>> -> memref<10240x128xf32, #tpu.memory_space<vmem_shared>>
        tpu.wait_indirect_dma semaphore(%run_scoped3A : memref<!tpu.dma_semaphore, #tpu.memory_space<semaphore_mem>>) src(%arg11 : memref<64x128xf32, #tpu.memory_space<vmem>>) dst(%dma_wait3A_99 : memref<10240x128xf32, #tpu.memory_space<vmem_shared>>)
        tpu.yield
      }) : () -> ()
    }
    %scan3A_55 = arith.constant 157 : i32
    %barrier3A_56 = arith.constant 0 : index
    tpu.barrier barrier_id(%barrier3A_56)
    %scan3A_57 = arith.constant 0 : i32
    %scan3A_58 = arith.constant 0 : i32
    %scan3A_59 = arith.constant 10 : i32
    %scan3A_60 = arith.addi %scan3A_58, %scan3A_59 : i32
    %scan3A_61 = arith.constant 1 : i32
    scf.for %scan3A_63 = %scan3A_58 to %scan3A_60 step %scan3A_61  : i32 {
      %mul3A_64 = arith.constant 64 : i32
      %mul3A_65 = arith.muli %scan3A_63, %mul3A_64 : i32
      %add3A_66 = arith.addi %mul3A_4, %mul3A_65 : i32
      %add3A_67 = arith.constant 0 : i32
      %add3A_68 = arith.addi %add3A_66, %add3A_67 : i32
      %add3A_69 = vector.broadcast %add3A_68 : i32 to vector<16xi32>
      %add3A_70 = arith.addi %add3A_69, %iota3A : vector<16xi32>
      %swap3A = arith.constant 0 : index
      %swap3A_71 = tpu.vector_load %arg15[%swap3A] {strides = array<i32>} : memref<64xi32, #tpu.memory_space<vmem>>, vector<16xi32>,
      tpu.vector_store %arg15[%swap3A], %add3A_70 {strides = array<i32>} : memref<64xi32, #tpu.memory_space<vmem>>, vector<16xi32>,
      %add3A_72 = arith.constant 16 : i32
      %add3A_73 = arith.addi %add3A_66, %add3A_72 : i32
      %add3A_74 = vector.broadcast %add3A_73 : i32 to vector<16xi32>
      %add3A_75 = arith.addi %add3A_74, %iota3A : vector<16xi32>
      %swap3A_76 = arith.constant 16 : index
      %swap3A_77 = tpu.vector_load %arg15[%swap3A_76] {strides = array<i32>} : memref<64xi32, #tpu.memory_space<vmem>>, vector<16xi32>,
      tpu.vector_store %arg15[%swap3A_76], %add3A_75 {strides = array<i32>} : memref<64xi32, #tpu.memory_space<vmem>>, vector<16xi32>,
      %add3A_78 = arith.constant 32 : i32
      %add3A_79 = arith.addi %add3A_66, %add3A_78 : i32
      %add3A_80 = vector.broadcast %add3A_79 : i32 to vector<16xi32>
      %add3A_81 = arith.addi %add3A_80, %iota3A : vector<16xi32>
      %swap3A_82 = arith.constant 32 : index
      %swap3A_83 = tpu.vector_load %arg15[%swap3A_82] {strides = array<i32>} : memref<64xi32, #tpu.memory_space<vmem>>, vector<16xi32>,
      tpu.vector_store %arg15[%swap3A_82], %add3A_81 {strides = array<i32>} : memref<64xi32, #tpu.memory_space<vmem>>, vector<16xi32>,
      %add3A_84 = arith.constant 48 : i32
      %add3A_85 = arith.addi %add3A_66, %add3A_84 : i32
      %add3A_86 = vector.broadcast %add3A_85 : i32 to vector<16xi32>
      %add3A_87 = arith.addi %add3A_86, %iota3A : vector<16xi32>
      %swap3A_88 = arith.constant 48 : index
      %swap3A_89 = tpu.vector_load %arg15[%swap3A_88] {strides = array<i32>} : memref<64xi32, #tpu.memory_space<vmem>>, vector<16xi32>,
      tpu.vector_store %arg15[%swap3A_88], %add3A_87 {strides = array<i32>} : memref<64xi32, #tpu.memory_space<vmem>>, vector<16xi32>,
      "tpu.region"() ({
        %run_scoped3A = tpu.sem_alloc : memref<!tpu.dma_semaphore, #tpu.memory_space<semaphore_mem>>
        %dma_start3A = arith.constant 0 : i32
        %dma_start3A_97 = arith.constant 0 : i32
        %dma_start3A_98 = tpu.memref_slice %arg17[%dma_start3A, %dma_start3A_97] : memref<10240x128xf32, #tpu.memory_space<vmem_shared>> -> memref<10240x128xf32, #tpu.memory_space<vmem_shared>>
        tpu.enqueue_indirect_dma source(%dma_start3A_98 : memref<10240x128xf32, #tpu.memory_space<vmem_shared>>) target(%arg11 : memref<64x128xf32, #tpu.memory_space<vmem>>) offsets(%arg15 : memref<64xi32, #tpu.memory_space<vmem>>) semaphore(%run_scoped3A : memref<!tpu.dma_semaphore, #tpu.memory_space<semaphore_mem>>)
        %dma_wait3A = arith.constant 0 : i32
        %dma_wait3A_99 = arith.constant 0 : i32
        %dma_wait3A_100 = tpu.memref_slice %arg17[%dma_wait3A, %dma_wait3A_99] : memref<10240x128xf32, #tpu.memory_space<vmem_shared>> -> memref<10240x128xf32, #tpu.memory_space<vmem_shared>>
        tpu.wait_indirect_dma semaphore(%run_scoped3A : memref<!tpu.dma_semaphore, #tpu.memory_space<semaphore_mem>>) src(%dma_wait3A_100 : memref<10240x128xf32, #tpu.memory_space<vmem_shared>>) dst(%arg11 : memref<64x128xf32, #tpu.memory_space<vmem>>)
        tpu.yield
      }) : () -> ()
      %scan3A_90 = arith.constant 0 : i32
      %scan3A_91 = arith.constant 0 : i32
      %scan3A_92 = arith.constant 64 : i32
      %scan3A_93 = arith.addi %scan3A_91, %scan3A_92 : i32
      %scan3A_94 = arith.constant 1 : i32
      scf.for %scan3A_97 = %scan3A_91 to %scan3A_93 step %scan3A_94  : i32 {
        %get3A = arith.index_cast %scan3A_97 : i32 to index
        %get3A_98 = arith.constant 0 : index
        %get3A_99 = tpu.vector_load %arg11[%get3A, %get3A_98] {strides = array<i32>} : memref<64x128xf32, #tpu.memory_space<vmem>>, vector<16xf32>,
        %swap3A_100 = arith.index_cast %scan3A_97 : i32 to index
        %swap3A_101 = arith.constant 0 : index
        %swap3A_102 = tpu.vector_load %arg14[%swap3A_100, %swap3A_101] {strides = array<i32>} : memref<64x16xf32, #tpu.memory_space<vmem>>, vector<16xf32>,
        tpu.vector_store %arg14[%swap3A_100, %swap3A_101], %get3A_99 {strides = array<i32>} : memref<64x16xf32, #tpu.memory_space<vmem>>, vector<16xf32>,
      }
      %scan3A_95 = arith.constant 64 : i32
      %add3A_96 = arith.addi %mul3A_2, %add3A_66 : i32
      "tpu.region"() ({
        %run_scoped3A = tpu.sem_alloc : memref<!tpu.dma_semaphore, #tpu.memory_space<semaphore_mem>>
        %dma_start3A = arith.constant 0 : i32
        %dma_start3A_97 = tpu.memref_slice %arg9[%add3A_96, %dma_start3A] : memref<20480x16xf32, #tpu.memory_space<hbm>> -> memref<64x16xf32, #tpu.memory_space<hbm>>
        %dma_start3A_98 = arith.constant 0 : i32
        %dma_start3A_99 = tpu.memref_slice %arg9[%add3A_96, %dma_start3A_98] : memref<20480x16xf32, #tpu.memory_space<hbm>> -> memref<64x16xf32, #tpu.memory_space<hbm>>
        tpu.enqueue_dma source(%arg14 : memref<64x16xf32, #tpu.memory_space<vmem>>) target(%dma_start3A_99 : memref<64x16xf32, #tpu.memory_space<hbm>>) target_semaphore(%run_scoped3A : memref<!tpu.dma_semaphore, #tpu.memory_space<semaphore_mem>>)
        %dma_wait3A = arith.constant 0 : i32
        %dma_wait3A_100 = tpu.memref_slice %arg9[%add3A_96, %dma_wait3A] : memref<20480x16xf32, #tpu.memory_space<hbm>> -> memref<64x16xf32, #tpu.memory_space<hbm>>
        %dma_wait3A_101 = arith.constant 0 : i32
        %dma_wait3A_102 = tpu.memref_slice %arg9[%add3A_96, %dma_wait3A_101] : memref<20480x16xf32, #tpu.memory_space<hbm>> -> memref<64x16xf32, #tpu.memory_space<hbm>>
        tpu.wait_dma2 semaphore(%run_scoped3A : memref<!tpu.dma_semaphore, #tpu.memory_space<semaphore_mem>>) src(%arg14 : memref<64x16xf32, #tpu.memory_space<vmem>>) dst(%dma_wait3A_102 : memref<64x16xf32, #tpu.memory_space<hbm>>)
        tpu.yield
      }) : () -> ()
    }
    %scan3A_62 = arith.constant 10 : i32
    return
  }
}

module attributes {stable_mosaic.version = 14 : i64} {
  func.func @_qkv_body(%arg0: i32, %arg1: memref<400x128xf32, #tpu.memory_space<vmem>>, %arg2: memref<128x128xf32, #tpu.memory_space<vmem>>, %arg3: memref<128x128xf32, #tpu.memory_space<vmem>>, %arg4: memref<128x128xf32, #tpu.memory_space<vmem>>, %arg5: memref<400x128xf32, #tpu.memory_space<vmem>>, %arg6: memref<400x128xf32, #tpu.memory_space<vmem>>, %arg7: memref<400x128xf32, #tpu.memory_space<vmem>>) attributes {dimension_semantics = [#tpu.dimension_semantics<arbitrary>], iteration_bounds = array<i64: 25>, scalar_prefetch = 0 : i64, scratch_operands = 0 : i64, tpu.core_type = #tpu.core_type<tc>, window_params = [{transform_indices = @transform_0, window_bounds = array<i64: 400, 128>}, {pipeline_mode = #tpu.pipeline_mode<synchronous>, transform_indices = @transform_1, window_bounds = array<i64: 128, 128>}, {pipeline_mode = #tpu.pipeline_mode<synchronous>, transform_indices = @transform_2, window_bounds = array<i64: 128, 128>}, {pipeline_mode = #tpu.pipeline_mode<synchronous>, transform_indices = @transform_3, window_bounds = array<i64: 128, 128>}, {transform_indices = @transform_4, window_bounds = array<i64: 400, 128>}, {transform_indices = @transform_5, window_bounds = array<i64: 400, 128>}, {transform_indices = @transform_6, window_bounds = array<i64: 400, 128>}]} {
    %get3A = arith.constant 0 : index
    %get3A_0 = arith.constant 0 : index
    %get3A_1 = vector.load %arg1[%get3A, %get3A_0] : memref<400x128xf32, #tpu.memory_space<vmem>>, vector<400x128xf32>
    %get3A_2 = arith.constant 0 : index
    %get3A_3 = arith.constant 0 : index
    %get3A_4 = vector.load %arg2[%get3A_2, %get3A_3] : memref<128x128xf32, #tpu.memory_space<vmem>>, vector<128x128xf32>
    %dot_general3A = arith.constant dense<0.000000e+00> : vector<400x128xf32>
    %dot_general3A_5 = tpu.matmul %get3A_1, %get3A_4, %dot_general3A {dimension_numbers = #tpu.dot_dimension_numbers<[1], [0], [0], [1], [0, 0, 1, 1], [], []>, transpose_lhs_hint = false} : vector<400x128xf32>, vector<128x128xf32>, vector<400x128xf32> -> vector<400x128xf32>
    %swap3A = arith.constant 0 : index
    %swap3A_6 = arith.constant 0 : index
    %swap3A_7 = vector.load %arg5[%swap3A, %swap3A_6] : memref<400x128xf32, #tpu.memory_space<vmem>>, vector<400x128xf32>
    tpu.vector_store %arg5[%swap3A, %swap3A_6], %dot_general3A_5 {strides = array<i32>} : memref<400x128xf32, #tpu.memory_space<vmem>>, vector<400x128xf32>,
    %get3A_8 = arith.constant 0 : index
    %get3A_9 = arith.constant 0 : index
    %get3A_10 = vector.load %arg3[%get3A_8, %get3A_9] : memref<128x128xf32, #tpu.memory_space<vmem>>, vector<128x128xf32>
    %dot_general3A_11 = arith.constant dense<0.000000e+00> : vector<400x128xf32>
    %dot_general3A_12 = tpu.matmul %get3A_1, %get3A_10, %dot_general3A_11 {dimension_numbers = #tpu.dot_dimension_numbers<[1], [0], [0], [1], [0, 0, 1, 1], [], []>, transpose_lhs_hint = false} : vector<400x128xf32>, vector<128x128xf32>, vector<400x128xf32> -> vector<400x128xf32>
    %swap3A_13 = arith.constant 0 : index
    %swap3A_14 = arith.constant 0 : index
    %swap3A_15 = vector.load %arg6[%swap3A_13, %swap3A_14] : memref<400x128xf32, #tpu.memory_space<vmem>>, vector<400x128xf32>
    tpu.vector_store %arg6[%swap3A_13, %swap3A_14], %dot_general3A_12 {strides = array<i32>} : memref<400x128xf32, #tpu.memory_space<vmem>>, vector<400x128xf32>,
    %get3A_16 = arith.constant 0 : index
    %get3A_17 = arith.constant 0 : index
    %get3A_18 = vector.load %arg4[%get3A_16, %get3A_17] : memref<128x128xf32, #tpu.memory_space<vmem>>, vector<128x128xf32>
    %dot_general3A_19 = arith.constant dense<0.000000e+00> : vector<400x128xf32>
    %dot_general3A_20 = tpu.matmul %get3A_1, %get3A_18, %dot_general3A_19 {dimension_numbers = #tpu.dot_dimension_numbers<[1], [0], [0], [1], [0, 0, 1, 1], [], []>, transpose_lhs_hint = false} : vector<400x128xf32>, vector<128x128xf32>, vector<400x128xf32> -> vector<400x128xf32>
    %swap3A_21 = arith.constant 0 : index
    %swap3A_22 = arith.constant 0 : index
    %swap3A_23 = vector.load %arg7[%swap3A_21, %swap3A_22] : memref<400x128xf32, #tpu.memory_space<vmem>>, vector<400x128xf32>
    tpu.vector_store %arg7[%swap3A_21, %swap3A_22], %dot_general3A_20 {strides = array<i32>} : memref<400x128xf32, #tpu.memory_space<vmem>>, vector<400x128xf32>,
    return
  }
  func.func @transform_0(%arg0: i32) -> (i32, i32) {
    %c0_i32 = arith.constant 0 : i32
    %c0_i32_0 = arith.constant 0 : i32
    return %arg0, %c0_i32 : i32, i32
  }
  func.func @transform_1(%arg0: i32) -> (i32, i32) {
    %c0_i32 = arith.constant 0 : i32
    %c0_i32_0 = arith.constant 0 : i32
    %c0_i32_1 = arith.constant 0 : i32
    return %c0_i32, %c0_i32_0 : i32, i32
  }
  func.func @transform_2(%arg0: i32) -> (i32, i32) {
    %c0_i32 = arith.constant 0 : i32
    %c0_i32_0 = arith.constant 0 : i32
    %c0_i32_1 = arith.constant 0 : i32
    return %c0_i32, %c0_i32_0 : i32, i32
  }
  func.func @transform_3(%arg0: i32) -> (i32, i32) {
    %c0_i32 = arith.constant 0 : i32
    %c0_i32_0 = arith.constant 0 : i32
    %c0_i32_1 = arith.constant 0 : i32
    return %c0_i32, %c0_i32_0 : i32, i32
  }
  func.func @transform_4(%arg0: i32) -> (i32, i32) {
    %c0_i32 = arith.constant 0 : i32
    %c0_i32_0 = arith.constant 0 : i32
    return %arg0, %c0_i32 : i32, i32
  }
  func.func @transform_5(%arg0: i32) -> (i32, i32) {
    %c0_i32 = arith.constant 0 : i32
    %c0_i32_0 = arith.constant 0 : i32
    return %arg0, %c0_i32 : i32, i32
  }
  func.func @transform_6(%arg0: i32) -> (i32, i32) {
    %c0_i32 = arith.constant 0 : i32
    %c0_i32_0 = arith.constant 0 : i32
    return %arg0, %c0_i32 : i32, i32
  }
}

module attributes {stable_mosaic.version = 14 : i64} {
  func.func @_ew_body(%arg0: i32, %arg1: memref<1x12800x1xf32, #tpu.memory_space<vmem>>, %arg2: memref<1x32xf32, #tpu.memory_space<vmem>>, %arg3: memref<1x32xf32, #tpu.memory_space<vmem>>, %arg4: memref<32x8xf32, #tpu.memory_space<vmem>>, %arg5: memref<1x8xf32, #tpu.memory_space<vmem>>, %arg6: memref<12800x8xf32, #tpu.memory_space<vmem>>) attributes {dimension_semantics = [#tpu.dimension_semantics<arbitrary>], iteration_bounds = array<i64: 25>, scalar_prefetch = 0 : i64, scratch_operands = 0 : i64, tpu.core_type = #tpu.core_type<tc>, window_params = [{transform_indices = @transform_0, window_bounds = array<i64: 1, 12800, 1>}, {pipeline_mode = #tpu.pipeline_mode<synchronous>, transform_indices = @transform_1, window_bounds = array<i64: 1, 32>}, {pipeline_mode = #tpu.pipeline_mode<synchronous>, transform_indices = @transform_2, window_bounds = array<i64: 1, 32>}, {pipeline_mode = #tpu.pipeline_mode<synchronous>, transform_indices = @transform_3, window_bounds = array<i64: 32, 8>}, {pipeline_mode = #tpu.pipeline_mode<synchronous>, transform_indices = @transform_4, window_bounds = array<i64: 1, 8>}, {transform_indices = @transform_5, window_bounds = array<i64: 12800, 8>}]} {
    %get3A = arith.constant 0 : index
    %get3A_0 = arith.constant 0 : index
    %get3A_1 = arith.constant 0 : index
    %get3A_2 = vector.load %arg1[%get3A, %get3A_0, %get3A_1] : memref<1x12800x1xf32, #tpu.memory_space<vmem>>, vector<1x12800x1xf32>
    %get3A_3 = vector.shape_cast %get3A_2 : vector<1x12800x1xf32> to vector<12800x1xf32>
    %get3A_4 = arith.constant 0 : index
    %get3A_5 = arith.constant 0 : index
    %get3A_6 = vector.load %arg2[%get3A_4, %get3A_5] : memref<1x32xf32, #tpu.memory_space<vmem>>, vector<1x32xf32>
    %mul3A = vector.broadcast %get3A_3 : vector<12800x1xf32> to vector<12800x32xf32>
    %mul3A_7 = vector.broadcast %get3A_6 : vector<1x32xf32> to vector<12800x32xf32>
    %mul3A_8 = arith.mulf %mul3A, %mul3A_7 : vector<12800x32xf32>
    %get3A_9 = arith.constant 0 : index
    %get3A_10 = arith.constant 0 : index
    %get3A_11 = vector.load %arg3[%get3A_9, %get3A_10] : memref<1x32xf32, #tpu.memory_space<vmem>>, vector<1x32xf32>
    %add3A = vector.broadcast %get3A_11 : vector<1x32xf32> to vector<12800x32xf32>
    %add3A_12 = arith.addf %mul3A_8, %add3A : vector<12800x32xf32>
    %max3A = arith.constant 0.000000e+00 : f32
    %max3A_13 = vector.broadcast %max3A : f32 to vector<12800x32xf32>
    %max3A_14 = arith.maximumf %add3A_12, %max3A_13 : vector<12800x32xf32>
    %get3A_15 = arith.constant 0 : index
    %get3A_16 = arith.constant 0 : index
    %get3A_17 = vector.load %arg4[%get3A_15, %get3A_16] : memref<32x8xf32, #tpu.memory_space<vmem>>, vector<32x8xf32>
    %dot_general3A = arith.constant dense<0.000000e+00> : vector<12800x8xf32>
    %dot_general3A_18 = tpu.matmul %max3A_14, %get3A_17, %dot_general3A {dimension_numbers = #tpu.dot_dimension_numbers<[1], [0], [0], [1], [0, 0, 1, 1], [], []>, transpose_lhs_hint = false} : vector<12800x32xf32>, vector<32x8xf32>, vector<12800x8xf32> -> vector<12800x8xf32>
    %get3A_19 = arith.constant 0 : index
    %get3A_20 = arith.constant 0 : index
    %get3A_21 = vector.load %arg5[%get3A_19, %get3A_20] : memref<1x8xf32, #tpu.memory_space<vmem>>, vector<1x8xf32>
    %add3A_22 = vector.broadcast %get3A_21 : vector<1x8xf32> to vector<12800x8xf32>
    %add3A_23 = arith.addf %dot_general3A_18, %add3A_22 : vector<12800x8xf32>
    %neg3A = arith.constant 0.000000e+00 : f32
    %neg3A_24 = vector.broadcast %neg3A : f32 to vector<12800x8xf32>
    %neg3A_25 = arith.subf %neg3A_24, %add3A_23 : vector<12800x8xf32>
    %exp3A = math.exp %neg3A_25 : vector<12800x8xf32>
    %add3A_26 = arith.constant 1.000000e+00 : f32
    %add3A_27 = vector.broadcast %add3A_26 : f32 to vector<12800x8xf32>
    %add3A_28 = arith.addf %add3A_27, %exp3A : vector<12800x8xf32>
    %div3A = arith.constant 1.000000e+00 : f32
    %div3A_29 = vector.broadcast %div3A : f32 to vector<12800x8xf32>
    %div3A_30 = arith.divf %div3A_29, %add3A_28 : vector<12800x8xf32>
    %swap3A = arith.constant 0 : index
    %swap3A_31 = arith.constant 0 : index
    %swap3A_32 = vector.load %arg6[%swap3A, %swap3A_31] : memref<12800x8xf32, #tpu.memory_space<vmem>>, vector<12800x8xf32>
    tpu.vector_store %arg6[%swap3A, %swap3A_31], %div3A_30 {strides = array<i32>} : memref<12800x8xf32, #tpu.memory_space<vmem>>, vector<12800x8xf32>,
    return
  }
  func.func @transform_0(%arg0: i32) -> (i32, i32, i32) {
    %c0_i32 = arith.constant 0 : i32
    %c0_i32_0 = arith.constant 0 : i32
    %c0_i32_1 = arith.constant 0 : i32
    return %arg0, %c0_i32, %c0_i32_0 : i32, i32, i32
  }
  func.func @transform_1(%arg0: i32) -> (i32, i32) {
    %c0_i32 = arith.constant 0 : i32
    %c0_i32_0 = arith.constant 0 : i32
    %c0_i32_1 = arith.constant 0 : i32
    return %c0_i32, %c0_i32_0 : i32, i32
  }
  func.func @transform_2(%arg0: i32) -> (i32, i32) {
    %c0_i32 = arith.constant 0 : i32
    %c0_i32_0 = arith.constant 0 : i32
    %c0_i32_1 = arith.constant 0 : i32
    return %c0_i32, %c0_i32_0 : i32, i32
  }
  func.func @transform_3(%arg0: i32) -> (i32, i32) {
    %c0_i32 = arith.constant 0 : i32
    %c0_i32_0 = arith.constant 0 : i32
    %c0_i32_1 = arith.constant 0 : i32
    return %c0_i32, %c0_i32_0 : i32, i32
  }
  func.func @transform_4(%arg0: i32) -> (i32, i32) {
    %c0_i32 = arith.constant 0 : i32
    %c0_i32_0 = arith.constant 0 : i32
    %c0_i32_1 = arith.constant 0 : i32
    return %c0_i32, %c0_i32_0 : i32, i32
  }
  func.func @transform_5(%arg0: i32) -> (i32, i32) {
    %c0_i32 = arith.constant 0 : i32
    %c0_i32_0 = arith.constant 0 : i32
    return %arg0, %c0_i32 : i32, i32
  }
}

module attributes {stable_mosaic.version = 14 : i64} {
  func.func @_post_body(%arg0: i32, %arg1: memref<400x128xf32, #tpu.memory_space<vmem>>, %arg2: memref<400x128xf32, #tpu.memory_space<vmem>>, %arg3: memref<400x128xf32, #tpu.memory_space<vmem>>, %arg4: memref<400x16xf32, #tpu.memory_space<vmem>>, %arg5: memref<400x16xf32, #tpu.memory_space<vmem>>, %arg6: memref<128x128xf32, #tpu.memory_space<vmem>>, %arg7: memref<1x128xf32, #tpu.memory_space<vmem>>, %arg8: memref<1x128xf32, #tpu.memory_space<vmem>>, %arg9: memref<1x128xf32, #tpu.memory_space<vmem>>, %arg10: memref<1x128xf32, #tpu.memory_space<vmem>>, %arg11: memref<1x128xf32, #tpu.memory_space<vmem>>, %arg12: memref<128x512xf32, #tpu.memory_space<vmem>>, %arg13: memref<1x512xf32, #tpu.memory_space<vmem>>, %arg14: memref<512x128xf32, #tpu.memory_space<vmem>>, %arg15: memref<1x128xf32, #tpu.memory_space<vmem>>, %arg16: memref<400x128xf32, #tpu.memory_space<vmem>>) attributes {dimension_semantics = [#tpu.dimension_semantics<arbitrary>], iteration_bounds = array<i64: 25>, scalar_prefetch = 0 : i64, scratch_operands = 0 : i64, tpu.core_type = #tpu.core_type<tc>, window_params = [{transform_indices = @transform_0, window_bounds = array<i64: 400, 128>}, {transform_indices = @transform_1, window_bounds = array<i64: 400, 128>}, {transform_indices = @transform_2, window_bounds = array<i64: 400, 128>}, {transform_indices = @transform_3, window_bounds = array<i64: 400, 16>}, {transform_indices = @transform_4, window_bounds = array<i64: 400, 16>}, {pipeline_mode = #tpu.pipeline_mode<synchronous>, transform_indices = @transform_5, window_bounds = array<i64: 128, 128>}, {pipeline_mode = #tpu.pipeline_mode<synchronous>, transform_indices = @transform_6, window_bounds = array<i64: 1, 128>}, {pipeline_mode = #tpu.pipeline_mode<synchronous>, transform_indices = @transform_7, window_bounds = array<i64: 1, 128>}, {pipeline_mode = #tpu.pipeline_mode<synchronous>, transform_indices = @transform_8, window_bounds = array<i64: 1, 128>}, {pipeline_mode = #tpu.pipeline_mode<synchronous>, transform_indices = @transform_9, window_bounds = array<i64: 1, 128>}, {pipeline_mode = #tpu.pipeline_mode<synchronous>, transform_indices = @transform_10, window_bounds = array<i64: 1, 128>}, {pipeline_mode = #tpu.pipeline_mode<synchronous>, transform_indices = @transform_11, window_bounds = array<i64: 128, 512>}, {pipeline_mode = #tpu.pipeline_mode<synchronous>, transform_indices = @transform_12, window_bounds = array<i64: 1, 512>}, {pipeline_mode = #tpu.pipeline_mode<synchronous>, transform_indices = @transform_13, window_bounds = array<i64: 512, 128>}, {pipeline_mode = #tpu.pipeline_mode<synchronous>, transform_indices = @transform_14, window_bounds = array<i64: 1, 128>}, {transform_indices = @transform_15, window_bounds = array<i64: 400, 128>}]} {
    %get3A = arith.constant 0 : index
    %get3A_0 = arith.constant 0 : index
    %get3A_1 = vector.load %arg4[%get3A, %get3A_0] : memref<400x16xf32, #tpu.memory_space<vmem>>, vector<400x16xf32>
    %get3A_2 = arith.constant 0 : index
    %get3A_3 = arith.constant 0 : index
    %get3A_4 = vector.load %arg5[%get3A_2, %get3A_3] : memref<400x16xf32, #tpu.memory_space<vmem>>, vector<400x16xf32>
    %add3A = arith.addf %get3A_1, %get3A_4 : vector<400x16xf32>
    %iota3A = tpu.iota {dimensions = array<i32: 0>} : vector<16x128xi32>
    %iota3A_5 = tpu.iota {dimensions = array<i32: 1>} : vector<16x128xi32>
    %jit3A = arith.constant 16 : i32
    %div3A = vector.broadcast %jit3A : i32 to vector<16x128xi32>
    %div3A_6 = arith.divsi %iota3A_5, %div3A : vector<16x128xi32>
    %sign3A = arith.constant 0 : i32
    %sign3A_7 = vector.broadcast %sign3A : i32 to vector<16x128xi32>
    %sign3A_8 = arith.cmpi sgt, %iota3A_5, %sign3A_7 : vector<16x128xi32>
    %sign3A_9 = arith.extui %sign3A_8 : vector<16x128xi1> to vector<16x128xi32>
    %sign3A_10 = arith.constant 0 : i32
    %sign3A_11 = vector.broadcast %sign3A_10 : i32 to vector<16x128xi32>
    %sign3A_12 = arith.cmpi slt, %iota3A_5, %sign3A_11 : vector<16x128xi32>
    %sign3A_13 = arith.extui %sign3A_12 : vector<16x128xi1> to vector<16x128xi32>
    %sign3A_14 = arith.subi %sign3A_9, %sign3A_13 : vector<16x128xi32>
    %sign3A_15 = arith.constant 0 : i32
    %sign3A_16 = arith.cmpi sgt, %jit3A, %sign3A_15 : i32
    %sign3A_17 = arith.extui %sign3A_16 : i1 to i32
    %sign3A_18 = arith.constant 0 : i32
    %sign3A_19 = arith.cmpi slt, %jit3A, %sign3A_18 : i32
    %sign3A_20 = arith.extui %sign3A_19 : i1 to i32
    %sign3A_21 = arith.subi %sign3A_17, %sign3A_20 : i32
    %ne3A = vector.broadcast %sign3A_21 : i32 to vector<16x128xi32>
    %ne3A_22 = arith.cmpi ne, %sign3A_14, %ne3A : vector<16x128xi32>
    %rem3A = vector.broadcast %jit3A : i32 to vector<16x128xi32>
    %rem3A_23 = arith.remsi %iota3A_5, %rem3A : vector<16x128xi32>
    %ne3A_24 = arith.constant 0 : i32
    %ne3A_25 = vector.broadcast %ne3A_24 : i32 to vector<16x128xi32>
    %ne3A_26 = arith.cmpi ne, %rem3A_23, %ne3A_25 : vector<16x128xi32>
    %and3A = arith.andi %ne3A_22, %ne3A_26 : vector<16x128xi1>
    %sub3A = arith.constant 1 : i32
    %sub3A_27 = vector.broadcast %sub3A : i32 to vector<16x128xi32>
    %sub3A_28 = arith.subi %div3A_6, %sub3A_27 : vector<16x128xi32>
    %select_n3A = arith.select %and3A, %sub3A_28, %div3A_6 : vector<16x128xi1>, vector<16x128xi32>
    %eq3A = arith.cmpi eq, %select_n3A, %iota3A : vector<16x128xi32>
    %jit3A_29 = arith.constant 1.000000e+00 : f32
    %jit3A_30 = arith.constant 0.000000e+00 : f32
    %broadcast_in_dim3A = vector.broadcast %jit3A_29 : f32 to vector<16x128xf32>
    %broadcast_in_dim3A_31 = vector.broadcast %jit3A_30 : f32 to vector<16x128xf32>
    %select_n3A_32 = arith.select %eq3A, %broadcast_in_dim3A, %broadcast_in_dim3A_31 : vector<16x128xi1>, vector<16x128xf32>
    %dot_general3A = arith.constant dense<0.000000e+00> : vector<400x128xf32>
    %dot_general3A_33 = tpu.matmul %add3A, %select_n3A_32, %dot_general3A {dimension_numbers = #tpu.dot_dimension_numbers<[1], [0], [0], [1], [0, 0, 1, 1], [], []>, transpose_lhs_hint = false} : vector<400x16xf32>, vector<16x128xf32>, vector<400x128xf32> -> vector<400x128xf32>
    %get3A_34 = arith.constant 0 : index
    %get3A_35 = arith.constant 0 : index
    %get3A_36 = vector.load %arg2[%get3A_34, %get3A_35] : memref<400x128xf32, #tpu.memory_space<vmem>>, vector<400x128xf32>
    %get3A_37 = arith.constant 0 : index
    %get3A_38 = arith.constant 0 : index
    %get3A_39 = vector.load %arg3[%get3A_37, %get3A_38] : memref<400x128xf32, #tpu.memory_space<vmem>>, vector<400x128xf32>
    %add3A_40 = arith.addf %get3A_36, %get3A_39 : vector<400x128xf32>
    %add3A_41 = arith.constant 1.000000e-16 : f32
    %add3A_42 = vector.broadcast %add3A_41 : f32 to vector<400x128xf32>
    %add3A_43 = arith.addf %dot_general3A_33, %add3A_42 : vector<400x128xf32>
    %div3A_44 = arith.divf %add3A_40, %add3A_43 : vector<400x128xf32>
    %get3A_45 = arith.constant 0 : index
    %get3A_46 = arith.constant 0 : index
    %get3A_47 = vector.load %arg6[%get3A_45, %get3A_46] : memref<128x128xf32, #tpu.memory_space<vmem>>, vector<128x128xf32>
    %dot_general3A_48 = arith.constant dense<0.000000e+00> : vector<400x128xf32>
    %dot_general3A_49 = tpu.matmul %div3A_44, %get3A_47, %dot_general3A_48 {dimension_numbers = #tpu.dot_dimension_numbers<[1], [0], [0], [1], [0, 0, 1, 1], [], []>, transpose_lhs_hint = false} : vector<400x128xf32>, vector<128x128xf32>, vector<400x128xf32> -> vector<400x128xf32>
    %get3A_50 = arith.constant 0 : index
    %get3A_51 = arith.constant 0 : index
    %get3A_52 = vector.load %arg7[%get3A_50, %get3A_51] : memref<1x128xf32, #tpu.memory_space<vmem>>, vector<1x128xf32>
    %add3A_53 = vector.broadcast %get3A_52 : vector<1x128xf32> to vector<400x128xf32>
    %add3A_54 = arith.addf %dot_general3A_49, %add3A_53 : vector<400x128xf32>
    %get3A_55 = arith.constant 0 : index
    %get3A_56 = arith.constant 0 : index
    %get3A_57 = vector.load %arg1[%get3A_55, %get3A_56] : memref<400x128xf32, #tpu.memory_space<vmem>>, vector<400x128xf32>
    %add3A_58 = arith.addf %get3A_57, %add3A_54 : vector<400x128xf32>
    %get3A_59 = arith.constant 0 : index
    %get3A_60 = arith.constant 0 : index
    %get3A_61 = vector.load %arg8[%get3A_59, %get3A_60] : memref<1x128xf32, #tpu.memory_space<vmem>>, vector<1x128xf32>
    %get3A_62 = arith.constant 0 : index
    %get3A_63 = arith.constant 0 : index
    %get3A_64 = vector.load %arg9[%get3A_62, %get3A_63] : memref<1x128xf32, #tpu.memory_space<vmem>>, vector<1x128xf32>
    %reduce_sum3A = arith.constant dense<0.000000e+00> : vector<400xf32>
    %reduce_sum3A_65 = vector.multi_reduction <add>, %add3A_58, %reduce_sum3A [1] : vector<400x128xf32> to vector<400xf32>
    %broadcast_in_dim3A_66 = vector.shape_cast %reduce_sum3A_65 : vector<400xf32> to vector<400x1xf32>
    %div3A_67 = arith.constant 1.280000e+02 : f32
    %div3A_68 = vector.broadcast %div3A_67 : f32 to vector<400x1xf32>
    %div3A_69 = arith.divf %broadcast_in_dim3A_66, %div3A_68 : vector<400x1xf32>
    %sub3A_70 = vector.broadcast %div3A_69 : vector<400x1xf32> to vector<400x128xf32>
    %sub3A_71 = arith.subf %add3A_58, %sub3A_70 : vector<400x128xf32>
    %mul3A = arith.mulf %sub3A_71, %sub3A_71 : vector<400x128xf32>
    %reduce_sum3A_72 = arith.constant dense<0.000000e+00> : vector<400xf32>
    %reduce_sum3A_73 = vector.multi_reduction <add>, %mul3A, %reduce_sum3A_72 [1] : vector<400x128xf32> to vector<400xf32>
    %broadcast_in_dim3A_74 = vector.shape_cast %reduce_sum3A_73 : vector<400xf32> to vector<400x1xf32>
    %div3A_75 = arith.constant 1.280000e+02 : f32
    %div3A_76 = vector.broadcast %div3A_75 : f32 to vector<400x1xf32>
    %div3A_77 = arith.divf %broadcast_in_dim3A_74, %div3A_76 : vector<400x1xf32>
    %add3A_78 = arith.constant 9.99999974E-6 : f32
    %add3A_79 = vector.broadcast %add3A_78 : f32 to vector<400x1xf32>
    %add3A_80 = arith.addf %div3A_77, %add3A_79 : vector<400x1xf32>
    %sqrt3A = math.sqrt %add3A_80 : vector<400x1xf32>
    %div3A_81 = vector.broadcast %sqrt3A : vector<400x1xf32> to vector<400x128xf32>
    %div3A_82 = arith.divf %sub3A_71, %div3A_81 : vector<400x128xf32>
    %mul3A_83 = vector.broadcast %get3A_61 : vector<1x128xf32> to vector<400x128xf32>
    %mul3A_84 = arith.mulf %div3A_82, %mul3A_83 : vector<400x128xf32>
    %add3A_85 = vector.broadcast %get3A_64 : vector<1x128xf32> to vector<400x128xf32>
    %add3A_86 = arith.addf %mul3A_84, %add3A_85 : vector<400x128xf32>
    %get3A_87 = arith.constant 0 : index
    %get3A_88 = arith.constant 0 : index
    %get3A_89 = vector.load %arg12[%get3A_87, %get3A_88] : memref<128x512xf32, #tpu.memory_space<vmem>>, vector<128x512xf32>
    %dot_general3A_90 = arith.constant dense<0.000000e+00> : vector<400x512xf32>
    %dot_general3A_91 = tpu.matmul %add3A_86, %get3A_89, %dot_general3A_90 {dimension_numbers = #tpu.dot_dimension_numbers<[1], [0], [0], [1], [0, 0, 1, 1], [], []>, transpose_lhs_hint = false} : vector<400x128xf32>, vector<128x512xf32>, vector<400x512xf32> -> vector<400x512xf32>
    %get3A_92 = arith.constant 0 : index
    %get3A_93 = arith.constant 0 : index
    %get3A_94 = vector.load %arg13[%get3A_92, %get3A_93] : memref<1x512xf32, #tpu.memory_space<vmem>>, vector<1x512xf32>
    %add3A_95 = vector.broadcast %get3A_94 : vector<1x512xf32> to vector<400x512xf32>
    %add3A_96 = arith.addf %dot_general3A_91, %add3A_95 : vector<400x512xf32>
    %mul3A_97 = arith.constant 5.000000e-01 : f32
    %mul3A_98 = vector.broadcast %mul3A_97 : f32 to vector<400x512xf32>
    %mul3A_99 = arith.mulf %add3A_96, %mul3A_98 : vector<400x512xf32>
    %mul3A_100 = arith.constant 0.707106769 : f32
    %mul3A_101 = vector.broadcast %mul3A_100 : f32 to vector<400x512xf32>
    %mul3A_102 = arith.mulf %add3A_96, %mul3A_101 : vector<400x512xf32>
    %erf3A = math.erf %mul3A_102 : vector<400x512xf32>
    %add3A_103 = arith.constant 1.000000e+00 : f32
    %add3A_104 = vector.broadcast %add3A_103 : f32 to vector<400x512xf32>
    %add3A_105 = arith.addf %add3A_104, %erf3A : vector<400x512xf32>
    %mul3A_106 = arith.mulf %mul3A_99, %add3A_105 : vector<400x512xf32>
    %get3A_107 = arith.constant 0 : index
    %get3A_108 = arith.constant 0 : index
    %get3A_109 = vector.load %arg14[%get3A_107, %get3A_108] : memref<512x128xf32, #tpu.memory_space<vmem>>, vector<512x128xf32>
    %dot_general3A_110 = arith.constant dense<0.000000e+00> : vector<400x128xf32>
    %dot_general3A_111 = tpu.matmul %mul3A_106, %get3A_109, %dot_general3A_110 {dimension_numbers = #tpu.dot_dimension_numbers<[1], [0], [0], [1], [0, 0, 1, 1], [], []>, transpose_lhs_hint = false} : vector<400x512xf32>, vector<512x128xf32>, vector<400x128xf32> -> vector<400x128xf32>
    %add3A_112 = arith.addf %add3A_86, %dot_general3A_111 : vector<400x128xf32>
    %get3A_113 = arith.constant 0 : index
    %get3A_114 = arith.constant 0 : index
    %get3A_115 = vector.load %arg15[%get3A_113, %get3A_114] : memref<1x128xf32, #tpu.memory_space<vmem>>, vector<1x128xf32>
    %add3A_116 = vector.broadcast %get3A_115 : vector<1x128xf32> to vector<400x128xf32>
    %add3A_117 = arith.addf %add3A_112, %add3A_116 : vector<400x128xf32>
    %get3A_118 = arith.constant 0 : index
    %get3A_119 = arith.constant 0 : index
    %get3A_120 = vector.load %arg10[%get3A_118, %get3A_119] : memref<1x128xf32, #tpu.memory_space<vmem>>, vector<1x128xf32>
    %get3A_121 = arith.constant 0 : index
    %get3A_122 = arith.constant 0 : index
    %get3A_123 = vector.load %arg11[%get3A_121, %get3A_122] : memref<1x128xf32, #tpu.memory_space<vmem>>, vector<1x128xf32>
    %reduce_sum3A_124 = arith.constant dense<0.000000e+00> : vector<400xf32>
    %reduce_sum3A_125 = vector.multi_reduction <add>, %add3A_117, %reduce_sum3A_124 [1] : vector<400x128xf32> to vector<400xf32>
    %broadcast_in_dim3A_126 = vector.shape_cast %reduce_sum3A_125 : vector<400xf32> to vector<400x1xf32>
    %div3A_127 = arith.constant 1.280000e+02 : f32
    %div3A_128 = vector.broadcast %div3A_127 : f32 to vector<400x1xf32>
    %div3A_129 = arith.divf %broadcast_in_dim3A_126, %div3A_128 : vector<400x1xf32>
    %sub3A_130 = vector.broadcast %div3A_129 : vector<400x1xf32> to vector<400x128xf32>
    %sub3A_131 = arith.subf %add3A_117, %sub3A_130 : vector<400x128xf32>
    %mul3A_132 = arith.mulf %sub3A_131, %sub3A_131 : vector<400x128xf32>
    %reduce_sum3A_133 = arith.constant dense<0.000000e+00> : vector<400xf32>
    %reduce_sum3A_134 = vector.multi_reduction <add>, %mul3A_132, %reduce_sum3A_133 [1] : vector<400x128xf32> to vector<400xf32>
    %broadcast_in_dim3A_135 = vector.shape_cast %reduce_sum3A_134 : vector<400xf32> to vector<400x1xf32>
    %div3A_136 = arith.constant 1.280000e+02 : f32
    %div3A_137 = vector.broadcast %div3A_136 : f32 to vector<400x1xf32>
    %div3A_138 = arith.divf %broadcast_in_dim3A_135, %div3A_137 : vector<400x1xf32>
    %add3A_139 = arith.constant 9.99999974E-6 : f32
    %add3A_140 = vector.broadcast %add3A_139 : f32 to vector<400x1xf32>
    %add3A_141 = arith.addf %div3A_138, %add3A_140 : vector<400x1xf32>
    %sqrt3A_142 = math.sqrt %add3A_141 : vector<400x1xf32>
    %div3A_143 = vector.broadcast %sqrt3A_142 : vector<400x1xf32> to vector<400x128xf32>
    %div3A_144 = arith.divf %sub3A_131, %div3A_143 : vector<400x128xf32>
    %mul3A_145 = vector.broadcast %get3A_120 : vector<1x128xf32> to vector<400x128xf32>
    %mul3A_146 = arith.mulf %div3A_144, %mul3A_145 : vector<400x128xf32>
    %add3A_147 = vector.broadcast %get3A_123 : vector<1x128xf32> to vector<400x128xf32>
    %add3A_148 = arith.addf %mul3A_146, %add3A_147 : vector<400x128xf32>
    %swap3A = arith.constant 0 : index
    %swap3A_149 = arith.constant 0 : index
    %swap3A_150 = vector.load %arg16[%swap3A, %swap3A_149] : memref<400x128xf32, #tpu.memory_space<vmem>>, vector<400x128xf32>
    tpu.vector_store %arg16[%swap3A, %swap3A_149], %add3A_148 {strides = array<i32>} : memref<400x128xf32, #tpu.memory_space<vmem>>, vector<400x128xf32>,
    return
  }
  func.func @transform_0(%arg0: i32) -> (i32, i32) {
    %c0_i32 = arith.constant 0 : i32
    %c0_i32_0 = arith.constant 0 : i32
    return %arg0, %c0_i32 : i32, i32
  }
  func.func @transform_1(%arg0: i32) -> (i32, i32) {
    %c0_i32 = arith.constant 0 : i32
    %c0_i32_0 = arith.constant 0 : i32
    return %arg0, %c0_i32 : i32, i32
  }
  func.func @transform_2(%arg0: i32) -> (i32, i32) {
    %c0_i32 = arith.constant 0 : i32
    %c0_i32_0 = arith.constant 0 : i32
    return %arg0, %c0_i32 : i32, i32
  }
  func.func @transform_3(%arg0: i32) -> (i32, i32) {
    %c0_i32 = arith.constant 0 : i32
    %c0_i32_0 = arith.constant 0 : i32
    return %arg0, %c0_i32 : i32, i32
  }
  func.func @transform_4(%arg0: i32) -> (i32, i32) {
    %c0_i32 = arith.constant 0 : i32
    %c0_i32_0 = arith.constant 0 : i32
    return %arg0, %c0_i32 : i32, i32
  }
  func.func @transform_5(%arg0: i32) -> (i32, i32) {
    %c0_i32 = arith.constant 0 : i32
    %c0_i32_0 = arith.constant 0 : i32
    %c0_i32_1 = arith.constant 0 : i32
    return %c0_i32, %c0_i32_0 : i32, i32
  }
  func.func @transform_6(%arg0: i32) -> (i32, i32) {
    %c0_i32 = arith.constant 0 : i32
    %c0_i32_0 = arith.constant 0 : i32
    %c0_i32_1 = arith.constant 0 : i32
    return %c0_i32, %c0_i32_0 : i32, i32
  }
  func.func @transform_7(%arg0: i32) -> (i32, i32) {
    %c0_i32 = arith.constant 0 : i32
    %c0_i32_0 = arith.constant 0 : i32
    %c0_i32_1 = arith.constant 0 : i32
    return %c0_i32, %c0_i32_0 : i32, i32
  }
  func.func @transform_8(%arg0: i32) -> (i32, i32) {
    %c0_i32 = arith.constant 0 : i32
    %c0_i32_0 = arith.constant 0 : i32
    %c0_i32_1 = arith.constant 0 : i32
    return %c0_i32, %c0_i32_0 : i32, i32
  }
  func.func @transform_9(%arg0: i32) -> (i32, i32) {
    %c0_i32 = arith.constant 0 : i32
    %c0_i32_0 = arith.constant 0 : i32
    %c0_i32_1 = arith.constant 0 : i32
    return %c0_i32, %c0_i32_0 : i32, i32
  }
  func.func @transform_10(%arg0: i32) -> (i32, i32) {
    %c0_i32 = arith.constant 0 : i32
    %c0_i32_0 = arith.constant 0 : i32
    %c0_i32_1 = arith.constant 0 : i32
    return %c0_i32, %c0_i32_0 : i32, i32
  }
  func.func @transform_11(%arg0: i32) -> (i32, i32) {
    %c0_i32 = arith.constant 0 : i32
    %c0_i32_0 = arith.constant 0 : i32
    %c0_i32_1 = arith.constant 0 : i32
    return %c0_i32, %c0_i32_0 : i32, i32
  }
  func.func @transform_12(%arg0: i32) -> (i32, i32) {
    %c0_i32 = arith.constant 0 : i32
    %c0_i32_0 = arith.constant 0 : i32
    %c0_i32_1 = arith.constant 0 : i32
    return %c0_i32, %c0_i32_0 : i32, i32
  }
  func.func @transform_13(%arg0: i32) -> (i32, i32) {
    %c0_i32 = arith.constant 0 : i32
    %c0_i32_0 = arith.constant 0 : i32
    %c0_i32_1 = arith.constant 0 : i32
    return %c0_i32, %c0_i32_0 : i32, i32
  }
  func.func @transform_14(%arg0: i32) -> (i32, i32) {
    %c0_i32 = arith.constant 0 : i32
    %c0_i32_0 = arith.constant 0 : i32
    %c0_i32_1 = arith.constant 0 : i32
    return %c0_i32, %c0_i32_0 : i32, i32
  }
  func.func @transform_15(%arg0: i32) -> (i32, i32) {
    %c0_i32 = arith.constant 0 : i32
    %c0_i32_0 = arith.constant 0 : i32
    return %arg0, %c0_i32 : i32, i32
  }
}

</mosaic_0001>

<sc_bundles>
// kernel: kernel.6.cloned.1.call-start
scs
__scs_entry_jumppad:
0x0: {  	(pc) =	sbr.rel $0x88, $3  }
0x1: {  	(tag) =	ssettag $0x0;
	lr =	simm.s32 $0x1  }
0x2: {  	[smem:$0x3F8D] =	sst lr;
	_ =	strace $0xD0000000  }
0x3: {  	_ = 	snop  }
0x4: {  	_ = 	snop  }
0x5: {  	_ = 	snop  }
0x6: {  	_ = 	snop  }
0x7: {  	_ = 	snop  }
__scs_overlays_trampoline_lowered:
0x8: {  	[smem:$0x3F9C] =	sst s0  }
0x9: {  	[smem:$0x3F9D] =	sst s1  }
0xa: {  	[smem:$0x3F9E] =	sst s2  }
0xb: {  	[smem:$0x3F9F] =	sst s3  }
0xc: {  	[smem:$0x3FA0] =	sst s4  }
0xd: {  	[smem:$0x3FA1] =	sst s5  }
0xe: {  	[smem:$0x3FA2] =	sst s6  }
0xf: {  	[smem:$0x3FA3] =	sst s7  }
0x10: {  	[smem:$0x3FA4] =	sst s8  }
0x11: {  	[smem:$0x3FA5] =	sst s9;
	s0 =	simm.s32 @!p0 $0x0  }
0x12: {  	s1 =	sld [smem:$0x3F8B];
	s0 =	simm.s32 @p0 $0x1  }
0x13: {  	[smem:$0x3FA6] =	sst s0;
	s0 =	simm.s32 @!p1 $0x0  }
0x14: {  	s2 =	sld [smem:$0x3F8A];
	s0 =	simm.s32 @p1 $0x1  }
0x15: {  	[smem:$0x3FA7] =	sst s0;
	s0 =	simm.s32 @!p2 $0x0  }
0x16: {  	s3 =	sld [smem:$0x3FDB];
	s0 =	simm.s32 @p2 $0x1  }
0x17: {  	s4 =	simm.s32 $0x1BF5;
	[smem:$0x3FA9] =	sst s0  }
0x18: {  	s0 =	sld [smem:$0x3F8C];
	_ =	swait.ge [sflag:s4], $0x0  }
0x19: {  	s7 =	sld [smem:$0x3F8D]  }
0x1a: {  	s8 =	sadd.s32 $0xFFFFE003, lr  }
0x1b: {  	s9 =	sadd.s32 $0xFFFFFEF7, lr;
	s5 =	simm.s32 $0xFFFFFFFF;
	p2 =	slt.u32 s8, $0xFFFFF086  }
0x1c: {  	p1 =	slt.u32 s9, $0xF7A;
	s5 =	simm.s32 @!p2 $0x0  }
0x1d: {  	s5 =	simm.s32 @p1 $0x1;
	p0 =	seq.s32 s7, s2  }
0x1e: {  	s7 =	smul.u32 @!p0 $0xF7A, s2;
	p2 =	seq.s32 @!p0 s5, $0x0  }
0x1f: {  	s9 =	smul.u32 $0xF7A, s1;
	s8 =	simm.s32 @!p0 $0x1BF5;
	p2 =	por !p2, p0  }
0x20: {  	[sflag:s8] =	ssyncset.s32 @!p0 $0xFFFFF086;
	s6 =	sadd.s32 @!p0 s3, s7;
	s7 =	simm.s32 @!p0 $0x108  }
0x21: {  	s3 =	sadd.s32 s3, s9;
	s6 =	sadd.s32 @!p0 $0x88, s6;
	s7 =	simm.s32 @p2 $0x1082  }
0x22: {  	[simem:s7], [sflag:s8] =	dma.local @!p0 [hbm:s6], $0xF7A  }
0x23: {  	s9 =	sor.u32 $0xD0000000, s2;
	s6 =	simm.s32 $0x108;
	_ =	swait.ge @!p0 [sflag:s8], $0x0  }
0x24: {  	s3 =	sadd.s32 $0x88, s3;
	s6 =	simm.s32 @!p1 $0x1082;
	[sflag:s4] =	ssyncset.s32 $0xFFFFF086  }
0x25: {  	[simem:s6], [sflag:s4] =	dma.local [hbm:s3], $0xF7A  }
0x26: {  	[smem:$0x3F8D] =	sst s1;
	(tag) =	ssettag s2;
	_ =	strace s9  }
0x27: {  	s1 =	sld [smem:$0x3F9D]  }
0x28: {  	s2 =	sld [smem:$0x3F9E]  }
0x29: {  	s4 =	sld [smem:$0x3FA0]  }
0x2a: {  	p0 =	seq.s32 s5, $0x0;
	s5 =	sld [smem:$0x3FA1]  }
0x2b: {  	s6 =	sld [smem:$0x3FA2]  }
0x2c: {  	s7 =	sld [smem:$0x3FA3]  }
0x2d: {  	s3 =	simm.s32 $0x108;
	s8 =	sld [smem:$0x3FA4]  }
0x2e: {  	s3 =	simm.s32 @!p0 $0x1082;
	s9 =	sld [smem:$0x3FA5]  }
0x2f: {  	lr =	sadd.s32 s0, s3;
	s0 =	sld [smem:$0x3F9C]  }
0x30: {  	s3 =	sld [smem:$0x3F9F]  }
0x31: {  	[smem:$0x3FA8] =	sst s10  }
0x32: {  	s10 =	sld [smem:$0x3FA6];
	_ =	sdelay $0x3  }
0x33: {  	p0 =	seq.s32 s10, $0x1;
	s10 =	sld [smem:$0x3FA8];
	_ =	sdelay $0x3  }
0x34: {  	[smem:$0x3FA8] =	sst s10  }
0x35: {  	s10 =	sld [smem:$0x3FA7];
	_ =	sdelay $0x3  }
0x36: {  	p1 =	seq.s32 s10, $0x1;
	s10 =	sld [smem:$0x3FA8];
	_ =	sdelay $0x3  }
0x37: {  	[smem:$0x3FA8] =	sst s10  }
0x38: {  	s10 =	sld [smem:$0x3FA9]  }
0x39: {  	_ = 	snop;
	(pc) =	sbr.ind lr, $3  }
0x3a: {  	_ = 	snop  }
0x3b: {  	_ = 	snop  }
0x3c: {  	p2 =	seq.s32 s10, $0x1;
	s10 =	sld [smem:$0x3FA8]  }
0x3d: {  	_ =	shalt  }
0x3e: {  	_ =	shalt  }
0x3f: {  	_ =	shalt  }
0x40: {  	_ =	shalt  }
0x41: {  	_ =	shalt  }
0x42: {  	_ =	shalt  }
0x43: {  	_ =	shalt  }
0x44: {  	_ =	shalt  }
0x45: {  	_ =	shalt  }
0x46: {  	_ =	shalt  }
0x47: {  	_ =	shalt  }
0x48: {  	_ =	shalt  }
0x49: {  	_ =	shalt  }
0x4a: {  	_ =	shalt  }
0x4b: {  	_ =	shalt  }
0x4c: {  	_ =	shalt  }
0x4d: {  	_ =	shalt  }
0x4e: {  	_ =	shalt  }
0x4f: {  	_ =	shalt  }
0x50: {  	_ =	shalt  }
0x51: {  	_ =	shalt  }
0x52: {  	_ =	shalt  }
0x53: {  	_ =	shalt  }
0x54: {  	_ =	shalt  }
0x55: {  	_ =	shalt  }
0x56: {  	_ =	shalt  }
0x57: {  	_ =	shalt  }
0x58: {  	_ =	shalt  }
0x59: {  	_ =	shalt  }
0x5a: {  	_ =	shalt  }
0x5b: {  	_ =	shalt  }
0x5c: {  	_ =	shalt  }
0x5d: {  	_ =	shalt  }
0x5e: {  	_ =	shalt  }
0x5f: {  	_ =	shalt  }
0x60: {  	_ =	shalt  }
0x61: {  	_ =	shalt  }
0x62: {  	_ =	shalt  }
0x63: {  	_ =	shalt  }
0x64: {  	_ =	shalt  }
0x65: {  	_ =	shalt  }
0x66: {  	_ =	shalt  }
0x67: {  	_ =	shalt  }
0x68: {  	_ =	shalt  }
0x69: {  	_ =	shalt  }
0x6a: {  	_ =	shalt  }
0x6b: {  	_ =	shalt  }
0x6c: {  	_ =	shalt  }
0x6d: {  	_ =	shalt  }
0x6e: {  	_ =	shalt  }
0x6f: {  	_ =	shalt  }
0x70: {  	_ =	shalt  }
0x71: {  	_ =	shalt  }
0x72: {  	_ =	shalt  }
0x73: {  	_ =	shalt  }
0x74: {  	_ =	shalt  }
0x75: {  	_ =	shalt  }
0x76: {  	_ =	shalt  }
0x77: {  	_ =	shalt  }
0x78: {  	_ =	shalt  }
0x79: {  	_ =	shalt  }
0x7a: {  	_ =	shalt  }
0x7b: {  	_ =	shalt  }
0x7c: {  	_ =	shalt  }
0x7d: {  	_ =	shalt  }
0x7e: {  	_ =	shalt  }
0x7f: {  	_ =	shalt  }
0x80: {  	_ =	shalt  }
0x81: {  	_ =	shalt  }
0x82: {  	_ =	shalt  }
0x83: {  	_ =	shalt  }
0x84: {  	_ =	shalt  }
0x85: {  	_ =	shalt  }
0x86: {  	_ =	shalt  }
0x87: {  	_ =	shalt  }
.Lfunc_end0:
.L_simem_size_0:
called_computation_lowered:
.L_overlay_start_0:
0x88: {  	s2 =	sld [smem:$0x3FD9]  }
0x89: {  	s3 =	sld [smem:$0x3FFE];
	_ =	sdelay $0x1  }
0x8a: {  	s1 =	srdreg.scid  }
0x8b: {  	s0 =	sand.u32 $0x1, s1  }
0x8c: {  	s17 =	sshll.u32 s0, $0xA;
	s2 =	sadd.s32 s3, s2  }
0x8d: {  	s2 =	sadd.s32 s2, s17  }
0x8e: {  	[smem:$0x3FB4] =	sst s2  }
0x8f: {  	_ = 	snop  }
0x90: {  	s2 =	sld [smem:$0x3FD0];
	(tm) =	ssettm $0x1  }
0x91: {  	s18 =	sld [smem:$0x3FFB];
	_ =	sdelay $0x3  }
0x92: {  	_ =	strace s18  }
0x93: {  	s3 =	sld [smem:$0x3FFC];
	_ =	sdelay $0x3  }
0x94: {  	_ =	strace s3  }
0x95: {  	s3 =	sld [smem:$0x3FFD];
	_ =	sdelay $0x3  }
0x96: {  	_ =	strace s3  }
0x97: {  	_ =	strace $0x8FFFFFFF  }
0x98: {  	s19 =	sld [smem:$0x3FDB];
	_ =	sdelay $0x1  }
0x99: {  	s4 =	simm.s32 $_scs_section_size  }
0x9a: {  	s5 =	simm.s32 $_size__tile_overlayer_lowered;
	s6 =	simm.s32 $_tile_overlayer_lowered  }
0x9b: {  	s22 =	simm.s32 $0x1BFF;
	s21 =	sshll.u32 s6, $0x1;
	s3 =	sadd.s32 s4, s19  }
0x9c: {  	s7 =	simm.s32 $0x0;
	s20 =	sshll.u32 s5, $0x1;
	s5 =	sadd.s32 s21, s3  }
0x9d: {  	[timem:s7], [sflag:s22] =	dma.local [hbm:s5], s20  }
0x9e: {  	_ =	swait.ge [sflag:s22], s20  }
0x9f: {  	s4 =	ssub.s32 $0x0, s20;
	[sflag:s22] =	ssyncset.done $0x0  }
0xa0: {  	[sflag:s22] =	ssyncadd.s32 s4;
	_ =	sdelay $0x1  }
0xa1: {  	s23 =	simm.s32 $0x1B8B  }
0xa2: {  	_ =	swait.ge [sflag:s23], $0x1  }
0xa3: {  	[sflag:s23] =	ssyncset.done $0x0  }
0xa4: {  	s25 =	simm.s32 $0x1B8E;
	s24 =	sld [smem:$0x3FFE];
	[sflag:s23] =	ssyncadd.s32 $0xFFFFFFFF  }
0xa5: {  	s26 =	simm.s32 $execute0_lowered;
	[smem:$0x3FD2] =	sst s25  }
0xa6: {  	s5 =	sshll.u32 s26, $0x1;
	_ =	strace $0x80000046;
	[dreg:$0x1] =	wrdreg $0xFFFFFFFF  }
0xa7: {  	s28 =	simm.s32 $_size_execute0_lowered;
	s3 =	sadd.s32 s3, s5;
	[dreg:$0x0] =	wrdreg $0x0  }
0xa8: {  	s5 =	sshll.u32 s28, $0x1;
	[dreg:$0x2] =	wrdreg s3  }
0xa9: {  	[dreg:$0x3] =	wrdreg s5  }
0xaa: {  	[dreg:$0x4] =	wrdreg $0xC0  }
0xab: {  	_ =	task [dreg:s7], $0x5FFFF  }
0xac: {  	[dreg:$0x1] =	wrdreg $0xFFFFFFFF  }
0xad: {  	[dreg:$0x0] =	wrdreg $0x60  }
0xae: {  	[dreg:$0x2] =	wrdreg s2  }
0xaf: {  	[dreg:$0x3] =	wrdreg s24  }
0xb0: {  	[dreg:$0x4] =	wrdreg $0x81000  }
0xb1: {  	[dreg:$0x5] =	wrdreg $0x9  }
0xb2: {  	_ =	task.clear_ibuf [dreg:s7], $0x6FFFF;
	_ =	strace $0x90000046  }
0xb3: {  	s29 =	simm.s32 $0x9;
	_ =	strace $0x80000048  }
0xb4: {  	_ =	swait.ge [sflag:s29], $0x1  }
0xb5: {  	[sflag:s29] =	ssyncadd.s32 $0xFFFFFFFF  }
0xb6: {  	_ =	strace $0x90000048  }
0xb7: {  	_ =	sfence  }
0xb8: {  	s30 =	sld [smem:$0x0];
	_ =	sdelay $0x2  }
0xb9: {  	s31 =	sshll.u32 s1, $0xD;
	s1 =	sshrl.u32 s1, $0x2  }
0xba: {  	s3 =	sand.u32 $0x4000, s31;
	s1 =	sadd.s32 s1, s30  }
0xbb: {  	s0 =	sor.u32 s3, s0;
	s1 =	sshll.u32 s1, $0x11  }
0xbc: {  	s0 =	sor.u32 s1, s0  }
0xbd: {  	s0 =	sadd.s32 $0x8F2B, s0  }
0xbe: {  	[sflag:s0] =	ssyncadd.remote.s32 $0x1  }
0xbf: {  	_ =	sfence.sel $0xFFFF  }
0xc0: {  	[dreg:$0x0] =	wrdreg $0xFFFFFFFF;
	(pc) =	sbr.abs _section_cstart, $3  }
0xc1: {  	[dreg:$0x1] =	wrdreg $0xFFFFFFFF  }
0xc2: {  	_ =	task.clear_ibuf [dreg:s7], $0x2FFFF;
	_ =	strace $0x9FFFFFFF  }
0xc3: {  	(tm) =	ssettm $0x7FFFFFFF  }
tec
execute0_lowered:
.L_overlay_start_1:
0x0: {  	(tag) =	ssettag $0x1  }
0x1: {  	s1 =	rddreg [dreg:$0x0]  }
0x2: {  	s0 =	rddreg [dreg:$0x1]  }
0x3: {  	s2 =	rddreg [dreg:$0x2];
	s3 =	simm.s32 $0x0  }
0x4: {  	s4 =	srdreg.scid;
	s28 =	stileid.u32;
	s18 =	simm.s32 $0x40  }
0x5: {  	s19 =	simm.s32 $0x8000;
	s20 =	simm.s32 $0x2;
	s21 =	simm.s32 $0x8080  }
0x6: {  	s22 =	simm.s32 $0x2000;
	s23 =	simm.s32 $0x4000;
	s24 =	simm.s32 $0x1  }
0x7: {  	s25 =	simm.s32 $0x6000;
	s26 =	simm.s32 $0x0;
	[smem:$0x7FF] =	sst s3  }
0x8: {  	s13 =	sand.u32 $0x1, s4;
	s4 =	sadd.s32 $0x4FA200, s0;
	s5 =	sadd.s32 $0x521400, s0  }
0x9: {  	s6 =	sadd.s32 $0xE400, s0;
	s7 =	sadd.s32 $0x4600, s0;
	s9 =	sadd.s32 $0x548600, s0  }
0xa: {  	s10 =	sadd.s32 $0xA7A600, s0;
	s11 =	sadd.s32 $0x18200, s0;
	s16 =	smul.u32 $0x2800, s28  }
0xb: {  	s30 =	sshll.u32 s28, $0x7;
	s8 =	smul.u32 $0x28000, s13;
	s12 =	ssub.s32 $0x2, s13  }
0xc: {  	_ =	strace $0x80000047;
	s17 =	sshll.u32 s13, $0x6;
	s14 =	sshrl.u32 s12, $0x1  }
0xd: {  	s15 =	sadd.s32 s8, s0;
	s29 =	ssub.s32 s12, s14;
	s12 =	smul.u32 $0x280, s28  }
0xe: {  	v0 =	vlaneseq.u32;
	s13 =	smul.u32 $0x2800, s13;
	s14 =	sor.u32 s17, s30;
	s31 =	sadd.s32 s16, s15  }
0xf: {  	v1 =	vimm.f32 $0.0e+00;
	v2 =	vmul.u32 $0x80, v0;
	s15 =	smax.u32 s29, $0x1;
	s16 =	sor.u32 $0x30, s12;
	s17 =	sadd.s32 $0xA2A600, s31  }
.LBB2_1:
0x10: {  	s28 =	simm.s32 $0x0;
	s29 =	simm.s32 $0x200  }
.LBB2_2:
0x11: {  	p0 =	sne.s32 s29, $0x7E00;
	[tilespmem:s28+$0x70] =	vst v1  }
0x12: {  	[tilespmem:s28+$0x0] =	vst v1  }
0x13: {  	[tilespmem:s28+$0x10] =	vst v1  }
.Ltmp0:
0x14: {  	[tilespmem:s28+$0x20] =	vst v1;
	(pc) =	sbr.rel @p0 .LBB2_2-.Ltmp0, $4  }
0x15: {  	[tilespmem:s28+$0x30] =	vst v1  }
0x16: {  	[tilespmem:s28+$0x40] =	vst v1  }
0x17: {  	[tilespmem:s28+$0x50] =	vst v1  }
0x18: {  	[tilespmem:s28+$0x60] =	vst v1;
	s28 =	sshra.s32 s29, $0x2;
	s29 =	sadd.s32 $0x200, s29  }
0x19: {  	[tilespmem:s28+$0x70] =	vst v1  }
0x1a: {  	[tilespmem:s28+$0x0] =	vst v1  }
0x1b: {  	[tilespmem:s28+$0x10] =	vst v1  }
0x1c: {  	[tilespmem:s28+$0x20] =	vst v1  }
0x1d: {  	[tilespmem:s28+$0x30] =	vst v1  }
0x1e: {  	[tilespmem:s28+$0x40] =	vst v1  }
0x1f: {  	[tilespmem:s28+$0x50] =	vst v1;
	s0 =	sadd.s32 $0x0, s12  }
0x20: {  	[tilespmem:s28+$0x60] =	vst v1;
	v3 =	vor.u32 s0, v0;
	s28 =	sadd.s32 $0x30, s0  }
0x21: {  	s30 =	sadd.s32 $0x20, s0;
	[tilespmem:$0x8000] =	vst v3;
	v4 =	vor.u32 s28, v0  }
0x22: {  	s29 =	sadd.s32 $0x10, s0;
	v3 =	vor.u32 s30, v0;
	s28 =	simm.s32 $0x40;
	[tilespmem:$0x8030] =	vst v4  }
.LBB2_4:
0x23: {  	p0 =	sne.s32 s28, $0x240;
	v4 =	vor.u32 s29, v0;
	[tilespmem:$0x8020] =	vst v3  }
0x24: {  	[tilespmem:$0x8010] =	vst v4;
	[spmem:s2] =	stream.indirect.scatter [tilespmem:s3], [sflag:$0x2], $0x80, s19, s18, $0xb8  }
.Ltmp1:
0x25: {  	_ =	swait.ge [sflag:s20], $0x2000;
	(pc) =	sbr.rel @p0 .LBB2_4-.Ltmp1, $4  }
0x26: {  	s0 =	sadd.s32 s28, s12;
	[sflag:s20] =	ssyncset.done $0x0  }
0x27: {  	v3 =	vor.u32 s0, v0;
	s29 =	sadd.s32 $0x30, s0;
	[sflag:s20] =	ssyncadd.s32 $0xFFFFE000  }
0x28: {  	s30 =	sadd.s32 $0x20, s0;
	v4 =	vor.u32 s29, v0;
	[tilespmem:$0x8000] =	vst v3  }
0x29: {  	s28 =	sadd.s32 $0x40, s28;
	s29 =	sadd.s32 $0x10, s0;
	v3 =	vor.u32 s30, v0;
	[tilespmem:$0x8030] =	vst v4  }
0x2a: {  	v4 =	vor.u32 s29, v0;
	[tilespmem:$0x8020] =	vst v3  }
0x2b: {  	[tilespmem:$0x8010] =	vst v4  }
0x2c: {  	[spmem:s2] =	stream.indirect.scatter [tilespmem:s3], [sflag:$0x2], $0x80, s19, s18, $0xb8;
	[tilespmem:$0x1C100] =	vst v63  }
0x2d: {  	_ =	swait.ge [sflag:s20], $0x2000  }
0x2e: {  	[sflag:s20] =	ssyncset.done $0x0  }
0x2f: {  	[sflag:s20] =	ssyncadd.s32 $0xFFFFE000  }
0x30: {  	s28 =	simm.s32 $0x0;
	s29 =	simm.s32 $0x0;
	[bflag:$0x0] =	sbarrier.arrive $0xFFFF  }
.LBB2_6:
0x31: {  	s0 =	sshll.u32 s29, $0xB  }
0x32: {  	s0 =	sor.u32 s14, s0  }
0x33: {  	s0 =	smin.u32 s0, $0x4E1C0  }
0x34: {  	s30 =	sshrl.u32 s0, $0x3  }
0x35: {  	s31 =	sadd.s32 s6, s30  }
0x36: {  	[tilespmem:s19], [sflag:$0x2] =	stream.linear.gather [hbm4b:s31+s28], $0x40, $0x38;
	[tilespmem:$0x1C100] =	vst v63  }
0x37: {  	_ =	swait.ge [sflag:s20], $0x40  }
0x38: {  	[sflag:s20] =	ssyncset.done $0x0  }
0x39: {  	s30 =	sadd.s32 s7, s30;
	[sflag:s20] =	ssyncadd.s32 $0xFFFFFFC0  }
0x3a: {  	[tilespmem:s21], [sflag:$0x2] =	stream.linear.gather [hbm4b:s30+s28], $0x40, $0x38;
	[tilespmem:$0x1C100] =	vst v63  }
0x3b: {  	_ =	swait.ge [sflag:s20], $0x40  }
0x3c: {  	[sflag:s20] =	ssyncset.done $0x0  }
0x3d: {  	[sflag:s20] =	ssyncadd.s32 $0xFFFFFFC0  }
0x3e: {  	[tilespmem:s28], [sflag:$0x1] =	stream.indirect.gather [hbm4b:s1+s18], $0x80, s19, s18, $0xb8;
	[tilespmem:$0x1C100] =	vst v63  }
0x3f: {  	s30 =	sshll.u32 s0, $0x4  }
0x40: {  	[tilespmem:s22], [sflag:$0x1] =	stream.indirect.gather [hbm4b:s4+s18], $0x80, s21, s18, $0xb8;
	[tilespmem:$0x1C100] =	vst v63  }
0x41: {  	s0 =	sadd.s32 s9, s30  }
0x42: {  	[tilespmem:s23], [sflag:$0x2] =	stream.linear.gather [hbm4b:s0+s28], $0x2000, $0x38;
	[tilespmem:$0x1C100] =	vst v63  }
0x43: {  	_ =	swait.ge [sflag:s20], $0x2000  }
0x44: {  	[sflag:s20] =	ssyncset.done $0x0  }
0x45: {  	[sflag:s20] =	ssyncadd.s32 $0xFFFFE000  }
0x46: {  	_ =	swait.ge [sflag:s24], $0x2000  }
0x47: {  	[sflag:s24] =	ssyncset.done $0x0  }
0x48: {  	[sflag:s24] =	ssyncadd.s32 $0xFFFFE000  }
0x49: {  	_ =	swait.ge [sflag:s24], $0x2000  }
0x4a: {  	[sflag:s24] =	ssyncset.done $0x0  }
0x4b: {  	s31 =	simm.s32 $0x0;
	[sflag:s24] =	ssyncadd.s32 $0xFFFFE000  }
.LBB2_7:
0x4c: {  	v3 =	vmov s31  }
0x4d: {  	v3 =	vshll.u32 v3, $0x7  }
0x4e: {  	v4 =	vor.u32 v2, v3;
	_ =	sdelay $0x1  }
0x4f: {  	v10 =	vor.u32 $0x1, v4;
	_ =	sdelay $0x1  }
0x50: {  	v9 =	vor.u32 $0x2, v4  }
0x51: {  	v3 =	vld.idx.msk [tilespmem:v4+s3+$0x0], $0xffff  }
0x52: {  	v8 =	vor.u32 $0x3, v4;
	v5 =	vld.idx.msk [tilespmem:v4+s22+$0x0], $0xffff  }
0x53: {  	v11 =	vld.idx.msk [tilespmem:v10+s3+$0x0], $0xffff  }
0x54: {  	v7 =	vor.u32 $0x4, v4;
	v12 =	vld.idx.msk [tilespmem:v10+s22+$0x0], $0xffff  }
0x55: {  	v13 =	vld.idx.msk [tilespmem:v9+s3+$0x0], $0xffff  }
0x56: {  	v6 =	vor.u32 $0x5, v4;
	v14 =	vld.idx.msk [tilespmem:v9+s22+$0x0], $0xffff  }
0x57: {  	v15 =	vld.idx.msk [tilespmem:v8+s3+$0x0], $0xffff;
	v3 =	vmul.f32 v5, v3  }
0x58: {  	v16 =	vld.idx.msk [tilespmem:v8+s22+$0x0], $0xffff;
	v5 =	vor.u32 $0x6, v4  }
0x59: {  	v54 =	vld.idx.msk [tilespmem:v7+s3+$0x0], $0xffff;
	v11 =	vmul.f32 v12, v11;
	v17 =	vadd.f32 $0.0e+00, v3  }
0x5a: {  	v18 =	vld.idx.msk [tilespmem:v7+s22+$0x0], $0xffff;
	v3 =	vor.u32 $0x7, v4  }
0x5b: {  	v55 =	vld.idx.msk [tilespmem:v6+s3+$0x0], $0xffff;
	v13 =	vmul.f32 v14, v13;
	v11 =	vadd.f32 v11, v17  }
0x5c: {  	v19 =	vor.u32 $0x8, v4;
	v56 =	vld.idx.msk [tilespmem:v6+s22+$0x0], $0xffff  }
0x5d: {  	v57 =	vmul.f32 v16, v15;
	v58 =	vld.idx.msk [tilespmem:v5+s3+$0x0], $0xffff;
	v11 =	vadd.f32 v13, v11  }
0x5e: {  	v20 =	vor.u32 $0x9, v4;
	v59 =	vld.idx.msk [tilespmem:v5+s22+$0x0], $0xffff  }
0x5f: {  	v12 =	vmul.f32 v18, v54;
	v60 =	vld.idx.msk [tilespmem:v3+s3+$0x0], $0xffff;
	v11 =	vadd.f32 v57, v11  }
0x60: {  	v21 =	vor.u32 $0xA, v4;
	v61 =	vld.idx.msk [tilespmem:v3+s22+$0x0], $0xffff  }
0x61: {  	v63 =	vld.idx.msk [tilespmem:v19+s3+$0x0], $0xffff;
	v62 =	vmul.f32 v56, v55;
	v11 =	vadd.f32 v12, v11  }
0x62: {  	v25 =	vor.u32 $0xB, v4;
	v24 =	vld.idx.msk [tilespmem:v19+s22+$0x0], $0xffff  }
0x63: {  	v27 =	vld.idx.msk [tilespmem:v20+s3+$0x0], $0xffff;
	v26 =	vmul.f32 v59, v58;
	v11 =	vadd.f32 v62, v11  }
0x64: {  	v29 =	vor.u32 $0xC, v4;
	v28 =	vld.idx.msk [tilespmem:v20+s22+$0x0], $0xffff  }
0x65: {  	v31 =	vld.idx.msk [tilespmem:v21+s3+$0x0], $0xffff;
	v30 =	vmul.f32 v61, v60;
	v11 =	vadd.f32 v26, v11  }
0x66: {  	v33 =	vor.u32 $0xD, v4;
	v32 =	vld.idx.msk [tilespmem:v21+s22+$0x0], $0xffff  }
0x67: {  	v35 =	vld.idx.msk [tilespmem:v25+s3+$0x0], $0xffff;
	v34 =	vmul.f32 v24, v63;
	v11 =	vadd.f32 v30, v11  }
0x68: {  	v37 =	vor.u32 $0xE, v4;
	v36 =	vld.idx.msk [tilespmem:v25+s22+$0x0], $0xffff  }
0x69: {  	v39 =	vld.idx.msk [tilespmem:v29+s3+$0x0], $0xffff;
	v38 =	vmul.f32 v28, v27;
	v11 =	vadd.f32 v34, v11  }
0x6a: {  	v41 =	vor.u32 $0xF, v4;
	v40 =	vld.idx.msk [tilespmem:v29+s22+$0x0], $0xffff  }
0x6b: {  	v43 =	vld.idx.msk [tilespmem:v33+s3+$0x0], $0xffff;
	v42 =	vmul.f32 v32, v31;
	v11 =	vadd.f32 v38, v11  }
0x6c: {  	v44 =	vld.idx.msk [tilespmem:v33+s22+$0x0], $0xffff  }
0x6d: {  	v46 =	vld.idx.msk [tilespmem:v37+s3+$0x0], $0xffff;
	v45 =	vmul.f32 v36, v35;
	v11 =	vadd.f32 v42, v11  }
0x6e: {  	v47 =	vld.idx.msk [tilespmem:v37+s22+$0x0], $0xffff  }
0x6f: {  	v49 =	vld.idx.msk [tilespmem:v41+s3+$0x0], $0xffff;
	v48 =	vmul.f32 v40, v39;
	v11 =	vadd.f32 v45, v11  }
0x70: {  	v50 =	vld.idx.msk [tilespmem:v41+s22+$0x0], $0xffff  }
0x71: {  	v51 =	vmul.f32 v44, v43;
	v11 =	vadd.f32 v48, v11  }
0x72: {  	v52 =	vld.idx.msk [tilespmem:v4+s23+$0x0], $0xffff  }
0x73: {  	v53 =	vmul.f32 v47, v46;
	v11 =	vadd.f32 v51, v11;
	_ =	sdelay $0x1  }
0x74: {  	v54 =	vmul.f32 v50, v49;
	v11 =	vadd.f32 v53, v11;
	_ =	sdelay $0x1  }
0x75: {  	v55 =	vmul.f32 $2.500000000e-01, v52;
	v11 =	vadd.f32 v54, v11;
	_ =	sdelay $0x1  }
0x76: {  	v11 =	vmul.f32 v55, v11;
	_ =	sdelay $0x1  }
0x77: {  	v11 =	vmul.f32 $1.442695020e+00, v11;
	_ =	sdelay $0x1  }
0x78: {  	(erf) = vpow2.f32 v11;
	_ =	sdelay $0x5  }
0x79: {  	v56 =	vor.u32 $0x10, v4;
	_ =	sdelay $0x1  }
0x7a: {  	v57 =	vor.u32 $0x11, v4  }
0x7b: {  	v58 =	vpop (erf)  }
0x7c: {  	v59 =	vor.u32 $0x12, v4;
	[tilespmem:v4+s25+$0x0] =	vst.idx.msk $0xffff, v58  }
0x7d: {  	v60 =	vld.idx.msk [tilespmem:v56+s3+$0x0], $0xffff  }
0x7e: {  	v61 =	vor.u32 $0x13, v4;
	v11 =	vld.idx.msk [tilespmem:v56+s22+$0x0], $0xffff  }
0x7f: {  	v62 =	vld.idx.msk [tilespmem:v57+s3+$0x0], $0xffff  }
0x80: {  	v63 =	vor.u32 $0x14, v4;
	v12 =	vld.idx.msk [tilespmem:v57+s22+$0x0], $0xffff  }
0x81: {  	v24 =	vld.idx.msk [tilespmem:v59+s3+$0x0], $0xffff  }
0x82: {  	v25 =	vor.u32 $0x15, v4;
	v13 =	vld.idx.msk [tilespmem:v59+s22+$0x0], $0xffff  }
0x83: {  	v26 =	vld.idx.msk [tilespmem:v61+s3+$0x0], $0xffff;
	v11 =	vmul.f32 v11, v60  }
0x84: {  	v27 =	vor.u32 $0x16, v4;
	v15 =	vld.idx.msk [tilespmem:v61+s22+$0x0], $0xffff  }
0x85: {  	v28 =	vld.idx.msk [tilespmem:v63+s3+$0x0], $0xffff;
	v12 =	vmul.f32 v12, v62;
	v11 =	vadd.f32 $0.0e+00, v11  }
0x86: {  	v29 =	vor.u32 $0x17, v4;
	v17 =	vld.idx.msk [tilespmem:v63+s22+$0x0], $0xffff  }
0x87: {  	v31 =	vld.idx.msk [tilespmem:v25+s3+$0x0], $0xffff;
	v30 =	vmul.f32 v13, v24;
	v11 =	vadd.f32 v12, v11  }
0x88: {  	v33 =	vor.u32 $0x18, v4;
	v32 =	vld.idx.msk [tilespmem:v25+s22+$0x0], $0xffff  }
0x89: {  	v35 =	vld.idx.msk [tilespmem:v27+s3+$0x0], $0xffff;
	v34 =	vmul.f32 v15, v26;
	v11 =	vadd.f32 v30, v11  }
0x8a: {  	v37 =	vor.u32 $0x19, v4;
	v36 =	vld.idx.msk [tilespmem:v27+s22+$0x0], $0xffff  }
0x8b: {  	v39 =	vld.idx.msk [tilespmem:v29+s3+$0x0], $0xffff;
	v38 =	vmul.f32 v17, v28;
	v11 =	vadd.f32 v34, v11  }
0x8c: {  	v41 =	vor.u32 $0x1A, v4;
	v40 =	vld.idx.msk [tilespmem:v29+s22+$0x0], $0xffff  }
0x8d: {  	v43 =	vld.idx.msk [tilespmem:v33+s3+$0x0], $0xffff;
	v42 =	vmul.f32 v32, v31;
	v11 =	vadd.f32 v38, v11  }
0x8e: {  	v45 =	vor.u32 $0x1B, v4;
	v44 =	vld.idx.msk [tilespmem:v33+s22+$0x0], $0xffff  }
0x8f: {  	v47 =	vld.idx.msk [tilespmem:v37+s3+$0x0], $0xffff;
	v46 =	vmul.f32 v36, v35;
	v11 =	vadd.f32 v42, v11  }
0x90: {  	v49 =	vor.u32 $0x1C, v4;
	v48 =	vld.idx.msk [tilespmem:v37+s22+$0x0], $0xffff  }
0x91: {  	v51 =	vld.idx.msk [tilespmem:v41+s3+$0x0], $0xffff;
	v50 =	vmul.f32 v40, v39;
	v11 =	vadd.f32 v46, v11  }
0x92: {  	v53 =	vor.u32 $0x1D, v4;
	v52 =	vld.idx.msk [tilespmem:v41+s22+$0x0], $0xffff  }
0x93: {  	v55 =	vld.idx.msk [tilespmem:v45+s3+$0x0], $0xffff;
	v54 =	vmul.f32 v44, v43;
	v11 =	vadd.f32 v50, v11  }
0x94: {  	v56 =	vld.idx.msk [tilespmem:v45+s22+$0x0], $0xffff;
	v57 =	vor.u32 $0x1E, v4  }
0x95: {  	v59 =	vld.idx.msk [tilespmem:v49+s3+$0x0], $0xffff;
	v58 =	vmul.f32 v48, v47;
	v11 =	vadd.f32 v54, v11  }
0x96: {  	v61 =	vor.u32 $0x1F, v4;
	v60 =	vld.idx.msk [tilespmem:v49+s22+$0x0], $0xffff  }
0x97: {  	v63 =	vld.idx.msk [tilespmem:v53+s3+$0x0], $0xffff;
	v62 =	vmul.f32 v52, v51;
	v11 =	vadd.f32 v58, v11  }
0x98: {  	v21 =	vld.idx.msk [tilespmem:v53+s22+$0x0], $0xffff  }
0x99: {  	v22 =	vmul.f32 v56, v55;
	v23 =	vld.idx.msk [tilespmem:v57+s3+$0x0], $0xffff;
	v11 =	vadd.f32 v62, v11  }
0x9a: {  	v24 =	vld.idx.msk [tilespmem:v57+s22+$0x0], $0xffff  }
0x9b: {  	v26 =	vld.idx.msk [tilespmem:v61+s3+$0x0], $0xffff;
	v25 =	vmul.f32 v60, v59;
	v11 =	vadd.f32 v22, v11  }
0x9c: {  	v27 =	vld.idx.msk [tilespmem:v61+s22+$0x0], $0xffff  }
0x9d: {  	v28 =	vmul.f32 v21, v63;
	v11 =	vadd.f32 v25, v11  }
0x9e: {  	v29 =	vld.idx.msk [tilespmem:v10+s23+$0x0], $0xffff  }
0x9f: {  	v30 =	vmul.f32 v24, v23;
	v11 =	vadd.f32 v28, v11;
	_ =	sdelay $0x1  }
0xa0: {  	v31 =	vmul.f32 v27, v26;
	v11 =	vadd.f32 v30, v11;
	_ =	sdelay $0x1  }
0xa1: {  	v32 =	vmul.f32 $2.500000000e-01, v29;
	v11 =	vadd.f32 v31, v11;
	_ =	sdelay $0x1  }
0xa2: {  	v11 =	vmul.f32 v32, v11;
	_ =	sdelay $0x1  }
0xa3: {  	v11 =	vmul.f32 $1.442695020e+00, v11;
	_ =	sdelay $0x1  }
0xa4: {  	(erf) = vpow2.f32 v11;
	_ =	sdelay $0x5  }
0xa5: {  	v33 =	vor.u32 $0x20, v4;
	_ =	sdelay $0x1  }
0xa6: {  	v34 =	vor.u32 $0x21, v4  }
0xa7: {  	v35 =	vpop (erf)  }
0xa8: {  	v36 =	vor.u32 $0x22, v4;
	[tilespmem:v10+s25+$0x0] =	vst.idx.msk $0xffff, v35  }
0xa9: {  	v13 =	vld.idx.msk [tilespmem:v33+s3+$0x0], $0xffff  }
0xaa: {  	v37 =	vor.u32 $0x23, v4;
	v11 =	vld.idx.msk [tilespmem:v33+s22+$0x0], $0xffff  }
0xab: {  	v38 =	vld.idx.msk [tilespmem:v34+s3+$0x0], $0xffff  }
0xac: {  	v39 =	vor.u32 $0x24, v4;
	v12 =	vld.idx.msk [tilespmem:v34+s22+$0x0], $0xffff  }
0xad: {  	v40 =	vld.idx.msk [tilespmem:v36+s3+$0x0], $0xffff  }
0xae: {  	v41 =	vor.u32 $0x25, v4;
	v10 =	vld.idx.msk [tilespmem:v36+s22+$0x0], $0xffff  }
0xaf: {  	v42 =	vld.idx.msk [tilespmem:v37+s3+$0x0], $0xffff;
	v11 =	vmul.f32 v11, v13  }
0xb0: {  	v43 =	vor.u32 $0x26, v4;
	v14 =	vld.idx.msk [tilespmem:v37+s22+$0x0], $0xffff  }
0xb1: {  	v44 =	vld.idx.msk [tilespmem:v39+s3+$0x0], $0xffff;
	v12 =	vmul.f32 v12, v38;
	v11 =	vadd.f32 $0.0e+00, v11  }
0xb2: {  	v45 =	vor.u32 $0x27, v4;
	v16 =	vld.idx.msk [tilespmem:v39+s22+$0x0], $0xffff  }
0xb3: {  	v46 =	vld.idx.msk [tilespmem:v41+s3+$0x0], $0xffff;
	v10 =	vmul.f32 v10, v40;
	v11 =	vadd.f32 v12, v11  }
0xb4: {  	v48 =	vor.u32 $0x28, v4;
	v47 =	vld.idx.msk [tilespmem:v41+s22+$0x0], $0xffff  }
0xb5: {  	v50 =	vld.idx.msk [tilespmem:v43+s3+$0x0], $0xffff;
	v49 =	vmul.f32 v14, v42;
	v10 =	vadd.f32 v10, v11  }
0xb6: {  	v52 =	vor.u32 $0x29, v4;
	v51 =	vld.idx.msk [tilespmem:v43+s22+$0x0], $0xffff  }
0xb7: {  	v54 =	vld.idx.msk [tilespmem:v45+s3+$0x0], $0xffff;
	v53 =	vmul.f32 v16, v44;
	v10 =	vadd.f32 v49, v10  }
0xb8: {  	v56 =	vor.u32 $0x2A, v4;
	v55 =	vld.idx.msk [tilespmem:v45+s22+$0x0], $0xffff  }
0xb9: {  	v58 =	vld.idx.msk [tilespmem:v48+s3+$0x0], $0xffff;
	v57 =	vmul.f32 v47, v46;
	v10 =	vadd.f32 v53, v10  }
0xba: {  	v60 =	vor.u32 $0x2B, v4;
	v59 =	vld.idx.msk [tilespmem:v48+s22+$0x0], $0xffff  }
0xbb: {  	v62 =	vld.idx.msk [tilespmem:v52+s3+$0x0], $0xffff;
	v61 =	vmul.f32 v51, v50;
	v10 =	vadd.f32 v57, v10  }
0xbc: {  	v24 =	vor.u32 $0x2C, v4;
	v63 =	vld.idx.msk [tilespmem:v52+s22+$0x0], $0xffff  }
0xbd: {  	v26 =	vld.idx.msk [tilespmem:v56+s3+$0x0], $0xffff;
	v25 =	vmul.f32 v55, v54;
	v10 =	vadd.f32 v61, v10  }
0xbe: {  	v28 =	vor.u32 $0x2D, v4;
	v27 =	vld.idx.msk [tilespmem:v56+s22+$0x0], $0xffff  }
0xbf: {  	v30 =	vld.idx.msk [tilespmem:v60+s3+$0x0], $0xffff;
	v29 =	vmul.f32 v59, v58;
	v10 =	vadd.f32 v25, v10  }
0xc0: {  	v32 =	vor.u32 $0x2E, v4;
	v31 =	vld.idx.msk [tilespmem:v60+s22+$0x0], $0xffff  }
0xc1: {  	v34 =	vld.idx.msk [tilespmem:v24+s3+$0x0], $0xffff;
	v33 =	vmul.f32 v63, v62;
	v10 =	vadd.f32 v29, v10  }
0xc2: {  	v35 =	vld.idx.msk [tilespmem:v24+s22+$0x0], $0xffff;
	v36 =	vor.u32 $0x2F, v4  }
0xc3: {  	v39 =	vld.idx.msk [tilespmem:v28+s22+$0x0], $0xffff;
	v37 =	vmul.f32 v27, v26;
	v10 =	vadd.f32 v33, v10  }
0xc4: {  	v38 =	vld.idx.msk [tilespmem:v28+s3+$0x0], $0xffff  }
0xc5: {  	v41 =	vld.idx.msk [tilespmem:v32+s3+$0x0], $0xffff;
	v40 =	vmul.f32 v31, v30;
	v10 =	vadd.f32 v37, v10  }
0xc6: {  	v42 =	vld.idx.msk [tilespmem:v32+s22+$0x0], $0xffff  }
0xc7: {  	v43 =	vmul.f32 v35, v34;
	v44 =	vld.idx.msk [tilespmem:v36+s3+$0x0], $0xffff;
	v10 =	vadd.f32 v40, v10  }
0xc8: {  	v45 =	vld.idx.msk [tilespmem:v36+s22+$0x0], $0xffff  }
0xc9: {  	v46 =	vmul.f32 v39, v38;
	v10 =	vadd.f32 v43, v10  }
0xca: {  	v47 =	vld.idx.msk [tilespmem:v9+s23+$0x0], $0xffff  }
0xcb: {  	v48 =	vmul.f32 v42, v41;
	v10 =	vadd.f32 v46, v10;
	_ =	sdelay $0x1  }
0xcc: {  	v49 =	vmul.f32 v45, v44;
	v10 =	vadd.f32 v48, v10;
	_ =	sdelay $0x1  }
0xcd: {  	v50 =	vmul.f32 $2.500000000e-01, v47;
	v10 =	vadd.f32 v49, v10;
	_ =	sdelay $0x1  }
0xce: {  	v10 =	vmul.f32 v50, v10;
	_ =	sdelay $0x1  }
0xcf: {  	v10 =	vmul.f32 $1.442695020e+00, v10;
	_ =	sdelay $0x1  }
0xd0: {  	(erf) = vpow2.f32 v10;
	_ =	sdelay $0x5  }
0xd1: {  	v51 =	vor.u32 $0x30, v4;
	_ =	sdelay $0x1  }
0xd2: {  	v52 =	vor.u32 $0x31, v4  }
0xd3: {  	v53 =	vpop (erf)  }
0xd4: {  	v54 =	vor.u32 $0x32, v4;
	[tilespmem:v9+s25+$0x0] =	vst.idx.msk $0xffff, v53  }
0xd5: {  	v12 =	vld.idx.msk [tilespmem:v51+s3+$0x0], $0xffff  }
0xd6: {  	v55 =	vor.u32 $0x33, v4;
	v10 =	vld.idx.msk [tilespmem:v51+s22+$0x0], $0xffff  }
0xd7: {  	v56 =	vld.idx.msk [tilespmem:v52+s3+$0x0], $0xffff  }
0xd8: {  	v57 =	vor.u32 $0x34, v4;
	v11 =	vld.idx.msk [tilespmem:v52+s22+$0x0], $0xffff  }
0xd9: {  	v58 =	vld.idx.msk [tilespmem:v54+s3+$0x0], $0xffff  }
0xda: {  	v59 =	vor.u32 $0x35, v4;
	v9 =	vld.idx.msk [tilespmem:v54+s22+$0x0], $0xffff  }
0xdb: {  	v60 =	vld.idx.msk [tilespmem:v55+s3+$0x0], $0xffff;
	v10 =	vmul.f32 v10, v12  }
0xdc: {  	v61 =	vor.u32 $0x36, v4;
	v13 =	vld.idx.msk [tilespmem:v55+s22+$0x0], $0xffff  }
0xdd: {  	v62 =	vld.idx.msk [tilespmem:v57+s3+$0x0], $0xffff;
	v11 =	vmul.f32 v11, v56;
	v10 =	vadd.f32 $0.0e+00, v10  }
0xde: {  	v63 =	vor.u32 $0x37, v4;
	v15 =	vld.idx.msk [tilespmem:v57+s22+$0x0], $0xffff  }
0xdf: {  	v21 =	vld.idx.msk [tilespmem:v59+s3+$0x0], $0xffff;
	v9 =	vmul.f32 v9, v58;
	v10 =	vadd.f32 v11, v10  }
0xe0: {  	v23 =	vor.u32 $0x38, v4;
	v22 =	vld.idx.msk [tilespmem:v59+s22+$0x0], $0xffff  }
0xe1: {  	v25 =	vld.idx.msk [tilespmem:v61+s3+$0x0], $0xffff;
	v24 =	vmul.f32 v13, v60;
	v9 =	vadd.f32 v9, v10  }
0xe2: {  	v27 =	vor.u32 $0x39, v4;
	v26 =	vld.idx.msk [tilespmem:v61+s22+$0x0], $0xffff  }
0xe3: {  	v29 =	vld.idx.msk [tilespmem:v63+s3+$0x0], $0xffff;
	v28 =	vmul.f32 v15, v62;
	v9 =	vadd.f32 v24, v9  }
0xe4: {  	v31 =	vor.u32 $0x3A, v4;
	v30 =	vld.idx.msk [tilespmem:v63+s22+$0x0], $0xffff  }
0xe5: {  	v33 =	vld.idx.msk [tilespmem:v23+s3+$0x0], $0xffff;
	v32 =	vmul.f32 v22, v21;
	v9 =	vadd.f32 v28, v9  }
0xe6: {  	v35 =	vor.u32 $0x3B, v4;
	v34 =	vld.idx.msk [tilespmem:v23+s22+$0x0], $0xffff  }
0xe7: {  	v37 =	vld.idx.msk [tilespmem:v27+s3+$0x0], $0xffff;
	v36 =	vmul.f32 v26, v25;
	v9 =	vadd.f32 v32, v9  }
0xe8: {  	v39 =	vor.u32 $0x3C, v4;
	v38 =	vld.idx.msk [tilespmem:v27+s22+$0x0], $0xffff  }
0xe9: {  	v41 =	vld.idx.msk [tilespmem:v31+s3+$0x0], $0xffff;
	v40 =	vmul.f32 v30, v29;
	v9 =	vadd.f32 v36, v9  }
0xea: {  	v43 =	vor.u32 $0x3D, v4;
	v42 =	vld.idx.msk [tilespmem:v31+s22+$0x0], $0xffff  }
0xeb: {  	v45 =	vld.idx.msk [tilespmem:v35+s3+$0x0], $0xffff;
	v44 =	vmul.f32 v34, v33;
	v9 =	vadd.f32 v40, v9  }
0xec: {  	v47 =	vor.u32 $0x3E, v4;
	v46 =	vld.idx.msk [tilespmem:v35+s22+$0x0], $0xffff  }
0xed: {  	v49 =	vld.idx.msk [tilespmem:v39+s3+$0x0], $0xffff;
	v48 =	vmul.f32 v38, v37;
	v9 =	vadd.f32 v44, v9  }
0xee: {  	v50 =	vld.idx.msk [tilespmem:v39+s22+$0x0], $0xffff;
	v51 =	vor.u32 $0x3F, v4  }
0xef: {  	v53 =	vld.idx.msk [tilespmem:v43+s3+$0x0], $0xffff;
	v52 =	vmul.f32 v42, v41;
	v9 =	vadd.f32 v48, v9  }
0xf0: {  	v54 =	vld.idx.msk [tilespmem:v43+s22+$0x0], $0xffff  }
0xf1: {  	v57 =	vld.idx.msk [tilespmem:v47+s22+$0x0], $0xffff;
	v55 =	vmul.f32 v46, v45;
	v9 =	vadd.f32 v52, v9  }
0xf2: {  	v56 =	vld.idx.msk [tilespmem:v47+s3+$0x0], $0xffff  }
0xf3: {  	v58 =	vmul.f32 v50, v49;
	v59 =	vld.idx.msk [tilespmem:v51+s3+$0x0], $0xffff;
	v9 =	vadd.f32 v55, v9  }
0xf4: {  	v60 =	vld.idx.msk [tilespmem:v51+s22+$0x0], $0xffff  }
0xf5: {  	v61 =	vmul.f32 v54, v53;
	v9 =	vadd.f32 v58, v9  }
0xf6: {  	v62 =	vld.idx.msk [tilespmem:v8+s23+$0x0], $0xffff  }
0xf7: {  	v63 =	vmul.f32 v57, v56;
	v9 =	vadd.f32 v61, v9;
	_ =	sdelay $0x1  }
0xf8: {  	v13 =	vmul.f32 v60, v59;
	v9 =	vadd.f32 v63, v9;
	_ =	sdelay $0x1  }
0xf9: {  	v15 =	vmul.f32 $2.500000000e-01, v62;
	v9 =	vadd.f32 v13, v9;
	_ =	sdelay $0x1  }
0xfa: {  	v9 =	vmul.f32 v15, v9;
	_ =	sdelay $0x1  }
0xfb: {  	v9 =	vmul.f32 $1.442695020e+00, v9;
	_ =	sdelay $0x1  }
0xfc: {  	(erf) = vpow2.f32 v9;
	_ =	sdelay $0x5  }
0xfd: {  	v16 =	vor.u32 $0x40, v4;
	_ =	sdelay $0x1  }
0xfe: {  	v17 =	vor.u32 $0x41, v4  }
0xff: {  	v18 =	vpop (erf)  }
0x100: {  	v19 =	vor.u32 $0x42, v4;
	[tilespmem:v8+s25+$0x0] =	vst.idx.msk $0xffff, v18  }
0x101: {  	v11 =	vld.idx.msk [tilespmem:v16+s3+$0x0], $0xffff  }
0x102: {  	v20 =	vor.u32 $0x43, v4;
	v9 =	vld.idx.msk [tilespmem:v16+s22+$0x0], $0xffff  }
0x103: {  	v21 =	vld.idx.msk [tilespmem:v17+s3+$0x0], $0xffff  }
0x104: {  	v22 =	vor.u32 $0x44, v4;
	v10 =	vld.idx.msk [tilespmem:v17+s22+$0x0], $0xffff  }
0x105: {  	v23 =	vld.idx.msk [tilespmem:v19+s3+$0x0], $0xffff  }
0x106: {  	v24 =	vor.u32 $0x45, v4;
	v8 =	vld.idx.msk [tilespmem:v19+s22+$0x0], $0xffff  }
0x107: {  	v25 =	vld.idx.msk [tilespmem:v20+s3+$0x0], $0xffff;
	v9 =	vmul.f32 v9, v11  }
0x108: {  	v26 =	vor.u32 $0x46, v4;
	v12 =	vld.idx.msk [tilespmem:v20+s22+$0x0], $0xffff  }
0x109: {  	v27 =	vld.idx.msk [tilespmem:v22+s3+$0x0], $0xffff;
	v10 =	vmul.f32 v10, v21;
	v9 =	vadd.f32 $0.0e+00, v9  }
0x10a: {  	v28 =	vor.u32 $0x47, v4;
	v14 =	vld.idx.msk [tilespmem:v22+s22+$0x0], $0xffff  }
0x10b: {  	v29 =	vld.idx.msk [tilespmem:v24+s3+$0x0], $0xffff;
	v8 =	vmul.f32 v8, v23;
	v9 =	vadd.f32 v10, v9  }
0x10c: {  	v31 =	vor.u32 $0x48, v4;
	v30 =	vld.idx.msk [tilespmem:v24+s22+$0x0], $0xffff  }
0x10d: {  	v33 =	vld.idx.msk [tilespmem:v26+s3+$0x0], $0xffff;
	v32 =	vmul.f32 v12, v25;
	v8 =	vadd.f32 v8, v9  }
0x10e: {  	v35 =	vor.u32 $0x49, v4;
	v34 =	vld.idx.msk [tilespmem:v26+s22+$0x0], $0xffff  }
0x10f: {  	v37 =	vld.idx.msk [tilespmem:v28+s3+$0x0], $0xffff;
	v36 =	vmul.f32 v14, v27;
	v8 =	vadd.f32 v32, v8  }
0x110: {  	v39 =	vor.u32 $0x4A, v4;
	v38 =	vld.idx.msk [tilespmem:v28+s22+$0x0], $0xffff  }
0x111: {  	v41 =	vld.idx.msk [tilespmem:v31+s3+$0x0], $0xffff;
	v40 =	vmul.f32 v30, v29;
	v8 =	vadd.f32 v36, v8  }
0x112: {  	v43 =	vor.u32 $0x4B, v4;
	v42 =	vld.idx.msk [tilespmem:v31+s22+$0x0], $0xffff  }
0x113: {  	v45 =	vld.idx.msk [tilespmem:v35+s3+$0x0], $0xffff;
	v44 =	vmul.f32 v34, v33;
	v8 =	vadd.f32 v40, v8  }
0x114: {  	v47 =	vor.u32 $0x4C, v4;
	v46 =	vld.idx.msk [tilespmem:v35+s22+$0x0], $0xffff  }
0x115: {  	v49 =	vld.idx.msk [tilespmem:v39+s3+$0x0], $0xffff;
	v48 =	vmul.f32 v38, v37;
	v8 =	vadd.f32 v44, v8  }
0x116: {  	v51 =	vor.u32 $0x4D, v4;
	v50 =	vld.idx.msk [tilespmem:v39+s22+$0x0], $0xffff  }
0x117: {  	v53 =	vld.idx.msk [tilespmem:v43+s3+$0x0], $0xffff;
	v52 =	vmul.f32 v42, v41;
	v8 =	vadd.f32 v48, v8  }
0x118: {  	v55 =	vor.u32 $0x4E, v4;
	v54 =	vld.idx.msk [tilespmem:v43+s22+$0x0], $0xffff  }
0x119: {  	v57 =	vld.idx.msk [tilespmem:v47+s3+$0x0], $0xffff;
	v56 =	vmul.f32 v46, v45;
	v8 =	vadd.f32 v52, v8  }
0x11a: {  	v59 =	vor.u32 $0x4F, v4;
	v58 =	vld.idx.msk [tilespmem:v47+s22+$0x0], $0xffff  }
0x11b: {  	v61 =	vld.idx.msk [tilespmem:v51+s3+$0x0], $0xffff;
	v60 =	vmul.f32 v50, v49;
	v8 =	vadd.f32 v56, v8  }
0x11c: {  	v62 =	vld.idx.msk [tilespmem:v51+s22+$0x0], $0xffff  }
0x11d: {  	v18 =	vld.idx.msk [tilespmem:v55+s3+$0x0], $0xffff;
	v63 =	vmul.f32 v54, v53;
	v8 =	vadd.f32 v60, v8  }
0x11e: {  	v19 =	vld.idx.msk [tilespmem:v55+s22+$0x0], $0xffff  }
0x11f: {  	v22 =	vld.idx.msk [tilespmem:v59+s22+$0x0], $0xffff;
	v20 =	vmul.f32 v58, v57;
	v8 =	vadd.f32 v63, v8  }
0x120: {  	v21 =	vld.idx.msk [tilespmem:v59+s3+$0x0], $0xffff  }
0x121: {  	v23 =	vmul.f32 v62, v61;
	v8 =	vadd.f32 v20, v8  }
0x122: {  	v24 =	vld.idx.msk [tilespmem:v7+s23+$0x0], $0xffff  }
0x123: {  	v25 =	vmul.f32 v19, v18;
	v8 =	vadd.f32 v23, v8;
	_ =	sdelay $0x1  }
0x124: {  	v26 =	vmul.f32 v22, v21;
	v8 =	vadd.f32 v25, v8;
	_ =	sdelay $0x1  }
0x125: {  	v27 =	vmul.f32 $2.500000000e-01, v24;
	v8 =	vadd.f32 v26, v8;
	_ =	sdelay $0x1  }
0x126: {  	v8 =	vmul.f32 v27, v8;
	_ =	sdelay $0x1  }
0x127: {  	v8 =	vmul.f32 $1.442695020e+00, v8;
	_ =	sdelay $0x1  }
0x128: {  	(erf) = vpow2.f32 v8;
	_ =	sdelay $0x5  }
0x129: {  	v28 =	vor.u32 $0x50, v4;
	_ =	sdelay $0x1  }
0x12a: {  	v29 =	vor.u32 $0x51, v4  }
0x12b: {  	v30 =	vpop (erf)  }
0x12c: {  	v31 =	vor.u32 $0x52, v4;
	[tilespmem:v7+s25+$0x0] =	vst.idx.msk $0xffff, v30  }
0x12d: {  	v10 =	vld.idx.msk [tilespmem:v28+s3+$0x0], $0xffff  }
0x12e: {  	v32 =	vor.u32 $0x53, v4;
	v8 =	vld.idx.msk [tilespmem:v28+s22+$0x0], $0xffff  }
0x12f: {  	v33 =	vld.idx.msk [tilespmem:v29+s3+$0x0], $0xffff  }
0x130: {  	v34 =	vor.u32 $0x54, v4;
	v9 =	vld.idx.msk [tilespmem:v29+s22+$0x0], $0xffff  }
0x131: {  	v35 =	vld.idx.msk [tilespmem:v31+s3+$0x0], $0xffff  }
0x132: {  	v36 =	vor.u32 $0x55, v4;
	v7 =	vld.idx.msk [tilespmem:v31+s22+$0x0], $0xffff  }
0x133: {  	v37 =	vld.idx.msk [tilespmem:v32+s3+$0x0], $0xffff;
	v8 =	vmul.f32 v8, v10  }
0x134: {  	v38 =	vor.u32 $0x56, v4;
	v11 =	vld.idx.msk [tilespmem:v32+s22+$0x0], $0xffff  }
0x135: {  	v39 =	vld.idx.msk [tilespmem:v34+s3+$0x0], $0xffff;
	v9 =	vmul.f32 v9, v33;
	v8 =	vadd.f32 $0.0e+00, v8  }
0x136: {  	v40 =	vor.u32 $0x57, v4;
	v13 =	vld.idx.msk [tilespmem:v34+s22+$0x0], $0xffff  }
0x137: {  	v41 =	vld.idx.msk [tilespmem:v36+s3+$0x0], $0xffff;
	v7 =	vmul.f32 v7, v35;
	v8 =	vadd.f32 v9, v8  }
0x138: {  	v43 =	vor.u32 $0x58, v4;
	v42 =	vld.idx.msk [tilespmem:v36+s22+$0x0], $0xffff  }
0x139: {  	v45 =	vld.idx.msk [tilespmem:v38+s3+$0x0], $0xffff;
	v44 =	vmul.f32 v11, v37;
	v7 =	vadd.f32 v7, v8  }
0x13a: {  	v47 =	vor.u32 $0x59, v4;
	v46 =	vld.idx.msk [tilespmem:v38+s22+$0x0], $0xffff  }
0x13b: {  	v49 =	vld.idx.msk [tilespmem:v40+s3+$0x0], $0xffff;
	v48 =	vmul.f32 v13, v39;
	v7 =	vadd.f32 v44, v7  }
0x13c: {  	v51 =	vor.u32 $0x5A, v4;
	v50 =	vld.idx.msk [tilespmem:v40+s22+$0x0], $0xffff  }
0x13d: {  	v53 =	vld.idx.msk [tilespmem:v43+s3+$0x0], $0xffff;
	v52 =	vmul.f32 v42, v41;
	v7 =	vadd.f32 v48, v7  }
0x13e: {  	v55 =	vor.u32 $0x5B, v4;
	v54 =	vld.idx.msk [tilespmem:v43+s22+$0x0], $0xffff  }
0x13f: {  	v57 =	vld.idx.msk [tilespmem:v47+s3+$0x0], $0xffff;
	v56 =	vmul.f32 v46, v45;
	v7 =	vadd.f32 v52, v7  }
0x140: {  	v59 =	vor.u32 $0x5C, v4;
	v58 =	vld.idx.msk [tilespmem:v47+s22+$0x0], $0xffff  }
0x141: {  	v61 =	vld.idx.msk [tilespmem:v51+s3+$0x0], $0xffff;
	v60 =	vmul.f32 v50, v49;
	v7 =	vadd.f32 v56, v7  }
0x142: {  	v63 =	vor.u32 $0x5D, v4;
	v62 =	vld.idx.msk [tilespmem:v51+s22+$0x0], $0xffff  }
0x143: {  	v20 =	vld.idx.msk [tilespmem:v55+s3+$0x0], $0xffff;
	v19 =	vmul.f32 v54, v53;
	v7 =	vadd.f32 v60, v7  }
0x144: {  	v22 =	vor.u32 $0x5E, v4;
	v21 =	vld.idx.msk [tilespmem:v55+s22+$0x0], $0xffff  }
0x145: {  	v24 =	vld.idx.msk [tilespmem:v59+s3+$0x0], $0xffff;
	v23 =	vmul.f32 v58, v57;
	v7 =	vadd.f32 v19, v7  }
0x146: {  	v26 =	vor.u32 $0x5F, v4;
	v25 =	vld.idx.msk [tilespmem:v59+s22+$0x0], $0xffff  }
0x147: {  	v28 =	vld.idx.msk [tilespmem:v63+s3+$0x0], $0xffff;
	v27 =	vmul.f32 v62, v61;
	v7 =	vadd.f32 v23, v7  }
0x148: {  	v29 =	vld.idx.msk [tilespmem:v63+s22+$0x0], $0xffff  }
0x149: {  	v31 =	vld.idx.msk [tilespmem:v22+s3+$0x0], $0xffff;
	v30 =	vmul.f32 v21, v20;
	v7 =	vadd.f32 v27, v7  }
0x14a: {  	v32 =	vld.idx.msk [tilespmem:v22+s22+$0x0], $0xffff  }
0x14b: {  	v34 =	vld.idx.msk [tilespmem:v26+s3+$0x0], $0xffff;
	v33 =	vmul.f32 v25, v24;
	v7 =	vadd.f32 v30, v7  }
0x14c: {  	v35 =	vld.idx.msk [tilespmem:v26+s22+$0x0], $0xffff  }
0x14d: {  	v36 =	vmul.f32 v29, v28;
	v7 =	vadd.f32 v33, v7  }
0x14e: {  	v37 =	vld.idx.msk [tilespmem:v6+s23+$0x0], $0xffff  }
0x14f: {  	v38 =	vmul.f32 v32, v31;
	v7 =	vadd.f32 v36, v7;
	_ =	sdelay $0x1  }
0x150: {  	v39 =	vmul.f32 v35, v34;
	v7 =	vadd.f32 v38, v7;
	_ =	sdelay $0x1  }
0x151: {  	v40 =	vmul.f32 $2.500000000e-01, v37;
	v7 =	vadd.f32 v39, v7;
	_ =	sdelay $0x1  }
0x152: {  	v7 =	vmul.f32 v40, v7;
	_ =	sdelay $0x1  }
0x153: {  	v7 =	vmul.f32 $1.442695020e+00, v7;
	_ =	sdelay $0x1  }
0x154: {  	(erf) = vpow2.f32 v7;
	_ =	sdelay $0x5  }
0x155: {  	v41 =	vor.u32 $0x60, v4;
	_ =	sdelay $0x1  }
0x156: {  	v42 =	vor.u32 $0x61, v4  }
0x157: {  	v43 =	vpop (erf)  }
0x158: {  	v44 =	vor.u32 $0x62, v4;
	[tilespmem:v6+s25+$0x0] =	vst.idx.msk $0xffff, v43  }
0x159: {  	v9 =	vld.idx.msk [tilespmem:v41+s3+$0x0], $0xffff  }
0x15a: {  	v45 =	vor.u32 $0x63, v4;
	v7 =	vld.idx.msk [tilespmem:v41+s22+$0x0], $0xffff  }
0x15b: {  	v46 =	vld.idx.msk [tilespmem:v42+s3+$0x0], $0xffff  }
0x15c: {  	v47 =	vor.u32 $0x64, v4;
	v8 =	vld.idx.msk [tilespmem:v42+s22+$0x0], $0xffff  }
0x15d: {  	v48 =	vld.idx.msk [tilespmem:v44+s3+$0x0], $0xffff  }
0x15e: {  	v49 =	vor.u32 $0x65, v4;
	v6 =	vld.idx.msk [tilespmem:v44+s22+$0x0], $0xffff  }
0x15f: {  	v50 =	vld.idx.msk [tilespmem:v45+s3+$0x0], $0xffff;
	v7 =	vmul.f32 v7, v9  }
0x160: {  	v51 =	vor.u32 $0x66, v4;
	v10 =	vld.idx.msk [tilespmem:v45+s22+$0x0], $0xffff  }
0x161: {  	v52 =	vld.idx.msk [tilespmem:v47+s3+$0x0], $0xffff;
	v8 =	vmul.f32 v8, v46;
	v7 =	vadd.f32 $0.0e+00, v7  }
0x162: {  	v53 =	vor.u32 $0x67, v4;
	v12 =	vld.idx.msk [tilespmem:v47+s22+$0x0], $0xffff  }
0x163: {  	v54 =	vld.idx.msk [tilespmem:v49+s3+$0x0], $0xffff;
	v6 =	vmul.f32 v6, v48;
	v7 =	vadd.f32 v8, v7  }
0x164: {  	v56 =	vor.u32 $0x68, v4;
	v55 =	vld.idx.msk [tilespmem:v49+s22+$0x0], $0xffff  }
0x165: {  	v58 =	vld.idx.msk [tilespmem:v51+s3+$0x0], $0xffff;
	v57 =	vmul.f32 v10, v50;
	v6 =	vadd.f32 v6, v7  }
0x166: {  	v60 =	vor.u32 $0x69, v4;
	v59 =	vld.idx.msk [tilespmem:v51+s22+$0x0], $0xffff  }
0x167: {  	v62 =	vld.idx.msk [tilespmem:v53+s3+$0x0], $0xffff;
	v61 =	vmul.f32 v12, v52;
	v6 =	vadd.f32 v57, v6  }
0x168: {  	v20 =	vor.u32 $0x6A, v4;
	v63 =	vld.idx.msk [tilespmem:v53+s22+$0x0], $0xffff  }
0x169: {  	v22 =	vld.idx.msk [tilespmem:v56+s3+$0x0], $0xffff;
	v21 =	vmul.f32 v55, v54;
	v6 =	vadd.f32 v61, v6  }
0x16a: {  	v24 =	vor.u32 $0x6B, v4;
	v23 =	vld.idx.msk [tilespmem:v56+s22+$0x0], $0xffff  }
0x16b: {  	v26 =	vld.idx.msk [tilespmem:v60+s3+$0x0], $0xffff;
	v25 =	vmul.f32 v59, v58;
	v6 =	vadd.f32 v21, v6  }
0x16c: {  	v28 =	vor.u32 $0x6C, v4;
	v27 =	vld.idx.msk [tilespmem:v60+s22+$0x0], $0xffff  }
0x16d: {  	v30 =	vld.idx.msk [tilespmem:v20+s3+$0x0], $0xffff;
	v29 =	vmul.f32 v63, v62;
	v6 =	vadd.f32 v25, v6  }
0x16e: {  	v32 =	vor.u32 $0x6D, v4;
	v31 =	vld.idx.msk [tilespmem:v20+s22+$0x0], $0xffff  }
0x16f: {  	v34 =	vld.idx.msk [tilespmem:v24+s3+$0x0], $0xffff;
	v33 =	vmul.f32 v23, v22;
	v6 =	vadd.f32 v29, v6  }
0x170: {  	v36 =	vor.u32 $0x6E, v4;
	v35 =	vld.idx.msk [tilespmem:v24+s22+$0x0], $0xffff  }
0x171: {  	v38 =	vld.idx.msk [tilespmem:v28+s3+$0x0], $0xffff;
	v37 =	vmul.f32 v27, v26;
	v6 =	vadd.f32 v33, v6  }
0x172: {  	v40 =	vor.u32 $0x6F, v4;
	v39 =	vld.idx.msk [tilespmem:v28+s22+$0x0], $0xffff  }
0x173: {  	v42 =	vld.idx.msk [tilespmem:v32+s3+$0x0], $0xffff;
	v41 =	vmul.f32 v31, v30;
	v6 =	vadd.f32 v37, v6  }
0x174: {  	v43 =	vld.idx.msk [tilespmem:v32+s22+$0x0], $0xffff  }
0x175: {  	v45 =	vld.idx.msk [tilespmem:v36+s3+$0x0], $0xffff;
	v44 =	vmul.f32 v35, v34;
	v6 =	vadd.f32 v41, v6  }
0x176: {  	v46 =	vld.idx.msk [tilespmem:v36+s22+$0x0], $0xffff  }
0x177: {  	v49 =	vld.idx.msk [tilespmem:v40+s22+$0x0], $0xffff;
	v47 =	vmul.f32 v39, v38;
	v6 =	vadd.f32 v44, v6  }
0x178: {  	v48 =	vld.idx.msk [tilespmem:v40+s3+$0x0], $0xffff  }
0x179: {  	v50 =	vmul.f32 v43, v42;
	v6 =	vadd.f32 v47, v6  }
0x17a: {  	v51 =	vld.idx.msk [tilespmem:v5+s23+$0x0], $0xffff  }
0x17b: {  	v52 =	vmul.f32 v46, v45;
	v6 =	vadd.f32 v50, v6;
	_ =	sdelay $0x1  }
0x17c: {  	v53 =	vmul.f32 v49, v48;
	v6 =	vadd.f32 v52, v6;
	_ =	sdelay $0x1  }
0x17d: {  	v54 =	vmul.f32 $2.500000000e-01, v51;
	v6 =	vadd.f32 v53, v6;
	_ =	sdelay $0x1  }
0x17e: {  	v6 =	vmul.f32 v54, v6;
	_ =	sdelay $0x1  }
0x17f: {  	v6 =	vmul.f32 $1.442695020e+00, v6;
	_ =	sdelay $0x1  }
0x180: {  	(erf) = vpow2.f32 v6;
	_ =	sdelay $0x5  }
0x181: {  	v55 =	vor.u32 $0x70, v4;
	_ =	sdelay $0x1  }
0x182: {  	v56 =	vor.u32 $0x71, v4  }
0x183: {  	v57 =	vpop (erf)  }
0x184: {  	v58 =	vor.u32 $0x72, v4;
	[tilespmem:v5+s25+$0x0] =	vst.idx.msk $0xffff, v57  }
0x185: {  	v8 =	vld.idx.msk [tilespmem:v55+s3+$0x0], $0xffff  }
0x186: {  	v59 =	vor.u32 $0x73, v4;
	v6 =	vld.idx.msk [tilespmem:v55+s22+$0x0], $0xffff  }
0x187: {  	v60 =	vld.idx.msk [tilespmem:v56+s3+$0x0], $0xffff  }
0x188: {  	v61 =	vor.u32 $0x74, v4;
	v7 =	vld.idx.msk [tilespmem:v56+s22+$0x0], $0xffff  }
0x189: {  	v62 =	vld.idx.msk [tilespmem:v58+s3+$0x0], $0xffff  }
0x18a: {  	v63 =	vor.u32 $0x75, v4;
	v5 =	vld.idx.msk [tilespmem:v58+s22+$0x0], $0xffff  }
0x18b: {  	v18 =	vld.idx.msk [tilespmem:v59+s3+$0x0], $0xffff;
	v6 =	vmul.f32 v6, v8  }
0x18c: {  	v19 =	vor.u32 $0x76, v4;
	v9 =	vld.idx.msk [tilespmem:v59+s22+$0x0], $0xffff  }
0x18d: {  	v20 =	vld.idx.msk [tilespmem:v61+s3+$0x0], $0xffff;
	v7 =	vmul.f32 v7, v60;
	v6 =	vadd.f32 $0.0e+00, v6  }
0x18e: {  	v21 =	vor.u32 $0x77, v4;
	v11 =	vld.idx.msk [tilespmem:v61+s22+$0x0], $0xffff  }
0x18f: {  	v22 =	vld.idx.msk [tilespmem:v63+s3+$0x0], $0xffff;
	v5 =	vmul.f32 v5, v62;
	v6 =	vadd.f32 v7, v6  }
0x190: {  	v24 =	vor.u32 $0x78, v4;
	v23 =	vld.idx.msk [tilespmem:v63+s22+$0x0], $0xffff  }
0x191: {  	v26 =	vld.idx.msk [tilespmem:v19+s3+$0x0], $0xffff;
	v25 =	vmul.f32 v9, v18;
	v5 =	vadd.f32 v5, v6  }
0x192: {  	v28 =	vor.u32 $0x79, v4;
	v27 =	vld.idx.msk [tilespmem:v19+s22+$0x0], $0xffff  }
0x193: {  	v30 =	vld.idx.msk [tilespmem:v21+s3+$0x0], $0xffff;
	v29 =	vmul.f32 v11, v20;
	v5 =	vadd.f32 v25, v5  }
0x194: {  	v32 =	vor.u32 $0x7A, v4;
	v31 =	vld.idx.msk [tilespmem:v21+s22+$0x0], $0xffff  }
0x195: {  	v34 =	vld.idx.msk [tilespmem:v24+s3+$0x0], $0xffff;
	v33 =	vmul.f32 v23, v22;
	v5 =	vadd.f32 v29, v5  }
0x196: {  	v36 =	vor.u32 $0x7B, v4;
	v35 =	vld.idx.msk [tilespmem:v24+s22+$0x0], $0xffff  }
0x197: {  	v38 =	vld.idx.msk [tilespmem:v28+s3+$0x0], $0xffff;
	v37 =	vmul.f32 v27, v26;
	v5 =	vadd.f32 v33, v5  }
0x198: {  	v40 =	vor.u32 $0x7C, v4;
	v39 =	vld.idx.msk [tilespmem:v28+s22+$0x0], $0xffff  }
0x199: {  	v42 =	vld.idx.msk [tilespmem:v32+s3+$0x0], $0xffff;
	v41 =	vmul.f32 v31, v30;
	v5 =	vadd.f32 v37, v5  }
0x19a: {  	v44 =	vor.u32 $0x7D, v4;
	v43 =	vld.idx.msk [tilespmem:v32+s22+$0x0], $0xffff  }
0x19b: {  	v46 =	vld.idx.msk [tilespmem:v36+s3+$0x0], $0xffff;
	v45 =	vmul.f32 v35, v34;
	v5 =	vadd.f32 v41, v5  }
0x19c: {  	v48 =	vor.u32 $0x7E, v4;
	v47 =	vld.idx.msk [tilespmem:v36+s22+$0x0], $0xffff  }
0x19d: {  	v50 =	vld.idx.msk [tilespmem:v40+s3+$0x0], $0xffff;
	v49 =	vmul.f32 v39, v38;
	v5 =	vadd.f32 v45, v5  }
0x19e: {  	v4 =	vor.u32 $0x7F, v4;
	v51 =	vld.idx.msk [tilespmem:v40+s22+$0x0], $0xffff  }
0x19f: {  	v53 =	vld.idx.msk [tilespmem:v44+s3+$0x0], $0xffff;
	v52 =	vmul.f32 v43, v42;
	v5 =	vadd.f32 v49, v5  }
0x1a0: {  	v54 =	vld.idx.msk [tilespmem:v44+s22+$0x0], $0xffff  }
0x1a1: {  	v56 =	vld.idx.msk [tilespmem:v48+s3+$0x0], $0xffff;
	v55 =	vmul.f32 v47, v46;
	v5 =	vadd.f32 v52, v5  }
0x1a2: {  	v57 =	vld.idx.msk [tilespmem:v48+s22+$0x0], $0xffff  }
0x1a3: {  	v59 =	vld.idx.msk [tilespmem:v4+s3+$0x0], $0xffff;
	v58 =	vmul.f32 v51, v50;
	v5 =	vadd.f32 v55, v5  }
0x1a4: {  	v4 =	vld.idx.msk [tilespmem:v4+s22+$0x0], $0xffff  }
0x1a5: {  	v60 =	vmul.f32 v54, v53;
	v5 =	vadd.f32 v58, v5  }
0x1a6: {  	v61 =	vld.idx.msk [tilespmem:v3+s23+$0x0], $0xffff  }
0x1a7: {  	v62 =	vmul.f32 v57, v56;
	v5 =	vadd.f32 v60, v5;
	_ =	sdelay $0x1  }
0x1a8: {  	v4 =	vmul.f32 v4, v59;
	v5 =	vadd.f32 v62, v5;
	_ =	sdelay $0x1  }
0x1a9: {  	v63 =	vmul.f32 $2.500000000e-01, v61;
	v4 =	vadd.f32 v4, v5;
	_ =	sdelay $0x1  }
0x1aa: {  	v4 =	vmul.f32 v63, v4;
	_ =	sdelay $0x1  }
0x1ab: {  	v4 =	vmul.f32 $1.442695020e+00, v4;
	_ =	sdelay $0x1  }
0x1ac: {  	(erf) = vpow2.f32 v4;
	_ =	sdelay $0x4  }
0x1ad: {  	p0 =	sne.s32 s31, $0x30  }
.Ltmp2:
0x1ae: {  	_ = 	snop;
	(pc) =	sbr.rel @p0 .LBB2_7-.Ltmp2, $3  }
0x1af: {  	_ =	sdelay $0x1  }
0x1b0: {  	v4 =	vpop (erf)  }
0x1b1: {  	s31 =	sadd.s32 $0x10, s31;
	[tilespmem:v3+s25+$0x0] =	vst.idx.msk $0xffff, v4  }
0x1b2: {  	s29 =	sadd.s32 $0x1, s29  }
0x1b3: {  	p0 =	sne.s32 s29, $0x9D  }
.Ltmp3:
0x1b4: {  	s0 =	sadd.s32 s11, s30;
	s30 =	simm.s32 $0x0;
	(pc) =	sbr.rel @p0 .LBB2_6-.Ltmp3, $4  }
0x1b5: {  	[hbm4b:s0+s30] =	stream.linear.scatter [tilespmem:s25], [sflag:$0x2], $0x2000, $0x38;
	[tilespmem:$0x1C100] =	vst v63  }
0x1b6: {  	_ =	swait.ge [sflag:s20], $0x2000  }
0x1b7: {  	[sflag:s20] =	ssyncset.done $0x0  }
0x1b8: {  	[sflag:s20] =	ssyncadd.s32 $0xFFFFE000  }
0x1b9: {  	s28 =	simm.s32 $0x0  }
.LBB2_10:
0x1ba: {  	s0 =	sshll.u32 s28, $0xB  }
0x1bb: {  	s29 =	sor.u32 s14, s0  }
0x1bc: {  	s0 =	smin.u32 s29, $0x4E1C0  }
0x1bd: {  	s31 =	sshrl.u32 s0, $0x3  }
0x1be: {  	s8 =	sadd.s32 s6, s31  }
0x1bf: {  	[tilespmem:s19], [sflag:$0x2] =	stream.linear.gather [hbm4b:s8+s30], $0x40, $0x38;
	[tilespmem:$0x1C100] =	vst v63  }
0x1c0: {  	_ =	swait.ge [sflag:s20], $0x40  }
0x1c1: {  	[sflag:s20] =	ssyncset.done $0x0  }
0x1c2: {  	s8 =	sadd.s32 s7, s31;
	[sflag:s20] =	ssyncadd.s32 $0xFFFFFFC0  }
0x1c3: {  	[tilespmem:s21], [sflag:$0x2] =	stream.linear.gather [hbm4b:s8+s30], $0x40, $0x38;
	[tilespmem:$0x1C100] =	vst v63  }
0x1c4: {  	_ =	swait.ge [sflag:s20], $0x40  }
0x1c5: {  	[sflag:s20] =	ssyncset.done $0x0  }
0x1c6: {  	s0 =	sshll.u32 s0, $0x4;
	[sflag:s20] =	ssyncadd.s32 $0xFFFFFFC0  }
0x1c7: {  	[tilespmem:s30], [sflag:$0x1] =	stream.indirect.gather [hbm4b:s5+s18], $0x80, s19, s18, $0xb8;
	[tilespmem:$0x1C100] =	vst v63  }
0x1c8: {  	s0 =	sadd.s32 s11, s0  }
0x1c9: {  	[tilespmem:s25], [sflag:$0x2] =	stream.linear.gather [hbm4b:s0+s30], $0x2000, $0x38;
	[tilespmem:$0x1C100] =	vst v63  }
0x1ca: {  	_ =	swait.ge [sflag:s20], $0x2000  }
0x1cb: {  	[sflag:s20] =	ssyncset.done $0x0  }
0x1cc: {  	[sflag:s20] =	ssyncadd.s32 $0xFFFFE000  }
0x1cd: {  	_ =	swait.ge [sflag:s24], $0x2000  }
0x1ce: {  	[sflag:s24] =	ssyncset.done $0x0  }
0x1cf: {  	s31 =	simm.s32 $0x0;
	[sflag:s24] =	ssyncadd.s32 $0xFFFFE000  }
.LBB2_11:
0x1d0: {  	v3 =	vmov s31  }
0x1d1: {  	v3 =	vshll.u32 v3, $0x7  }
0x1d2: {  	v3 =	vor.u32 v2, v3;
	_ =	sdelay $0x4  }
0x1d3: {  	v9 =	vld.idx.msk [tilespmem:v3+s25+$0x0], $0xffff  }
0x1d4: {  	v4 =	vld.idx.msk [tilespmem:v3+s3+$0x0], $0xffff;
	_ =	sdelay $0x2  }
0x1d5: {  	v10 =	vor.u32 $0x1, v3;
	_ =	sdelay $0x1  }
0x1d6: {  	v4 =	vmul.f32 v4, v9;
	_ =	sdelay $0x1  }
0x1d7: {  	[tilespmem:v3+s3+$0x0] =	vst.idx.msk $0xffff, v4  }
0x1d8: {  	v4 =	vld.idx.msk [tilespmem:v10+s3+$0x0], $0xffff;
	_ =	sdelay $0x2  }
0x1d9: {  	v11 =	vor.u32 $0x2, v3;
	_ =	sdelay $0x1  }
0x1da: {  	v4 =	vmul.f32 v4, v9;
	_ =	sdelay $0x1  }
0x1db: {  	[tilespmem:v10+s3+$0x0] =	vst.idx.msk $0xffff, v4  }
0x1dc: {  	v4 =	vld.idx.msk [tilespmem:v11+s3+$0x0], $0xffff;
	_ =	sdelay $0x2  }
0x1dd: {  	v8 =	vor.u32 $0x3, v3;
	_ =	sdelay $0x1  }
0x1de: {  	v4 =	vmul.f32 v4, v9;
	_ =	sdelay $0x1  }
0x1df: {  	[tilespmem:v11+s3+$0x0] =	vst.idx.msk $0xffff, v4  }
0x1e0: {  	v4 =	vld.idx.msk [tilespmem:v8+s3+$0x0], $0xffff;
	_ =	sdelay $0x2  }
0x1e1: {  	v7 =	vor.u32 $0x4, v3;
	_ =	sdelay $0x1  }
0x1e2: {  	v4 =	vmul.f32 v4, v9;
	_ =	sdelay $0x1  }
0x1e3: {  	[tilespmem:v8+s3+$0x0] =	vst.idx.msk $0xffff, v4  }
0x1e4: {  	v4 =	vld.idx.msk [tilespmem:v7+s3+$0x0], $0xffff;
	_ =	sdelay $0x2  }
0x1e5: {  	v6 =	vor.u32 $0x5, v3;
	_ =	sdelay $0x1  }
0x1e6: {  	v4 =	vmul.f32 v4, v9;
	_ =	sdelay $0x1  }
0x1e7: {  	[tilespmem:v7+s3+$0x0] =	vst.idx.msk $0xffff, v4  }
0x1e8: {  	v4 =	vld.idx.msk [tilespmem:v6+s3+$0x0], $0xffff;
	_ =	sdelay $0x2  }
0x1e9: {  	v5 =	vor.u32 $0x6, v3;
	_ =	sdelay $0x1  }
0x1ea: {  	v4 =	vmul.f32 v4, v9;
	_ =	sdelay $0x1  }
0x1eb: {  	[tilespmem:v6+s3+$0x0] =	vst.idx.msk $0xffff, v4  }
0x1ec: {  	v12 =	vld.idx.msk [tilespmem:v5+s3+$0x0], $0xffff;
	_ =	sdelay $0x2  }
0x1ed: {  	v4 =	vor.u32 $0x7, v3;
	_ =	sdelay $0x1  }
0x1ee: {  	v12 =	vmul.f32 v12, v9;
	_ =	sdelay $0x1  }
0x1ef: {  	[tilespmem:v5+s3+$0x0] =	vst.idx.msk $0xffff, v12  }
0x1f0: {  	v12 =	vld.idx.msk [tilespmem:v4+s3+$0x0], $0xffff;
	_ =	sdelay $0x2  }
0x1f1: {  	v13 =	vor.u32 $0x8, v3;
	_ =	sdelay $0x1  }
0x1f2: {  	v12 =	vmul.f32 v12, v9;
	_ =	sdelay $0x1  }
0x1f3: {  	[tilespmem:v4+s3+$0x0] =	vst.idx.msk $0xffff, v12  }
0x1f4: {  	v12 =	vld.idx.msk [tilespmem:v13+s3+$0x0], $0xffff;
	_ =	sdelay $0x2  }
0x1f5: {  	v14 =	vor.u32 $0x9, v3;
	_ =	sdelay $0x1  }
0x1f6: {  	v12 =	vmul.f32 v12, v9;
	_ =	sdelay $0x1  }
0x1f7: {  	[tilespmem:v13+s3+$0x0] =	vst.idx.msk $0xffff, v12  }
0x1f8: {  	v12 =	vld.idx.msk [tilespmem:v14+s3+$0x0], $0xffff;
	_ =	sdelay $0x2  }
0x1f9: {  	v45 =	vor.u32 $0xA, v3;
	_ =	sdelay $0x1  }
0x1fa: {  	v12 =	vmul.f32 v12, v9;
	_ =	sdelay $0x1  }
0x1fb: {  	[tilespmem:v14+s3+$0x0] =	vst.idx.msk $0xffff, v12  }
0x1fc: {  	v12 =	vld.idx.msk [tilespmem:v45+s3+$0x0], $0xffff;
	_ =	sdelay $0x2  }
0x1fd: {  	v46 =	vor.u32 $0xB, v3;
	_ =	sdelay $0x1  }
0x1fe: {  	v12 =	vmul.f32 v12, v9;
	_ =	sdelay $0x1  }
0x1ff: {  	[tilespmem:v45+s3+$0x0] =	vst.idx.msk $0xffff, v12  }
0x200: {  	v12 =	vld.idx.msk [tilespmem:v46+s3+$0x0], $0xffff;
	_ =	sdelay $0x2  }
0x201: {  	v47 =	vor.u32 $0xC, v3;
	_ =	sdelay $0x1  }
0x202: {  	v12 =	vmul.f32 v12, v9;
	_ =	sdelay $0x1  }
0x203: {  	[tilespmem:v46+s3+$0x0] =	vst.idx.msk $0xffff, v12  }
0x204: {  	v12 =	vld.idx.msk [tilespmem:v47+s3+$0x0], $0xffff;
	_ =	sdelay $0x2  }
0x205: {  	v48 =	vor.u32 $0xD, v3;
	_ =	sdelay $0x1  }
0x206: {  	v12 =	vmul.f32 v12, v9;
	_ =	sdelay $0x1  }
0x207: {  	[tilespmem:v47+s3+$0x0] =	vst.idx.msk $0xffff, v12  }
0x208: {  	v12 =	vld.idx.msk [tilespmem:v48+s3+$0x0], $0xffff;
	_ =	sdelay $0x2  }
0x209: {  	v49 =	vor.u32 $0xE, v3;
	_ =	sdelay $0x1  }
0x20a: {  	v12 =	vmul.f32 v12, v9;
	_ =	sdelay $0x1  }
0x20b: {  	[tilespmem:v48+s3+$0x0] =	vst.idx.msk $0xffff, v12  }
0x20c: {  	v12 =	vld.idx.msk [tilespmem:v49+s3+$0x0], $0xffff;
	_ =	sdelay $0x2  }
0x20d: {  	v50 =	vor.u32 $0xF, v3;
	_ =	sdelay $0x1  }
0x20e: {  	v12 =	vmul.f32 v12, v9;
	_ =	sdelay $0x1  }
0x20f: {  	[tilespmem:v49+s3+$0x0] =	vst.idx.msk $0xffff, v12  }
0x210: {  	v12 =	vld.idx.msk [tilespmem:v50+s3+$0x0], $0xffff;
	_ =	sdelay $0x3  }
0x211: {  	v51 =	vor.u32 $0x10, v3  }
0x212: {  	v9 =	vmul.f32 v12, v9;
	_ =	sdelay $0x1  }
0x213: {  	[tilespmem:v50+s3+$0x0] =	vst.idx.msk $0xffff, v9  }
0x214: {  	v9 =	vld.idx.msk [tilespmem:v10+s25+$0x0], $0xffff  }
0x215: {  	v52 =	vld.idx.msk [tilespmem:v51+s3+$0x0], $0xffff;
	_ =	sdelay $0x2  }
0x216: {  	v53 =	vor.u32 $0x11, v3;
	_ =	sdelay $0x1  }
0x217: {  	v10 =	vmul.f32 v52, v9;
	_ =	sdelay $0x1  }
0x218: {  	[tilespmem:v51+s3+$0x0] =	vst.idx.msk $0xffff, v10  }
0x219: {  	v10 =	vld.idx.msk [tilespmem:v53+s3+$0x0], $0xffff;
	_ =	sdelay $0x2  }
0x21a: {  	v54 =	vor.u32 $0x12, v3;
	_ =	sdelay $0x1  }
0x21b: {  	v10 =	vmul.f32 v10, v9;
	_ =	sdelay $0x1  }
0x21c: {  	[tilespmem:v53+s3+$0x0] =	vst.idx.msk $0xffff, v10  }
0x21d: {  	v10 =	vld.idx.msk [tilespmem:v54+s3+$0x0], $0xffff;
	_ =	sdelay $0x2  }
0x21e: {  	v55 =	vor.u32 $0x13, v3;
	_ =	sdelay $0x1  }
0x21f: {  	v10 =	vmul.f32 v10, v9;
	_ =	sdelay $0x1  }
0x220: {  	[tilespmem:v54+s3+$0x0] =	vst.idx.msk $0xffff, v10  }
0x221: {  	v10 =	vld.idx.msk [tilespmem:v55+s3+$0x0], $0xffff;
	_ =	sdelay $0x2  }
0x222: {  	v56 =	vor.u32 $0x14, v3;
	_ =	sdelay $0x1  }
0x223: {  	v10 =	vmul.f32 v10, v9;
	_ =	sdelay $0x1  }
0x224: {  	[tilespmem:v55+s3+$0x0] =	vst.idx.msk $0xffff, v10  }
0x225: {  	v10 =	vld.idx.msk [tilespmem:v56+s3+$0x0], $0xffff;
	_ =	sdelay $0x2  }
0x226: {  	v57 =	vor.u32 $0x15, v3;
	_ =	sdelay $0x1  }
0x227: {  	v10 =	vmul.f32 v10, v9;
	_ =	sdelay $0x1  }
0x228: {  	[tilespmem:v56+s3+$0x0] =	vst.idx.msk $0xffff, v10  }
0x229: {  	v10 =	vld.idx.msk [tilespmem:v57+s3+$0x0], $0xffff;
	_ =	sdelay $0x2  }
0x22a: {  	v58 =	vor.u32 $0x16, v3;
	_ =	sdelay $0x1  }
0x22b: {  	v10 =	vmul.f32 v10, v9;
	_ =	sdelay $0x1  }
0x22c: {  	[tilespmem:v57+s3+$0x0] =	vst.idx.msk $0xffff, v10  }
0x22d: {  	v10 =	vld.idx.msk [tilespmem:v58+s3+$0x0], $0xffff;
	_ =	sdelay $0x2  }
0x22e: {  	v59 =	vor.u32 $0x17, v3;
	_ =	sdelay $0x1  }
0x22f: {  	v10 =	vmul.f32 v10, v9;
	_ =	sdelay $0x1  }
0x230: {  	[tilespmem:v58+s3+$0x0] =	vst.idx.msk $0xffff, v10  }
0x231: {  	v10 =	vld.idx.msk [tilespmem:v59+s3+$0x0], $0xffff;
	_ =	sdelay $0x2  }
0x232: {  	v60 =	vor.u32 $0x18, v3;
	_ =	sdelay $0x1  }
0x233: {  	v10 =	vmul.f32 v10, v9;
	_ =	sdelay $0x1  }
0x234: {  	[tilespmem:v59+s3+$0x0] =	vst.idx.msk $0xffff, v10  }
0x235: {  	v10 =	vld.idx.msk [tilespmem:v60+s3+$0x0], $0xffff;
	_ =	sdelay $0x2  }
0x236: {  	v61 =	vor.u32 $0x19, v3;
	_ =	sdelay $0x1  }
0x237: {  	v10 =	vmul.f32 v10, v9;
	_ =	sdelay $0x1  }
0x238: {  	[tilespmem:v60+s3+$0x0] =	vst.idx.msk $0xffff, v10  }
0x239: {  	v10 =	vld.idx.msk [tilespmem:v61+s3+$0x0], $0xffff;
	_ =	sdelay $0x2  }
0x23a: {  	v62 =	vor.u32 $0x1A, v3;
	_ =	sdelay $0x1  }
0x23b: {  	v10 =	vmul.f32 v10, v9;
	_ =	sdelay $0x1  }
0x23c: {  	[tilespmem:v61+s3+$0x0] =	vst.idx.msk $0xffff, v10  }
0x23d: {  	v10 =	vld.idx.msk [tilespmem:v62+s3+$0x0], $0xffff;
	_ =	sdelay $0x2  }
0x23e: {  	v63 =	vor.u32 $0x1B, v3;
	_ =	sdelay $0x1  }
0x23f: {  	v10 =	vmul.f32 v10, v9;
	_ =	sdelay $0x1  }
0x240: {  	[tilespmem:v62+s3+$0x0] =	vst.idx.msk $0xffff, v10  }
0x241: {  	v10 =	vld.idx.msk [tilespmem:v63+s3+$0x0], $0xffff;
	_ =	sdelay $0x2  }
0x242: {  	v16 =	vor.u32 $0x1C, v3;
	_ =	sdelay $0x1  }
0x243: {  	v10 =	vmul.f32 v10, v9;
	_ =	sdelay $0x1  }
0x244: {  	[tilespmem:v63+s3+$0x0] =	vst.idx.msk $0xffff, v10  }
0x245: {  	v10 =	vld.idx.msk [tilespmem:v16+s3+$0x0], $0xffff;
	_ =	sdelay $0x2  }
0x246: {  	v17 =	vor.u32 $0x1D, v3;
	_ =	sdelay $0x1  }
0x247: {  	v10 =	vmul.f32 v10, v9;
	_ =	sdelay $0x1  }
0x248: {  	[tilespmem:v16+s3+$0x0] =	vst.idx.msk $0xffff, v10  }
0x249: {  	v10 =	vld.idx.msk [tilespmem:v17+s3+$0x0], $0xffff;
	_ =	sdelay $0x2  }
0x24a: {  	v18 =	vor.u32 $0x1E, v3;
	_ =	sdelay $0x1  }
0x24b: {  	v10 =	vmul.f32 v10, v9;
	_ =	sdelay $0x1  }
0x24c: {  	[tilespmem:v17+s3+$0x0] =	vst.idx.msk $0xffff, v10  }
0x24d: {  	v10 =	vld.idx.msk [tilespmem:v18+s3+$0x0], $0xffff;
	_ =	sdelay $0x2  }
0x24e: {  	v19 =	vor.u32 $0x1F, v3;
	_ =	sdelay $0x1  }
0x24f: {  	v10 =	vmul.f32 v10, v9;
	_ =	sdelay $0x1  }
0x250: {  	[tilespmem:v18+s3+$0x0] =	vst.idx.msk $0xffff, v10  }
0x251: {  	v10 =	vld.idx.msk [tilespmem:v19+s3+$0x0], $0xffff;
	_ =	sdelay $0x3  }
0x252: {  	v20 =	vor.u32 $0x20, v3  }
0x253: {  	v9 =	vmul.f32 v10, v9;
	_ =	sdelay $0x1  }
0x254: {  	[tilespmem:v19+s3+$0x0] =	vst.idx.msk $0xffff, v9  }
0x255: {  	v9 =	vld.idx.msk [tilespmem:v11+s25+$0x0], $0xffff  }
0x256: {  	v21 =	vld.idx.msk [tilespmem:v20+s3+$0x0], $0xffff;
	_ =	sdelay $0x2  }
0x257: {  	v22 =	vor.u32 $0x21, v3;
	_ =	sdelay $0x1  }
0x258: {  	v10 =	vmul.f32 v21, v9;
	_ =	sdelay $0x1  }
0x259: {  	[tilespmem:v20+s3+$0x0] =	vst.idx.msk $0xffff, v10  }
0x25a: {  	v10 =	vld.idx.msk [tilespmem:v22+s3+$0x0], $0xffff;
	_ =	sdelay $0x2  }
0x25b: {  	v23 =	vor.u32 $0x22, v3;
	_ =	sdelay $0x1  }
0x25c: {  	v10 =	vmul.f32 v10, v9;
	_ =	sdelay $0x1  }
0x25d: {  	[tilespmem:v22+s3+$0x0] =	vst.idx.msk $0xffff, v10  }
0x25e: {  	v10 =	vld.idx.msk [tilespmem:v23+s3+$0x0], $0xffff;
	_ =	sdelay $0x2  }
0x25f: {  	v24 =	vor.u32 $0x23, v3;
	_ =	sdelay $0x1  }
0x260: {  	v10 =	vmul.f32 v10, v9;
	_ =	sdelay $0x1  }
0x261: {  	[tilespmem:v23+s3+$0x0] =	vst.idx.msk $0xffff, v10  }
0x262: {  	v10 =	vld.idx.msk [tilespmem:v24+s3+$0x0], $0xffff;
	_ =	sdelay $0x2  }
0x263: {  	v25 =	vor.u32 $0x24, v3;
	_ =	sdelay $0x1  }
0x264: {  	v10 =	vmul.f32 v10, v9;
	_ =	sdelay $0x1  }
0x265: {  	[tilespmem:v24+s3+$0x0] =	vst.idx.msk $0xffff, v10  }
0x266: {  	v10 =	vld.idx.msk [tilespmem:v25+s3+$0x0], $0xffff;
	_ =	sdelay $0x2  }
0x267: {  	v26 =	vor.u32 $0x25, v3;
	_ =	sdelay $0x1  }
0x268: {  	v10 =	vmul.f32 v10, v9;
	_ =	sdelay $0x1  }
0x269: {  	[tilespmem:v25+s3+$0x0] =	vst.idx.msk $0xffff, v10  }
0x26a: {  	v10 =	vld.idx.msk [tilespmem:v26+s3+$0x0], $0xffff;
	_ =	sdelay $0x2  }
0x26b: {  	v27 =	vor.u32 $0x26, v3;
	_ =	sdelay $0x1  }
0x26c: {  	v10 =	vmul.f32 v10, v9;
	_ =	sdelay $0x1  }
0x26d: {  	[tilespmem:v26+s3+$0x0] =	vst.idx.msk $0xffff, v10  }
0x26e: {  	v10 =	vld.idx.msk [tilespmem:v27+s3+$0x0], $0xffff;
	_ =	sdelay $0x2  }
0x26f: {  	v28 =	vor.u32 $0x27, v3;
	_ =	sdelay $0x1  }
0x270: {  	v10 =	vmul.f32 v10, v9;
	_ =	sdelay $0x1  }
0x271: {  	[tilespmem:v27+s3+$0x0] =	vst.idx.msk $0xffff, v10  }
0x272: {  	v10 =	vld.idx.msk [tilespmem:v28+s3+$0x0], $0xffff;
	_ =	sdelay $0x2  }
0x273: {  	v29 =	vor.u32 $0x28, v3;
	_ =	sdelay $0x1  }
0x274: {  	v10 =	vmul.f32 v10, v9;
	_ =	sdelay $0x1  }
0x275: {  	[tilespmem:v28+s3+$0x0] =	vst.idx.msk $0xffff, v10  }
0x276: {  	v10 =	vld.idx.msk [tilespmem:v29+s3+$0x0], $0xffff;
	_ =	sdelay $0x2  }
0x277: {  	v30 =	vor.u32 $0x29, v3;
	_ =	sdelay $0x1  }
0x278: {  	v10 =	vmul.f32 v10, v9;
	_ =	sdelay $0x1  }
0x279: {  	[tilespmem:v29+s3+$0x0] =	vst.idx.msk $0xffff, v10  }
0x27a: {  	v10 =	vld.idx.msk [tilespmem:v30+s3+$0x0], $0xffff;
	_ =	sdelay $0x2  }
0x27b: {  	v31 =	vor.u32 $0x2A, v3;
	_ =	sdelay $0x1  }
0x27c: {  	v10 =	vmul.f32 v10, v9;
	_ =	sdelay $0x1  }
0x27d: {  	[tilespmem:v30+s3+$0x0] =	vst.idx.msk $0xffff, v10  }
0x27e: {  	v10 =	vld.idx.msk [tilespmem:v31+s3+$0x0], $0xffff;
	_ =	sdelay $0x2  }
0x27f: {  	v32 =	vor.u32 $0x2B, v3;
	_ =	sdelay $0x1  }
0x280: {  	v10 =	vmul.f32 v10, v9;
	_ =	sdelay $0x1  }
0x281: {  	[tilespmem:v31+s3+$0x0] =	vst.idx.msk $0xffff, v10  }
0x282: {  	v10 =	vld.idx.msk [tilespmem:v32+s3+$0x0], $0xffff;
	_ =	sdelay $0x2  }
0x283: {  	v33 =	vor.u32 $0x2C, v3;
	_ =	sdelay $0x1  }
0x284: {  	v10 =	vmul.f32 v10, v9;
	_ =	sdelay $0x1  }
0x285: {  	[tilespmem:v32+s3+$0x0] =	vst.idx.msk $0xffff, v10  }
0x286: {  	v10 =	vld.idx.msk [tilespmem:v33+s3+$0x0], $0xffff;
	_ =	sdelay $0x2  }
0x287: {  	v34 =	vor.u32 $0x2D, v3;
	_ =	sdelay $0x1  }
0x288: {  	v10 =	vmul.f32 v10, v9;
	_ =	sdelay $0x1  }
0x289: {  	[tilespmem:v33+s3+$0x0] =	vst.idx.msk $0xffff, v10  }
0x28a: {  	v10 =	vld.idx.msk [tilespmem:v34+s3+$0x0], $0xffff;
	_ =	sdelay $0x2  }
0x28b: {  	v35 =	vor.u32 $0x2E, v3;
	_ =	sdelay $0x1  }
0x28c: {  	v10 =	vmul.f32 v10, v9;
	_ =	sdelay $0x1  }
0x28d: {  	[tilespmem:v34+s3+$0x0] =	vst.idx.msk $0xffff, v10  }
0x28e: {  	v10 =	vld.idx.msk [tilespmem:v35+s3+$0x0], $0xffff;
	_ =	sdelay $0x2  }
0x28f: {  	v36 =	vor.u32 $0x2F, v3;
	_ =	sdelay $0x1  }
0x290: {  	v10 =	vmul.f32 v10, v9;
	_ =	sdelay $0x1  }
0x291: {  	[tilespmem:v35+s3+$0x0] =	vst.idx.msk $0xffff, v10  }
0x292: {  	v10 =	vld.idx.msk [tilespmem:v36+s3+$0x0], $0xffff;
	_ =	sdelay $0x3  }
0x293: {  	v37 =	vor.u32 $0x30, v3  }
0x294: {  	v9 =	vmul.f32 v10, v9;
	_ =	sdelay $0x1  }
0x295: {  	[tilespmem:v36+s3+$0x0] =	vst.idx.msk $0xffff, v9  }
0x296: {  	v8 =	vld.idx.msk [tilespmem:v8+s25+$0x0], $0xffff  }
0x297: {  	v9 =	vld.idx.msk [tilespmem:v37+s3+$0x0], $0xffff;
	_ =	sdelay $0x2  }
0x298: {  	v38 =	vor.u32 $0x31, v3;
	_ =	sdelay $0x1  }
0x299: {  	v9 =	vmul.f32 v9, v8;
	_ =	sdelay $0x1  }
0x29a: {  	[tilespmem:v37+s3+$0x0] =	vst.idx.msk $0xffff, v9  }
0x29b: {  	v9 =	vld.idx.msk [tilespmem:v38+s3+$0x0], $0xffff;
	_ =	sdelay $0x2  }
0x29c: {  	v39 =	vor.u32 $0x32, v3;
	_ =	sdelay $0x1  }
0x29d: {  	v9 =	vmul.f32 v9, v8;
	_ =	sdelay $0x1  }
0x29e: {  	[tilespmem:v38+s3+$0x0] =	vst.idx.msk $0xffff, v9  }
0x29f: {  	v9 =	vld.idx.msk [tilespmem:v39+s3+$0x0], $0xffff;
	_ =	sdelay $0x2  }
0x2a0: {  	v40 =	vor.u32 $0x33, v3;
	_ =	sdelay $0x1  }
0x2a1: {  	v9 =	vmul.f32 v9, v8;
	_ =	sdelay $0x1  }
0x2a2: {  	[tilespmem:v39+s3+$0x0] =	vst.idx.msk $0xffff, v9  }
0x2a3: {  	v9 =	vld.idx.msk [tilespmem:v40+s3+$0x0], $0xffff;
	_ =	sdelay $0x2  }
0x2a4: {  	v41 =	vor.u32 $0x34, v3;
	_ =	sdelay $0x1  }
0x2a5: {  	v9 =	vmul.f32 v9, v8;
	_ =	sdelay $0x1  }
0x2a6: {  	[tilespmem:v40+s3+$0x0] =	vst.idx.msk $0xffff, v9  }
0x2a7: {  	v9 =	vld.idx.msk [tilespmem:v41+s3+$0x0], $0xffff;
	_ =	sdelay $0x2  }
0x2a8: {  	v42 =	vor.u32 $0x35, v3;
	_ =	sdelay $0x1  }
0x2a9: {  	v9 =	vmul.f32 v9, v8;
	_ =	sdelay $0x1  }
0x2aa: {  	[tilespmem:v41+s3+$0x0] =	vst.idx.msk $0xffff, v9  }
0x2ab: {  	v9 =	vld.idx.msk [tilespmem:v42+s3+$0x0], $0xffff;
	_ =	sdelay $0x2  }
0x2ac: {  	v43 =	vor.u32 $0x36, v3;
	_ =	sdelay $0x1  }
0x2ad: {  	v9 =	vmul.f32 v9, v8;
	_ =	sdelay $0x1  }
0x2ae: {  	[tilespmem:v42+s3+$0x0] =	vst.idx.msk $0xffff, v9  }
0x2af: {  	v9 =	vld.idx.msk [tilespmem:v43+s3+$0x0], $0xffff;
	_ =	sdelay $0x2  }
0x2b0: {  	v44 =	vor.u32 $0x37, v3;
	_ =	sdelay $0x1  }
0x2b1: {  	v9 =	vmul.f32 v9, v8;
	_ =	sdelay $0x1  }
0x2b2: {  	[tilespmem:v43+s3+$0x0] =	vst.idx.msk $0xffff, v9  }
0x2b3: {  	v9 =	vld.idx.msk [tilespmem:v44+s3+$0x0], $0xffff;
	_ =	sdelay $0x2  }
0x2b4: {  	v45 =	vor.u32 $0x38, v3;
	_ =	sdelay $0x1  }
0x2b5: {  	v9 =	vmul.f32 v9, v8;
	_ =	sdelay $0x1  }
0x2b6: {  	[tilespmem:v44+s3+$0x0] =	vst.idx.msk $0xffff, v9  }
0x2b7: {  	v9 =	vld.idx.msk [tilespmem:v45+s3+$0x0], $0xffff;
	_ =	sdelay $0x2  }
0x2b8: {  	v46 =	vor.u32 $0x39, v3;
	_ =	sdelay $0x1  }
0x2b9: {  	v9 =	vmul.f32 v9, v8;
	_ =	sdelay $0x1  }
0x2ba: {  	[tilespmem:v45+s3+$0x0] =	vst.idx.msk $0xffff, v9  }
0x2bb: {  	v9 =	vld.idx.msk [tilespmem:v46+s3+$0x0], $0xffff;
	_ =	sdelay $0x2  }
0x2bc: {  	v47 =	vor.u32 $0x3A, v3;
	_ =	sdelay $0x1  }
0x2bd: {  	v9 =	vmul.f32 v9, v8;
	_ =	sdelay $0x1  }
0x2be: {  	[tilespmem:v46+s3+$0x0] =	vst.idx.msk $0xffff, v9  }
0x2bf: {  	v9 =	vld.idx.msk [tilespmem:v47+s3+$0x0], $0xffff;
	_ =	sdelay $0x2  }
0x2c0: {  	v48 =	vor.u32 $0x3B, v3;
	_ =	sdelay $0x1  }
0x2c1: {  	v9 =	vmul.f32 v9, v8;
	_ =	sdelay $0x1  }
0x2c2: {  	[tilespmem:v47+s3+$0x0] =	vst.idx.msk $0xffff, v9  }
0x2c3: {  	v9 =	vld.idx.msk [tilespmem:v48+s3+$0x0], $0xffff;
	_ =	sdelay $0x2  }
0x2c4: {  	v49 =	vor.u32 $0x3C, v3;
	_ =	sdelay $0x1  }
0x2c5: {  	v9 =	vmul.f32 v9, v8;
	_ =	sdelay $0x1  }
0x2c6: {  	[tilespmem:v48+s3+$0x0] =	vst.idx.msk $0xffff, v9  }
0x2c7: {  	v9 =	vld.idx.msk [tilespmem:v49+s3+$0x0], $0xffff;
	_ =	sdelay $0x2  }
0x2c8: {  	v50 =	vor.u32 $0x3D, v3;
	_ =	sdelay $0x1  }
0x2c9: {  	v9 =	vmul.f32 v9, v8;
	_ =	sdelay $0x1  }
0x2ca: {  	[tilespmem:v49+s3+$0x0] =	vst.idx.msk $0xffff, v9  }
0x2cb: {  	v9 =	vld.idx.msk [tilespmem:v50+s3+$0x0], $0xffff;
	_ =	sdelay $0x2  }
0x2cc: {  	v51 =	vor.u32 $0x3E, v3;
	_ =	sdelay $0x1  }
0x2cd: {  	v9 =	vmul.f32 v9, v8;
	_ =	sdelay $0x1  }
0x2ce: {  	[tilespmem:v50+s3+$0x0] =	vst.idx.msk $0xffff, v9  }
0x2cf: {  	v9 =	vld.idx.msk [tilespmem:v51+s3+$0x0], $0xffff;
	_ =	sdelay $0x2  }
0x2d0: {  	v52 =	vor.u32 $0x3F, v3;
	_ =	sdelay $0x1  }
0x2d1: {  	v9 =	vmul.f32 v9, v8;
	_ =	sdelay $0x1  }
0x2d2: {  	[tilespmem:v51+s3+$0x0] =	vst.idx.msk $0xffff, v9  }
0x2d3: {  	v9 =	vld.idx.msk [tilespmem:v52+s3+$0x0], $0xffff;
	_ =	sdelay $0x3  }
0x2d4: {  	v53 =	vor.u32 $0x40, v3  }
0x2d5: {  	v8 =	vmul.f32 v9, v8;
	_ =	sdelay $0x1  }
0x2d6: {  	[tilespmem:v52+s3+$0x0] =	vst.idx.msk $0xffff, v8  }
0x2d7: {  	v7 =	vld.idx.msk [tilespmem:v7+s25+$0x0], $0xffff  }
0x2d8: {  	v8 =	vld.idx.msk [tilespmem:v53+s3+$0x0], $0xffff;
	_ =	sdelay $0x2  }
0x2d9: {  	v54 =	vor.u32 $0x41, v3;
	_ =	sdelay $0x1  }
0x2da: {  	v8 =	vmul.f32 v8, v7;
	_ =	sdelay $0x1  }
0x2db: {  	[tilespmem:v53+s3+$0x0] =	vst.idx.msk $0xffff, v8  }
0x2dc: {  	v8 =	vld.idx.msk [tilespmem:v54+s3+$0x0], $0xffff;
	_ =	sdelay $0x2  }
0x2dd: {  	v55 =	vor.u32 $0x42, v3;
	_ =	sdelay $0x1  }
0x2de: {  	v8 =	vmul.f32 v8, v7;
	_ =	sdelay $0x1  }
0x2df: {  	[tilespmem:v54+s3+$0x0] =	vst.idx.msk $0xffff, v8  }
0x2e0: {  	v8 =	vld.idx.msk [tilespmem:v55+s3+$0x0], $0xffff;
	_ =	sdelay $0x2  }
0x2e1: {  	v56 =	vor.u32 $0x43, v3;
	_ =	sdelay $0x1  }
0x2e2: {  	v8 =	vmul.f32 v8, v7;
	_ =	sdelay $0x1  }
0x2e3: {  	[tilespmem:v55+s3+$0x0] =	vst.idx.msk $0xffff, v8  }
0x2e4: {  	v8 =	vld.idx.msk [tilespmem:v56+s3+$0x0], $0xffff;
	_ =	sdelay $0x2  }
0x2e5: {  	v57 =	vor.u32 $0x44, v3;
	_ =	sdelay $0x1  }
0x2e6: {  	v8 =	vmul.f32 v8, v7;
	_ =	sdelay $0x1  }
0x2e7: {  	[tilespmem:v56+s3+$0x0] =	vst.idx.msk $0xffff, v8  }
0x2e8: {  	v8 =	vld.idx.msk [tilespmem:v57+s3+$0x0], $0xffff;
	_ =	sdelay $0x2  }
0x2e9: {  	v58 =	vor.u32 $0x45, v3;
	_ =	sdelay $0x1  }
0x2ea: {  	v8 =	vmul.f32 v8, v7;
	_ =	sdelay $0x1  }
0x2eb: {  	[tilespmem:v57+s3+$0x0] =	vst.idx.msk $0xffff, v8  }
0x2ec: {  	v8 =	vld.idx.msk [tilespmem:v58+s3+$0x0], $0xffff;
	_ =	sdelay $0x2  }
0x2ed: {  	v59 =	vor.u32 $0x46, v3;
	_ =	sdelay $0x1  }
0x2ee: {  	v8 =	vmul.f32 v8, v7;
	_ =	sdelay $0x1  }
0x2ef: {  	[tilespmem:v58+s3+$0x0] =	vst.idx.msk $0xffff, v8  }
0x2f0: {  	v8 =	vld.idx.msk [tilespmem:v59+s3+$0x0], $0xffff;
	_ =	sdelay $0x2  }
0x2f1: {  	v60 =	vor.u32 $0x47, v3;
	_ =	sdelay $0x1  }
0x2f2: {  	v8 =	vmul.f32 v8, v7;
	_ =	sdelay $0x1  }
0x2f3: {  	[tilespmem:v59+s3+$0x0] =	vst.idx.msk $0xffff, v8  }
0x2f4: {  	v8 =	vld.idx.msk [tilespmem:v60+s3+$0x0], $0xffff;
	_ =	sdelay $0x2  }
0x2f5: {  	v61 =	vor.u32 $0x48, v3;
	_ =	sdelay $0x1  }
0x2f6: {  	v8 =	vmul.f32 v8, v7;
	_ =	sdelay $0x1  }
0x2f7: {  	[tilespmem:v60+s3+$0x0] =	vst.idx.msk $0xffff, v8  }
0x2f8: {  	v8 =	vld.idx.msk [tilespmem:v61+s3+$0x0], $0xffff;
	_ =	sdelay $0x2  }
0x2f9: {  	v62 =	vor.u32 $0x49, v3;
	_ =	sdelay $0x1  }
0x2fa: {  	v8 =	vmul.f32 v8, v7;
	_ =	sdelay $0x1  }
0x2fb: {  	[tilespmem:v61+s3+$0x0] =	vst.idx.msk $0xffff, v8  }
0x2fc: {  	v8 =	vld.idx.msk [tilespmem:v62+s3+$0x0], $0xffff;
	_ =	sdelay $0x2  }
0x2fd: {  	v63 =	vor.u32 $0x4A, v3;
	_ =	sdelay $0x1  }
0x2fe: {  	v8 =	vmul.f32 v8, v7;
	_ =	sdelay $0x1  }
0x2ff: {  	[tilespmem:v62+s3+$0x0] =	vst.idx.msk $0xffff, v8  }
0x300: {  	v8 =	vld.idx.msk [tilespmem:v63+s3+$0x0], $0xffff;
	_ =	sdelay $0x2  }
0x301: {  	v12 =	vor.u32 $0x4B, v3;
	_ =	sdelay $0x1  }
0x302: {  	v8 =	vmul.f32 v8, v7;
	_ =	sdelay $0x1  }
0x303: {  	[tilespmem:v63+s3+$0x0] =	vst.idx.msk $0xffff, v8  }
0x304: {  	v8 =	vld.idx.msk [tilespmem:v12+s3+$0x0], $0xffff;
	_ =	sdelay $0x2  }
0x305: {  	v13 =	vor.u32 $0x4C, v3;
	_ =	sdelay $0x1  }
0x306: {  	v8 =	vmul.f32 v8, v7;
	_ =	sdelay $0x1  }
0x307: {  	[tilespmem:v12+s3+$0x0] =	vst.idx.msk $0xffff, v8  }
0x308: {  	v8 =	vld.idx.msk [tilespmem:v13+s3+$0x0], $0xffff;
	_ =	sdelay $0x2  }
0x309: {  	v14 =	vor.u32 $0x4D, v3;
	_ =	sdelay $0x1  }
0x30a: {  	v8 =	vmul.f32 v8, v7;
	_ =	sdelay $0x1  }
0x30b: {  	[tilespmem:v13+s3+$0x0] =	vst.idx.msk $0xffff, v8  }
0x30c: {  	v8 =	vld.idx.msk [tilespmem:v14+s3+$0x0], $0xffff;
	_ =	sdelay $0x2  }
0x30d: {  	v15 =	vor.u32 $0x4E, v3;
	_ =	sdelay $0x1  }
0x30e: {  	v8 =	vmul.f32 v8, v7;
	_ =	sdelay $0x1  }
0x30f: {  	[tilespmem:v14+s3+$0x0] =	vst.idx.msk $0xffff, v8  }
0x310: {  	v8 =	vld.idx.msk [tilespmem:v15+s3+$0x0], $0xffff;
	_ =	sdelay $0x2  }
0x311: {  	v16 =	vor.u32 $0x4F, v3;
	_ =	sdelay $0x1  }
0x312: {  	v8 =	vmul.f32 v8, v7;
	_ =	sdelay $0x1  }
0x313: {  	[tilespmem:v15+s3+$0x0] =	vst.idx.msk $0xffff, v8  }
0x314: {  	v8 =	vld.idx.msk [tilespmem:v16+s3+$0x0], $0xffff;
	_ =	sdelay $0x3  }
0x315: {  	v17 =	vor.u32 $0x50, v3  }
0x316: {  	v7 =	vmul.f32 v8, v7;
	_ =	sdelay $0x1  }
0x317: {  	[tilespmem:v16+s3+$0x0] =	vst.idx.msk $0xffff, v7  }
0x318: {  	v6 =	vld.idx.msk [tilespmem:v6+s25+$0x0], $0xffff  }
0x319: {  	v7 =	vld.idx.msk [tilespmem:v17+s3+$0x0], $0xffff;
	_ =	sdelay $0x2  }
0x31a: {  	v18 =	vor.u32 $0x51, v3;
	_ =	sdelay $0x1  }
0x31b: {  	v7 =	vmul.f32 v7, v6;
	_ =	sdelay $0x1  }
0x31c: {  	[tilespmem:v17+s3+$0x0] =	vst.idx.msk $0xffff, v7  }
0x31d: {  	v7 =	vld.idx.msk [tilespmem:v18+s3+$0x0], $0xffff;
	_ =	sdelay $0x2  }
0x31e: {  	v19 =	vor.u32 $0x52, v3;
	_ =	sdelay $0x1  }
0x31f: {  	v7 =	vmul.f32 v7, v6;
	_ =	sdelay $0x1  }
0x320: {  	[tilespmem:v18+s3+$0x0] =	vst.idx.msk $0xffff, v7  }
0x321: {  	v7 =	vld.idx.msk [tilespmem:v19+s3+$0x0], $0xffff;
	_ =	sdelay $0x2  }
0x322: {  	v20 =	vor.u32 $0x53, v3;
	_ =	sdelay $0x1  }
0x323: {  	v7 =	vmul.f32 v7, v6;
	_ =	sdelay $0x1  }
0x324: {  	[tilespmem:v19+s3+$0x0] =	vst.idx.msk $0xffff, v7  }
0x325: {  	v7 =	vld.idx.msk [tilespmem:v20+s3+$0x0], $0xffff;
	_ =	sdelay $0x2  }
0x326: {  	v21 =	vor.u32 $0x54, v3;
	_ =	sdelay $0x1  }
0x327: {  	v7 =	vmul.f32 v7, v6;
	_ =	sdelay $0x1  }
0x328: {  	[tilespmem:v20+s3+$0x0] =	vst.idx.msk $0xffff, v7  }
0x329: {  	v7 =	vld.idx.msk [tilespmem:v21+s3+$0x0], $0xffff;
	_ =	sdelay $0x2  }
0x32a: {  	v22 =	vor.u32 $0x55, v3;
	_ =	sdelay $0x1  }
0x32b: {  	v7 =	vmul.f32 v7, v6;
	_ =	sdelay $0x1  }
0x32c: {  	[tilespmem:v21+s3+$0x0] =	vst.idx.msk $0xffff, v7  }
0x32d: {  	v7 =	vld.idx.msk [tilespmem:v22+s3+$0x0], $0xffff;
	_ =	sdelay $0x2  }
0x32e: {  	v23 =	vor.u32 $0x56, v3;
	_ =	sdelay $0x1  }
0x32f: {  	v7 =	vmul.f32 v7, v6;
	_ =	sdelay $0x1  }
0x330: {  	[tilespmem:v22+s3+$0x0] =	vst.idx.msk $0xffff, v7  }
0x331: {  	v7 =	vld.idx.msk [tilespmem:v23+s3+$0x0], $0xffff;
	_ =	sdelay $0x2  }
0x332: {  	v24 =	vor.u32 $0x57, v3;
	_ =	sdelay $0x1  }
0x333: {  	v7 =	vmul.f32 v7, v6;
	_ =	sdelay $0x1  }
0x334: {  	[tilespmem:v23+s3+$0x0] =	vst.idx.msk $0xffff, v7  }
0x335: {  	v7 =	vld.idx.msk [tilespmem:v24+s3+$0x0], $0xffff;
	_ =	sdelay $0x2  }
0x336: {  	v25 =	vor.u32 $0x58, v3;
	_ =	sdelay $0x1  }
0x337: {  	v7 =	vmul.f32 v7, v6;
	_ =	sdelay $0x1  }
0x338: {  	[tilespmem:v24+s3+$0x0] =	vst.idx.msk $0xffff, v7  }
0x339: {  	v7 =	vld.idx.msk [tilespmem:v25+s3+$0x0], $0xffff;
	_ =	sdelay $0x2  }
0x33a: {  	v26 =	vor.u32 $0x59, v3;
	_ =	sdelay $0x1  }
0x33b: {  	v7 =	vmul.f32 v7, v6;
	_ =	sdelay $0x1  }
0x33c: {  	[tilespmem:v25+s3+$0x0] =	vst.idx.msk $0xffff, v7  }
0x33d: {  	v7 =	vld.idx.msk [tilespmem:v26+s3+$0x0], $0xffff;
	_ =	sdelay $0x2  }
0x33e: {  	v27 =	vor.u32 $0x5A, v3;
	_ =	sdelay $0x1  }
0x33f: {  	v7 =	vmul.f32 v7, v6;
	_ =	sdelay $0x1  }
0x340: {  	[tilespmem:v26+s3+$0x0] =	vst.idx.msk $0xffff, v7  }
0x341: {  	v7 =	vld.idx.msk [tilespmem:v27+s3+$0x0], $0xffff;
	_ =	sdelay $0x2  }
0x342: {  	v28 =	vor.u32 $0x5B, v3;
	_ =	sdelay $0x1  }
0x343: {  	v7 =	vmul.f32 v7, v6;
	_ =	sdelay $0x1  }
0x344: {  	[tilespmem:v27+s3+$0x0] =	vst.idx.msk $0xffff, v7  }
0x345: {  	v7 =	vld.idx.msk [tilespmem:v28+s3+$0x0], $0xffff;
	_ =	sdelay $0x2  }
0x346: {  	v29 =	vor.u32 $0x5C, v3;
	_ =	sdelay $0x1  }
0x347: {  	v7 =	vmul.f32 v7, v6;
	_ =	sdelay $0x1  }
0x348: {  	[tilespmem:v28+s3+$0x0] =	vst.idx.msk $0xffff, v7  }
0x349: {  	v7 =	vld.idx.msk [tilespmem:v29+s3+$0x0], $0xffff;
	_ =	sdelay $0x2  }
0x34a: {  	v30 =	vor.u32 $0x5D, v3;
	_ =	sdelay $0x1  }
0x34b: {  	v7 =	vmul.f32 v7, v6;
	_ =	sdelay $0x1  }
0x34c: {  	[tilespmem:v29+s3+$0x0] =	vst.idx.msk $0xffff, v7  }
0x34d: {  	v7 =	vld.idx.msk [tilespmem:v30+s3+$0x0], $0xffff;
	_ =	sdelay $0x2  }
0x34e: {  	v31 =	vor.u32 $0x5E, v3;
	_ =	sdelay $0x1  }
0x34f: {  	v7 =	vmul.f32 v7, v6;
	_ =	sdelay $0x1  }
0x350: {  	[tilespmem:v30+s3+$0x0] =	vst.idx.msk $0xffff, v7  }
0x351: {  	v7 =	vld.idx.msk [tilespmem:v31+s3+$0x0], $0xffff;
	_ =	sdelay $0x2  }
0x352: {  	v32 =	vor.u32 $0x5F, v3;
	_ =	sdelay $0x1  }
0x353: {  	v7 =	vmul.f32 v7, v6;
	_ =	sdelay $0x1  }
0x354: {  	[tilespmem:v31+s3+$0x0] =	vst.idx.msk $0xffff, v7  }
0x355: {  	v7 =	vld.idx.msk [tilespmem:v32+s3+$0x0], $0xffff;
	_ =	sdelay $0x3  }
0x356: {  	v33 =	vor.u32 $0x60, v3  }
0x357: {  	v6 =	vmul.f32 v7, v6;
	_ =	sdelay $0x1  }
0x358: {  	[tilespmem:v32+s3+$0x0] =	vst.idx.msk $0xffff, v6  }
0x359: {  	v5 =	vld.idx.msk [tilespmem:v5+s25+$0x0], $0xffff  }
0x35a: {  	v6 =	vld.idx.msk [tilespmem:v33+s3+$0x0], $0xffff;
	_ =	sdelay $0x2  }
0x35b: {  	v34 =	vor.u32 $0x61, v3;
	_ =	sdelay $0x1  }
0x35c: {  	v6 =	vmul.f32 v6, v5;
	_ =	sdelay $0x1  }
0x35d: {  	[tilespmem:v33+s3+$0x0] =	vst.idx.msk $0xffff, v6  }
0x35e: {  	v6 =	vld.idx.msk [tilespmem:v34+s3+$0x0], $0xffff;
	_ =	sdelay $0x2  }
0x35f: {  	v35 =	vor.u32 $0x62, v3;
	_ =	sdelay $0x1  }
0x360: {  	v6 =	vmul.f32 v6, v5;
	_ =	sdelay $0x1  }
0x361: {  	[tilespmem:v34+s3+$0x0] =	vst.idx.msk $0xffff, v6  }
0x362: {  	v6 =	vld.idx.msk [tilespmem:v35+s3+$0x0], $0xffff;
	_ =	sdelay $0x2  }
0x363: {  	v36 =	vor.u32 $0x63, v3;
	_ =	sdelay $0x1  }
0x364: {  	v6 =	vmul.f32 v6, v5;
	_ =	sdelay $0x1  }
0x365: {  	[tilespmem:v35+s3+$0x0] =	vst.idx.msk $0xffff, v6  }
0x366: {  	v6 =	vld.idx.msk [tilespmem:v36+s3+$0x0], $0xffff;
	_ =	sdelay $0x2  }
0x367: {  	v37 =	vor.u32 $0x64, v3;
	_ =	sdelay $0x1  }
0x368: {  	v6 =	vmul.f32 v6, v5;
	_ =	sdelay $0x1  }
0x369: {  	[tilespmem:v36+s3+$0x0] =	vst.idx.msk $0xffff, v6  }
0x36a: {  	v6 =	vld.idx.msk [tilespmem:v37+s3+$0x0], $0xffff;
	_ =	sdelay $0x2  }
0x36b: {  	v38 =	vor.u32 $0x65, v3;
	_ =	sdelay $0x1  }
0x36c: {  	v6 =	vmul.f32 v6, v5;
	_ =	sdelay $0x1  }
0x36d: {  	[tilespmem:v37+s3+$0x0] =	vst.idx.msk $0xffff, v6  }
0x36e: {  	v6 =	vld.idx.msk [tilespmem:v38+s3+$0x0], $0xffff;
	_ =	sdelay $0x2  }
0x36f: {  	v39 =	vor.u32 $0x66, v3;
	_ =	sdelay $0x1  }
0x370: {  	v6 =	vmul.f32 v6, v5;
	_ =	sdelay $0x1  }
0x371: {  	[tilespmem:v38+s3+$0x0] =	vst.idx.msk $0xffff, v6  }
0x372: {  	v6 =	vld.idx.msk [tilespmem:v39+s3+$0x0], $0xffff;
	_ =	sdelay $0x2  }
0x373: {  	v40 =	vor.u32 $0x67, v3;
	_ =	sdelay $0x1  }
0x374: {  	v6 =	vmul.f32 v6, v5;
	_ =	sdelay $0x1  }
0x375: {  	[tilespmem:v39+s3+$0x0] =	vst.idx.msk $0xffff, v6  }
0x376: {  	v6 =	vld.idx.msk [tilespmem:v40+s3+$0x0], $0xffff;
	_ =	sdelay $0x2  }
0x377: {  	v41 =	vor.u32 $0x68, v3;
	_ =	sdelay $0x1  }
0x378: {  	v6 =	vmul.f32 v6, v5;
	_ =	sdelay $0x1  }
0x379: {  	[tilespmem:v40+s3+$0x0] =	vst.idx.msk $0xffff, v6  }
0x37a: {  	v6 =	vld.idx.msk [tilespmem:v41+s3+$0x0], $0xffff;
	_ =	sdelay $0x2  }
0x37b: {  	v42 =	vor.u32 $0x69, v3;
	_ =	sdelay $0x1  }
0x37c: {  	v6 =	vmul.f32 v6, v5;
	_ =	sdelay $0x1  }
0x37d: {  	[tilespmem:v41+s3+$0x0] =	vst.idx.msk $0xffff, v6  }
0x37e: {  	v6 =	vld.idx.msk [tilespmem:v42+s3+$0x0], $0xffff;
	_ =	sdelay $0x2  }
0x37f: {  	v43 =	vor.u32 $0x6A, v3;
	_ =	sdelay $0x1  }
0x380: {  	v6 =	vmul.f32 v6, v5;
	_ =	sdelay $0x1  }
0x381: {  	[tilespmem:v42+s3+$0x0] =	vst.idx.msk $0xffff, v6  }
0x382: {  	v6 =	vld.idx.msk [tilespmem:v43+s3+$0x0], $0xffff;
	_ =	sdelay $0x2  }
0x383: {  	v44 =	vor.u32 $0x6B, v3;
	_ =	sdelay $0x1  }
0x384: {  	v6 =	vmul.f32 v6, v5;
	_ =	sdelay $0x1  }
0x385: {  	[tilespmem:v43+s3+$0x0] =	vst.idx.msk $0xffff, v6  }
0x386: {  	v6 =	vld.idx.msk [tilespmem:v44+s3+$0x0], $0xffff;
	_ =	sdelay $0x2  }
0x387: {  	v45 =	vor.u32 $0x6C, v3;
	_ =	sdelay $0x1  }
0x388: {  	v6 =	vmul.f32 v6, v5;
	_ =	sdelay $0x1  }
0x389: {  	[tilespmem:v44+s3+$0x0] =	vst.idx.msk $0xffff, v6  }
0x38a: {  	v6 =	vld.idx.msk [tilespmem:v45+s3+$0x0], $0xffff;
	_ =	sdelay $0x2  }
0x38b: {  	v46 =	vor.u32 $0x6D, v3;
	_ =	sdelay $0x1  }
0x38c: {  	v6 =	vmul.f32 v6, v5;
	_ =	sdelay $0x1  }
0x38d: {  	[tilespmem:v45+s3+$0x0] =	vst.idx.msk $0xffff, v6  }
0x38e: {  	v6 =	vld.idx.msk [tilespmem:v46+s3+$0x0], $0xffff;
	_ =	sdelay $0x2  }
0x38f: {  	v47 =	vor.u32 $0x6E, v3;
	_ =	sdelay $0x1  }
0x390: {  	v6 =	vmul.f32 v6, v5;
	_ =	sdelay $0x1  }
0x391: {  	[tilespmem:v46+s3+$0x0] =	vst.idx.msk $0xffff, v6  }
0x392: {  	v6 =	vld.idx.msk [tilespmem:v47+s3+$0x0], $0xffff;
	_ =	sdelay $0x2  }
0x393: {  	v48 =	vor.u32 $0x6F, v3;
	_ =	sdelay $0x1  }
0x394: {  	v6 =	vmul.f32 v6, v5;
	_ =	sdelay $0x1  }
0x395: {  	[tilespmem:v47+s3+$0x0] =	vst.idx.msk $0xffff, v6  }
0x396: {  	v6 =	vld.idx.msk [tilespmem:v48+s3+$0x0], $0xffff;
	_ =	sdelay $0x3  }
0x397: {  	v49 =	vor.u32 $0x70, v3  }
0x398: {  	v5 =	vmul.f32 v6, v5;
	_ =	sdelay $0x1  }
0x399: {  	[tilespmem:v48+s3+$0x0] =	vst.idx.msk $0xffff, v5  }
0x39a: {  	v4 =	vld.idx.msk [tilespmem:v4+s25+$0x0], $0xffff  }
0x39b: {  	v5 =	vld.idx.msk [tilespmem:v49+s3+$0x0], $0xffff;
	_ =	sdelay $0x2  }
0x39c: {  	v50 =	vor.u32 $0x71, v3;
	_ =	sdelay $0x1  }
0x39d: {  	v5 =	vmul.f32 v5, v4;
	_ =	sdelay $0x1  }
0x39e: {  	[tilespmem:v49+s3+$0x0] =	vst.idx.msk $0xffff, v5  }
0x39f: {  	v5 =	vld.idx.msk [tilespmem:v50+s3+$0x0], $0xffff;
	_ =	sdelay $0x2  }
0x3a0: {  	v51 =	vor.u32 $0x72, v3;
	_ =	sdelay $0x1  }
0x3a1: {  	v5 =	vmul.f32 v5, v4;
	_ =	sdelay $0x1  }
0x3a2: {  	[tilespmem:v50+s3+$0x0] =	vst.idx.msk $0xffff, v5  }
0x3a3: {  	v5 =	vld.idx.msk [tilespmem:v51+s3+$0x0], $0xffff;
	_ =	sdelay $0x2  }
0x3a4: {  	v52 =	vor.u32 $0x73, v3;
	_ =	sdelay $0x1  }
0x3a5: {  	v5 =	vmul.f32 v5, v4;
	_ =	sdelay $0x1  }
0x3a6: {  	[tilespmem:v51+s3+$0x0] =	vst.idx.msk $0xffff, v5  }
0x3a7: {  	v5 =	vld.idx.msk [tilespmem:v52+s3+$0x0], $0xffff;
	_ =	sdelay $0x2  }
0x3a8: {  	v53 =	vor.u32 $0x74, v3;
	_ =	sdelay $0x1  }
0x3a9: {  	v5 =	vmul.f32 v5, v4;
	_ =	sdelay $0x1  }
0x3aa: {  	[tilespmem:v52+s3+$0x0] =	vst.idx.msk $0xffff, v5  }
0x3ab: {  	v5 =	vld.idx.msk [tilespmem:v53+s3+$0x0], $0xffff;
	_ =	sdelay $0x2  }
0x3ac: {  	v54 =	vor.u32 $0x75, v3;
	_ =	sdelay $0x1  }
0x3ad: {  	v5 =	vmul.f32 v5, v4;
	_ =	sdelay $0x1  }
0x3ae: {  	[tilespmem:v53+s3+$0x0] =	vst.idx.msk $0xffff, v5  }
0x3af: {  	v5 =	vld.idx.msk [tilespmem:v54+s3+$0x0], $0xffff;
	_ =	sdelay $0x2  }
0x3b0: {  	v55 =	vor.u32 $0x76, v3;
	_ =	sdelay $0x1  }
0x3b1: {  	v5 =	vmul.f32 v5, v4;
	_ =	sdelay $0x1  }
0x3b2: {  	[tilespmem:v54+s3+$0x0] =	vst.idx.msk $0xffff, v5  }
0x3b3: {  	v5 =	vld.idx.msk [tilespmem:v55+s3+$0x0], $0xffff;
	_ =	sdelay $0x2  }
0x3b4: {  	v56 =	vor.u32 $0x77, v3;
	_ =	sdelay $0x1  }
0x3b5: {  	v5 =	vmul.f32 v5, v4;
	_ =	sdelay $0x1  }
0x3b6: {  	[tilespmem:v55+s3+$0x0] =	vst.idx.msk $0xffff, v5  }
0x3b7: {  	v5 =	vld.idx.msk [tilespmem:v56+s3+$0x0], $0xffff;
	_ =	sdelay $0x2  }
0x3b8: {  	v57 =	vor.u32 $0x78, v3;
	_ =	sdelay $0x1  }
0x3b9: {  	v5 =	vmul.f32 v5, v4;
	_ =	sdelay $0x1  }
0x3ba: {  	[tilespmem:v56+s3+$0x0] =	vst.idx.msk $0xffff, v5  }
0x3bb: {  	v5 =	vld.idx.msk [tilespmem:v57+s3+$0x0], $0xffff;
	_ =	sdelay $0x2  }
0x3bc: {  	v58 =	vor.u32 $0x79, v3;
	_ =	sdelay $0x1  }
0x3bd: {  	v5 =	vmul.f32 v5, v4;
	_ =	sdelay $0x1  }
0x3be: {  	[tilespmem:v57+s3+$0x0] =	vst.idx.msk $0xffff, v5  }
0x3bf: {  	v5 =	vld.idx.msk [tilespmem:v58+s3+$0x0], $0xffff;
	_ =	sdelay $0x2  }
0x3c0: {  	v59 =	vor.u32 $0x7A, v3;
	_ =	sdelay $0x1  }
0x3c1: {  	v5 =	vmul.f32 v5, v4;
	_ =	sdelay $0x1  }
0x3c2: {  	[tilespmem:v58+s3+$0x0] =	vst.idx.msk $0xffff, v5  }
0x3c3: {  	v5 =	vld.idx.msk [tilespmem:v59+s3+$0x0], $0xffff;
	_ =	sdelay $0x2  }
0x3c4: {  	v60 =	vor.u32 $0x7B, v3;
	_ =	sdelay $0x1  }
0x3c5: {  	v5 =	vmul.f32 v5, v4;
	_ =	sdelay $0x1  }
0x3c6: {  	[tilespmem:v59+s3+$0x0] =	vst.idx.msk $0xffff, v5  }
0x3c7: {  	v5 =	vld.idx.msk [tilespmem:v60+s3+$0x0], $0xffff;
	_ =	sdelay $0x2  }
0x3c8: {  	v61 =	vor.u32 $0x7C, v3;
	_ =	sdelay $0x1  }
0x3c9: {  	v5 =	vmul.f32 v5, v4;
	_ =	sdelay $0x1  }
0x3ca: {  	[tilespmem:v60+s3+$0x0] =	vst.idx.msk $0xffff, v5  }
0x3cb: {  	v5 =	vld.idx.msk [tilespmem:v61+s3+$0x0], $0xffff;
	_ =	sdelay $0x2  }
0x3cc: {  	v62 =	vor.u32 $0x7D, v3;
	_ =	sdelay $0x1  }
0x3cd: {  	v5 =	vmul.f32 v5, v4;
	_ =	sdelay $0x1  }
0x3ce: {  	[tilespmem:v61+s3+$0x0] =	vst.idx.msk $0xffff, v5  }
0x3cf: {  	v5 =	vld.idx.msk [tilespmem:v62+s3+$0x0], $0xffff;
	_ =	sdelay $0x2  }
0x3d0: {  	v63 =	vor.u32 $0x7E, v3;
	_ =	sdelay $0x1  }
0x3d1: {  	v5 =	vmul.f32 v5, v4;
	_ =	sdelay $0x1  }
0x3d2: {  	[tilespmem:v62+s3+$0x0] =	vst.idx.msk $0xffff, v5  }
0x3d3: {  	v5 =	vld.idx.msk [tilespmem:v63+s3+$0x0], $0xffff;
	_ =	sdelay $0x2  }
0x3d4: {  	v3 =	vor.u32 $0x7F, v3;
	_ =	sdelay $0x1  }
0x3d5: {  	v5 =	vmul.f32 v5, v4;
	_ =	sdelay $0x1  }
0x3d6: {  	[tilespmem:v63+s3+$0x0] =	vst.idx.msk $0xffff, v5  }
0x3d7: {  	v5 =	vld.idx.msk [tilespmem:v3+s3+$0x0], $0xffff;
	_ =	sdelay $0x1  }
0x3d8: {  	p0 =	sne.s32 s31, $0x30  }
.Ltmp4:
0x3d9: {  	_ = 	snop;
	(pc) =	sbr.rel @p0 .LBB2_11-.Ltmp4, $3  }
0x3da: {  	_ = 	snop  }
0x3db: {  	v4 =	vmul.f32 v5, v4;
	_ =	sdelay $0x1  }
0x3dc: {  	s31 =	sadd.s32 $0x10, s31;
	[tilespmem:v3+s3+$0x0] =	vst.idx.msk $0xffff, v4  }
0x3dd: {  	v3 =	vld [tilespmem:$0x8080]  }
0x3de: {  	v4 =	vld [tilespmem:$0x8090]  }
0x3df: {  	v5 =	vld [tilespmem:$0x80A0]  }
0x3e0: {  	v6 =	vld [tilespmem:$0x80B0]  }
0x3e1: {  	p0 =	slt.u32 s29, $0x4E1C1  }
0x3e2: {  	v3 =	vpsel !p0, $0x2774, v3  }
0x3e3: {  	[tilespmem:$0x8080] =	vst v3;
	v3 =	vpsel !p0, $0x2774, v4  }
0x3e4: {  	s28 =	sadd.s32 $0x1, s28;
	[tilespmem:$0x8090] =	vst v3;
	v3 =	vpsel !p0, $0x2774, v5  }
0x3e5: {  	[tilespmem:$0x80A0] =	vst v3;
	v3 =	vpsel !p0, $0x2774, v6;
	p0 =	sne.s32 s28, $0x9D  }
.Ltmp5:
0x3e6: {  	[tilespmem:$0x80B0] =	vst v3;
	(pc) =	sbr.rel @p0 .LBB2_10-.Ltmp5, $4  }
0x3e7: {  	[spmem:s2] =	stream.indirect.scatter.add.f32 [tilespmem:s3], [sflag:$0x2], $0x80, s21, s18, $0xb8;
	[tilespmem:$0x1C100] =	vst v63  }
0x3e8: {  	_ =	swait.ge [sflag:s20], $0x2000  }
0x3e9: {  	[sflag:s20] =	ssyncset.done $0x0  }
0x3ea: {  	[sflag:s20] =	ssyncadd.s32 $0xFFFFE000  }
0x3eb: {  	[bflag:$0x0] =	sbarrier.arrive $0xFFFF;
	s0 =	sadd.s32 $0xFFFFFFF0, s16;
	v3 =	vor.u32 s16, v0  }
0x3ec: {  	s8 =	sadd.s32 $0xFFFFFFE0, s16;
	v4 =	vor.u32 s0, v0;
	[tilespmem:$0x8030] =	vst v3  }
0x3ed: {  	s30 =	sadd.s32 $0xFFFFFFD0, s16;
	v3 =	vor.u32 s8, v0;
	[tilespmem:$0x8020] =	vst v4  }
0x3ee: {  	v63 =	vor.u32 s30, v0;
	[tilespmem:$0x8010] =	vst v3  }
0x3ef: {  	[tilespmem:$0x8000] =	vst v63  }
0x3f0: {  	[tilespmem:s3], [sflag:$0x2] =	stream.indirect.gather [spmem:s2], $0x80, s19, s18, $0xb8;
	[tilespmem:$0x1C100] =	vst v63  }
0x3f1: {  	_ =	swait.ge [sflag:s20], $0x2000  }
0x3f2: {  	s31 =	sadd.s32 $0x0, s17;
	[sflag:s20] =	ssyncset.done $0x0  }
0x3f3: {  	s28 =	simm.s32 $0x400;
	s29 =	smov.u32 s16;
	[sflag:s20] =	ssyncadd.s32 $0xFFFFE000  }
0x3f4: {  	[hbm4b:s31+s3] =	stream.linear.scatter [tilespmem:s3], [sflag:$0x2], $0x2000, $0x38;
	[tilespmem:$0x1C100] =	vst v63  }
.LBB2_14:
0x3f5: {  	p0 =	sne.s32 s28, $0x2400  }
0x3f6: {  	_ =	swait.ge [sflag:s20], $0x2000;
	s29 =	sadd.s32 $0x40, s29;
	s0 =	smov.u32 s28  }
0x3f7: {  	s28 =	sadd.s32 $0x400, s28;
	s8 =	sadd.s32 $0xFFFFFFD0, s29;
	[sflag:s20] =	ssyncset.done $0x0  }
0x3f8: {  	s30 =	sadd.s32 $0xFFFFFFE0, s29;
	s31 =	sadd.s32 $0xFFFFFFF0, s29;
	v3 =	vor.u32 s29, v0;
	[sflag:s20] =	ssyncadd.s32 $0xFFFFE000  }
0x3f9: {  	v4 =	vor.u32 s8, v0;
	v5 =	vor.u32 s30, v0;
	v6 =	vor.u32 s31, v0;
	[tilespmem:$0x8030] =	vst v3  }
0x3fa: {  	[tilespmem:$0x8020] =	vst v6  }
0x3fb: {  	[tilespmem:$0x8010] =	vst v5  }
0x3fc: {  	[tilespmem:$0x8000] =	vst v4  }
0x3fd: {  	[tilespmem:s3], [sflag:$0x2] =	stream.indirect.gather [spmem:s2], $0x80, s19, s18, $0xb8;
	[tilespmem:$0x1C100] =	vst v63  }
.Ltmp6:
0x3fe: {  	_ = 	snop;
	(pc) =	sbr.rel @p0 .LBB2_14-.Ltmp6, $4  }
0x3ff: {  	_ =	swait.ge [sflag:s20], $0x2000  }
0x400: {  	s0 =	sadd.s32 s0, s17;
	[sflag:s20] =	ssyncset.done $0x0  }
0x401: {  	[sflag:s20] =	ssyncadd.s32 $0xFFFFE000  }
0x402: {  	[hbm4b:s0+s3] =	stream.linear.scatter [tilespmem:s3], [sflag:$0x2], $0x2000, $0x38;
	[tilespmem:$0x1C100] =	vst v63  }
0x403: {  	_ =	swait.ge [sflag:s20], $0x2000  }
0x404: {  	[sflag:s20] =	ssyncset.done $0x0  }
0x405: {  	[sflag:s20] =	ssyncadd.s32 $0xFFFFE000  }
0x406: {  	s28 =	simm.s32 $0x0;
	s29 =	simm.s32 $0x200;
	[bflag:$0x0] =	sbarrier.arrive $0xFFFF  }
.LBB2_16:
0x407: {  	p0 =	sne.s32 s29, $0x7E00;
	[tilespmem:s28+$0x70] =	vst v1  }
0x408: {  	[tilespmem:s28+$0x0] =	vst v1  }
0x409: {  	[tilespmem:s28+$0x10] =	vst v1  }
.Ltmp7:
0x40a: {  	[tilespmem:s28+$0x20] =	vst v1;
	(pc) =	sbr.rel @p0 .LBB2_16-.Ltmp7, $4  }
0x40b: {  	[tilespmem:s28+$0x30] =	vst v1  }
0x40c: {  	[tilespmem:s28+$0x40] =	vst v1  }
0x40d: {  	[tilespmem:s28+$0x50] =	vst v1  }
0x40e: {  	[tilespmem:s28+$0x60] =	vst v1;
	s28 =	sshra.s32 s29, $0x2;
	s29 =	sadd.s32 $0x200, s29  }
0x40f: {  	[tilespmem:s28+$0x70] =	vst v1  }
0x410: {  	[tilespmem:s28+$0x0] =	vst v1  }
0x411: {  	[tilespmem:s28+$0x10] =	vst v1  }
0x412: {  	[tilespmem:s28+$0x20] =	vst v1  }
0x413: {  	[tilespmem:s28+$0x30] =	vst v1  }
0x414: {  	[tilespmem:s28+$0x40] =	vst v1  }
0x415: {  	[tilespmem:s28+$0x50] =	vst v1;
	s0 =	sadd.s32 $0x0, s12  }
0x416: {  	[tilespmem:s28+$0x60] =	vst v1;
	v3 =	vor.u32 s0, v0;
	s8 =	sadd.s32 $0x30, s0  }
0x417: {  	s28 =	sadd.s32 $0x20, s0;
	[tilespmem:$0x8000] =	vst v3;
	v4 =	vor.u32 s8, v0  }
0x418: {  	s29 =	sadd.s32 $0x10, s0;
	v3 =	vor.u32 s28, v0;
	s28 =	simm.s32 $0x40;
	[tilespmem:$0x8030] =	vst v4  }
.LBB2_18:
0x419: {  	p0 =	sne.s32 s28, $0x240;
	v4 =	vor.u32 s29, v0;
	[tilespmem:$0x8020] =	vst v3  }
0x41a: {  	[tilespmem:$0x8010] =	vst v4;
	[spmem:s2] =	stream.indirect.scatter [tilespmem:s3], [sflag:$0x2], $0x80, s19, s18, $0xb8  }
.Ltmp8:
0x41b: {  	_ =	swait.ge [sflag:s20], $0x2000;
	(pc) =	sbr.rel @p0 .LBB2_18-.Ltmp8, $4  }
0x41c: {  	s0 =	sadd.s32 s28, s12;
	[sflag:s20] =	ssyncset.done $0x0  }
0x41d: {  	v3 =	vor.u32 s0, v0;
	s8 =	sadd.s32 $0x30, s0;
	[sflag:s20] =	ssyncadd.s32 $0xFFFFE000  }
0x41e: {  	s30 =	sadd.s32 $0x20, s0;
	v4 =	vor.u32 s8, v0;
	[tilespmem:$0x8000] =	vst v3  }
0x41f: {  	s28 =	sadd.s32 $0x40, s28;
	s29 =	sadd.s32 $0x10, s0;
	v3 =	vor.u32 s30, v0;
	[tilespmem:$0x8030] =	vst v4  }
0x420: {  	v4 =	vor.u32 s29, v0;
	[tilespmem:$0x8020] =	vst v3  }
0x421: {  	[tilespmem:$0x8010] =	vst v4  }
0x422: {  	[spmem:s2] =	stream.indirect.scatter [tilespmem:s3], [sflag:$0x2], $0x80, s19, s18, $0xb8;
	[tilespmem:$0x1C100] =	vst v63  }
0x423: {  	_ =	swait.ge [sflag:s20], $0x2000  }
0x424: {  	[sflag:s20] =	ssyncset.done $0x0  }
0x425: {  	[sflag:s20] =	ssyncadd.s32 $0xFFFFE000  }
0x426: {  	s28 =	simm.s32 $0x0;
	s29 =	simm.s32 $0x0;
	[bflag:$0x0] =	sbarrier.arrive $0xFFFF  }
.LBB2_20:
0x427: {  	s0 =	sshll.u32 s29, $0xB  }
0x428: {  	s30 =	sor.u32 s14, s0  }
0x429: {  	s0 =	smin.u32 s30, $0x4E1C0  }
0x42a: {  	s8 =	sshrl.u32 s0, $0x3  }
0x42b: {  	s8 =	sadd.s32 s7, s8  }
0x42c: {  	[tilespmem:s21], [sflag:$0x2] =	stream.linear.gather [hbm4b:s8+s28], $0x40, $0x38;
	[tilespmem:$0x1C100] =	vst v63  }
0x42d: {  	_ =	swait.ge [sflag:s20], $0x40  }
0x42e: {  	s0 =	sshll.u32 s0, $0x4;
	[sflag:s20] =	ssyncset.done $0x0  }
0x42f: {  	s0 =	sadd.s32 s11, s0;
	[sflag:s20] =	ssyncadd.s32 $0xFFFFFFC0  }
0x430: {  	[tilespmem:s25], [sflag:$0x2] =	stream.linear.gather [hbm4b:s0+s28], $0x2000, $0x38;
	[tilespmem:$0x1C100] =	vst v63  }
0x431: {  	_ =	swait.ge [sflag:s20], $0x2000  }
0x432: {  	[sflag:s20] =	ssyncset.done $0x0  }
0x433: {  	s31 =	simm.s32 $0x0;
	[sflag:s20] =	ssyncadd.s32 $0xFFFFE000  }
0x434: {  	s0 =	simm.s32 $0x200;
	v3 =	vld [tilespmem:s31+$0x6000]  }
.LBB2_21:
0x435: {  	p0 =	sne.s32 s0, $0x7E00  }
.Ltmp9:
0x436: {  	_ = 	snop;
	(pc) =	sbr.rel @p0 .LBB2_21-.Ltmp9, $3  }
0x437: {  	_ =	sdelay $0x1  }
0x438: {  	[tilespmem:s31+$0x0] =	vst v3;
	s31 =	sshra.s32 s0, $0x2;
	s0 =	sadd.s32 $0x200, s0  }
0x439: {  	v3 =	vld [tilespmem:s31+$0x6000]  }
0x43a: {  	_ =	sdelay $0x3  }
0x43b: {  	[tilespmem:s31+$0x0] =	vst v3  }
0x43c: {  	v3 =	vld [tilespmem:$0x8080]  }
0x43d: {  	v4 =	vld [tilespmem:$0x8090]  }
0x43e: {  	v5 =	vld [tilespmem:$0x80A0]  }
0x43f: {  	v6 =	vld [tilespmem:$0x80B0]  }
0x440: {  	p0 =	slt.u32 s30, $0x4E1C1  }
0x441: {  	v3 =	vpsel !p0, $0x2774, v3  }
0x442: {  	[tilespmem:$0x8080] =	vst v3;
	v3 =	vpsel !p0, $0x2774, v4  }
0x443: {  	s29 =	sadd.s32 $0x1, s29;
	[tilespmem:$0x8090] =	vst v3;
	v3 =	vpsel !p0, $0x2774, v5  }
0x444: {  	[tilespmem:$0x80A0] =	vst v3;
	v3 =	vpsel !p0, $0x2774, v6;
	p0 =	sne.s32 s29, $0x9D  }
.Ltmp10:
0x445: {  	[tilespmem:$0x80B0] =	vst v3;
	(pc) =	sbr.rel @p0 .LBB2_20-.Ltmp10, $4  }
0x446: {  	[spmem:s2] =	stream.indirect.scatter.add.f32 [tilespmem:s3], [sflag:$0x2], $0x80, s21, s18, $0xb8;
	[tilespmem:$0x1C100] =	vst v63  }
0x447: {  	_ =	swait.ge [sflag:s20], $0x2000  }
0x448: {  	[sflag:s20] =	ssyncset.done $0x0  }
0x449: {  	[sflag:s20] =	ssyncadd.s32 $0xFFFFE000  }
0x44a: {  	[bflag:$0x0] =	sbarrier.arrive $0xFFFF;
	s28 =	simm.s32 $0x0;
	s29 =	simm.s32 $0x0  }
.LBB2_24:
0x44b: {  	s0 =	sshll.u32 s29, $0x6  }
0x44c: {  	s30 =	sadd.s32 s12, s0  }
0x44d: {  	v3 =	vor.u32 s30, v0;
	s0 =	sor.u32 $0x10, s30  }
0x44e: {  	s8 =	sor.u32 $0x20, s30;
	[tilespmem:$0x8000] =	vst v3;
	v3 =	vor.u32 s0, v0  }
0x44f: {  	[tilespmem:$0x8010] =	vst v3;
	v3 =	vor.u32 s8, v0;
	s8 =	sor.u32 $0x30, s30  }
0x450: {  	[tilespmem:$0x8020] =	vst v3;
	v3 =	vor.u32 s8, v0  }
0x451: {  	[tilespmem:$0x8030] =	vst v3  }
0x452: {  	[tilespmem:s28], [sflag:$0x2] =	stream.indirect.gather [spmem:s2], $0x80, s19, s18, $0xb8;
	[tilespmem:$0x1C100] =	vst v63  }
0x453: {  	_ =	swait.ge [sflag:s20], $0x2000  }
0x454: {  	[sflag:s20] =	ssyncset.done $0x0  }
0x455: {  	s31 =	simm.s32 $0x0;
	[sflag:s20] =	ssyncadd.s32 $0xFFFFE000  }
0x456: {  	s0 =	simm.s32 $0x200;
	v3 =	vld [tilespmem:s31+$0x0]  }
.LBB2_25:
0x457: {  	p0 =	sne.s32 s0, $0x7E00  }
.Ltmp11:
0x458: {  	_ = 	snop;
	(pc) =	sbr.rel @p0 .LBB2_25-.Ltmp11, $3  }
0x459: {  	_ =	sdelay $0x1  }
0x45a: {  	[tilespmem:s31+$0x6000] =	vst v3;
	s31 =	sshra.s32 s0, $0x2;
	s0 =	sadd.s32 $0x200, s0  }
0x45b: {  	v3 =	vld [tilespmem:s31+$0x0]  }
0x45c: {  	_ =	sdelay $0x1  }
0x45d: {  	s0 =	sadd.s32 s13, s30;
	s29 =	sadd.s32 $0x1, s29  }
0x45e: {  	s0 =	sshll.u32 s0, $0x4;
	p0 =	sne.s32 s29, $0xA  }
.Ltmp12:
0x45f: {  	s0 =	sadd.s32 s10, s0;
	[tilespmem:s31+$0x6000] =	vst v3;
	(pc) =	sbr.rel @p0 .LBB2_24-.Ltmp12, $4  }
0x460: {  	[hbm4b:s0+s3] =	stream.linear.scatter [tilespmem:s25], [sflag:$0x2], $0x2000, $0x38;
	[tilespmem:$0x1C100] =	vst v63  }
0x461: {  	_ =	swait.ge [sflag:s20], $0x2000  }
0x462: {  	[sflag:s20] =	ssyncset.done $0x0  }
0x463: {  	[sflag:s20] =	ssyncadd.s32 $0xFFFFE000  }
0x464: {  	s26 =	sadd.s32 $0x1, s26  }
0x465: {  	p0 =	sne.s32 s26, s15  }
.Ltmp13:
0x466: {  	_ = 	snop;
	(pc) =	sbr.rel @p0 .LBB2_1-.Ltmp13, $1  }
0x467: {  	_ =	sdelay $0x3  }
0x468: {  	_ =	sfence.sel $0x180000  }
0x469: {  	[bflag:$0x0] =	sbarrier.arrive $0xFFFF  }
0x46a: {  	_ =	strace $0x90000047  }
0x46b: {  	s0 =	stileid.u32;
	[bflag:$0x2] =	sbarrier.arrive $0xFFFF  }
0x46c: {  	p0 =	sne.s32 s0, $0x0;
	s0 =	rddreg [dreg:$0x3]  }
0x46d: {  	s0 =	sadd.s32 @!p0 $0x100000, s0  }
0x46e: {  	[sflag:s0] =	ssyncadd.tile.s32 @!p0 $0x1;
	_ =	shalt  }
.Lfunc_end2:
_tile_overlayer_lowered:
.L_overlay_start_2:
0x46f: {  	(tag) =	ssettag $0x2  }
0x470: {  	s0 =	rddreg [dreg:$0x0];
	s2 =	stileid.u32  }
0x471: {  	s1 =	rddreg [dreg:$0x1];
	p0 =	sne.s32 s2, $0x0  }
0x472: {  	s3 =	rddreg [dreg:$0x2];
	[bflag:$0x3] =	sbarrier.arrive $0xFFFF;
	s2 =	simm.s32 @!p0 $0x1C02  }
0x473: {  	[timem:s3], [sflag:s2] =	dma.local @!p0 [hbm:s0], s1  }
0x474: {  	s0 =	simm.s32 @!p0 $0x2  }
0x475: {  	_ =	swait.ge @!p0 [sflag:s0], s1  }
0x476: {  	s1 =	ssub.s32 @!p0 $0x0, s1;
	[sflag:s0] =	ssyncset.done @!p0 $0x0  }
0x477: {  	[sflag:s0] =	ssyncadd.s32 @!p0 s1  }
0x478: {  	[bflag:$0x3] =	sbarrier.arrive $0xFFFF  }
0x479: {  	_ =	shalt  }

</sc_bundles>
